<compile_context>
chip_gen: v7x
topology: tpu7x:2x2x1
jax: 0.10.2.dev20260603
libtpu: 0.0.44.dev20260713+nightly
codegen_flags: <defaults>
</compile_context>

<pallas_src>
import functools

import jax
import jax.numpy as jnp
from jax import lax
from jax.experimental import pallas as pl
from jax.experimental.pallas import tpu as pltpu
from jax.experimental.pallas import tpu_sc as plsc

N = 10000
E = 320000
D = 128
H = 128

NC = 2
NS = 16
NW = NC * NS
ROWS = D // NS
PAIRS = ROWS // 2

EC = E // NC
CH = 3200
NCHUNK = EC // CH
GRP = CH // 16
CNT_PER = E // NW
CCH = 2000
NCCH = CNT_PER // CCH


def _unpack_edges(w16):
    halves = plsc.bitcast(w16, jnp.int16)
    return plsc.unpack(halves, format=plsc.PackFormat.INTERLEAVED,
                       preferred_element_type=jnp.int32)


def _sc_body(with_counts, y_hbm, ep_hbm, s_out, *rest):
    if with_counts:
        cnt_out = rest[0]
        rest = rest[1:]
    table_v = rest[0:PAIRS]
    acc_v = rest[PAIRS:PAIRS + ROWS]
    e_b = rest[PAIRS + ROWS:PAIRS + ROWS + 2]
    sem_t = rest[PAIRS + ROWS + 2]
    sem_e = rest[PAIRS + ROWS + 3]

    eh = lax.axis_index("c")
    rg = lax.axis_index("s")
    wid = rg * NC + eh

    z16f = jnp.zeros((16,), jnp.float32)
    ones16 = jnp.ones((16,), jnp.float32)

    for p in range(PAIRS):
        pltpu.async_copy(y_hbm.at[pl.ds((PAIRS * rg + p) * N, N)],
                         table_v[p], sem_t)

    if with_counts:
        @pl.loop(0, N // 16, unroll=8)
        def _(i):
            acc_v[0][pl.ds(i * 16, 16)] = z16f

        @pl.loop(0, NCCH)
        def _(k):
            pltpu.sync_copy(
                ep_hbm.at[pl.ds(wid * CNT_PER + k * CCH, CCH)],
                e_b[0].at[pl.ds(0, CCH)],
            )

            @pl.loop(0, CCH // 16, unroll=8)
            def _(g):
                _, d16 = _unpack_edges(e_b[0][pl.ds(g * 16, 16)])
                plsc.addupdate_scatter(acc_v[0], [d16], ones16)

        pltpu.sync_copy(acc_v[0], cnt_out.at[pl.ds(wid * N, N)])

    ebase = eh * EC
    for b in range(2):
        pltpu.async_copy(ep_hbm.at[pl.ds(ebase + b * CH, CH)], e_b[b], sem_e)

    for c in range(ROWS):
        @pl.loop(0, N // 16, unroll=8)
        def _(i, c=c):
            acc_v[c][pl.ds(i * 16, 16)] = z16f

    for p in range(PAIRS):
        pltpu.make_async_copy(y_hbm.at[pl.ds(0, N)], table_v[p], sem_t).wait()

    @pl.loop(0, NCHUNK, step=2)
    def _(k):
        for b in range(2):
            ev = e_b[b]
            pltpu.make_async_copy(ep_hbm.at[pl.ds(0, CH)], ev, sem_e).wait()

            def gather_unpack(s16):
                vals = []
                for p in range(PAIRS):
                    w = plsc.load_gather(table_v[p], [s16])
                    pair = plsc.bitcast(w, jnp.bfloat16)
                    lo, hi = plsc.unpack(pair,
                                         format=plsc.PackFormat.INTERLEAVED)
                    vals += [lo, hi]
                return vals

            s0, d0 = _unpack_edges(ev[pl.ds(0, 16)])
            v0 = gather_unpack(s0)

            @plsc.parallel_loop(1, GRP, unroll=8, carry=(d0, *v0))
            def _body(g, carry, ev=ev):
                d_prev = carry[0]
                s16, d16 = _unpack_edges(ev[pl.ds(g * 16, 16)])
                for c in range(ROWS):
                    plsc.addupdate_scatter(acc_v[c], [d_prev], carry[1 + c])
                vals = gather_unpack(s16)
                return (d16, *vals)

            for c in range(ROWS):
                plsc.addupdate_scatter(acc_v[c], [_body[0]], _body[1 + c])

            nxt = k + 2 + b

            @pl.when(nxt < NCHUNK)
            def _(ev=ev, nxt=nxt):
                pltpu.async_copy(ep_hbm.at[pl.ds(ebase + nxt * CH, CH)],
                                 ev, sem_e)

    for c in range(ROWS):
        pltpu.sync_copy(
            acc_v[c], s_out.at[pl.ds((eh * D + ROWS * rg + c) * N, N)])


def _make_sc_kernel(with_counts):
    outs = [jax.ShapeDtypeStruct((NC * D * N,), jnp.float32)]
    scratch = (
        [pltpu.VMEM((N,), jnp.int32) for _ in range(PAIRS)]
        + [pltpu.VMEM((N,), jnp.float32) for _ in range(ROWS)]
        + [pltpu.VMEM((CH,), jnp.int32) for _ in range(2)]
        + [pltpu.SemaphoreType.DMA, pltpu.SemaphoreType.DMA]
    )
    if with_counts:
        outs.append(jax.ShapeDtypeStruct((NW * N,), jnp.float32))
    mesh = plsc.VectorSubcoreMesh(core_axis_name="c", subcore_axis_name="s")
    return pl.kernel(
        functools.partial(_sc_body, with_counts),
        out_type=tuple(outs) if with_counts else outs[0],
        mesh=mesh,
        scratch_types=scratch,
        compiler_params=pltpu.CompilerParams(needs_layout_passes=False),
        name="sage_seg_sum" + ("_cnt" if with_counts else ""),
    )


_sc_sum_cnt = _make_sc_kernel(True)
_sc_sum = _make_sc_kernel(False)


def _pack_pairs(y_lo, y_hi):
    lo = lax.bitcast_convert_type(
        y_lo.astype(jnp.bfloat16), jnp.uint16).astype(jnp.uint32)
    hi = lax.bitcast_convert_type(
        y_hi.astype(jnp.bfloat16), jnp.uint16).astype(jnp.uint32)
    return lax.bitcast_convert_type(lo | (hi << 16), jnp.int32)


def _tc_pre_body(xt_ref, wlo_ref, whi_ref, e_ref, y1p_ref, ep_ref):
    xt = xt_ref[...]
    y_lo = lax.dot_general(wlo_ref[...], xt, (((0,), (0,)), ((), ())),
                           preferred_element_type=jnp.float32)
    y_hi = lax.dot_general(whi_ref[...], xt, (((0,), (0,)), ((), ())),
                           preferred_element_type=jnp.float32)
    y1p_ref[...] = _pack_pairs(y_lo, y_hi)
    eu = lax.bitcast_convert_type(e_ref[...], jnp.uint32)
    ep_ref[...] = lax.bitcast_convert_type(
        eu[0:1, :] | (eu[1:2, :] << 16), jnp.int32)


def _tc_mid_body(s1_ref, cnt_ref, xt_ref, wr1_ref, wl2lo_ref, wl2hi_ref,
                 wr2_ref, b1_ref, b2_ref, y2p_ref, hr2t_ref):
    c = jnp.sum(cnt_ref[...], axis=0, keepdims=True)
    cmax = jnp.maximum(c, 1.0)
    s1 = s1_ref[0:H, :] + s1_ref[H:2 * H, :]
    m1t = s1 / cmax
    xr = lax.dot_general(wr1_ref[...], xt_ref[...], (((0,), (0,)), ((), ())),
                         preferred_element_type=jnp.float32)
    h = jnp.maximum(m1t + xr + b1_ref[...], 0.0)
    y2_lo = lax.dot_general(wl2lo_ref[...], h, (((0,), (0,)), ((), ())),
                            preferred_element_type=jnp.float32)
    y2_hi = lax.dot_general(wl2hi_ref[...], h, (((0,), (0,)), ((), ())),
                            preferred_element_type=jnp.float32)
    y2p_ref[...] = _pack_pairs(y2_lo, y2_hi)
    hr2t_ref[...] = lax.dot_general(wr2_ref[...], h, (((0,), (0,)), ((), ())),
                                    preferred_element_type=jnp.float32) + b2_ref[...]


def _tc_dec_body(s2_ref, cnt_ref, hr2_ref, dw1_ref, db1_ref, dw2t_ref,
                 db2_ref, out_ref):
    c = jnp.sum(cnt_ref[...], axis=0, keepdims=True)
    cmax = jnp.maximum(c, 1.0)
    s2 = s2_ref[0:H, :] + s2_ref[H:2 * H, :]
    h2 = s2 / cmax + hr2_ref[...]
    z = jnp.maximum(
        lax.dot_general(dw1_ref[...], h2, (((0,), (0,)), ((), ())),
                        preferred_element_type=jnp.float32) + db1_ref[...], 0.0)
    out_ref[...] = lax.dot_general(dw2t_ref[...], z, (((1,), (0,)), ((), ())),
                                   preferred_element_type=jnp.float32) + db2_ref[...]


_tc_pre = pl.pallas_call(
    _tc_pre_body,
    out_shape=[jax.ShapeDtypeStruct((H // 2, N), jnp.int32),
               jax.ShapeDtypeStruct((1, E), jnp.int32)],
)

_tc_mid = pl.pallas_call(
    _tc_mid_body,
    out_shape=[jax.ShapeDtypeStruct((H // 2, N), jnp.int32),
               jax.ShapeDtypeStruct((H, N), jnp.float32)],
)

_tc_dec = pl.pallas_call(
    _tc_dec_body,
    out_shape=jax.ShapeDtypeStruct((1, N), jnp.float32),
)


def kernel(x, edge_index, W_l1, W_r1, b1, W_l2, W_r2, b2, dec_w1, dec_b1,
           dec_w2, dec_b2):
    xt = x.T
    y1p, ep = _tc_pre(xt, W_l1[:, 0::2], W_l1[:, 1::2], edge_index)
    ep = ep.reshape(-1)
    s1t, cnt = _sc_sum_cnt(y1p.reshape(-1), ep)
    s1t = s1t.reshape(NC * H, N)
    cnt = cnt.reshape(NW, N)
    y2p, hr2t = _tc_mid(s1t, cnt, xt, W_r1, W_l2[:, 0::2], W_l2[:, 1::2],
                        W_r2, b1.reshape(H, 1), b2.reshape(H, 1))
    s2t = _sc_sum(y2p.reshape(-1), ep).reshape(NC * H, N)
    out = _tc_dec(s2t, cnt, hr2t, dec_w1, dec_b1.reshape(H, 1),
                  dec_w2.T, dec_b2.reshape(1, 1))
    return out.reshape(-1)

# --- scband reference (transcript-rebuilt; emitter-appended) ---
"""Pipeline reference for scband-model-10299331576573 (READ-ONLY COPY).

The authoritative reference and input builder live on the scoring server;
editing this copy changes nothing except your own understanding.
"""

import jax, jax.numpy as jnp
import numpy as np

N = 10000
E = 320000
D = 128
H = 128


def _seg_mean(vals, idx, n):
    s = jax.ops.segment_sum(vals, idx, num_segments=n)
    c = jax.ops.segment_sum(jnp.ones((idx.shape[0], 1), vals.dtype), idx, num_segments=n)
    return s / jnp.maximum(c, 1.0)


def setup_inputs(seed: int = 0) -> dict:
    key = jax.random.key(seed)
    ks = jax.random.split(key, 12)
    x = jax.random.normal(ks[0], (N, D), dtype=jnp.float32)
    edge_index = jax.random.randint(ks[1], (2, E), 0, N, dtype=jnp.int32)
    s = 1.0 / np.sqrt(D)
    sh = 1.0 / np.sqrt(H)
    W_l1 = jax.random.uniform(ks[2], (D, H), jnp.float32, -s, s)
    W_r1 = jax.random.uniform(ks[3], (D, H), jnp.float32, -s, s)
    b1 = jax.random.uniform(ks[4], (H,), jnp.float32, -s, s)
    W_l2 = jax.random.uniform(ks[5], (H, H), jnp.float32, -sh, sh)
    W_r2 = jax.random.uniform(ks[6], (H, H), jnp.float32, -sh, sh)
    b2 = jax.random.uniform(ks[7], (H,), jnp.float32, -sh, sh)
    dec_w1 = jax.random.uniform(ks[8], (H, H), jnp.float32, -sh, sh)
    dec_b1 = jax.random.uniform(ks[9], (H,), jnp.float32, -sh, sh)
    dec_w2 = jax.random.uniform(ks[10], (H, 1), jnp.float32, -sh, sh)
    dec_b2 = jax.random.uniform(ks[11], (1,), jnp.float32, -sh, sh)
    return {"x": x, "edge_index": edge_index, "W_l1": W_l1, "W_r1": W_r1, "b1": b1,
            "W_l2": W_l2, "W_r2": W_r2, "b2": b2,
            "dec_w1": dec_w1, "dec_b1": dec_b1, "dec_w2": dec_w2, "dec_b2": dec_b2}


def reference(x, edge_index, W_l1, W_r1, b1, W_l2, W_r2, b2, dec_w1, dec_b1, dec_w2, dec_b2):
    src = edge_index[0]
    dst = edge_index[1]
    # SAGEConv 1 (mean aggregation): out = lin_l(mean_j x_j) + lin_r(x_i)
    m1 = _seg_mean(jnp.take(x, src, axis=0), dst, N)
    h = m1 @ W_l1 + b1 + x @ W_r1
    h = jax.nn.relu(h)
    # dropout is identity in eval mode
    # SAGEConv 2
    m2 = _seg_mean(jnp.take(h, src, axis=0), dst, N)
    h2 = m2 @ W_l2 + b2 + h @ W_r2
    # EdgeDecoder
    z = jax.nn.relu(h2 @ dec_w1 + dec_b1)
    out = (z @ dec_w2 + dec_b2).reshape(-1)
    return out

if __name__ == "__main__":
    import jax
    _d = setup_inputs()
    print(jax.jit(kernel)(*tuple(_d.values())))

</pallas_src>

<mosaic_0001>
#map = affine_map<(d0, d1) -> (0)>
module attributes {stable_mosaic.version = 14 : i64} {
  func.func @sage_seg_sum(%arg0: i32, %arg1: i32, %arg2: memref<640000xi32, #tpu.memory_space<hbm>>, %arg3: memref<320000xi32, #tpu.memory_space<hbm>>, %arg4: memref<2560000xf32, #tpu.memory_space<hbm>>, %arg5: memref<10000xi32, #tpu.memory_space<vmem>>, %arg6: memref<10000xi32, #tpu.memory_space<vmem>>, %arg7: memref<10000xi32, #tpu.memory_space<vmem>>, %arg8: memref<10000xi32, #tpu.memory_space<vmem>>, %arg9: memref<10000xf32, #tpu.memory_space<vmem>>, %arg10: memref<10000xf32, #tpu.memory_space<vmem>>, %arg11: memref<10000xf32, #tpu.memory_space<vmem>>, %arg12: memref<10000xf32, #tpu.memory_space<vmem>>, %arg13: memref<10000xf32, #tpu.memory_space<vmem>>, %arg14: memref<10000xf32, #tpu.memory_space<vmem>>, %arg15: memref<10000xf32, #tpu.memory_space<vmem>>, %arg16: memref<10000xf32, #tpu.memory_space<vmem>>, %arg17: memref<3200xi32, #tpu.memory_space<vmem>>, %arg18: memref<3200xi32, #tpu.memory_space<vmem>>, %arg19: memref<!tpu.dma_semaphore, #tpu.memory_space<semaphore_mem>>, %arg20: memref<!tpu.dma_semaphore, #tpu.memory_space<semaphore_mem>>) attributes {dimension_semantics = [#tpu.dimension_semantics<core_parallel>, #tpu.dimension_semantics<subcore_parallel>], iteration_bounds = array<i64: 2, 16>, scalar_prefetch = 0 : i64, scratch_operands = 16 : i64, tpu.core_type = #tpu.core_type<sc_vector_subcore>, window_params = [{transform_indices = #map}, {transform_indices = #map}, {transform_indices = #map}]} {
    %mul3A = arith.constant 2 : i32
    %mul3A_0 = arith.muli %arg1, %mul3A : i32
    %add3A = arith.addi %mul3A_0, %arg0 : i32
    %broadcast_in_dim3A = arith.constant 0.000000e+00 : f32
    %broadcast_in_dim3A_1 = vector.broadcast %broadcast_in_dim3A : f32 to vector<16xf32>
    %broadcast_in_dim3A_2 = arith.constant 1.000000e+00 : f32
    %broadcast_in_dim3A_3 = vector.broadcast %broadcast_in_dim3A_2 : f32 to vector<16xf32>
    %mul3A_4 = arith.constant 4 : i32
    %mul3A_5 = arith.muli %mul3A_4, %arg1 : i32
    %add3A_6 = arith.constant 0 : i32
    %add3A_7 = arith.addi %mul3A_5, %add3A_6 : i32
    %mul3A_8 = arith.constant 10000 : i32
    %mul3A_9 = arith.muli %add3A_7, %mul3A_8 : i32
    %dma_start3A = tpu.memref_slice %arg2[%mul3A_9] : memref<640000xi32, #tpu.memory_space<hbm>> -> memref<10000xi32, #tpu.memory_space<hbm>>
    %dma_start3A_10 = tpu.memref_slice %arg2[%mul3A_9] : memref<640000xi32, #tpu.memory_space<hbm>> -> memref<10000xi32, #tpu.memory_space<hbm>>
    tpu.enqueue_dma source(%dma_start3A_10 : memref<10000xi32, #tpu.memory_space<hbm>>) target(%arg5 : memref<10000xi32, #tpu.memory_space<vmem>>) target_semaphore(%arg19 : memref<!tpu.dma_semaphore, #tpu.memory_space<semaphore_mem>>)
    %mul3A_11 = arith.constant 4 : i32
    %mul3A_12 = arith.muli %mul3A_11, %arg1 : i32
    %add3A_13 = arith.constant 1 : i32
    %add3A_14 = arith.addi %mul3A_12, %add3A_13 : i32
    %mul3A_15 = arith.constant 10000 : i32
    %mul3A_16 = arith.muli %add3A_14, %mul3A_15 : i32
    %dma_start3A_17 = tpu.memref_slice %arg2[%mul3A_16] : memref<640000xi32, #tpu.memory_space<hbm>> -> memref<10000xi32, #tpu.memory_space<hbm>>
    %dma_start3A_18 = tpu.memref_slice %arg2[%mul3A_16] : memref<640000xi32, #tpu.memory_space<hbm>> -> memref<10000xi32, #tpu.memory_space<hbm>>
    tpu.enqueue_dma source(%dma_start3A_18 : memref<10000xi32, #tpu.memory_space<hbm>>) target(%arg6 : memref<10000xi32, #tpu.memory_space<vmem>>) target_semaphore(%arg19 : memref<!tpu.dma_semaphore, #tpu.memory_space<semaphore_mem>>)
    %mul3A_19 = arith.constant 4 : i32
    %mul3A_20 = arith.muli %mul3A_19, %arg1 : i32
    %add3A_21 = arith.constant 2 : i32
    %add3A_22 = arith.addi %mul3A_20, %add3A_21 : i32
    %mul3A_23 = arith.constant 10000 : i32
    %mul3A_24 = arith.muli %add3A_22, %mul3A_23 : i32
    %dma_start3A_25 = tpu.memref_slice %arg2[%mul3A_24] : memref<640000xi32, #tpu.memory_space<hbm>> -> memref<10000xi32, #tpu.memory_space<hbm>>
    %dma_start3A_26 = tpu.memref_slice %arg2[%mul3A_24] : memref<640000xi32, #tpu.memory_space<hbm>> -> memref<10000xi32, #tpu.memory_space<hbm>>
    tpu.enqueue_dma source(%dma_start3A_26 : memref<10000xi32, #tpu.memory_space<hbm>>) target(%arg7 : memref<10000xi32, #tpu.memory_space<vmem>>) target_semaphore(%arg19 : memref<!tpu.dma_semaphore, #tpu.memory_space<semaphore_mem>>)
    %mul3A_27 = arith.constant 4 : i32
    %mul3A_28 = arith.muli %mul3A_27, %arg1 : i32
    %add3A_29 = arith.constant 3 : i32
    %add3A_30 = arith.addi %mul3A_28, %add3A_29 : i32
    %mul3A_31 = arith.constant 10000 : i32
    %mul3A_32 = arith.muli %add3A_30, %mul3A_31 : i32
    %dma_start3A_33 = tpu.memref_slice %arg2[%mul3A_32] : memref<640000xi32, #tpu.memory_space<hbm>> -> memref<10000xi32, #tpu.memory_space<hbm>>
    %dma_start3A_34 = tpu.memref_slice %arg2[%mul3A_32] : memref<640000xi32, #tpu.memory_space<hbm>> -> memref<10000xi32, #tpu.memory_space<hbm>>
    tpu.enqueue_dma source(%dma_start3A_34 : memref<10000xi32, #tpu.memory_space<hbm>>) target(%arg8 : memref<10000xi32, #tpu.memory_space<vmem>>) target_semaphore(%arg19 : memref<!tpu.dma_semaphore, #tpu.memory_space<semaphore_mem>>)
    %mul3A_35 = arith.constant 160000 : i32
    %mul3A_36 = arith.muli %arg0, %mul3A_35 : i32
    %add3A_37 = arith.constant 0 : i32
    %add3A_38 = arith.addi %mul3A_36, %add3A_37 : i32
    %dma_start3A_39 = tpu.memref_slice %arg3[%add3A_38] : memref<320000xi32, #tpu.memory_space<hbm>> -> memref<3200xi32, #tpu.memory_space<hbm>>
    %dma_start3A_40 = tpu.memref_slice %arg3[%add3A_38] : memref<320000xi32, #tpu.memory_space<hbm>> -> memref<3200xi32, #tpu.memory_space<hbm>>
    tpu.enqueue_dma source(%dma_start3A_40 : memref<3200xi32, #tpu.memory_space<hbm>>) target(%arg17 : memref<3200xi32, #tpu.memory_space<vmem>>) target_semaphore(%arg20 : memref<!tpu.dma_semaphore, #tpu.memory_space<semaphore_mem>>)
    %add3A_41 = arith.constant 3200 : i32
    %add3A_42 = arith.addi %mul3A_36, %add3A_41 : i32
    %dma_start3A_43 = tpu.memref_slice %arg3[%add3A_42] : memref<320000xi32, #tpu.memory_space<hbm>> -> memref<3200xi32, #tpu.memory_space<hbm>>
    %dma_start3A_44 = tpu.memref_slice %arg3[%add3A_42] : memref<320000xi32, #tpu.memory_space<hbm>> -> memref<3200xi32, #tpu.memory_space<hbm>>
    tpu.enqueue_dma source(%dma_start3A_44 : memref<3200xi32, #tpu.memory_space<hbm>>) target(%arg18 : memref<3200xi32, #tpu.memory_space<vmem>>) target_semaphore(%arg20 : memref<!tpu.dma_semaphore, #tpu.memory_space<semaphore_mem>>)
    %scan3A = arith.constant 0 : i32
    %scan3A_45 = arith.constant 624 : i32
    %scan3A_46 = arith.addi %scan3A, %scan3A_45 : i32
    %scan3A_47 = arith.constant 8 : i32
    scf.for %scan3A_255 = %scan3A to %scan3A_46 step %scan3A_47  : i32 {
      %mul3A_256 = arith.constant 1 : i32
      %mul3A_257 = arith.muli %scan3A_255, %mul3A_256 : i32
      %add3A_258 = arith.constant 0 : i32
      %add3A_259 = arith.addi %add3A_258, %mul3A_257 : i32
      %mul3A_260 = arith.constant 16 : i32
      %mul3A_261 = arith.muli %add3A_259, %mul3A_260 : i32
      %swap3A_262 = arith.index_cast %mul3A_261 : i32 to index
      %swap3A_263 = tpu.vector_load %arg9[%swap3A_262] {strides = array<i32>} : memref<10000xf32, #tpu.memory_space<vmem>>, vector<16xf32>,
      tpu.vector_store %arg9[%swap3A_262], %broadcast_in_dim3A_1 {strides = array<i32>} : memref<10000xf32, #tpu.memory_space<vmem>>, vector<16xf32>,
      %scan3A_264 = arith.constant 1 : i32
      %scan3A_265 = arith.addi %scan3A_255, %scan3A_264 : i32
      %mul3A_266 = arith.constant 1 : i32
      %mul3A_267 = arith.muli %scan3A_265, %mul3A_266 : i32
      %add3A_268 = arith.constant 0 : i32
      %add3A_269 = arith.addi %add3A_268, %mul3A_267 : i32
      %mul3A_270 = arith.constant 16 : i32
      %mul3A_271 = arith.muli %add3A_269, %mul3A_270 : i32
      %swap3A_272 = arith.index_cast %mul3A_271 : i32 to index
      %swap3A_273 = tpu.vector_load %arg9[%swap3A_272] {strides = array<i32>} : memref<10000xf32, #tpu.memory_space<vmem>>, vector<16xf32>,
      tpu.vector_store %arg9[%swap3A_272], %broadcast_in_dim3A_1 {strides = array<i32>} : memref<10000xf32, #tpu.memory_space<vmem>>, vector<16xf32>,
      %scan3A_274 = arith.constant 2 : i32
      %scan3A_275 = arith.addi %scan3A_255, %scan3A_274 : i32
      %mul3A_276 = arith.constant 1 : i32
      %mul3A_277 = arith.muli %scan3A_275, %mul3A_276 : i32
      %add3A_278 = arith.constant 0 : i32
      %add3A_279 = arith.addi %add3A_278, %mul3A_277 : i32
      %mul3A_280 = arith.constant 16 : i32
      %mul3A_281 = arith.muli %add3A_279, %mul3A_280 : i32
      %swap3A_282 = arith.index_cast %mul3A_281 : i32 to index
      %swap3A_283 = tpu.vector_load %arg9[%swap3A_282] {strides = array<i32>} : memref<10000xf32, #tpu.memory_space<vmem>>, vector<16xf32>,
      tpu.vector_store %arg9[%swap3A_282], %broadcast_in_dim3A_1 {strides = array<i32>} : memref<10000xf32, #tpu.memory_space<vmem>>, vector<16xf32>,
      %scan3A_284 = arith.constant 3 : i32
      %scan3A_285 = arith.addi %scan3A_255, %scan3A_284 : i32
      %mul3A_286 = arith.constant 1 : i32
      %mul3A_287 = arith.muli %scan3A_285, %mul3A_286 : i32
      %add3A_288 = arith.constant 0 : i32
      %add3A_289 = arith.addi %add3A_288, %mul3A_287 : i32
      %mul3A_290 = arith.constant 16 : i32
      %mul3A_291 = arith.muli %add3A_289, %mul3A_290 : i32
      %swap3A_292 = arith.index_cast %mul3A_291 : i32 to index
      %swap3A_293 = tpu.vector_load %arg9[%swap3A_292] {strides = array<i32>} : memref<10000xf32, #tpu.memory_space<vmem>>, vector<16xf32>,
      tpu.vector_store %arg9[%swap3A_292], %broadcast_in_dim3A_1 {strides = array<i32>} : memref<10000xf32, #tpu.memory_space<vmem>>, vector<16xf32>,
      %scan3A_294 = arith.constant 4 : i32
      %scan3A_295 = arith.addi %scan3A_255, %scan3A_294 : i32
      %mul3A_296 = arith.constant 1 : i32
      %mul3A_297 = arith.muli %scan3A_295, %mul3A_296 : i32
      %add3A_298 = arith.constant 0 : i32
      %add3A_299 = arith.addi %add3A_298, %mul3A_297 : i32
      %mul3A_300 = arith.constant 16 : i32
      %mul3A_301 = arith.muli %add3A_299, %mul3A_300 : i32
      %swap3A_302 = arith.index_cast %mul3A_301 : i32 to index
      %swap3A_303 = tpu.vector_load %arg9[%swap3A_302] {strides = array<i32>} : memref<10000xf32, #tpu.memory_space<vmem>>, vector<16xf32>,
      tpu.vector_store %arg9[%swap3A_302], %broadcast_in_dim3A_1 {strides = array<i32>} : memref<10000xf32, #tpu.memory_space<vmem>>, vector<16xf32>,
      %scan3A_304 = arith.constant 5 : i32
      %scan3A_305 = arith.addi %scan3A_255, %scan3A_304 : i32
      %mul3A_306 = arith.constant 1 : i32
      %mul3A_307 = arith.muli %scan3A_305, %mul3A_306 : i32
      %add3A_308 = arith.constant 0 : i32
      %add3A_309 = arith.addi %add3A_308, %mul3A_307 : i32
      %mul3A_310 = arith.constant 16 : i32
      %mul3A_311 = arith.muli %add3A_309, %mul3A_310 : i32
      %swap3A_312 = arith.index_cast %mul3A_311 : i32 to index
      %swap3A_313 = tpu.vector_load %arg9[%swap3A_312] {strides = array<i32>} : memref<10000xf32, #tpu.memory_space<vmem>>, vector<16xf32>,
      tpu.vector_store %arg9[%swap3A_312], %broadcast_in_dim3A_1 {strides = array<i32>} : memref<10000xf32, #tpu.memory_space<vmem>>, vector<16xf32>,
      %scan3A_314 = arith.constant 6 : i32
      %scan3A_315 = arith.addi %scan3A_255, %scan3A_314 : i32
      %mul3A_316 = arith.constant 1 : i32
      %mul3A_317 = arith.muli %scan3A_315, %mul3A_316 : i32
      %add3A_318 = arith.constant 0 : i32
      %add3A_319 = arith.addi %add3A_318, %mul3A_317 : i32
      %mul3A_320 = arith.constant 16 : i32
      %mul3A_321 = arith.muli %add3A_319, %mul3A_320 : i32
      %swap3A_322 = arith.index_cast %mul3A_321 : i32 to index
      %swap3A_323 = tpu.vector_load %arg9[%swap3A_322] {strides = array<i32>} : memref<10000xf32, #tpu.memory_space<vmem>>, vector<16xf32>,
      tpu.vector_store %arg9[%swap3A_322], %broadcast_in_dim3A_1 {strides = array<i32>} : memref<10000xf32, #tpu.memory_space<vmem>>, vector<16xf32>,
      %scan3A_324 = arith.constant 7 : i32
      %scan3A_325 = arith.addi %scan3A_255, %scan3A_324 : i32
      %mul3A_326 = arith.constant 1 : i32
      %mul3A_327 = arith.muli %scan3A_325, %mul3A_326 : i32
      %add3A_328 = arith.constant 0 : i32
      %add3A_329 = arith.addi %add3A_328, %mul3A_327 : i32
      %mul3A_330 = arith.constant 16 : i32
      %mul3A_331 = arith.muli %add3A_329, %mul3A_330 : i32
      %swap3A_332 = arith.index_cast %mul3A_331 : i32 to index
      %swap3A_333 = tpu.vector_load %arg9[%swap3A_332] {strides = array<i32>} : memref<10000xf32, #tpu.memory_space<vmem>>, vector<16xf32>,
      tpu.vector_store %arg9[%swap3A_332], %broadcast_in_dim3A_1 {strides = array<i32>} : memref<10000xf32, #tpu.memory_space<vmem>>, vector<16xf32>,
    }
    %scan3A_48 = arith.constant 624 : i32
    %scan3A_49 = arith.addi %scan3A, %scan3A_48 : i32
    %mul3A_50 = arith.constant 1 : i32
    %mul3A_51 = arith.muli %scan3A_49, %mul3A_50 : i32
    %add3A_52 = arith.constant 0 : i32
    %add3A_53 = arith.addi %add3A_52, %mul3A_51 : i32
    %mul3A_54 = arith.constant 16 : i32
    %mul3A_55 = arith.muli %add3A_53, %mul3A_54 : i32
    %swap3A = arith.index_cast %mul3A_55 : i32 to index
    %swap3A_56 = tpu.vector_load %arg9[%swap3A] {strides = array<i32>} : memref<10000xf32, #tpu.memory_space<vmem>>, vector<16xf32>,
    tpu.vector_store %arg9[%swap3A], %broadcast_in_dim3A_1 {strides = array<i32>} : memref<10000xf32, #tpu.memory_space<vmem>>, vector<16xf32>,
    %scan3A_57 = arith.constant 625 : i32
    %scan3A_58 = arith.constant 0 : i32
    %scan3A_59 = arith.constant 624 : i32
    %scan3A_60 = arith.addi %scan3A_58, %scan3A_59 : i32
    %scan3A_61 = arith.constant 8 : i32
    scf.for %scan3A_255 = %scan3A_58 to %scan3A_60 step %scan3A_61  : i32 {
      %mul3A_256 = arith.constant 1 : i32
      %mul3A_257 = arith.muli %scan3A_255, %mul3A_256 : i32
      %add3A_258 = arith.constant 0 : i32
      %add3A_259 = arith.addi %add3A_258, %mul3A_257 : i32
      %mul3A_260 = arith.constant 16 : i32
      %mul3A_261 = arith.muli %add3A_259, %mul3A_260 : i32
      %swap3A_262 = arith.index_cast %mul3A_261 : i32 to index
      %swap3A_263 = tpu.vector_load %arg10[%swap3A_262] {strides = array<i32>} : memref<10000xf32, #tpu.memory_space<vmem>>, vector<16xf32>,
      tpu.vector_store %arg10[%swap3A_262], %broadcast_in_dim3A_1 {strides = array<i32>} : memref<10000xf32, #tpu.memory_space<vmem>>, vector<16xf32>,
      %scan3A_264 = arith.constant 1 : i32
      %scan3A_265 = arith.addi %scan3A_255, %scan3A_264 : i32
      %mul3A_266 = arith.constant 1 : i32
      %mul3A_267 = arith.muli %scan3A_265, %mul3A_266 : i32
      %add3A_268 = arith.constant 0 : i32
      %add3A_269 = arith.addi %add3A_268, %mul3A_267 : i32
      %mul3A_270 = arith.constant 16 : i32
      %mul3A_271 = arith.muli %add3A_269, %mul3A_270 : i32
      %swap3A_272 = arith.index_cast %mul3A_271 : i32 to index
      %swap3A_273 = tpu.vector_load %arg10[%swap3A_272] {strides = array<i32>} : memref<10000xf32, #tpu.memory_space<vmem>>, vector<16xf32>,
      tpu.vector_store %arg10[%swap3A_272], %broadcast_in_dim3A_1 {strides = array<i32>} : memref<10000xf32, #tpu.memory_space<vmem>>, vector<16xf32>,
      %scan3A_274 = arith.constant 2 : i32
      %scan3A_275 = arith.addi %scan3A_255, %scan3A_274 : i32
      %mul3A_276 = arith.constant 1 : i32
      %mul3A_277 = arith.muli %scan3A_275, %mul3A_276 : i32
      %add3A_278 = arith.constant 0 : i32
      %add3A_279 = arith.addi %add3A_278, %mul3A_277 : i32
      %mul3A_280 = arith.constant 16 : i32
      %mul3A_281 = arith.muli %add3A_279, %mul3A_280 : i32
      %swap3A_282 = arith.index_cast %mul3A_281 : i32 to index
      %swap3A_283 = tpu.vector_load %arg10[%swap3A_282] {strides = array<i32>} : memref<10000xf32, #tpu.memory_space<vmem>>, vector<16xf32>,
      tpu.vector_store %arg10[%swap3A_282], %broadcast_in_dim3A_1 {strides = array<i32>} : memref<10000xf32, #tpu.memory_space<vmem>>, vector<16xf32>,
      %scan3A_284 = arith.constant 3 : i32
      %scan3A_285 = arith.addi %scan3A_255, %scan3A_284 : i32
      %mul3A_286 = arith.constant 1 : i32
      %mul3A_287 = arith.muli %scan3A_285, %mul3A_286 : i32
      %add3A_288 = arith.constant 0 : i32
      %add3A_289 = arith.addi %add3A_288, %mul3A_287 : i32
      %mul3A_290 = arith.constant 16 : i32
      %mul3A_291 = arith.muli %add3A_289, %mul3A_290 : i32
      %swap3A_292 = arith.index_cast %mul3A_291 : i32 to index
      %swap3A_293 = tpu.vector_load %arg10[%swap3A_292] {strides = array<i32>} : memref<10000xf32, #tpu.memory_space<vmem>>, vector<16xf32>,
      tpu.vector_store %arg10[%swap3A_292], %broadcast_in_dim3A_1 {strides = array<i32>} : memref<10000xf32, #tpu.memory_space<vmem>>, vector<16xf32>,
      %scan3A_294 = arith.constant 4 : i32
      %scan3A_295 = arith.addi %scan3A_255, %scan3A_294 : i32
      %mul3A_296 = arith.constant 1 : i32
      %mul3A_297 = arith.muli %scan3A_295, %mul3A_296 : i32
      %add3A_298 = arith.constant 0 : i32
      %add3A_299 = arith.addi %add3A_298, %mul3A_297 : i32
      %mul3A_300 = arith.constant 16 : i32
      %mul3A_301 = arith.muli %add3A_299, %mul3A_300 : i32
      %swap3A_302 = arith.index_cast %mul3A_301 : i32 to index
      %swap3A_303 = tpu.vector_load %arg10[%swap3A_302] {strides = array<i32>} : memref<10000xf32, #tpu.memory_space<vmem>>, vector<16xf32>,
      tpu.vector_store %arg10[%swap3A_302], %broadcast_in_dim3A_1 {strides = array<i32>} : memref<10000xf32, #tpu.memory_space<vmem>>, vector<16xf32>,
      %scan3A_304 = arith.constant 5 : i32
      %scan3A_305 = arith.addi %scan3A_255, %scan3A_304 : i32
      %mul3A_306 = arith.constant 1 : i32
      %mul3A_307 = arith.muli %scan3A_305, %mul3A_306 : i32
      %add3A_308 = arith.constant 0 : i32
      %add3A_309 = arith.addi %add3A_308, %mul3A_307 : i32
      %mul3A_310 = arith.constant 16 : i32
      %mul3A_311 = arith.muli %add3A_309, %mul3A_310 : i32
      %swap3A_312 = arith.index_cast %mul3A_311 : i32 to index
      %swap3A_313 = tpu.vector_load %arg10[%swap3A_312] {strides = array<i32>} : memref<10000xf32, #tpu.memory_space<vmem>>, vector<16xf32>,
      tpu.vector_store %arg10[%swap3A_312], %broadcast_in_dim3A_1 {strides = array<i32>} : memref<10000xf32, #tpu.memory_space<vmem>>, vector<16xf32>,
      %scan3A_314 = arith.constant 6 : i32
      %scan3A_315 = arith.addi %scan3A_255, %scan3A_314 : i32
      %mul3A_316 = arith.constant 1 : i32
      %mul3A_317 = arith.muli %scan3A_315, %mul3A_316 : i32
      %add3A_318 = arith.constant 0 : i32
      %add3A_319 = arith.addi %add3A_318, %mul3A_317 : i32
      %mul3A_320 = arith.constant 16 : i32
      %mul3A_321 = arith.muli %add3A_319, %mul3A_320 : i32
      %swap3A_322 = arith.index_cast %mul3A_321 : i32 to index
      %swap3A_323 = tpu.vector_load %arg10[%swap3A_322] {strides = array<i32>} : memref<10000xf32, #tpu.memory_space<vmem>>, vector<16xf32>,
      tpu.vector_store %arg10[%swap3A_322], %broadcast_in_dim3A_1 {strides = array<i32>} : memref<10000xf32, #tpu.memory_space<vmem>>, vector<16xf32>,
      %scan3A_324 = arith.constant 7 : i32
      %scan3A_325 = arith.addi %scan3A_255, %scan3A_324 : i32
      %mul3A_326 = arith.constant 1 : i32
      %mul3A_327 = arith.muli %scan3A_325, %mul3A_326 : i32
      %add3A_328 = arith.constant 0 : i32
      %add3A_329 = arith.addi %add3A_328, %mul3A_327 : i32
      %mul3A_330 = arith.constant 16 : i32
      %mul3A_331 = arith.muli %add3A_329, %mul3A_330 : i32
      %swap3A_332 = arith.index_cast %mul3A_331 : i32 to index
      %swap3A_333 = tpu.vector_load %arg10[%swap3A_332] {strides = array<i32>} : memref<10000xf32, #tpu.memory_space<vmem>>, vector<16xf32>,
      tpu.vector_store %arg10[%swap3A_332], %broadcast_in_dim3A_1 {strides = array<i32>} : memref<10000xf32, #tpu.memory_space<vmem>>, vector<16xf32>,
    }
    %scan3A_62 = arith.constant 624 : i32
    %scan3A_63 = arith.addi %scan3A_58, %scan3A_62 : i32
    %mul3A_64 = arith.constant 1 : i32
    %mul3A_65 = arith.muli %scan3A_63, %mul3A_64 : i32
    %add3A_66 = arith.constant 0 : i32
    %add3A_67 = arith.addi %add3A_66, %mul3A_65 : i32
    %mul3A_68 = arith.constant 16 : i32
    %mul3A_69 = arith.muli %add3A_67, %mul3A_68 : i32
    %swap3A_70 = arith.index_cast %mul3A_69 : i32 to index
    %swap3A_71 = tpu.vector_load %arg10[%swap3A_70] {strides = array<i32>} : memref<10000xf32, #tpu.memory_space<vmem>>, vector<16xf32>,
    tpu.vector_store %arg10[%swap3A_70], %broadcast_in_dim3A_1 {strides = array<i32>} : memref<10000xf32, #tpu.memory_space<vmem>>, vector<16xf32>,
    %scan3A_72 = arith.constant 625 : i32
    %scan3A_73 = arith.constant 0 : i32
    %scan3A_74 = arith.constant 624 : i32
    %scan3A_75 = arith.addi %scan3A_73, %scan3A_74 : i32
    %scan3A_76 = arith.constant 8 : i32
    scf.for %scan3A_255 = %scan3A_73 to %scan3A_75 step %scan3A_76  : i32 {
      %mul3A_256 = arith.constant 1 : i32
      %mul3A_257 = arith.muli %scan3A_255, %mul3A_256 : i32
      %add3A_258 = arith.constant 0 : i32
      %add3A_259 = arith.addi %add3A_258, %mul3A_257 : i32
      %mul3A_260 = arith.constant 16 : i32
      %mul3A_261 = arith.muli %add3A_259, %mul3A_260 : i32
      %swap3A_262 = arith.index_cast %mul3A_261 : i32 to index
      %swap3A_263 = tpu.vector_load %arg11[%swap3A_262] {strides = array<i32>} : memref<10000xf32, #tpu.memory_space<vmem>>, vector<16xf32>,
      tpu.vector_store %arg11[%swap3A_262], %broadcast_in_dim3A_1 {strides = array<i32>} : memref<10000xf32, #tpu.memory_space<vmem>>, vector<16xf32>,
      %scan3A_264 = arith.constant 1 : i32
      %scan3A_265 = arith.addi %scan3A_255, %scan3A_264 : i32
      %mul3A_266 = arith.constant 1 : i32
      %mul3A_267 = arith.muli %scan3A_265, %mul3A_266 : i32
      %add3A_268 = arith.constant 0 : i32
      %add3A_269 = arith.addi %add3A_268, %mul3A_267 : i32
      %mul3A_270 = arith.constant 16 : i32
      %mul3A_271 = arith.muli %add3A_269, %mul3A_270 : i32
      %swap3A_272 = arith.index_cast %mul3A_271 : i32 to index
      %swap3A_273 = tpu.vector_load %arg11[%swap3A_272] {strides = array<i32>} : memref<10000xf32, #tpu.memory_space<vmem>>, vector<16xf32>,
      tpu.vector_store %arg11[%swap3A_272], %broadcast_in_dim3A_1 {strides = array<i32>} : memref<10000xf32, #tpu.memory_space<vmem>>, vector<16xf32>,
      %scan3A_274 = arith.constant 2 : i32
      %scan3A_275 = arith.addi %scan3A_255, %scan3A_274 : i32
      %mul3A_276 = arith.constant 1 : i32
      %mul3A_277 = arith.muli %scan3A_275, %mul3A_276 : i32
      %add3A_278 = arith.constant 0 : i32
      %add3A_279 = arith.addi %add3A_278, %mul3A_277 : i32
      %mul3A_280 = arith.constant 16 : i32
      %mul3A_281 = arith.muli %add3A_279, %mul3A_280 : i32
      %swap3A_282 = arith.index_cast %mul3A_281 : i32 to index
      %swap3A_283 = tpu.vector_load %arg11[%swap3A_282] {strides = array<i32>} : memref<10000xf32, #tpu.memory_space<vmem>>, vector<16xf32>,
      tpu.vector_store %arg11[%swap3A_282], %broadcast_in_dim3A_1 {strides = array<i32>} : memref<10000xf32, #tpu.memory_space<vmem>>, vector<16xf32>,
      %scan3A_284 = arith.constant 3 : i32
      %scan3A_285 = arith.addi %scan3A_255, %scan3A_284 : i32
      %mul3A_286 = arith.constant 1 : i32
      %mul3A_287 = arith.muli %scan3A_285, %mul3A_286 : i32
      %add3A_288 = arith.constant 0 : i32
      %add3A_289 = arith.addi %add3A_288, %mul3A_287 : i32
      %mul3A_290 = arith.constant 16 : i32
      %mul3A_291 = arith.muli %add3A_289, %mul3A_290 : i32
      %swap3A_292 = arith.index_cast %mul3A_291 : i32 to index
      %swap3A_293 = tpu.vector_load %arg11[%swap3A_292] {strides = array<i32>} : memref<10000xf32, #tpu.memory_space<vmem>>, vector<16xf32>,
      tpu.vector_store %arg11[%swap3A_292], %broadcast_in_dim3A_1 {strides = array<i32>} : memref<10000xf32, #tpu.memory_space<vmem>>, vector<16xf32>,
      %scan3A_294 = arith.constant 4 : i32
      %scan3A_295 = arith.addi %scan3A_255, %scan3A_294 : i32
      %mul3A_296 = arith.constant 1 : i32
      %mul3A_297 = arith.muli %scan3A_295, %mul3A_296 : i32
      %add3A_298 = arith.constant 0 : i32
      %add3A_299 = arith.addi %add3A_298, %mul3A_297 : i32
      %mul3A_300 = arith.constant 16 : i32
      %mul3A_301 = arith.muli %add3A_299, %mul3A_300 : i32
      %swap3A_302 = arith.index_cast %mul3A_301 : i32 to index
      %swap3A_303 = tpu.vector_load %arg11[%swap3A_302] {strides = array<i32>} : memref<10000xf32, #tpu.memory_space<vmem>>, vector<16xf32>,
      tpu.vector_store %arg11[%swap3A_302], %broadcast_in_dim3A_1 {strides = array<i32>} : memref<10000xf32, #tpu.memory_space<vmem>>, vector<16xf32>,
      %scan3A_304 = arith.constant 5 : i32
      %scan3A_305 = arith.addi %scan3A_255, %scan3A_304 : i32
      %mul3A_306 = arith.constant 1 : i32
      %mul3A_307 = arith.muli %scan3A_305, %mul3A_306 : i32
      %add3A_308 = arith.constant 0 : i32
      %add3A_309 = arith.addi %add3A_308, %mul3A_307 : i32
      %mul3A_310 = arith.constant 16 : i32
      %mul3A_311 = arith.muli %add3A_309, %mul3A_310 : i32
      %swap3A_312 = arith.index_cast %mul3A_311 : i32 to index
      %swap3A_313 = tpu.vector_load %arg11[%swap3A_312] {strides = array<i32>} : memref<10000xf32, #tpu.memory_space<vmem>>, vector<16xf32>,
      tpu.vector_store %arg11[%swap3A_312], %broadcast_in_dim3A_1 {strides = array<i32>} : memref<10000xf32, #tpu.memory_space<vmem>>, vector<16xf32>,
      %scan3A_314 = arith.constant 6 : i32
      %scan3A_315 = arith.addi %scan3A_255, %scan3A_314 : i32
      %mul3A_316 = arith.constant 1 : i32
      %mul3A_317 = arith.muli %scan3A_315, %mul3A_316 : i32
      %add3A_318 = arith.constant 0 : i32
      %add3A_319 = arith.addi %add3A_318, %mul3A_317 : i32
      %mul3A_320 = arith.constant 16 : i32
      %mul3A_321 = arith.muli %add3A_319, %mul3A_320 : i32
      %swap3A_322 = arith.index_cast %mul3A_321 : i32 to index
      %swap3A_323 = tpu.vector_load %arg11[%swap3A_322] {strides = array<i32>} : memref<10000xf32, #tpu.memory_space<vmem>>, vector<16xf32>,
      tpu.vector_store %arg11[%swap3A_322], %broadcast_in_dim3A_1 {strides = array<i32>} : memref<10000xf32, #tpu.memory_space<vmem>>, vector<16xf32>,
      %scan3A_324 = arith.constant 7 : i32
      %scan3A_325 = arith.addi %scan3A_255, %scan3A_324 : i32
      %mul3A_326 = arith.constant 1 : i32
      %mul3A_327 = arith.muli %scan3A_325, %mul3A_326 : i32
      %add3A_328 = arith.constant 0 : i32
      %add3A_329 = arith.addi %add3A_328, %mul3A_327 : i32
      %mul3A_330 = arith.constant 16 : i32
      %mul3A_331 = arith.muli %add3A_329, %mul3A_330 : i32
      %swap3A_332 = arith.index_cast %mul3A_331 : i32 to index
      %swap3A_333 = tpu.vector_load %arg11[%swap3A_332] {strides = array<i32>} : memref<10000xf32, #tpu.memory_space<vmem>>, vector<16xf32>,
      tpu.vector_store %arg11[%swap3A_332], %broadcast_in_dim3A_1 {strides = array<i32>} : memref<10000xf32, #tpu.memory_space<vmem>>, vector<16xf32>,
    }
    %scan3A_77 = arith.constant 624 : i32
    %scan3A_78 = arith.addi %scan3A_73, %scan3A_77 : i32
    %mul3A_79 = arith.constant 1 : i32
    %mul3A_80 = arith.muli %scan3A_78, %mul3A_79 : i32
    %add3A_81 = arith.constant 0 : i32
    %add3A_82 = arith.addi %add3A_81, %mul3A_80 : i32
    %mul3A_83 = arith.constant 16 : i32
    %mul3A_84 = arith.muli %add3A_82, %mul3A_83 : i32
    %swap3A_85 = arith.index_cast %mul3A_84 : i32 to index
    %swap3A_86 = tpu.vector_load %arg11[%swap3A_85] {strides = array<i32>} : memref<10000xf32, #tpu.memory_space<vmem>>, vector<16xf32>,
    tpu.vector_store %arg11[%swap3A_85], %broadcast_in_dim3A_1 {strides = array<i32>} : memref<10000xf32, #tpu.memory_space<vmem>>, vector<16xf32>,
    %scan3A_87 = arith.constant 625 : i32
    %scan3A_88 = arith.constant 0 : i32
    %scan3A_89 = arith.constant 624 : i32
    %scan3A_90 = arith.addi %scan3A_88, %scan3A_89 : i32
    %scan3A_91 = arith.constant 8 : i32
    scf.for %scan3A_255 = %scan3A_88 to %scan3A_90 step %scan3A_91  : i32 {
      %mul3A_256 = arith.constant 1 : i32
      %mul3A_257 = arith.muli %scan3A_255, %mul3A_256 : i32
      %add3A_258 = arith.constant 0 : i32
      %add3A_259 = arith.addi %add3A_258, %mul3A_257 : i32
      %mul3A_260 = arith.constant 16 : i32
      %mul3A_261 = arith.muli %add3A_259, %mul3A_260 : i32
      %swap3A_262 = arith.index_cast %mul3A_261 : i32 to index
      %swap3A_263 = tpu.vector_load %arg12[%swap3A_262] {strides = array<i32>} : memref<10000xf32, #tpu.memory_space<vmem>>, vector<16xf32>,
      tpu.vector_store %arg12[%swap3A_262], %broadcast_in_dim3A_1 {strides = array<i32>} : memref<10000xf32, #tpu.memory_space<vmem>>, vector<16xf32>,
      %scan3A_264 = arith.constant 1 : i32
      %scan3A_265 = arith.addi %scan3A_255, %scan3A_264 : i32
      %mul3A_266 = arith.constant 1 : i32
      %mul3A_267 = arith.muli %scan3A_265, %mul3A_266 : i32
      %add3A_268 = arith.constant 0 : i32
      %add3A_269 = arith.addi %add3A_268, %mul3A_267 : i32
      %mul3A_270 = arith.constant 16 : i32
      %mul3A_271 = arith.muli %add3A_269, %mul3A_270 : i32
      %swap3A_272 = arith.index_cast %mul3A_271 : i32 to index
      %swap3A_273 = tpu.vector_load %arg12[%swap3A_272] {strides = array<i32>} : memref<10000xf32, #tpu.memory_space<vmem>>, vector<16xf32>,
      tpu.vector_store %arg12[%swap3A_272], %broadcast_in_dim3A_1 {strides = array<i32>} : memref<10000xf32, #tpu.memory_space<vmem>>, vector<16xf32>,
      %scan3A_274 = arith.constant 2 : i32
      %scan3A_275 = arith.addi %scan3A_255, %scan3A_274 : i32
      %mul3A_276 = arith.constant 1 : i32
      %mul3A_277 = arith.muli %scan3A_275, %mul3A_276 : i32
      %add3A_278 = arith.constant 0 : i32
      %add3A_279 = arith.addi %add3A_278, %mul3A_277 : i32
      %mul3A_280 = arith.constant 16 : i32
      %mul3A_281 = arith.muli %add3A_279, %mul3A_280 : i32
      %swap3A_282 = arith.index_cast %mul3A_281 : i32 to index
      %swap3A_283 = tpu.vector_load %arg12[%swap3A_282] {strides = array<i32>} : memref<10000xf32, #tpu.memory_space<vmem>>, vector<16xf32>,
      tpu.vector_store %arg12[%swap3A_282], %broadcast_in_dim3A_1 {strides = array<i32>} : memref<10000xf32, #tpu.memory_space<vmem>>, vector<16xf32>,
      %scan3A_284 = arith.constant 3 : i32
      %scan3A_285 = arith.addi %scan3A_255, %scan3A_284 : i32
      %mul3A_286 = arith.constant 1 : i32
      %mul3A_287 = arith.muli %scan3A_285, %mul3A_286 : i32
      %add3A_288 = arith.constant 0 : i32
      %add3A_289 = arith.addi %add3A_288, %mul3A_287 : i32
      %mul3A_290 = arith.constant 16 : i32
      %mul3A_291 = arith.muli %add3A_289, %mul3A_290 : i32
      %swap3A_292 = arith.index_cast %mul3A_291 : i32 to index
      %swap3A_293 = tpu.vector_load %arg12[%swap3A_292] {strides = array<i32>} : memref<10000xf32, #tpu.memory_space<vmem>>, vector<16xf32>,
      tpu.vector_store %arg12[%swap3A_292], %broadcast_in_dim3A_1 {strides = array<i32>} : memref<10000xf32, #tpu.memory_space<vmem>>, vector<16xf32>,
      %scan3A_294 = arith.constant 4 : i32
      %scan3A_295 = arith.addi %scan3A_255, %scan3A_294 : i32
      %mul3A_296 = arith.constant 1 : i32
      %mul3A_297 = arith.muli %scan3A_295, %mul3A_296 : i32
      %add3A_298 = arith.constant 0 : i32
      %add3A_299 = arith.addi %add3A_298, %mul3A_297 : i32
      %mul3A_300 = arith.constant 16 : i32
      %mul3A_301 = arith.muli %add3A_299, %mul3A_300 : i32
      %swap3A_302 = arith.index_cast %mul3A_301 : i32 to index
      %swap3A_303 = tpu.vector_load %arg12[%swap3A_302] {strides = array<i32>} : memref<10000xf32, #tpu.memory_space<vmem>>, vector<16xf32>,
      tpu.vector_store %arg12[%swap3A_302], %broadcast_in_dim3A_1 {strides = array<i32>} : memref<10000xf32, #tpu.memory_space<vmem>>, vector<16xf32>,
      %scan3A_304 = arith.constant 5 : i32
      %scan3A_305 = arith.addi %scan3A_255, %scan3A_304 : i32
      %mul3A_306 = arith.constant 1 : i32
      %mul3A_307 = arith.muli %scan3A_305, %mul3A_306 : i32
      %add3A_308 = arith.constant 0 : i32
      %add3A_309 = arith.addi %add3A_308, %mul3A_307 : i32
      %mul3A_310 = arith.constant 16 : i32
      %mul3A_311 = arith.muli %add3A_309, %mul3A_310 : i32
      %swap3A_312 = arith.index_cast %mul3A_311 : i32 to index
      %swap3A_313 = tpu.vector_load %arg12[%swap3A_312] {strides = array<i32>} : memref<10000xf32, #tpu.memory_space<vmem>>, vector<16xf32>,
      tpu.vector_store %arg12[%swap3A_312], %broadcast_in_dim3A_1 {strides = array<i32>} : memref<10000xf32, #tpu.memory_space<vmem>>, vector<16xf32>,
      %scan3A_314 = arith.constant 6 : i32
      %scan3A_315 = arith.addi %scan3A_255, %scan3A_314 : i32
      %mul3A_316 = arith.constant 1 : i32
      %mul3A_317 = arith.muli %scan3A_315, %mul3A_316 : i32
      %add3A_318 = arith.constant 0 : i32
      %add3A_319 = arith.addi %add3A_318, %mul3A_317 : i32
      %mul3A_320 = arith.constant 16 : i32
      %mul3A_321 = arith.muli %add3A_319, %mul3A_320 : i32
      %swap3A_322 = arith.index_cast %mul3A_321 : i32 to index
      %swap3A_323 = tpu.vector_load %arg12[%swap3A_322] {strides = array<i32>} : memref<10000xf32, #tpu.memory_space<vmem>>, vector<16xf32>,
      tpu.vector_store %arg12[%swap3A_322], %broadcast_in_dim3A_1 {strides = array<i32>} : memref<10000xf32, #tpu.memory_space<vmem>>, vector<16xf32>,
      %scan3A_324 = arith.constant 7 : i32
      %scan3A_325 = arith.addi %scan3A_255, %scan3A_324 : i32
      %mul3A_326 = arith.constant 1 : i32
      %mul3A_327 = arith.muli %scan3A_325, %mul3A_326 : i32
      %add3A_328 = arith.constant 0 : i32
      %add3A_329 = arith.addi %add3A_328, %mul3A_327 : i32
      %mul3A_330 = arith.constant 16 : i32
      %mul3A_331 = arith.muli %add3A_329, %mul3A_330 : i32
      %swap3A_332 = arith.index_cast %mul3A_331 : i32 to index
      %swap3A_333 = tpu.vector_load %arg12[%swap3A_332] {strides = array<i32>} : memref<10000xf32, #tpu.memory_space<vmem>>, vector<16xf32>,
      tpu.vector_store %arg12[%swap3A_332], %broadcast_in_dim3A_1 {strides = array<i32>} : memref<10000xf32, #tpu.memory_space<vmem>>, vector<16xf32>,
    }
    %scan3A_92 = arith.constant 624 : i32
    %scan3A_93 = arith.addi %scan3A_88, %scan3A_92 : i32
    %mul3A_94 = arith.constant 1 : i32
    %mul3A_95 = arith.muli %scan3A_93, %mul3A_94 : i32
    %add3A_96 = arith.constant 0 : i32
    %add3A_97 = arith.addi %add3A_96, %mul3A_95 : i32
    %mul3A_98 = arith.constant 16 : i32
    %mul3A_99 = arith.muli %add3A_97, %mul3A_98 : i32
    %swap3A_100 = arith.index_cast %mul3A_99 : i32 to index
    %swap3A_101 = tpu.vector_load %arg12[%swap3A_100] {strides = array<i32>} : memref<10000xf32, #tpu.memory_space<vmem>>, vector<16xf32>,
    tpu.vector_store %arg12[%swap3A_100], %broadcast_in_dim3A_1 {strides = array<i32>} : memref<10000xf32, #tpu.memory_space<vmem>>, vector<16xf32>,
    %scan3A_102 = arith.constant 625 : i32
    %scan3A_103 = arith.constant 0 : i32
    %scan3A_104 = arith.constant 624 : i32
    %scan3A_105 = arith.addi %scan3A_103, %scan3A_104 : i32
    %scan3A_106 = arith.constant 8 : i32
    scf.for %scan3A_255 = %scan3A_103 to %scan3A_105 step %scan3A_106  : i32 {
      %mul3A_256 = arith.constant 1 : i32
      %mul3A_257 = arith.muli %scan3A_255, %mul3A_256 : i32
      %add3A_258 = arith.constant 0 : i32
      %add3A_259 = arith.addi %add3A_258, %mul3A_257 : i32
      %mul3A_260 = arith.constant 16 : i32
      %mul3A_261 = arith.muli %add3A_259, %mul3A_260 : i32
      %swap3A_262 = arith.index_cast %mul3A_261 : i32 to index
      %swap3A_263 = tpu.vector_load %arg13[%swap3A_262] {strides = array<i32>} : memref<10000xf32, #tpu.memory_space<vmem>>, vector<16xf32>,
      tpu.vector_store %arg13[%swap3A_262], %broadcast_in_dim3A_1 {strides = array<i32>} : memref<10000xf32, #tpu.memory_space<vmem>>, vector<16xf32>,
      %scan3A_264 = arith.constant 1 : i32
      %scan3A_265 = arith.addi %scan3A_255, %scan3A_264 : i32
      %mul3A_266 = arith.constant 1 : i32
      %mul3A_267 = arith.muli %scan3A_265, %mul3A_266 : i32
      %add3A_268 = arith.constant 0 : i32
      %add3A_269 = arith.addi %add3A_268, %mul3A_267 : i32
      %mul3A_270 = arith.constant 16 : i32
      %mul3A_271 = arith.muli %add3A_269, %mul3A_270 : i32
      %swap3A_272 = arith.index_cast %mul3A_271 : i32 to index
      %swap3A_273 = tpu.vector_load %arg13[%swap3A_272] {strides = array<i32>} : memref<10000xf32, #tpu.memory_space<vmem>>, vector<16xf32>,
      tpu.vector_store %arg13[%swap3A_272], %broadcast_in_dim3A_1 {strides = array<i32>} : memref<10000xf32, #tpu.memory_space<vmem>>, vector<16xf32>,
      %scan3A_274 = arith.constant 2 : i32
      %scan3A_275 = arith.addi %scan3A_255, %scan3A_274 : i32
      %mul3A_276 = arith.constant 1 : i32
      %mul3A_277 = arith.muli %scan3A_275, %mul3A_276 : i32
      %add3A_278 = arith.constant 0 : i32
      %add3A_279 = arith.addi %add3A_278, %mul3A_277 : i32
      %mul3A_280 = arith.constant 16 : i32
      %mul3A_281 = arith.muli %add3A_279, %mul3A_280 : i32
      %swap3A_282 = arith.index_cast %mul3A_281 : i32 to index
      %swap3A_283 = tpu.vector_load %arg13[%swap3A_282] {strides = array<i32>} : memref<10000xf32, #tpu.memory_space<vmem>>, vector<16xf32>,
      tpu.vector_store %arg13[%swap3A_282], %broadcast_in_dim3A_1 {strides = array<i32>} : memref<10000xf32, #tpu.memory_space<vmem>>, vector<16xf32>,
      %scan3A_284 = arith.constant 3 : i32
      %scan3A_285 = arith.addi %scan3A_255, %scan3A_284 : i32
      %mul3A_286 = arith.constant 1 : i32
      %mul3A_287 = arith.muli %scan3A_285, %mul3A_286 : i32
      %add3A_288 = arith.constant 0 : i32
      %add3A_289 = arith.addi %add3A_288, %mul3A_287 : i32
      %mul3A_290 = arith.constant 16 : i32
      %mul3A_291 = arith.muli %add3A_289, %mul3A_290 : i32
      %swap3A_292 = arith.index_cast %mul3A_291 : i32 to index
      %swap3A_293 = tpu.vector_load %arg13[%swap3A_292] {strides = array<i32>} : memref<10000xf32, #tpu.memory_space<vmem>>, vector<16xf32>,
      tpu.vector_store %arg13[%swap3A_292], %broadcast_in_dim3A_1 {strides = array<i32>} : memref<10000xf32, #tpu.memory_space<vmem>>, vector<16xf32>,
      %scan3A_294 = arith.constant 4 : i32
      %scan3A_295 = arith.addi %scan3A_255, %scan3A_294 : i32
      %mul3A_296 = arith.constant 1 : i32
      %mul3A_297 = arith.muli %scan3A_295, %mul3A_296 : i32
      %add3A_298 = arith.constant 0 : i32
      %add3A_299 = arith.addi %add3A_298, %mul3A_297 : i32
      %mul3A_300 = arith.constant 16 : i32
      %mul3A_301 = arith.muli %add3A_299, %mul3A_300 : i32
      %swap3A_302 = arith.index_cast %mul3A_301 : i32 to index
      %swap3A_303 = tpu.vector_load %arg13[%swap3A_302] {strides = array<i32>} : memref<10000xf32, #tpu.memory_space<vmem>>, vector<16xf32>,
      tpu.vector_store %arg13[%swap3A_302], %broadcast_in_dim3A_1 {strides = array<i32>} : memref<10000xf32, #tpu.memory_space<vmem>>, vector<16xf32>,
      %scan3A_304 = arith.constant 5 : i32
      %scan3A_305 = arith.addi %scan3A_255, %scan3A_304 : i32
      %mul3A_306 = arith.constant 1 : i32
      %mul3A_307 = arith.muli %scan3A_305, %mul3A_306 : i32
      %add3A_308 = arith.constant 0 : i32
      %add3A_309 = arith.addi %add3A_308, %mul3A_307 : i32
      %mul3A_310 = arith.constant 16 : i32
      %mul3A_311 = arith.muli %add3A_309, %mul3A_310 : i32
      %swap3A_312 = arith.index_cast %mul3A_311 : i32 to index
      %swap3A_313 = tpu.vector_load %arg13[%swap3A_312] {strides = array<i32>} : memref<10000xf32, #tpu.memory_space<vmem>>, vector<16xf32>,
      tpu.vector_store %arg13[%swap3A_312], %broadcast_in_dim3A_1 {strides = array<i32>} : memref<10000xf32, #tpu.memory_space<vmem>>, vector<16xf32>,
      %scan3A_314 = arith.constant 6 : i32
      %scan3A_315 = arith.addi %scan3A_255, %scan3A_314 : i32
      %mul3A_316 = arith.constant 1 : i32
      %mul3A_317 = arith.muli %scan3A_315, %mul3A_316 : i32
      %add3A_318 = arith.constant 0 : i32
      %add3A_319 = arith.addi %add3A_318, %mul3A_317 : i32
      %mul3A_320 = arith.constant 16 : i32
      %mul3A_321 = arith.muli %add3A_319, %mul3A_320 : i32
      %swap3A_322 = arith.index_cast %mul3A_321 : i32 to index
      %swap3A_323 = tpu.vector_load %arg13[%swap3A_322] {strides = array<i32>} : memref<10000xf32, #tpu.memory_space<vmem>>, vector<16xf32>,
      tpu.vector_store %arg13[%swap3A_322], %broadcast_in_dim3A_1 {strides = array<i32>} : memref<10000xf32, #tpu.memory_space<vmem>>, vector<16xf32>,
      %scan3A_324 = arith.constant 7 : i32
      %scan3A_325 = arith.addi %scan3A_255, %scan3A_324 : i32
      %mul3A_326 = arith.constant 1 : i32
      %mul3A_327 = arith.muli %scan3A_325, %mul3A_326 : i32
      %add3A_328 = arith.constant 0 : i32
      %add3A_329 = arith.addi %add3A_328, %mul3A_327 : i32
      %mul3A_330 = arith.constant 16 : i32
      %mul3A_331 = arith.muli %add3A_329, %mul3A_330 : i32
      %swap3A_332 = arith.index_cast %mul3A_331 : i32 to index
      %swap3A_333 = tpu.vector_load %arg13[%swap3A_332] {strides = array<i32>} : memref<10000xf32, #tpu.memory_space<vmem>>, vector<16xf32>,
      tpu.vector_store %arg13[%swap3A_332], %broadcast_in_dim3A_1 {strides = array<i32>} : memref<10000xf32, #tpu.memory_space<vmem>>, vector<16xf32>,
    }
    %scan3A_107 = arith.constant 624 : i32
    %scan3A_108 = arith.addi %scan3A_103, %scan3A_107 : i32
    %mul3A_109 = arith.constant 1 : i32
    %mul3A_110 = arith.muli %scan3A_108, %mul3A_109 : i32
    %add3A_111 = arith.constant 0 : i32
    %add3A_112 = arith.addi %add3A_111, %mul3A_110 : i32
    %mul3A_113 = arith.constant 16 : i32
    %mul3A_114 = arith.muli %add3A_112, %mul3A_113 : i32
    %swap3A_115 = arith.index_cast %mul3A_114 : i32 to index
    %swap3A_116 = tpu.vector_load %arg13[%swap3A_115] {strides = array<i32>} : memref<10000xf32, #tpu.memory_space<vmem>>, vector<16xf32>,
    tpu.vector_store %arg13[%swap3A_115], %broadcast_in_dim3A_1 {strides = array<i32>} : memref<10000xf32, #tpu.memory_space<vmem>>, vector<16xf32>,
    %scan3A_117 = arith.constant 625 : i32
    %scan3A_118 = arith.constant 0 : i32
    %scan3A_119 = arith.constant 624 : i32
    %scan3A_120 = arith.addi %scan3A_118, %scan3A_119 : i32
    %scan3A_121 = arith.constant 8 : i32
    scf.for %scan3A_255 = %scan3A_118 to %scan3A_120 step %scan3A_121  : i32 {
      %mul3A_256 = arith.constant 1 : i32
      %mul3A_257 = arith.muli %scan3A_255, %mul3A_256 : i32
      %add3A_258 = arith.constant 0 : i32
      %add3A_259 = arith.addi %add3A_258, %mul3A_257 : i32
      %mul3A_260 = arith.constant 16 : i32
      %mul3A_261 = arith.muli %add3A_259, %mul3A_260 : i32
      %swap3A_262 = arith.index_cast %mul3A_261 : i32 to index
      %swap3A_263 = tpu.vector_load %arg14[%swap3A_262] {strides = array<i32>} : memref<10000xf32, #tpu.memory_space<vmem>>, vector<16xf32>,
      tpu.vector_store %arg14[%swap3A_262], %broadcast_in_dim3A_1 {strides = array<i32>} : memref<10000xf32, #tpu.memory_space<vmem>>, vector<16xf32>,
      %scan3A_264 = arith.constant 1 : i32
      %scan3A_265 = arith.addi %scan3A_255, %scan3A_264 : i32
      %mul3A_266 = arith.constant 1 : i32
      %mul3A_267 = arith.muli %scan3A_265, %mul3A_266 : i32
      %add3A_268 = arith.constant 0 : i32
      %add3A_269 = arith.addi %add3A_268, %mul3A_267 : i32
      %mul3A_270 = arith.constant 16 : i32
      %mul3A_271 = arith.muli %add3A_269, %mul3A_270 : i32
      %swap3A_272 = arith.index_cast %mul3A_271 : i32 to index
      %swap3A_273 = tpu.vector_load %arg14[%swap3A_272] {strides = array<i32>} : memref<10000xf32, #tpu.memory_space<vmem>>, vector<16xf32>,
      tpu.vector_store %arg14[%swap3A_272], %broadcast_in_dim3A_1 {strides = array<i32>} : memref<10000xf32, #tpu.memory_space<vmem>>, vector<16xf32>,
      %scan3A_274 = arith.constant 2 : i32
      %scan3A_275 = arith.addi %scan3A_255, %scan3A_274 : i32
      %mul3A_276 = arith.constant 1 : i32
      %mul3A_277 = arith.muli %scan3A_275, %mul3A_276 : i32
      %add3A_278 = arith.constant 0 : i32
      %add3A_279 = arith.addi %add3A_278, %mul3A_277 : i32
      %mul3A_280 = arith.constant 16 : i32
      %mul3A_281 = arith.muli %add3A_279, %mul3A_280 : i32
      %swap3A_282 = arith.index_cast %mul3A_281 : i32 to index
      %swap3A_283 = tpu.vector_load %arg14[%swap3A_282] {strides = array<i32>} : memref<10000xf32, #tpu.memory_space<vmem>>, vector<16xf32>,
      tpu.vector_store %arg14[%swap3A_282], %broadcast_in_dim3A_1 {strides = array<i32>} : memref<10000xf32, #tpu.memory_space<vmem>>, vector<16xf32>,
      %scan3A_284 = arith.constant 3 : i32
      %scan3A_285 = arith.addi %scan3A_255, %scan3A_284 : i32
      %mul3A_286 = arith.constant 1 : i32
      %mul3A_287 = arith.muli %scan3A_285, %mul3A_286 : i32
      %add3A_288 = arith.constant 0 : i32
      %add3A_289 = arith.addi %add3A_288, %mul3A_287 : i32
      %mul3A_290 = arith.constant 16 : i32
      %mul3A_291 = arith.muli %add3A_289, %mul3A_290 : i32
      %swap3A_292 = arith.index_cast %mul3A_291 : i32 to index
      %swap3A_293 = tpu.vector_load %arg14[%swap3A_292] {strides = array<i32>} : memref<10000xf32, #tpu.memory_space<vmem>>, vector<16xf32>,
      tpu.vector_store %arg14[%swap3A_292], %broadcast_in_dim3A_1 {strides = array<i32>} : memref<10000xf32, #tpu.memory_space<vmem>>, vector<16xf32>,
      %scan3A_294 = arith.constant 4 : i32
      %scan3A_295 = arith.addi %scan3A_255, %scan3A_294 : i32
      %mul3A_296 = arith.constant 1 : i32
      %mul3A_297 = arith.muli %scan3A_295, %mul3A_296 : i32
      %add3A_298 = arith.constant 0 : i32
      %add3A_299 = arith.addi %add3A_298, %mul3A_297 : i32
      %mul3A_300 = arith.constant 16 : i32
      %mul3A_301 = arith.muli %add3A_299, %mul3A_300 : i32
      %swap3A_302 = arith.index_cast %mul3A_301 : i32 to index
      %swap3A_303 = tpu.vector_load %arg14[%swap3A_302] {strides = array<i32>} : memref<10000xf32, #tpu.memory_space<vmem>>, vector<16xf32>,
      tpu.vector_store %arg14[%swap3A_302], %broadcast_in_dim3A_1 {strides = array<i32>} : memref<10000xf32, #tpu.memory_space<vmem>>, vector<16xf32>,
      %scan3A_304 = arith.constant 5 : i32
      %scan3A_305 = arith.addi %scan3A_255, %scan3A_304 : i32
      %mul3A_306 = arith.constant 1 : i32
      %mul3A_307 = arith.muli %scan3A_305, %mul3A_306 : i32
      %add3A_308 = arith.constant 0 : i32
      %add3A_309 = arith.addi %add3A_308, %mul3A_307 : i32
      %mul3A_310 = arith.constant 16 : i32
      %mul3A_311 = arith.muli %add3A_309, %mul3A_310 : i32
      %swap3A_312 = arith.index_cast %mul3A_311 : i32 to index
      %swap3A_313 = tpu.vector_load %arg14[%swap3A_312] {strides = array<i32>} : memref<10000xf32, #tpu.memory_space<vmem>>, vector<16xf32>,
      tpu.vector_store %arg14[%swap3A_312], %broadcast_in_dim3A_1 {strides = array<i32>} : memref<10000xf32, #tpu.memory_space<vmem>>, vector<16xf32>,
      %scan3A_314 = arith.constant 6 : i32
      %scan3A_315 = arith.addi %scan3A_255, %scan3A_314 : i32
      %mul3A_316 = arith.constant 1 : i32
      %mul3A_317 = arith.muli %scan3A_315, %mul3A_316 : i32
      %add3A_318 = arith.constant 0 : i32
      %add3A_319 = arith.addi %add3A_318, %mul3A_317 : i32
      %mul3A_320 = arith.constant 16 : i32
      %mul3A_321 = arith.muli %add3A_319, %mul3A_320 : i32
      %swap3A_322 = arith.index_cast %mul3A_321 : i32 to index
      %swap3A_323 = tpu.vector_load %arg14[%swap3A_322] {strides = array<i32>} : memref<10000xf32, #tpu.memory_space<vmem>>, vector<16xf32>,
      tpu.vector_store %arg14[%swap3A_322], %broadcast_in_dim3A_1 {strides = array<i32>} : memref<10000xf32, #tpu.memory_space<vmem>>, vector<16xf32>,
      %scan3A_324 = arith.constant 7 : i32
      %scan3A_325 = arith.addi %scan3A_255, %scan3A_324 : i32
      %mul3A_326 = arith.constant 1 : i32
      %mul3A_327 = arith.muli %scan3A_325, %mul3A_326 : i32
      %add3A_328 = arith.constant 0 : i32
      %add3A_329 = arith.addi %add3A_328, %mul3A_327 : i32
      %mul3A_330 = arith.constant 16 : i32
      %mul3A_331 = arith.muli %add3A_329, %mul3A_330 : i32
      %swap3A_332 = arith.index_cast %mul3A_331 : i32 to index
      %swap3A_333 = tpu.vector_load %arg14[%swap3A_332] {strides = array<i32>} : memref<10000xf32, #tpu.memory_space<vmem>>, vector<16xf32>,
      tpu.vector_store %arg14[%swap3A_332], %broadcast_in_dim3A_1 {strides = array<i32>} : memref<10000xf32, #tpu.memory_space<vmem>>, vector<16xf32>,
    }
    %scan3A_122 = arith.constant 624 : i32
    %scan3A_123 = arith.addi %scan3A_118, %scan3A_122 : i32
    %mul3A_124 = arith.constant 1 : i32
    %mul3A_125 = arith.muli %scan3A_123, %mul3A_124 : i32
    %add3A_126 = arith.constant 0 : i32
    %add3A_127 = arith.addi %add3A_126, %mul3A_125 : i32
    %mul3A_128 = arith.constant 16 : i32
    %mul3A_129 = arith.muli %add3A_127, %mul3A_128 : i32
    %swap3A_130 = arith.index_cast %mul3A_129 : i32 to index
    %swap3A_131 = tpu.vector_load %arg14[%swap3A_130] {strides = array<i32>} : memref<10000xf32, #tpu.memory_space<vmem>>, vector<16xf32>,
    tpu.vector_store %arg14[%swap3A_130], %broadcast_in_dim3A_1 {strides = array<i32>} : memref<10000xf32, #tpu.memory_space<vmem>>, vector<16xf32>,
    %scan3A_132 = arith.constant 625 : i32
    %scan3A_133 = arith.constant 0 : i32
    %scan3A_134 = arith.constant 624 : i32
    %scan3A_135 = arith.addi %scan3A_133, %scan3A_134 : i32
    %scan3A_136 = arith.constant 8 : i32
    scf.for %scan3A_255 = %scan3A_133 to %scan3A_135 step %scan3A_136  : i32 {
      %mul3A_256 = arith.constant 1 : i32
      %mul3A_257 = arith.muli %scan3A_255, %mul3A_256 : i32
      %add3A_258 = arith.constant 0 : i32
      %add3A_259 = arith.addi %add3A_258, %mul3A_257 : i32
      %mul3A_260 = arith.constant 16 : i32
      %mul3A_261 = arith.muli %add3A_259, %mul3A_260 : i32
      %swap3A_262 = arith.index_cast %mul3A_261 : i32 to index
      %swap3A_263 = tpu.vector_load %arg15[%swap3A_262] {strides = array<i32>} : memref<10000xf32, #tpu.memory_space<vmem>>, vector<16xf32>,
      tpu.vector_store %arg15[%swap3A_262], %broadcast_in_dim3A_1 {strides = array<i32>} : memref<10000xf32, #tpu.memory_space<vmem>>, vector<16xf32>,
      %scan3A_264 = arith.constant 1 : i32
      %scan3A_265 = arith.addi %scan3A_255, %scan3A_264 : i32
      %mul3A_266 = arith.constant 1 : i32
      %mul3A_267 = arith.muli %scan3A_265, %mul3A_266 : i32
      %add3A_268 = arith.constant 0 : i32
      %add3A_269 = arith.addi %add3A_268, %mul3A_267 : i32
      %mul3A_270 = arith.constant 16 : i32
      %mul3A_271 = arith.muli %add3A_269, %mul3A_270 : i32
      %swap3A_272 = arith.index_cast %mul3A_271 : i32 to index
      %swap3A_273 = tpu.vector_load %arg15[%swap3A_272] {strides = array<i32>} : memref<10000xf32, #tpu.memory_space<vmem>>, vector<16xf32>,
      tpu.vector_store %arg15[%swap3A_272], %broadcast_in_dim3A_1 {strides = array<i32>} : memref<10000xf32, #tpu.memory_space<vmem>>, vector<16xf32>,
      %scan3A_274 = arith.constant 2 : i32
      %scan3A_275 = arith.addi %scan3A_255, %scan3A_274 : i32
      %mul3A_276 = arith.constant 1 : i32
      %mul3A_277 = arith.muli %scan3A_275, %mul3A_276 : i32
      %add3A_278 = arith.constant 0 : i32
      %add3A_279 = arith.addi %add3A_278, %mul3A_277 : i32
      %mul3A_280 = arith.constant 16 : i32
      %mul3A_281 = arith.muli %add3A_279, %mul3A_280 : i32
      %swap3A_282 = arith.index_cast %mul3A_281 : i32 to index
      %swap3A_283 = tpu.vector_load %arg15[%swap3A_282] {strides = array<i32>} : memref<10000xf32, #tpu.memory_space<vmem>>, vector<16xf32>,
      tpu.vector_store %arg15[%swap3A_282], %broadcast_in_dim3A_1 {strides = array<i32>} : memref<10000xf32, #tpu.memory_space<vmem>>, vector<16xf32>,
      %scan3A_284 = arith.constant 3 : i32
      %scan3A_285 = arith.addi %scan3A_255, %scan3A_284 : i32
      %mul3A_286 = arith.constant 1 : i32
      %mul3A_287 = arith.muli %scan3A_285, %mul3A_286 : i32
      %add3A_288 = arith.constant 0 : i32
      %add3A_289 = arith.addi %add3A_288, %mul3A_287 : i32
      %mul3A_290 = arith.constant 16 : i32
      %mul3A_291 = arith.muli %add3A_289, %mul3A_290 : i32
      %swap3A_292 = arith.index_cast %mul3A_291 : i32 to index
      %swap3A_293 = tpu.vector_load %arg15[%swap3A_292] {strides = array<i32>} : memref<10000xf32, #tpu.memory_space<vmem>>, vector<16xf32>,
      tpu.vector_store %arg15[%swap3A_292], %broadcast_in_dim3A_1 {strides = array<i32>} : memref<10000xf32, #tpu.memory_space<vmem>>, vector<16xf32>,
      %scan3A_294 = arith.constant 4 : i32
      %scan3A_295 = arith.addi %scan3A_255, %scan3A_294 : i32
      %mul3A_296 = arith.constant 1 : i32
      %mul3A_297 = arith.muli %scan3A_295, %mul3A_296 : i32
      %add3A_298 = arith.constant 0 : i32
      %add3A_299 = arith.addi %add3A_298, %mul3A_297 : i32
      %mul3A_300 = arith.constant 16 : i32
      %mul3A_301 = arith.muli %add3A_299, %mul3A_300 : i32
      %swap3A_302 = arith.index_cast %mul3A_301 : i32 to index
      %swap3A_303 = tpu.vector_load %arg15[%swap3A_302] {strides = array<i32>} : memref<10000xf32, #tpu.memory_space<vmem>>, vector<16xf32>,
      tpu.vector_store %arg15[%swap3A_302], %broadcast_in_dim3A_1 {strides = array<i32>} : memref<10000xf32, #tpu.memory_space<vmem>>, vector<16xf32>,
      %scan3A_304 = arith.constant 5 : i32
      %scan3A_305 = arith.addi %scan3A_255, %scan3A_304 : i32
      %mul3A_306 = arith.constant 1 : i32
      %mul3A_307 = arith.muli %scan3A_305, %mul3A_306 : i32
      %add3A_308 = arith.constant 0 : i32
      %add3A_309 = arith.addi %add3A_308, %mul3A_307 : i32
      %mul3A_310 = arith.constant 16 : i32
      %mul3A_311 = arith.muli %add3A_309, %mul3A_310 : i32
      %swap3A_312 = arith.index_cast %mul3A_311 : i32 to index
      %swap3A_313 = tpu.vector_load %arg15[%swap3A_312] {strides = array<i32>} : memref<10000xf32, #tpu.memory_space<vmem>>, vector<16xf32>,
      tpu.vector_store %arg15[%swap3A_312], %broadcast_in_dim3A_1 {strides = array<i32>} : memref<10000xf32, #tpu.memory_space<vmem>>, vector<16xf32>,
      %scan3A_314 = arith.constant 6 : i32
      %scan3A_315 = arith.addi %scan3A_255, %scan3A_314 : i32
      %mul3A_316 = arith.constant 1 : i32
      %mul3A_317 = arith.muli %scan3A_315, %mul3A_316 : i32
      %add3A_318 = arith.constant 0 : i32
      %add3A_319 = arith.addi %add3A_318, %mul3A_317 : i32
      %mul3A_320 = arith.constant 16 : i32
      %mul3A_321 = arith.muli %add3A_319, %mul3A_320 : i32
      %swap3A_322 = arith.index_cast %mul3A_321 : i32 to index
      %swap3A_323 = tpu.vector_load %arg15[%swap3A_322] {strides = array<i32>} : memref<10000xf32, #tpu.memory_space<vmem>>, vector<16xf32>,
      tpu.vector_store %arg15[%swap3A_322], %broadcast_in_dim3A_1 {strides = array<i32>} : memref<10000xf32, #tpu.memory_space<vmem>>, vector<16xf32>,
      %scan3A_324 = arith.constant 7 : i32
      %scan3A_325 = arith.addi %scan3A_255, %scan3A_324 : i32
      %mul3A_326 = arith.constant 1 : i32
      %mul3A_327 = arith.muli %scan3A_325, %mul3A_326 : i32
      %add3A_328 = arith.constant 0 : i32
      %add3A_329 = arith.addi %add3A_328, %mul3A_327 : i32
      %mul3A_330 = arith.constant 16 : i32
      %mul3A_331 = arith.muli %add3A_329, %mul3A_330 : i32
      %swap3A_332 = arith.index_cast %mul3A_331 : i32 to index
      %swap3A_333 = tpu.vector_load %arg15[%swap3A_332] {strides = array<i32>} : memref<10000xf32, #tpu.memory_space<vmem>>, vector<16xf32>,
      tpu.vector_store %arg15[%swap3A_332], %broadcast_in_dim3A_1 {strides = array<i32>} : memref<10000xf32, #tpu.memory_space<vmem>>, vector<16xf32>,
    }
    %scan3A_137 = arith.constant 624 : i32
    %scan3A_138 = arith.addi %scan3A_133, %scan3A_137 : i32
    %mul3A_139 = arith.constant 1 : i32
    %mul3A_140 = arith.muli %scan3A_138, %mul3A_139 : i32
    %add3A_141 = arith.constant 0 : i32
    %add3A_142 = arith.addi %add3A_141, %mul3A_140 : i32
    %mul3A_143 = arith.constant 16 : i32
    %mul3A_144 = arith.muli %add3A_142, %mul3A_143 : i32
    %swap3A_145 = arith.index_cast %mul3A_144 : i32 to index
    %swap3A_146 = tpu.vector_load %arg15[%swap3A_145] {strides = array<i32>} : memref<10000xf32, #tpu.memory_space<vmem>>, vector<16xf32>,
    tpu.vector_store %arg15[%swap3A_145], %broadcast_in_dim3A_1 {strides = array<i32>} : memref<10000xf32, #tpu.memory_space<vmem>>, vector<16xf32>,
    %scan3A_147 = arith.constant 625 : i32
    %scan3A_148 = arith.constant 0 : i32
    %scan3A_149 = arith.constant 624 : i32
    %scan3A_150 = arith.addi %scan3A_148, %scan3A_149 : i32
    %scan3A_151 = arith.constant 8 : i32
    scf.for %scan3A_255 = %scan3A_148 to %scan3A_150 step %scan3A_151  : i32 {
      %mul3A_256 = arith.constant 1 : i32
      %mul3A_257 = arith.muli %scan3A_255, %mul3A_256 : i32
      %add3A_258 = arith.constant 0 : i32
      %add3A_259 = arith.addi %add3A_258, %mul3A_257 : i32
      %mul3A_260 = arith.constant 16 : i32
      %mul3A_261 = arith.muli %add3A_259, %mul3A_260 : i32
      %swap3A_262 = arith.index_cast %mul3A_261 : i32 to index
      %swap3A_263 = tpu.vector_load %arg16[%swap3A_262] {strides = array<i32>} : memref<10000xf32, #tpu.memory_space<vmem>>, vector<16xf32>,
      tpu.vector_store %arg16[%swap3A_262], %broadcast_in_dim3A_1 {strides = array<i32>} : memref<10000xf32, #tpu.memory_space<vmem>>, vector<16xf32>,
      %scan3A_264 = arith.constant 1 : i32
      %scan3A_265 = arith.addi %scan3A_255, %scan3A_264 : i32
      %mul3A_266 = arith.constant 1 : i32
      %mul3A_267 = arith.muli %scan3A_265, %mul3A_266 : i32
      %add3A_268 = arith.constant 0 : i32
      %add3A_269 = arith.addi %add3A_268, %mul3A_267 : i32
      %mul3A_270 = arith.constant 16 : i32
      %mul3A_271 = arith.muli %add3A_269, %mul3A_270 : i32
      %swap3A_272 = arith.index_cast %mul3A_271 : i32 to index
      %swap3A_273 = tpu.vector_load %arg16[%swap3A_272] {strides = array<i32>} : memref<10000xf32, #tpu.memory_space<vmem>>, vector<16xf32>,
      tpu.vector_store %arg16[%swap3A_272], %broadcast_in_dim3A_1 {strides = array<i32>} : memref<10000xf32, #tpu.memory_space<vmem>>, vector<16xf32>,
      %scan3A_274 = arith.constant 2 : i32
      %scan3A_275 = arith.addi %scan3A_255, %scan3A_274 : i32
      %mul3A_276 = arith.constant 1 : i32
      %mul3A_277 = arith.muli %scan3A_275, %mul3A_276 : i32
      %add3A_278 = arith.constant 0 : i32
      %add3A_279 = arith.addi %add3A_278, %mul3A_277 : i32
      %mul3A_280 = arith.constant 16 : i32
      %mul3A_281 = arith.muli %add3A_279, %mul3A_280 : i32
      %swap3A_282 = arith.index_cast %mul3A_281 : i32 to index
      %swap3A_283 = tpu.vector_load %arg16[%swap3A_282] {strides = array<i32>} : memref<10000xf32, #tpu.memory_space<vmem>>, vector<16xf32>,
      tpu.vector_store %arg16[%swap3A_282], %broadcast_in_dim3A_1 {strides = array<i32>} : memref<10000xf32, #tpu.memory_space<vmem>>, vector<16xf32>,
      %scan3A_284 = arith.constant 3 : i32
      %scan3A_285 = arith.addi %scan3A_255, %scan3A_284 : i32
      %mul3A_286 = arith.constant 1 : i32
      %mul3A_287 = arith.muli %scan3A_285, %mul3A_286 : i32
      %add3A_288 = arith.constant 0 : i32
      %add3A_289 = arith.addi %add3A_288, %mul3A_287 : i32
      %mul3A_290 = arith.constant 16 : i32
      %mul3A_291 = arith.muli %add3A_289, %mul3A_290 : i32
      %swap3A_292 = arith.index_cast %mul3A_291 : i32 to index
      %swap3A_293 = tpu.vector_load %arg16[%swap3A_292] {strides = array<i32>} : memref<10000xf32, #tpu.memory_space<vmem>>, vector<16xf32>,
      tpu.vector_store %arg16[%swap3A_292], %broadcast_in_dim3A_1 {strides = array<i32>} : memref<10000xf32, #tpu.memory_space<vmem>>, vector<16xf32>,
      %scan3A_294 = arith.constant 4 : i32
      %scan3A_295 = arith.addi %scan3A_255, %scan3A_294 : i32
      %mul3A_296 = arith.constant 1 : i32
      %mul3A_297 = arith.muli %scan3A_295, %mul3A_296 : i32
      %add3A_298 = arith.constant 0 : i32
      %add3A_299 = arith.addi %add3A_298, %mul3A_297 : i32
      %mul3A_300 = arith.constant 16 : i32
      %mul3A_301 = arith.muli %add3A_299, %mul3A_300 : i32
      %swap3A_302 = arith.index_cast %mul3A_301 : i32 to index
      %swap3A_303 = tpu.vector_load %arg16[%swap3A_302] {strides = array<i32>} : memref<10000xf32, #tpu.memory_space<vmem>>, vector<16xf32>,
      tpu.vector_store %arg16[%swap3A_302], %broadcast_in_dim3A_1 {strides = array<i32>} : memref<10000xf32, #tpu.memory_space<vmem>>, vector<16xf32>,
      %scan3A_304 = arith.constant 5 : i32
      %scan3A_305 = arith.addi %scan3A_255, %scan3A_304 : i32
      %mul3A_306 = arith.constant 1 : i32
      %mul3A_307 = arith.muli %scan3A_305, %mul3A_306 : i32
      %add3A_308 = arith.constant 0 : i32
      %add3A_309 = arith.addi %add3A_308, %mul3A_307 : i32
      %mul3A_310 = arith.constant 16 : i32
      %mul3A_311 = arith.muli %add3A_309, %mul3A_310 : i32
      %swap3A_312 = arith.index_cast %mul3A_311 : i32 to index
      %swap3A_313 = tpu.vector_load %arg16[%swap3A_312] {strides = array<i32>} : memref<10000xf32, #tpu.memory_space<vmem>>, vector<16xf32>,
      tpu.vector_store %arg16[%swap3A_312], %broadcast_in_dim3A_1 {strides = array<i32>} : memref<10000xf32, #tpu.memory_space<vmem>>, vector<16xf32>,
      %scan3A_314 = arith.constant 6 : i32
      %scan3A_315 = arith.addi %scan3A_255, %scan3A_314 : i32
      %mul3A_316 = arith.constant 1 : i32
      %mul3A_317 = arith.muli %scan3A_315, %mul3A_316 : i32
      %add3A_318 = arith.constant 0 : i32
      %add3A_319 = arith.addi %add3A_318, %mul3A_317 : i32
      %mul3A_320 = arith.constant 16 : i32
      %mul3A_321 = arith.muli %add3A_319, %mul3A_320 : i32
      %swap3A_322 = arith.index_cast %mul3A_321 : i32 to index
      %swap3A_323 = tpu.vector_load %arg16[%swap3A_322] {strides = array<i32>} : memref<10000xf32, #tpu.memory_space<vmem>>, vector<16xf32>,
      tpu.vector_store %arg16[%swap3A_322], %broadcast_in_dim3A_1 {strides = array<i32>} : memref<10000xf32, #tpu.memory_space<vmem>>, vector<16xf32>,
      %scan3A_324 = arith.constant 7 : i32
      %scan3A_325 = arith.addi %scan3A_255, %scan3A_324 : i32
      %mul3A_326 = arith.constant 1 : i32
      %mul3A_327 = arith.muli %scan3A_325, %mul3A_326 : i32
      %add3A_328 = arith.constant 0 : i32
      %add3A_329 = arith.addi %add3A_328, %mul3A_327 : i32
      %mul3A_330 = arith.constant 16 : i32
      %mul3A_331 = arith.muli %add3A_329, %mul3A_330 : i32
      %swap3A_332 = arith.index_cast %mul3A_331 : i32 to index
      %swap3A_333 = tpu.vector_load %arg16[%swap3A_332] {strides = array<i32>} : memref<10000xf32, #tpu.memory_space<vmem>>, vector<16xf32>,
      tpu.vector_store %arg16[%swap3A_332], %broadcast_in_dim3A_1 {strides = array<i32>} : memref<10000xf32, #tpu.memory_space<vmem>>, vector<16xf32>,
    }
    %scan3A_152 = arith.constant 624 : i32
    %scan3A_153 = arith.addi %scan3A_148, %scan3A_152 : i32
    %mul3A_154 = arith.constant 1 : i32
    %mul3A_155 = arith.muli %scan3A_153, %mul3A_154 : i32
    %add3A_156 = arith.constant 0 : i32
    %add3A_157 = arith.addi %add3A_156, %mul3A_155 : i32
    %mul3A_158 = arith.constant 16 : i32
    %mul3A_159 = arith.muli %add3A_157, %mul3A_158 : i32
    %swap3A_160 = arith.index_cast %mul3A_159 : i32 to index
    %swap3A_161 = tpu.vector_load %arg16[%swap3A_160] {strides = array<i32>} : memref<10000xf32, #tpu.memory_space<vmem>>, vector<16xf32>,
    tpu.vector_store %arg16[%swap3A_160], %broadcast_in_dim3A_1 {strides = array<i32>} : memref<10000xf32, #tpu.memory_space<vmem>>, vector<16xf32>,
    %scan3A_162 = arith.constant 625 : i32
    %dma_wait3A = arith.constant 0 : i32
    %dma_wait3A_163 = tpu.memref_slice %arg2[%dma_wait3A] : memref<640000xi32, #tpu.memory_space<hbm>> -> memref<10000xi32, #tpu.memory_space<hbm>>
    %dma_wait3A_164 = arith.constant 0 : i32
    %dma_wait3A_165 = tpu.memref_slice %arg2[%dma_wait3A_164] : memref<640000xi32, #tpu.memory_space<hbm>> -> memref<10000xi32, #tpu.memory_space<hbm>>
    tpu.wait_dma2 semaphore(%arg19 : memref<!tpu.dma_semaphore, #tpu.memory_space<semaphore_mem>>) src(%dma_wait3A_165 : memref<10000xi32, #tpu.memory_space<hbm>>) dst(%arg5 : memref<10000xi32, #tpu.memory_space<vmem>>)
    %dma_wait3A_166 = arith.constant 0 : i32
    %dma_wait3A_167 = tpu.memref_slice %arg2[%dma_wait3A_166] : memref<640000xi32, #tpu.memory_space<hbm>> -> memref<10000xi32, #tpu.memory_space<hbm>>
    %dma_wait3A_168 = arith.constant 0 : i32
    %dma_wait3A_169 = tpu.memref_slice %arg2[%dma_wait3A_168] : memref<640000xi32, #tpu.memory_space<hbm>> -> memref<10000xi32, #tpu.memory_space<hbm>>
    tpu.wait_dma2 semaphore(%arg19 : memref<!tpu.dma_semaphore, #tpu.memory_space<semaphore_mem>>) src(%dma_wait3A_169 : memref<10000xi32, #tpu.memory_space<hbm>>) dst(%arg6 : memref<10000xi32, #tpu.memory_space<vmem>>)
    %dma_wait3A_170 = arith.constant 0 : i32
    %dma_wait3A_171 = tpu.memref_slice %arg2[%dma_wait3A_170] : memref<640000xi32, #tpu.memory_space<hbm>> -> memref<10000xi32, #tpu.memory_space<hbm>>
    %dma_wait3A_172 = arith.constant 0 : i32
    %dma_wait3A_173 = tpu.memref_slice %arg2[%dma_wait3A_172] : memref<640000xi32, #tpu.memory_space<hbm>> -> memref<10000xi32, #tpu.memory_space<hbm>>
    tpu.wait_dma2 semaphore(%arg19 : memref<!tpu.dma_semaphore, #tpu.memory_space<semaphore_mem>>) src(%dma_wait3A_173 : memref<10000xi32, #tpu.memory_space<hbm>>) dst(%arg7 : memref<10000xi32, #tpu.memory_space<vmem>>)
    %dma_wait3A_174 = arith.constant 0 : i32
    %dma_wait3A_175 = tpu.memref_slice %arg2[%dma_wait3A_174] : memref<640000xi32, #tpu.memory_space<hbm>> -> memref<10000xi32, #tpu.memory_space<hbm>>
    %dma_wait3A_176 = arith.constant 0 : i32
    %dma_wait3A_177 = tpu.memref_slice %arg2[%dma_wait3A_176] : memref<640000xi32, #tpu.memory_space<hbm>> -> memref<10000xi32, #tpu.memory_space<hbm>>
    tpu.wait_dma2 semaphore(%arg19 : memref<!tpu.dma_semaphore, #tpu.memory_space<semaphore_mem>>) src(%dma_wait3A_177 : memref<10000xi32, #tpu.memory_space<hbm>>) dst(%arg8 : memref<10000xi32, #tpu.memory_space<vmem>>)
    %scan3A_178 = arith.constant 0 : i32
    %scan3A_179 = arith.constant 25 : i32
    %scan3A_180 = arith.addi %scan3A_178, %scan3A_179 : i32
    %scan3A_181 = arith.constant 1 : i32
    scf.for %scan3A_255 = %scan3A_178 to %scan3A_180 step %scan3A_181  : i32 {
      %mul3A_256 = arith.constant 2 : i32
      %mul3A_257 = arith.muli %scan3A_255, %mul3A_256 : i32
      %add3A_258 = arith.constant 0 : i32
      %add3A_259 = arith.addi %add3A_258, %mul3A_257 : i32
      %dma_wait3A_260 = arith.constant 0 : i32
      %dma_wait3A_261 = tpu.memref_slice %arg3[%dma_wait3A_260] : memref<320000xi32, #tpu.memory_space<hbm>> -> memref<3200xi32, #tpu.memory_space<hbm>>
      %dma_wait3A_262 = arith.constant 0 : i32
      %dma_wait3A_263 = tpu.memref_slice %arg3[%dma_wait3A_262] : memref<320000xi32, #tpu.memory_space<hbm>> -> memref<3200xi32, #tpu.memory_space<hbm>>
      tpu.wait_dma2 semaphore(%arg20 : memref<!tpu.dma_semaphore, #tpu.memory_space<semaphore_mem>>) src(%dma_wait3A_263 : memref<3200xi32, #tpu.memory_space<hbm>>) dst(%arg17 : memref<3200xi32, #tpu.memory_space<vmem>>)
      %get3A = arith.constant 0 : index
      %get3A_264 = tpu.vector_load %arg17[%get3A] {strides = array<i32>} : memref<3200xi32, #tpu.memory_space<vmem>>, vector<16xi32>,
      %bitcast3A = vector.bitcast %get3A_264 : vector<16xi32> to vector<32xi16>
      %unpack3A = tpu.unpack_subelements %bitcast3A, 0 {pack_format = #tpu.pack_format<interleaved>} : vector<32xi16> -> vector<16xi32>
      %unpack3A_265 = tpu.unpack_subelements %bitcast3A, 1 {pack_format = #tpu.pack_format<interleaved>} : vector<32xi16> -> vector<16xi32>
      %gather3A = tpu.vector_load_idx %arg5[%unpack3A] : memref<10000xi32, #tpu.memory_space<vmem>>[vector<16xi32>], vector<16xi32>,
      %bitcast3A_266 = vector.bitcast %gather3A : vector<16xi32> to vector<32xbf16>
      %unpack3A_267 = tpu.unpack_subelements %bitcast3A_266, 0 {pack_format = #tpu.pack_format<interleaved>} : vector<32xbf16> -> vector<16xf32>
      %unpack3A_268 = tpu.unpack_subelements %bitcast3A_266, 1 {pack_format = #tpu.pack_format<interleaved>} : vector<32xbf16> -> vector<16xf32>
      %gather3A_269 = tpu.vector_load_idx %arg6[%unpack3A] : memref<10000xi32, #tpu.memory_space<vmem>>[vector<16xi32>], vector<16xi32>,
      %bitcast3A_270 = vector.bitcast %gather3A_269 : vector<16xi32> to vector<32xbf16>
      %unpack3A_271 = tpu.unpack_subelements %bitcast3A_270, 0 {pack_format = #tpu.pack_format<interleaved>} : vector<32xbf16> -> vector<16xf32>
      %unpack3A_272 = tpu.unpack_subelements %bitcast3A_270, 1 {pack_format = #tpu.pack_format<interleaved>} : vector<32xbf16> -> vector<16xf32>
      %gather3A_273 = tpu.vector_load_idx %arg7[%unpack3A] : memref<10000xi32, #tpu.memory_space<vmem>>[vector<16xi32>], vector<16xi32>,
      %bitcast3A_274 = vector.bitcast %gather3A_273 : vector<16xi32> to vector<32xbf16>
      %unpack3A_275 = tpu.unpack_subelements %bitcast3A_274, 0 {pack_format = #tpu.pack_format<interleaved>} : vector<32xbf16> -> vector<16xf32>
      %unpack3A_276 = tpu.unpack_subelements %bitcast3A_274, 1 {pack_format = #tpu.pack_format<interleaved>} : vector<32xbf16> -> vector<16xf32>
      %gather3A_277 = tpu.vector_load_idx %arg8[%unpack3A] : memref<10000xi32, #tpu.memory_space<vmem>>[vector<16xi32>], vector<16xi32>,
      %bitcast3A_278 = vector.bitcast %gather3A_277 : vector<16xi32> to vector<32xbf16>
      %unpack3A_279 = tpu.unpack_subelements %bitcast3A_278, 0 {pack_format = #tpu.pack_format<interleaved>} : vector<32xbf16> -> vector<16xf32>
      %unpack3A_280 = tpu.unpack_subelements %bitcast3A_278, 1 {pack_format = #tpu.pack_format<interleaved>} : vector<32xbf16> -> vector<16xf32>
      %parallel_loop3A = arith.constant 1 : i32
      %parallel_loop3A_281 = arith.constant 200 : i32
      %parallel_loop3A_282 = arith.constant 1 : i32
      %parallel_loop3A_283:9 = scf.for %parallel_loop3A_328 = %parallel_loop3A to %parallel_loop3A_281 step %parallel_loop3A_282 iter_args(%parallel_loop3A_329 = %unpack3A_265, %parallel_loop3A_330 = %unpack3A_267, %parallel_loop3A_331 = %unpack3A_268, %parallel_loop3A_332 = %unpack3A_271, %parallel_loop3A_333 = %unpack3A_272, %parallel_loop3A_334 = %unpack3A_275, %parallel_loop3A_335 = %unpack3A_276, %parallel_loop3A_336 = %unpack3A_279, %parallel_loop3A_337 = %unpack3A_280) -> (vector<16xi32>, vector<16xf32>, vector<16xf32>, vector<16xf32>, vector<16xf32>, vector<16xf32>, vector<16xf32>, vector<16xf32>, vector<16xf32>)  : i32 {
        %parallel_loop3A_338 = arith.constant 16 : i32
        %parallel_loop3A_339 = arith.muli %parallel_loop3A_328, %parallel_loop3A_338 : i32
        %parallel_loop3A_340 = arith.index_cast %parallel_loop3A_339 : i32 to index
        %parallel_loop3A_341 = tpu.vector_load %arg17[%parallel_loop3A_340] {strides = array<i32>} : memref<3200xi32, #tpu.memory_space<vmem>>, vector<16xi32>,
        %parallel_loop3A_342 = vector.bitcast %parallel_loop3A_341 : vector<16xi32> to vector<32xi16>
        %parallel_loop3A_343 = tpu.unpack_subelements %parallel_loop3A_342, 0 {pack_format = #tpu.pack_format<interleaved>} : vector<32xi16> -> vector<16xi32>
        %parallel_loop3A_344 = tpu.unpack_subelements %parallel_loop3A_342, 1 {pack_format = #tpu.pack_format<interleaved>} : vector<32xi16> -> vector<16xi32>
        tpu.vector_store_idx %arg9[%parallel_loop3A_329], %parallel_loop3A_330 {add = true} : memref<10000xf32, #tpu.memory_space<vmem>>[vector<16xi32>], vector<16xf32>,
        tpu.vector_store_idx %arg10[%parallel_loop3A_329], %parallel_loop3A_331 {add = true} : memref<10000xf32, #tpu.memory_space<vmem>>[vector<16xi32>], vector<16xf32>,
        tpu.vector_store_idx %arg11[%parallel_loop3A_329], %parallel_loop3A_332 {add = true} : memref<10000xf32, #tpu.memory_space<vmem>>[vector<16xi32>], vector<16xf32>,
        tpu.vector_store_idx %arg12[%parallel_loop3A_329], %parallel_loop3A_333 {add = true} : memref<10000xf32, #tpu.memory_space<vmem>>[vector<16xi32>], vector<16xf32>,
        tpu.vector_store_idx %arg13[%parallel_loop3A_329], %parallel_loop3A_334 {add = true} : memref<10000xf32, #tpu.memory_space<vmem>>[vector<16xi32>], vector<16xf32>,
        tpu.vector_store_idx %arg14[%parallel_loop3A_329], %parallel_loop3A_335 {add = true} : memref<10000xf32, #tpu.memory_space<vmem>>[vector<16xi32>], vector<16xf32>,
        tpu.vector_store_idx %arg15[%parallel_loop3A_329], %parallel_loop3A_336 {add = true} : memref<10000xf32, #tpu.memory_space<vmem>>[vector<16xi32>], vector<16xf32>,
        tpu.vector_store_idx %arg16[%parallel_loop3A_329], %parallel_loop3A_337 {add = true} : memref<10000xf32, #tpu.memory_space<vmem>>[vector<16xi32>], vector<16xf32>,
        %parallel_loop3A_345 = tpu.vector_load_idx %arg5[%parallel_loop3A_343] : memref<10000xi32, #tpu.memory_space<vmem>>[vector<16xi32>], vector<16xi32>,
        %parallel_loop3A_346 = vector.bitcast %parallel_loop3A_345 : vector<16xi32> to vector<32xbf16>
        %parallel_loop3A_347 = tpu.unpack_subelements %parallel_loop3A_346, 0 {pack_format = #tpu.pack_format<interleaved>} : vector<32xbf16> -> vector<16xf32>
        %parallel_loop3A_348 = tpu.unpack_subelements %parallel_loop3A_346, 1 {pack_format = #tpu.pack_format<interleaved>} : vector<32xbf16> -> vector<16xf32>
        %parallel_loop3A_349 = tpu.vector_load_idx %arg6[%parallel_loop3A_343] : memref<10000xi32, #tpu.memory_space<vmem>>[vector<16xi32>], vector<16xi32>,
        %parallel_loop3A_350 = vector.bitcast %parallel_loop3A_349 : vector<16xi32> to vector<32xbf16>
        %parallel_loop3A_351 = tpu.unpack_subelements %parallel_loop3A_350, 0 {pack_format = #tpu.pack_format<interleaved>} : vector<32xbf16> -> vector<16xf32>
        %parallel_loop3A_352 = tpu.unpack_subelements %parallel_loop3A_350, 1 {pack_format = #tpu.pack_format<interleaved>} : vector<32xbf16> -> vector<16xf32>
        %parallel_loop3A_353 = tpu.vector_load_idx %arg7[%parallel_loop3A_343] : memref<10000xi32, #tpu.memory_space<vmem>>[vector<16xi32>], vector<16xi32>,
        %parallel_loop3A_354 = vector.bitcast %parallel_loop3A_353 : vector<16xi32> to vector<32xbf16>
        %parallel_loop3A_355 = tpu.unpack_subelements %parallel_loop3A_354, 0 {pack_format = #tpu.pack_format<interleaved>} : vector<32xbf16> -> vector<16xf32>
        %parallel_loop3A_356 = tpu.unpack_subelements %parallel_loop3A_354, 1 {pack_format = #tpu.pack_format<interleaved>} : vector<32xbf16> -> vector<16xf32>
        %parallel_loop3A_357 = tpu.vector_load_idx %arg8[%parallel_loop3A_343] : memref<10000xi32, #tpu.memory_space<vmem>>[vector<16xi32>], vector<16xi32>,
        %parallel_loop3A_358 = vector.bitcast %parallel_loop3A_357 : vector<16xi32> to vector<32xbf16>
        %parallel_loop3A_359 = tpu.unpack_subelements %parallel_loop3A_358, 0 {pack_format = #tpu.pack_format<interleaved>} : vector<32xbf16> -> vector<16xf32>
        %parallel_loop3A_360 = tpu.unpack_subelements %parallel_loop3A_358, 1 {pack_format = #tpu.pack_format<interleaved>} : vector<32xbf16> -> vector<16xf32>
        scf.yield %parallel_loop3A_344, %parallel_loop3A_347, %parallel_loop3A_348, %parallel_loop3A_351, %parallel_loop3A_352, %parallel_loop3A_355, %parallel_loop3A_356, %parallel_loop3A_359, %parallel_loop3A_360 : vector<16xi32>, vector<16xf32>, vector<16xf32>, vector<16xf32>, vector<16xf32>, vector<16xf32>, vector<16xf32>, vector<16xf32>, vector<16xf32>
      } {sc.loop_unroll_factor = 8 : i64, sc.parallel_access}
      tpu.vector_store_idx %arg9[%parallel_loop3A_283#0], %parallel_loop3A_283#1 {add = true} : memref<10000xf32, #tpu.memory_space<vmem>>[vector<16xi32>], vector<16xf32>,
      tpu.vector_store_idx %arg10[%parallel_loop3A_283#0], %parallel_loop3A_283#2 {add = true} : memref<10000xf32, #tpu.memory_space<vmem>>[vector<16xi32>], vector<16xf32>,
      tpu.vector_store_idx %arg11[%parallel_loop3A_283#0], %parallel_loop3A_283#3 {add = true} : memref<10000xf32, #tpu.memory_space<vmem>>[vector<16xi32>], vector<16xf32>,
      tpu.vector_store_idx %arg12[%parallel_loop3A_283#0], %parallel_loop3A_283#4 {add = true} : memref<10000xf32, #tpu.memory_space<vmem>>[vector<16xi32>], vector<16xf32>,
      tpu.vector_store_idx %arg13[%parallel_loop3A_283#0], %parallel_loop3A_283#5 {add = true} : memref<10000xf32, #tpu.memory_space<vmem>>[vector<16xi32>], vector<16xf32>,
      tpu.vector_store_idx %arg14[%parallel_loop3A_283#0], %parallel_loop3A_283#6 {add = true} : memref<10000xf32, #tpu.memory_space<vmem>>[vector<16xi32>], vector<16xf32>,
      tpu.vector_store_idx %arg15[%parallel_loop3A_283#0], %parallel_loop3A_283#7 {add = true} : memref<10000xf32, #tpu.memory_space<vmem>>[vector<16xi32>], vector<16xf32>,
      tpu.vector_store_idx %arg16[%parallel_loop3A_283#0], %parallel_loop3A_283#8 {add = true} : memref<10000xf32, #tpu.memory_space<vmem>>[vector<16xi32>], vector<16xf32>,
      %add3A_284 = arith.constant 2 : i32
      %add3A_285 = arith.addi %add3A_259, %add3A_284 : i32
      %add3A_286 = arith.constant 0 : i32
      %add3A_287 = arith.addi %add3A_285, %add3A_286 : i32
      %lt3A = arith.constant 50 : i32
      %lt3A_288 = arith.cmpi slt, %add3A_287, %lt3A : i32
      %convert_element_type3A = arith.extui %lt3A_288 : i1 to i32
      %cond3A = arith.constant 0 : i32
      %cond3A_289 = arith.cmpi ne, %convert_element_type3A, %cond3A : i32
      scf.if %cond3A_289 {
        %mul3A_328 = arith.constant 3200 : i32
        %mul3A_329 = arith.muli %add3A_287, %mul3A_328 : i32
        %add3A_330 = arith.addi %mul3A_36, %mul3A_329 : i32
        %dma_start3A_331 = tpu.memref_slice %arg3[%add3A_330] : memref<320000xi32, #tpu.memory_space<hbm>> -> memref<3200xi32, #tpu.memory_space<hbm>>
        %dma_start3A_332 = tpu.memref_slice %arg3[%add3A_330] : memref<320000xi32, #tpu.memory_space<hbm>> -> memref<3200xi32, #tpu.memory_space<hbm>>
        tpu.enqueue_dma source(%dma_start3A_332 : memref<3200xi32, #tpu.memory_space<hbm>>) target(%arg17 : memref<3200xi32, #tpu.memory_space<vmem>>) target_semaphore(%arg20 : memref<!tpu.dma_semaphore, #tpu.memory_space<semaphore_mem>>)
      } else {
      }
      %dma_wait3A_290 = arith.constant 0 : i32
      %dma_wait3A_291 = tpu.memref_slice %arg3[%dma_wait3A_290] : memref<320000xi32, #tpu.memory_space<hbm>> -> memref<3200xi32, #tpu.memory_space<hbm>>
      %dma_wait3A_292 = arith.constant 0 : i32
      %dma_wait3A_293 = tpu.memref_slice %arg3[%dma_wait3A_292] : memref<320000xi32, #tpu.memory_space<hbm>> -> memref<3200xi32, #tpu.memory_space<hbm>>
      tpu.wait_dma2 semaphore(%arg20 : memref<!tpu.dma_semaphore, #tpu.memory_space<semaphore_mem>>) src(%dma_wait3A_293 : memref<3200xi32, #tpu.memory_space<hbm>>) dst(%arg18 : memref<3200xi32, #tpu.memory_space<vmem>>)
      %get3A_294 = arith.constant 0 : index
      %get3A_295 = tpu.vector_load %arg18[%get3A_294] {strides = array<i32>} : memref<3200xi32, #tpu.memory_space<vmem>>, vector<16xi32>,
      %bitcast3A_296 = vector.bitcast %get3A_295 : vector<16xi32> to vector<32xi16>
      %unpack3A_297 = tpu.unpack_subelements %bitcast3A_296, 0 {pack_format = #tpu.pack_format<interleaved>} : vector<32xi16> -> vector<16xi32>
      %unpack3A_298 = tpu.unpack_subelements %bitcast3A_296, 1 {pack_format = #tpu.pack_format<interleaved>} : vector<32xi16> -> vector<16xi32>
      %gather3A_299 = tpu.vector_load_idx %arg5[%unpack3A_297] : memref<10000xi32, #tpu.memory_space<vmem>>[vector<16xi32>], vector<16xi32>,
      %bitcast3A_300 = vector.bitcast %gather3A_299 : vector<16xi32> to vector<32xbf16>
      %unpack3A_301 = tpu.unpack_subelements %bitcast3A_300, 0 {pack_format = #tpu.pack_format<interleaved>} : vector<32xbf16> -> vector<16xf32>
      %unpack3A_302 = tpu.unpack_subelements %bitcast3A_300, 1 {pack_format = #tpu.pack_format<interleaved>} : vector<32xbf16> -> vector<16xf32>
      %gather3A_303 = tpu.vector_load_idx %arg6[%unpack3A_297] : memref<10000xi32, #tpu.memory_space<vmem>>[vector<16xi32>], vector<16xi32>,
      %bitcast3A_304 = vector.bitcast %gather3A_303 : vector<16xi32> to vector<32xbf16>
      %unpack3A_305 = tpu.unpack_subelements %bitcast3A_304, 0 {pack_format = #tpu.pack_format<interleaved>} : vector<32xbf16> -> vector<16xf32>
      %unpack3A_306 = tpu.unpack_subelements %bitcast3A_304, 1 {pack_format = #tpu.pack_format<interleaved>} : vector<32xbf16> -> vector<16xf32>
      %gather3A_307 = tpu.vector_load_idx %arg7[%unpack3A_297] : memref<10000xi32, #tpu.memory_space<vmem>>[vector<16xi32>], vector<16xi32>,
      %bitcast3A_308 = vector.bitcast %gather3A_307 : vector<16xi32> to vector<32xbf16>
      %unpack3A_309 = tpu.unpack_subelements %bitcast3A_308, 0 {pack_format = #tpu.pack_format<interleaved>} : vector<32xbf16> -> vector<16xf32>
      %unpack3A_310 = tpu.unpack_subelements %bitcast3A_308, 1 {pack_format = #tpu.pack_format<interleaved>} : vector<32xbf16> -> vector<16xf32>
      %gather3A_311 = tpu.vector_load_idx %arg8[%unpack3A_297] : memref<10000xi32, #tpu.memory_space<vmem>>[vector<16xi32>], vector<16xi32>,
      %bitcast3A_312 = vector.bitcast %gather3A_311 : vector<16xi32> to vector<32xbf16>
      %unpack3A_313 = tpu.unpack_subelements %bitcast3A_312, 0 {pack_format = #tpu.pack_format<interleaved>} : vector<32xbf16> -> vector<16xf32>
      %unpack3A_314 = tpu.unpack_subelements %bitcast3A_312, 1 {pack_format = #tpu.pack_format<interleaved>} : vector<32xbf16> -> vector<16xf32>
      %parallel_loop3A_315 = arith.constant 1 : i32
      %parallel_loop3A_316 = arith.constant 200 : i32
      %parallel_loop3A_317 = arith.constant 1 : i32
      %parallel_loop3A_318:9 = scf.for %parallel_loop3A_328 = %parallel_loop3A_315 to %parallel_loop3A_316 step %parallel_loop3A_317 iter_args(%parallel_loop3A_329 = %unpack3A_298, %parallel_loop3A_330 = %unpack3A_301, %parallel_loop3A_331 = %unpack3A_302, %parallel_loop3A_332 = %unpack3A_305, %parallel_loop3A_333 = %unpack3A_306, %parallel_loop3A_334 = %unpack3A_309, %parallel_loop3A_335 = %unpack3A_310, %parallel_loop3A_336 = %unpack3A_313, %parallel_loop3A_337 = %unpack3A_314) -> (vector<16xi32>, vector<16xf32>, vector<16xf32>, vector<16xf32>, vector<16xf32>, vector<16xf32>, vector<16xf32>, vector<16xf32>, vector<16xf32>)  : i32 {
        %parallel_loop3A_338 = arith.constant 16 : i32
        %parallel_loop3A_339 = arith.muli %parallel_loop3A_328, %parallel_loop3A_338 : i32
        %parallel_loop3A_340 = arith.index_cast %parallel_loop3A_339 : i32 to index
        %parallel_loop3A_341 = tpu.vector_load %arg18[%parallel_loop3A_340] {strides = array<i32>} : memref<3200xi32, #tpu.memory_space<vmem>>, vector<16xi32>,
        %parallel_loop3A_342 = vector.bitcast %parallel_loop3A_341 : vector<16xi32> to vector<32xi16>
        %parallel_loop3A_343 = tpu.unpack_subelements %parallel_loop3A_342, 0 {pack_format = #tpu.pack_format<interleaved>} : vector<32xi16> -> vector<16xi32>
        %parallel_loop3A_344 = tpu.unpack_subelements %parallel_loop3A_342, 1 {pack_format = #tpu.pack_format<interleaved>} : vector<32xi16> -> vector<16xi32>
        tpu.vector_store_idx %arg9[%parallel_loop3A_329], %parallel_loop3A_330 {add = true} : memref<10000xf32, #tpu.memory_space<vmem>>[vector<16xi32>], vector<16xf32>,
        tpu.vector_store_idx %arg10[%parallel_loop3A_329], %parallel_loop3A_331 {add = true} : memref<10000xf32, #tpu.memory_space<vmem>>[vector<16xi32>], vector<16xf32>,
        tpu.vector_store_idx %arg11[%parallel_loop3A_329], %parallel_loop3A_332 {add = true} : memref<10000xf32, #tpu.memory_space<vmem>>[vector<16xi32>], vector<16xf32>,
        tpu.vector_store_idx %arg12[%parallel_loop3A_329], %parallel_loop3A_333 {add = true} : memref<10000xf32, #tpu.memory_space<vmem>>[vector<16xi32>], vector<16xf32>,
        tpu.vector_store_idx %arg13[%parallel_loop3A_329], %parallel_loop3A_334 {add = true} : memref<10000xf32, #tpu.memory_space<vmem>>[vector<16xi32>], vector<16xf32>,
        tpu.vector_store_idx %arg14[%parallel_loop3A_329], %parallel_loop3A_335 {add = true} : memref<10000xf32, #tpu.memory_space<vmem>>[vector<16xi32>], vector<16xf32>,
        tpu.vector_store_idx %arg15[%parallel_loop3A_329], %parallel_loop3A_336 {add = true} : memref<10000xf32, #tpu.memory_space<vmem>>[vector<16xi32>], vector<16xf32>,
        tpu.vector_store_idx %arg16[%parallel_loop3A_329], %parallel_loop3A_337 {add = true} : memref<10000xf32, #tpu.memory_space<vmem>>[vector<16xi32>], vector<16xf32>,
        %parallel_loop3A_345 = tpu.vector_load_idx %arg5[%parallel_loop3A_343] : memref<10000xi32, #tpu.memory_space<vmem>>[vector<16xi32>], vector<16xi32>,
        %parallel_loop3A_346 = vector.bitcast %parallel_loop3A_345 : vector<16xi32> to vector<32xbf16>
        %parallel_loop3A_347 = tpu.unpack_subelements %parallel_loop3A_346, 0 {pack_format = #tpu.pack_format<interleaved>} : vector<32xbf16> -> vector<16xf32>
        %parallel_loop3A_348 = tpu.unpack_subelements %parallel_loop3A_346, 1 {pack_format = #tpu.pack_format<interleaved>} : vector<32xbf16> -> vector<16xf32>
        %parallel_loop3A_349 = tpu.vector_load_idx %arg6[%parallel_loop3A_343] : memref<10000xi32, #tpu.memory_space<vmem>>[vector<16xi32>], vector<16xi32>,
        %parallel_loop3A_350 = vector.bitcast %parallel_loop3A_349 : vector<16xi32> to vector<32xbf16>
        %parallel_loop3A_351 = tpu.unpack_subelements %parallel_loop3A_350, 0 {pack_format = #tpu.pack_format<interleaved>} : vector<32xbf16> -> vector<16xf32>
        %parallel_loop3A_352 = tpu.unpack_subelements %parallel_loop3A_350, 1 {pack_format = #tpu.pack_format<interleaved>} : vector<32xbf16> -> vector<16xf32>
        %parallel_loop3A_353 = tpu.vector_load_idx %arg7[%parallel_loop3A_343] : memref<10000xi32, #tpu.memory_space<vmem>>[vector<16xi32>], vector<16xi32>,
        %parallel_loop3A_354 = vector.bitcast %parallel_loop3A_353 : vector<16xi32> to vector<32xbf16>
        %parallel_loop3A_355 = tpu.unpack_subelements %parallel_loop3A_354, 0 {pack_format = #tpu.pack_format<interleaved>} : vector<32xbf16> -> vector<16xf32>
        %parallel_loop3A_356 = tpu.unpack_subelements %parallel_loop3A_354, 1 {pack_format = #tpu.pack_format<interleaved>} : vector<32xbf16> -> vector<16xf32>
        %parallel_loop3A_357 = tpu.vector_load_idx %arg8[%parallel_loop3A_343] : memref<10000xi32, #tpu.memory_space<vmem>>[vector<16xi32>], vector<16xi32>,
        %parallel_loop3A_358 = vector.bitcast %parallel_loop3A_357 : vector<16xi32> to vector<32xbf16>
        %parallel_loop3A_359 = tpu.unpack_subelements %parallel_loop3A_358, 0 {pack_format = #tpu.pack_format<interleaved>} : vector<32xbf16> -> vector<16xf32>
        %parallel_loop3A_360 = tpu.unpack_subelements %parallel_loop3A_358, 1 {pack_format = #tpu.pack_format<interleaved>} : vector<32xbf16> -> vector<16xf32>
        scf.yield %parallel_loop3A_344, %parallel_loop3A_347, %parallel_loop3A_348, %parallel_loop3A_351, %parallel_loop3A_352, %parallel_loop3A_355, %parallel_loop3A_356, %parallel_loop3A_359, %parallel_loop3A_360 : vector<16xi32>, vector<16xf32>, vector<16xf32>, vector<16xf32>, vector<16xf32>, vector<16xf32>, vector<16xf32>, vector<16xf32>, vector<16xf32>
      } {sc.loop_unroll_factor = 8 : i64, sc.parallel_access}
      tpu.vector_store_idx %arg9[%parallel_loop3A_318#0], %parallel_loop3A_318#1 {add = true} : memref<10000xf32, #tpu.memory_space<vmem>>[vector<16xi32>], vector<16xf32>,
      tpu.vector_store_idx %arg10[%parallel_loop3A_318#0], %parallel_loop3A_318#2 {add = true} : memref<10000xf32, #tpu.memory_space<vmem>>[vector<16xi32>], vector<16xf32>,
      tpu.vector_store_idx %arg11[%parallel_loop3A_318#0], %parallel_loop3A_318#3 {add = true} : memref<10000xf32, #tpu.memory_space<vmem>>[vector<16xi32>], vector<16xf32>,
      tpu.vector_store_idx %arg12[%parallel_loop3A_318#0], %parallel_loop3A_318#4 {add = true} : memref<10000xf32, #tpu.memory_space<vmem>>[vector<16xi32>], vector<16xf32>,
      tpu.vector_store_idx %arg13[%parallel_loop3A_318#0], %parallel_loop3A_318#5 {add = true} : memref<10000xf32, #tpu.memory_space<vmem>>[vector<16xi32>], vector<16xf32>,
      tpu.vector_store_idx %arg14[%parallel_loop3A_318#0], %parallel_loop3A_318#6 {add = true} : memref<10000xf32, #tpu.memory_space<vmem>>[vector<16xi32>], vector<16xf32>,
      tpu.vector_store_idx %arg15[%parallel_loop3A_318#0], %parallel_loop3A_318#7 {add = true} : memref<10000xf32, #tpu.memory_space<vmem>>[vector<16xi32>], vector<16xf32>,
      tpu.vector_store_idx %arg16[%parallel_loop3A_318#0], %parallel_loop3A_318#8 {add = true} : memref<10000xf32, #tpu.memory_space<vmem>>[vector<16xi32>], vector<16xf32>,
      %add3A_319 = arith.constant 2 : i32
      %add3A_320 = arith.addi %add3A_259, %add3A_319 : i32
      %add3A_321 = arith.constant 1 : i32
      %add3A_322 = arith.addi %add3A_320, %add3A_321 : i32
      %lt3A_323 = arith.constant 50 : i32
      %lt3A_324 = arith.cmpi slt, %add3A_322, %lt3A_323 : i32
      %convert_element_type3A_325 = arith.extui %lt3A_324 : i1 to i32
      %cond3A_326 = arith.constant 0 : i32
      %cond3A_327 = arith.cmpi ne, %convert_element_type3A_325, %cond3A_326 : i32
      scf.if %cond3A_327 {
        %mul3A_328 = arith.constant 3200 : i32
        %mul3A_329 = arith.muli %add3A_322, %mul3A_328 : i32
        %add3A_330 = arith.addi %mul3A_36, %mul3A_329 : i32
        %dma_start3A_331 = tpu.memref_slice %arg3[%add3A_330] : memref<320000xi32, #tpu.memory_space<hbm>> -> memref<3200xi32, #tpu.memory_space<hbm>>
        %dma_start3A_332 = tpu.memref_slice %arg3[%add3A_330] : memref<320000xi32, #tpu.memory_space<hbm>> -> memref<3200xi32, #tpu.memory_space<hbm>>
        tpu.enqueue_dma source(%dma_start3A_332 : memref<3200xi32, #tpu.memory_space<hbm>>) target(%arg18 : memref<3200xi32, #tpu.memory_space<vmem>>) target_semaphore(%arg20 : memref<!tpu.dma_semaphore, #tpu.memory_space<semaphore_mem>>)
      } else {
      }
    }
    %scan3A_182 = arith.constant 25 : i32
    %mul3A_183 = arith.constant 128 : i32
    %mul3A_184 = arith.muli %arg0, %mul3A_183 : i32
    %mul3A_185 = arith.constant 8 : i32
    %mul3A_186 = arith.muli %mul3A_185, %arg1 : i32
    %add3A_187 = arith.addi %mul3A_184, %mul3A_186 : i32
    %add3A_188 = arith.constant 0 : i32
    %add3A_189 = arith.addi %add3A_187, %add3A_188 : i32
    %mul3A_190 = arith.constant 10000 : i32
    %mul3A_191 = arith.muli %add3A_189, %mul3A_190 : i32
    "tpu.region"() ({
      %run_scoped3A = tpu.sem_alloc : memref<!tpu.dma_semaphore, #tpu.memory_space<semaphore_mem>>
      %dma_start3A_255 = tpu.memref_slice %arg4[%mul3A_191] : memref<2560000xf32, #tpu.memory_space<hbm>> -> memref<10000xf32, #tpu.memory_space<hbm>>
      %dma_start3A_256 = tpu.memref_slice %arg4[%mul3A_191] : memref<2560000xf32, #tpu.memory_space<hbm>> -> memref<10000xf32, #tpu.memory_space<hbm>>
      tpu.enqueue_dma source(%arg9 : memref<10000xf32, #tpu.memory_space<vmem>>) target(%dma_start3A_256 : memref<10000xf32, #tpu.memory_space<hbm>>) target_semaphore(%run_scoped3A : memref<!tpu.dma_semaphore, #tpu.memory_space<semaphore_mem>>)
      %dma_wait3A_257 = tpu.memref_slice %arg4[%mul3A_191] : memref<2560000xf32, #tpu.memory_space<hbm>> -> memref<10000xf32, #tpu.memory_space<hbm>>
      %dma_wait3A_258 = tpu.memref_slice %arg4[%mul3A_191] : memref<2560000xf32, #tpu.memory_space<hbm>> -> memref<10000xf32, #tpu.memory_space<hbm>>
      tpu.wait_dma2 semaphore(%run_scoped3A : memref<!tpu.dma_semaphore, #tpu.memory_space<semaphore_mem>>) src(%arg9 : memref<10000xf32, #tpu.memory_space<vmem>>) dst(%dma_wait3A_258 : memref<10000xf32, #tpu.memory_space<hbm>>)
      tpu.yield
    }) : () -> ()
    %mul3A_192 = arith.constant 128 : i32
    %mul3A_193 = arith.muli %arg0, %mul3A_192 : i32
    %mul3A_194 = arith.constant 8 : i32
    %mul3A_195 = arith.muli %mul3A_194, %arg1 : i32
    %add3A_196 = arith.addi %mul3A_193, %mul3A_195 : i32
    %add3A_197 = arith.constant 1 : i32
    %add3A_198 = arith.addi %add3A_196, %add3A_197 : i32
    %mul3A_199 = arith.constant 10000 : i32
    %mul3A_200 = arith.muli %add3A_198, %mul3A_199 : i32
    "tpu.region"() ({
      %run_scoped3A = tpu.sem_alloc : memref<!tpu.dma_semaphore, #tpu.memory_space<semaphore_mem>>
      %dma_start3A_255 = tpu.memref_slice %arg4[%mul3A_200] : memref<2560000xf32, #tpu.memory_space<hbm>> -> memref<10000xf32, #tpu.memory_space<hbm>>
      %dma_start3A_256 = tpu.memref_slice %arg4[%mul3A_200] : memref<2560000xf32, #tpu.memory_space<hbm>> -> memref<10000xf32, #tpu.memory_space<hbm>>
      tpu.enqueue_dma source(%arg10 : memref<10000xf32, #tpu.memory_space<vmem>>) target(%dma_start3A_256 : memref<10000xf32, #tpu.memory_space<hbm>>) target_semaphore(%run_scoped3A : memref<!tpu.dma_semaphore, #tpu.memory_space<semaphore_mem>>)
      %dma_wait3A_257 = tpu.memref_slice %arg4[%mul3A_200] : memref<2560000xf32, #tpu.memory_space<hbm>> -> memref<10000xf32, #tpu.memory_space<hbm>>
      %dma_wait3A_258 = tpu.memref_slice %arg4[%mul3A_200] : memref<2560000xf32, #tpu.memory_space<hbm>> -> memref<10000xf32, #tpu.memory_space<hbm>>
      tpu.wait_dma2 semaphore(%run_scoped3A : memref<!tpu.dma_semaphore, #tpu.memory_space<semaphore_mem>>) src(%arg10 : memref<10000xf32, #tpu.memory_space<vmem>>) dst(%dma_wait3A_258 : memref<10000xf32, #tpu.memory_space<hbm>>)
      tpu.yield
    }) : () -> ()
    %mul3A_201 = arith.constant 128 : i32
    %mul3A_202 = arith.muli %arg0, %mul3A_201 : i32
    %mul3A_203 = arith.constant 8 : i32
    %mul3A_204 = arith.muli %mul3A_203, %arg1 : i32
    %add3A_205 = arith.addi %mul3A_202, %mul3A_204 : i32
    %add3A_206 = arith.constant 2 : i32
    %add3A_207 = arith.addi %add3A_205, %add3A_206 : i32
    %mul3A_208 = arith.constant 10000 : i32
    %mul3A_209 = arith.muli %add3A_207, %mul3A_208 : i32
    "tpu.region"() ({
      %run_scoped3A = tpu.sem_alloc : memref<!tpu.dma_semaphore, #tpu.memory_space<semaphore_mem>>
      %dma_start3A_255 = tpu.memref_slice %arg4[%mul3A_209] : memref<2560000xf32, #tpu.memory_space<hbm>> -> memref<10000xf32, #tpu.memory_space<hbm>>
      %dma_start3A_256 = tpu.memref_slice %arg4[%mul3A_209] : memref<2560000xf32, #tpu.memory_space<hbm>> -> memref<10000xf32, #tpu.memory_space<hbm>>
      tpu.enqueue_dma source(%arg11 : memref<10000xf32, #tpu.memory_space<vmem>>) target(%dma_start3A_256 : memref<10000xf32, #tpu.memory_space<hbm>>) target_semaphore(%run_scoped3A : memref<!tpu.dma_semaphore, #tpu.memory_space<semaphore_mem>>)
      %dma_wait3A_257 = tpu.memref_slice %arg4[%mul3A_209] : memref<2560000xf32, #tpu.memory_space<hbm>> -> memref<10000xf32, #tpu.memory_space<hbm>>
      %dma_wait3A_258 = tpu.memref_slice %arg4[%mul3A_209] : memref<2560000xf32, #tpu.memory_space<hbm>> -> memref<10000xf32, #tpu.memory_space<hbm>>
      tpu.wait_dma2 semaphore(%run_scoped3A : memref<!tpu.dma_semaphore, #tpu.memory_space<semaphore_mem>>) src(%arg11 : memref<10000xf32, #tpu.memory_space<vmem>>) dst(%dma_wait3A_258 : memref<10000xf32, #tpu.memory_space<hbm>>)
      tpu.yield
    }) : () -> ()
    %mul3A_210 = arith.constant 128 : i32
    %mul3A_211 = arith.muli %arg0, %mul3A_210 : i32
    %mul3A_212 = arith.constant 8 : i32
    %mul3A_213 = arith.muli %mul3A_212, %arg1 : i32
    %add3A_214 = arith.addi %mul3A_211, %mul3A_213 : i32
    %add3A_215 = arith.constant 3 : i32
    %add3A_216 = arith.addi %add3A_214, %add3A_215 : i32
    %mul3A_217 = arith.constant 10000 : i32
    %mul3A_218 = arith.muli %add3A_216, %mul3A_217 : i32
    "tpu.region"() ({
      %run_scoped3A = tpu.sem_alloc : memref<!tpu.dma_semaphore, #tpu.memory_space<semaphore_mem>>
      %dma_start3A_255 = tpu.memref_slice %arg4[%mul3A_218] : memref<2560000xf32, #tpu.memory_space<hbm>> -> memref<10000xf32, #tpu.memory_space<hbm>>
      %dma_start3A_256 = tpu.memref_slice %arg4[%mul3A_218] : memref<2560000xf32, #tpu.memory_space<hbm>> -> memref<10000xf32, #tpu.memory_space<hbm>>
      tpu.enqueue_dma source(%arg12 : memref<10000xf32, #tpu.memory_space<vmem>>) target(%dma_start3A_256 : memref<10000xf32, #tpu.memory_space<hbm>>) target_semaphore(%run_scoped3A : memref<!tpu.dma_semaphore, #tpu.memory_space<semaphore_mem>>)
      %dma_wait3A_257 = tpu.memref_slice %arg4[%mul3A_218] : memref<2560000xf32, #tpu.memory_space<hbm>> -> memref<10000xf32, #tpu.memory_space<hbm>>
      %dma_wait3A_258 = tpu.memref_slice %arg4[%mul3A_218] : memref<2560000xf32, #tpu.memory_space<hbm>> -> memref<10000xf32, #tpu.memory_space<hbm>>
      tpu.wait_dma2 semaphore(%run_scoped3A : memref<!tpu.dma_semaphore, #tpu.memory_space<semaphore_mem>>) src(%arg12 : memref<10000xf32, #tpu.memory_space<vmem>>) dst(%dma_wait3A_258 : memref<10000xf32, #tpu.memory_space<hbm>>)
      tpu.yield
    }) : () -> ()
    %mul3A_219 = arith.constant 128 : i32
    %mul3A_220 = arith.muli %arg0, %mul3A_219 : i32
    %mul3A_221 = arith.constant 8 : i32
    %mul3A_222 = arith.muli %mul3A_221, %arg1 : i32
    %add3A_223 = arith.addi %mul3A_220, %mul3A_222 : i32
    %add3A_224 = arith.constant 4 : i32
    %add3A_225 = arith.addi %add3A_223, %add3A_224 : i32
    %mul3A_226 = arith.constant 10000 : i32
    %mul3A_227 = arith.muli %add3A_225, %mul3A_226 : i32
    "tpu.region"() ({
      %run_scoped3A = tpu.sem_alloc : memref<!tpu.dma_semaphore, #tpu.memory_space<semaphore_mem>>
      %dma_start3A_255 = tpu.memref_slice %arg4[%mul3A_227] : memref<2560000xf32, #tpu.memory_space<hbm>> -> memref<10000xf32, #tpu.memory_space<hbm>>
      %dma_start3A_256 = tpu.memref_slice %arg4[%mul3A_227] : memref<2560000xf32, #tpu.memory_space<hbm>> -> memref<10000xf32, #tpu.memory_space<hbm>>
      tpu.enqueue_dma source(%arg13 : memref<10000xf32, #tpu.memory_space<vmem>>) target(%dma_start3A_256 : memref<10000xf32, #tpu.memory_space<hbm>>) target_semaphore(%run_scoped3A : memref<!tpu.dma_semaphore, #tpu.memory_space<semaphore_mem>>)
      %dma_wait3A_257 = tpu.memref_slice %arg4[%mul3A_227] : memref<2560000xf32, #tpu.memory_space<hbm>> -> memref<10000xf32, #tpu.memory_space<hbm>>
      %dma_wait3A_258 = tpu.memref_slice %arg4[%mul3A_227] : memref<2560000xf32, #tpu.memory_space<hbm>> -> memref<10000xf32, #tpu.memory_space<hbm>>
      tpu.wait_dma2 semaphore(%run_scoped3A : memref<!tpu.dma_semaphore, #tpu.memory_space<semaphore_mem>>) src(%arg13 : memref<10000xf32, #tpu.memory_space<vmem>>) dst(%dma_wait3A_258 : memref<10000xf32, #tpu.memory_space<hbm>>)
      tpu.yield
    }) : () -> ()
    %mul3A_228 = arith.constant 128 : i32
    %mul3A_229 = arith.muli %arg0, %mul3A_228 : i32
    %mul3A_230 = arith.constant 8 : i32
    %mul3A_231 = arith.muli %mul3A_230, %arg1 : i32
    %add3A_232 = arith.addi %mul3A_229, %mul3A_231 : i32
    %add3A_233 = arith.constant 5 : i32
    %add3A_234 = arith.addi %add3A_232, %add3A_233 : i32
    %mul3A_235 = arith.constant 10000 : i32
    %mul3A_236 = arith.muli %add3A_234, %mul3A_235 : i32
    "tpu.region"() ({
      %run_scoped3A = tpu.sem_alloc : memref<!tpu.dma_semaphore, #tpu.memory_space<semaphore_mem>>
      %dma_start3A_255 = tpu.memref_slice %arg4[%mul3A_236] : memref<2560000xf32, #tpu.memory_space<hbm>> -> memref<10000xf32, #tpu.memory_space<hbm>>
      %dma_start3A_256 = tpu.memref_slice %arg4[%mul3A_236] : memref<2560000xf32, #tpu.memory_space<hbm>> -> memref<10000xf32, #tpu.memory_space<hbm>>
      tpu.enqueue_dma source(%arg14 : memref<10000xf32, #tpu.memory_space<vmem>>) target(%dma_start3A_256 : memref<10000xf32, #tpu.memory_space<hbm>>) target_semaphore(%run_scoped3A : memref<!tpu.dma_semaphore, #tpu.memory_space<semaphore_mem>>)
      %dma_wait3A_257 = tpu.memref_slice %arg4[%mul3A_236] : memref<2560000xf32, #tpu.memory_space<hbm>> -> memref<10000xf32, #tpu.memory_space<hbm>>
      %dma_wait3A_258 = tpu.memref_slice %arg4[%mul3A_236] : memref<2560000xf32, #tpu.memory_space<hbm>> -> memref<10000xf32, #tpu.memory_space<hbm>>
      tpu.wait_dma2 semaphore(%run_scoped3A : memref<!tpu.dma_semaphore, #tpu.memory_space<semaphore_mem>>) src(%arg14 : memref<10000xf32, #tpu.memory_space<vmem>>) dst(%dma_wait3A_258 : memref<10000xf32, #tpu.memory_space<hbm>>)
      tpu.yield
    }) : () -> ()
    %mul3A_237 = arith.constant 128 : i32
    %mul3A_238 = arith.muli %arg0, %mul3A_237 : i32
    %mul3A_239 = arith.constant 8 : i32
    %mul3A_240 = arith.muli %mul3A_239, %arg1 : i32
    %add3A_241 = arith.addi %mul3A_238, %mul3A_240 : i32
    %add3A_242 = arith.constant 6 : i32
    %add3A_243 = arith.addi %add3A_241, %add3A_242 : i32
    %mul3A_244 = arith.constant 10000 : i32
    %mul3A_245 = arith.muli %add3A_243, %mul3A_244 : i32
    "tpu.region"() ({
      %run_scoped3A = tpu.sem_alloc : memref<!tpu.dma_semaphore, #tpu.memory_space<semaphore_mem>>
      %dma_start3A_255 = tpu.memref_slice %arg4[%mul3A_245] : memref<2560000xf32, #tpu.memory_space<hbm>> -> memref<10000xf32, #tpu.memory_space<hbm>>
      %dma_start3A_256 = tpu.memref_slice %arg4[%mul3A_245] : memref<2560000xf32, #tpu.memory_space<hbm>> -> memref<10000xf32, #tpu.memory_space<hbm>>
      tpu.enqueue_dma source(%arg15 : memref<10000xf32, #tpu.memory_space<vmem>>) target(%dma_start3A_256 : memref<10000xf32, #tpu.memory_space<hbm>>) target_semaphore(%run_scoped3A : memref<!tpu.dma_semaphore, #tpu.memory_space<semaphore_mem>>)
      %dma_wait3A_257 = tpu.memref_slice %arg4[%mul3A_245] : memref<2560000xf32, #tpu.memory_space<hbm>> -> memref<10000xf32, #tpu.memory_space<hbm>>
      %dma_wait3A_258 = tpu.memref_slice %arg4[%mul3A_245] : memref<2560000xf32, #tpu.memory_space<hbm>> -> memref<10000xf32, #tpu.memory_space<hbm>>
      tpu.wait_dma2 semaphore(%run_scoped3A : memref<!tpu.dma_semaphore, #tpu.memory_space<semaphore_mem>>) src(%arg15 : memref<10000xf32, #tpu.memory_space<vmem>>) dst(%dma_wait3A_258 : memref<10000xf32, #tpu.memory_space<hbm>>)
      tpu.yield
    }) : () -> ()
    %mul3A_246 = arith.constant 128 : i32
    %mul3A_247 = arith.muli %arg0, %mul3A_246 : i32
    %mul3A_248 = arith.constant 8 : i32
    %mul3A_249 = arith.muli %mul3A_248, %arg1 : i32
    %add3A_250 = arith.addi %mul3A_247, %mul3A_249 : i32
    %add3A_251 = arith.constant 7 : i32
    %add3A_252 = arith.addi %add3A_250, %add3A_251 : i32
    %mul3A_253 = arith.constant 10000 : i32
    %mul3A_254 = arith.muli %add3A_252, %mul3A_253 : i32
    "tpu.region"() ({
      %run_scoped3A = tpu.sem_alloc : memref<!tpu.dma_semaphore, #tpu.memory_space<semaphore_mem>>
      %dma_start3A_255 = tpu.memref_slice %arg4[%mul3A_254] : memref<2560000xf32, #tpu.memory_space<hbm>> -> memref<10000xf32, #tpu.memory_space<hbm>>
      %dma_start3A_256 = tpu.memref_slice %arg4[%mul3A_254] : memref<2560000xf32, #tpu.memory_space<hbm>> -> memref<10000xf32, #tpu.memory_space<hbm>>
      tpu.enqueue_dma source(%arg16 : memref<10000xf32, #tpu.memory_space<vmem>>) target(%dma_start3A_256 : memref<10000xf32, #tpu.memory_space<hbm>>) target_semaphore(%run_scoped3A : memref<!tpu.dma_semaphore, #tpu.memory_space<semaphore_mem>>)
      %dma_wait3A_257 = tpu.memref_slice %arg4[%mul3A_254] : memref<2560000xf32, #tpu.memory_space<hbm>> -> memref<10000xf32, #tpu.memory_space<hbm>>
      %dma_wait3A_258 = tpu.memref_slice %arg4[%mul3A_254] : memref<2560000xf32, #tpu.memory_space<hbm>> -> memref<10000xf32, #tpu.memory_space<hbm>>
      tpu.wait_dma2 semaphore(%run_scoped3A : memref<!tpu.dma_semaphore, #tpu.memory_space<semaphore_mem>>) src(%arg16 : memref<10000xf32, #tpu.memory_space<vmem>>) dst(%dma_wait3A_258 : memref<10000xf32, #tpu.memory_space<hbm>>)
      tpu.yield
    }) : () -> ()
    return
  }
}

#map = affine_map<(d0, d1) -> (0)>
module attributes {stable_mosaic.version = 14 : i64} {
  func.func @sage_seg_sum_cnt(%arg0: i32, %arg1: i32, %arg2: memref<640000xi32, #tpu.memory_space<hbm>>, %arg3: memref<320000xi32, #tpu.memory_space<hbm>>, %arg4: memref<2560000xf32, #tpu.memory_space<hbm>>, %arg5: memref<320000xf32, #tpu.memory_space<hbm>>, %arg6: memref<10000xi32, #tpu.memory_space<vmem>>, %arg7: memref<10000xi32, #tpu.memory_space<vmem>>, %arg8: memref<10000xi32, #tpu.memory_space<vmem>>, %arg9: memref<10000xi32, #tpu.memory_space<vmem>>, %arg10: memref<10000xf32, #tpu.memory_space<vmem>>, %arg11: memref<10000xf32, #tpu.memory_space<vmem>>, %arg12: memref<10000xf32, #tpu.memory_space<vmem>>, %arg13: memref<10000xf32, #tpu.memory_space<vmem>>, %arg14: memref<10000xf32, #tpu.memory_space<vmem>>, %arg15: memref<10000xf32, #tpu.memory_space<vmem>>, %arg16: memref<10000xf32, #tpu.memory_space<vmem>>, %arg17: memref<10000xf32, #tpu.memory_space<vmem>>, %arg18: memref<3200xi32, #tpu.memory_space<vmem>>, %arg19: memref<3200xi32, #tpu.memory_space<vmem>>, %arg20: memref<!tpu.dma_semaphore, #tpu.memory_space<semaphore_mem>>, %arg21: memref<!tpu.dma_semaphore, #tpu.memory_space<semaphore_mem>>) attributes {dimension_semantics = [#tpu.dimension_semantics<core_parallel>, #tpu.dimension_semantics<subcore_parallel>], iteration_bounds = array<i64: 2, 16>, scalar_prefetch = 0 : i64, scratch_operands = 16 : i64, tpu.core_type = #tpu.core_type<sc_vector_subcore>, window_params = [{transform_indices = #map}, {transform_indices = #map}, {transform_indices = #map}, {transform_indices = #map}]} {
    %mul3A = arith.constant 2 : i32
    %mul3A_0 = arith.muli %arg1, %mul3A : i32
    %add3A = arith.addi %mul3A_0, %arg0 : i32
    %broadcast_in_dim3A = arith.constant 0.000000e+00 : f32
    %broadcast_in_dim3A_1 = vector.broadcast %broadcast_in_dim3A : f32 to vector<16xf32>
    %broadcast_in_dim3A_2 = arith.constant 1.000000e+00 : f32
    %broadcast_in_dim3A_3 = vector.broadcast %broadcast_in_dim3A_2 : f32 to vector<16xf32>
    %mul3A_4 = arith.constant 4 : i32
    %mul3A_5 = arith.muli %mul3A_4, %arg1 : i32
    %add3A_6 = arith.constant 0 : i32
    %add3A_7 = arith.addi %mul3A_5, %add3A_6 : i32
    %mul3A_8 = arith.constant 10000 : i32
    %mul3A_9 = arith.muli %add3A_7, %mul3A_8 : i32
    %dma_start3A = tpu.memref_slice %arg2[%mul3A_9] : memref<640000xi32, #tpu.memory_space<hbm>> -> memref<10000xi32, #tpu.memory_space<hbm>>
    %dma_start3A_10 = tpu.memref_slice %arg2[%mul3A_9] : memref<640000xi32, #tpu.memory_space<hbm>> -> memref<10000xi32, #tpu.memory_space<hbm>>
    tpu.enqueue_dma source(%dma_start3A_10 : memref<10000xi32, #tpu.memory_space<hbm>>) target(%arg6 : memref<10000xi32, #tpu.memory_space<vmem>>) target_semaphore(%arg20 : memref<!tpu.dma_semaphore, #tpu.memory_space<semaphore_mem>>)
    %mul3A_11 = arith.constant 4 : i32
    %mul3A_12 = arith.muli %mul3A_11, %arg1 : i32
    %add3A_13 = arith.constant 1 : i32
    %add3A_14 = arith.addi %mul3A_12, %add3A_13 : i32
    %mul3A_15 = arith.constant 10000 : i32
    %mul3A_16 = arith.muli %add3A_14, %mul3A_15 : i32
    %dma_start3A_17 = tpu.memref_slice %arg2[%mul3A_16] : memref<640000xi32, #tpu.memory_space<hbm>> -> memref<10000xi32, #tpu.memory_space<hbm>>
    %dma_start3A_18 = tpu.memref_slice %arg2[%mul3A_16] : memref<640000xi32, #tpu.memory_space<hbm>> -> memref<10000xi32, #tpu.memory_space<hbm>>
    tpu.enqueue_dma source(%dma_start3A_18 : memref<10000xi32, #tpu.memory_space<hbm>>) target(%arg7 : memref<10000xi32, #tpu.memory_space<vmem>>) target_semaphore(%arg20 : memref<!tpu.dma_semaphore, #tpu.memory_space<semaphore_mem>>)
    %mul3A_19 = arith.constant 4 : i32
    %mul3A_20 = arith.muli %mul3A_19, %arg1 : i32
    %add3A_21 = arith.constant 2 : i32
    %add3A_22 = arith.addi %mul3A_20, %add3A_21 : i32
    %mul3A_23 = arith.constant 10000 : i32
    %mul3A_24 = arith.muli %add3A_22, %mul3A_23 : i32
    %dma_start3A_25 = tpu.memref_slice %arg2[%mul3A_24] : memref<640000xi32, #tpu.memory_space<hbm>> -> memref<10000xi32, #tpu.memory_space<hbm>>
    %dma_start3A_26 = tpu.memref_slice %arg2[%mul3A_24] : memref<640000xi32, #tpu.memory_space<hbm>> -> memref<10000xi32, #tpu.memory_space<hbm>>
    tpu.enqueue_dma source(%dma_start3A_26 : memref<10000xi32, #tpu.memory_space<hbm>>) target(%arg8 : memref<10000xi32, #tpu.memory_space<vmem>>) target_semaphore(%arg20 : memref<!tpu.dma_semaphore, #tpu.memory_space<semaphore_mem>>)
    %mul3A_27 = arith.constant 4 : i32
    %mul3A_28 = arith.muli %mul3A_27, %arg1 : i32
    %add3A_29 = arith.constant 3 : i32
    %add3A_30 = arith.addi %mul3A_28, %add3A_29 : i32
    %mul3A_31 = arith.constant 10000 : i32
    %mul3A_32 = arith.muli %add3A_30, %mul3A_31 : i32
    %dma_start3A_33 = tpu.memref_slice %arg2[%mul3A_32] : memref<640000xi32, #tpu.memory_space<hbm>> -> memref<10000xi32, #tpu.memory_space<hbm>>
    %dma_start3A_34 = tpu.memref_slice %arg2[%mul3A_32] : memref<640000xi32, #tpu.memory_space<hbm>> -> memref<10000xi32, #tpu.memory_space<hbm>>
    tpu.enqueue_dma source(%dma_start3A_34 : memref<10000xi32, #tpu.memory_space<hbm>>) target(%arg9 : memref<10000xi32, #tpu.memory_space<vmem>>) target_semaphore(%arg20 : memref<!tpu.dma_semaphore, #tpu.memory_space<semaphore_mem>>)
    %scan3A = arith.constant 0 : i32
    %scan3A_35 = arith.constant 624 : i32
    %scan3A_36 = arith.addi %scan3A, %scan3A_35 : i32
    %scan3A_37 = arith.constant 8 : i32
    scf.for %scan3A_277 = %scan3A to %scan3A_36 step %scan3A_37  : i32 {
      %mul3A_278 = arith.constant 1 : i32
      %mul3A_279 = arith.muli %scan3A_277, %mul3A_278 : i32
      %add3A_280 = arith.constant 0 : i32
      %add3A_281 = arith.addi %add3A_280, %mul3A_279 : i32
      %mul3A_282 = arith.constant 16 : i32
      %mul3A_283 = arith.muli %add3A_281, %mul3A_282 : i32
      %swap3A_284 = arith.index_cast %mul3A_283 : i32 to index
      %swap3A_285 = tpu.vector_load %arg10[%swap3A_284] {strides = array<i32>} : memref<10000xf32, #tpu.memory_space<vmem>>, vector<16xf32>,
      tpu.vector_store %arg10[%swap3A_284], %broadcast_in_dim3A_1 {strides = array<i32>} : memref<10000xf32, #tpu.memory_space<vmem>>, vector<16xf32>,
      %scan3A_286 = arith.constant 1 : i32
      %scan3A_287 = arith.addi %scan3A_277, %scan3A_286 : i32
      %mul3A_288 = arith.constant 1 : i32
      %mul3A_289 = arith.muli %scan3A_287, %mul3A_288 : i32
      %add3A_290 = arith.constant 0 : i32
      %add3A_291 = arith.addi %add3A_290, %mul3A_289 : i32
      %mul3A_292 = arith.constant 16 : i32
      %mul3A_293 = arith.muli %add3A_291, %mul3A_292 : i32
      %swap3A_294 = arith.index_cast %mul3A_293 : i32 to index
      %swap3A_295 = tpu.vector_load %arg10[%swap3A_294] {strides = array<i32>} : memref<10000xf32, #tpu.memory_space<vmem>>, vector<16xf32>,
      tpu.vector_store %arg10[%swap3A_294], %broadcast_in_dim3A_1 {strides = array<i32>} : memref<10000xf32, #tpu.memory_space<vmem>>, vector<16xf32>,
      %scan3A_296 = arith.constant 2 : i32
      %scan3A_297 = arith.addi %scan3A_277, %scan3A_296 : i32
      %mul3A_298 = arith.constant 1 : i32
      %mul3A_299 = arith.muli %scan3A_297, %mul3A_298 : i32
      %add3A_300 = arith.constant 0 : i32
      %add3A_301 = arith.addi %add3A_300, %mul3A_299 : i32
      %mul3A_302 = arith.constant 16 : i32
      %mul3A_303 = arith.muli %add3A_301, %mul3A_302 : i32
      %swap3A_304 = arith.index_cast %mul3A_303 : i32 to index
      %swap3A_305 = tpu.vector_load %arg10[%swap3A_304] {strides = array<i32>} : memref<10000xf32, #tpu.memory_space<vmem>>, vector<16xf32>,
      tpu.vector_store %arg10[%swap3A_304], %broadcast_in_dim3A_1 {strides = array<i32>} : memref<10000xf32, #tpu.memory_space<vmem>>, vector<16xf32>,
      %scan3A_306 = arith.constant 3 : i32
      %scan3A_307 = arith.addi %scan3A_277, %scan3A_306 : i32
      %mul3A_308 = arith.constant 1 : i32
      %mul3A_309 = arith.muli %scan3A_307, %mul3A_308 : i32
      %add3A_310 = arith.constant 0 : i32
      %add3A_311 = arith.addi %add3A_310, %mul3A_309 : i32
      %mul3A_312 = arith.constant 16 : i32
      %mul3A_313 = arith.muli %add3A_311, %mul3A_312 : i32
      %swap3A_314 = arith.index_cast %mul3A_313 : i32 to index
      %swap3A_315 = tpu.vector_load %arg10[%swap3A_314] {strides = array<i32>} : memref<10000xf32, #tpu.memory_space<vmem>>, vector<16xf32>,
      tpu.vector_store %arg10[%swap3A_314], %broadcast_in_dim3A_1 {strides = array<i32>} : memref<10000xf32, #tpu.memory_space<vmem>>, vector<16xf32>,
      %scan3A_316 = arith.constant 4 : i32
      %scan3A_317 = arith.addi %scan3A_277, %scan3A_316 : i32
      %mul3A_318 = arith.constant 1 : i32
      %mul3A_319 = arith.muli %scan3A_317, %mul3A_318 : i32
      %add3A_320 = arith.constant 0 : i32
      %add3A_321 = arith.addi %add3A_320, %mul3A_319 : i32
      %mul3A_322 = arith.constant 16 : i32
      %mul3A_323 = arith.muli %add3A_321, %mul3A_322 : i32
      %swap3A_324 = arith.index_cast %mul3A_323 : i32 to index
      %swap3A_325 = tpu.vector_load %arg10[%swap3A_324] {strides = array<i32>} : memref<10000xf32, #tpu.memory_space<vmem>>, vector<16xf32>,
      tpu.vector_store %arg10[%swap3A_324], %broadcast_in_dim3A_1 {strides = array<i32>} : memref<10000xf32, #tpu.memory_space<vmem>>, vector<16xf32>,
      %scan3A_326 = arith.constant 5 : i32
      %scan3A_327 = arith.addi %scan3A_277, %scan3A_326 : i32
      %mul3A_328 = arith.constant 1 : i32
      %mul3A_329 = arith.muli %scan3A_327, %mul3A_328 : i32
      %add3A_330 = arith.constant 0 : i32
      %add3A_331 = arith.addi %add3A_330, %mul3A_329 : i32
      %mul3A_332 = arith.constant 16 : i32
      %mul3A_333 = arith.muli %add3A_331, %mul3A_332 : i32
      %swap3A_334 = arith.index_cast %mul3A_333 : i32 to index
      %swap3A_335 = tpu.vector_load %arg10[%swap3A_334] {strides = array<i32>} : memref<10000xf32, #tpu.memory_space<vmem>>, vector<16xf32>,
      tpu.vector_store %arg10[%swap3A_334], %broadcast_in_dim3A_1 {strides = array<i32>} : memref<10000xf32, #tpu.memory_space<vmem>>, vector<16xf32>,
      %scan3A_336 = arith.constant 6 : i32
      %scan3A_337 = arith.addi %scan3A_277, %scan3A_336 : i32
      %mul3A_338 = arith.constant 1 : i32
      %mul3A_339 = arith.muli %scan3A_337, %mul3A_338 : i32
      %add3A_340 = arith.constant 0 : i32
      %add3A_341 = arith.addi %add3A_340, %mul3A_339 : i32
      %mul3A_342 = arith.constant 16 : i32
      %mul3A_343 = arith.muli %add3A_341, %mul3A_342 : i32
      %swap3A_344 = arith.index_cast %mul3A_343 : i32 to index
      %swap3A_345 = tpu.vector_load %arg10[%swap3A_344] {strides = array<i32>} : memref<10000xf32, #tpu.memory_space<vmem>>, vector<16xf32>,
      tpu.vector_store %arg10[%swap3A_344], %broadcast_in_dim3A_1 {strides = array<i32>} : memref<10000xf32, #tpu.memory_space<vmem>>, vector<16xf32>,
      %scan3A_346 = arith.constant 7 : i32
      %scan3A_347 = arith.addi %scan3A_277, %scan3A_346 : i32
      %mul3A_348 = arith.constant 1 : i32
      %mul3A_349 = arith.muli %scan3A_347, %mul3A_348 : i32
      %add3A_350 = arith.constant 0 : i32
      %add3A_351 = arith.addi %add3A_350, %mul3A_349 : i32
      %mul3A_352 = arith.constant 16 : i32
      %mul3A_353 = arith.muli %add3A_351, %mul3A_352 : i32
      %swap3A_354 = arith.index_cast %mul3A_353 : i32 to index
      %swap3A_355 = tpu.vector_load %arg10[%swap3A_354] {strides = array<i32>} : memref<10000xf32, #tpu.memory_space<vmem>>, vector<16xf32>,
      tpu.vector_store %arg10[%swap3A_354], %broadcast_in_dim3A_1 {strides = array<i32>} : memref<10000xf32, #tpu.memory_space<vmem>>, vector<16xf32>,
    }
    %scan3A_38 = arith.constant 624 : i32
    %scan3A_39 = arith.addi %scan3A, %scan3A_38 : i32
    %mul3A_40 = arith.constant 1 : i32
    %mul3A_41 = arith.muli %scan3A_39, %mul3A_40 : i32
    %add3A_42 = arith.constant 0 : i32
    %add3A_43 = arith.addi %add3A_42, %mul3A_41 : i32
    %mul3A_44 = arith.constant 16 : i32
    %mul3A_45 = arith.muli %add3A_43, %mul3A_44 : i32
    %swap3A = arith.index_cast %mul3A_45 : i32 to index
    %swap3A_46 = tpu.vector_load %arg10[%swap3A] {strides = array<i32>} : memref<10000xf32, #tpu.memory_space<vmem>>, vector<16xf32>,
    tpu.vector_store %arg10[%swap3A], %broadcast_in_dim3A_1 {strides = array<i32>} : memref<10000xf32, #tpu.memory_space<vmem>>, vector<16xf32>,
    %scan3A_47 = arith.constant 625 : i32
    %scan3A_48 = arith.constant 0 : i32
    %scan3A_49 = arith.constant 5 : i32
    %scan3A_50 = arith.addi %scan3A_48, %scan3A_49 : i32
    %scan3A_51 = arith.constant 1 : i32
    scf.for %scan3A_277 = %scan3A_48 to %scan3A_50 step %scan3A_51  : i32 {
      %mul3A_278 = arith.constant 1 : i32
      %mul3A_279 = arith.muli %scan3A_277, %mul3A_278 : i32
      %add3A_280 = arith.constant 0 : i32
      %add3A_281 = arith.addi %add3A_280, %mul3A_279 : i32
      %mul3A_282 = arith.constant 10000 : i32
      %mul3A_283 = arith.muli %add3A, %mul3A_282 : i32
      %mul3A_284 = arith.constant 2000 : i32
      %mul3A_285 = arith.muli %add3A_281, %mul3A_284 : i32
      %add3A_286 = arith.addi %mul3A_283, %mul3A_285 : i32
      "tpu.region"() ({
        %run_scoped3A = tpu.sem_alloc : memref<!tpu.dma_semaphore, #tpu.memory_space<semaphore_mem>>
        %dma_start3A_354 = arith.constant 0 : i32
        %dma_start3A_355 = tpu.memref_slice %arg18[%dma_start3A_354] : memref<3200xi32, #tpu.memory_space<vmem>> -> memref<2000xi32, #tpu.memory_space<vmem>>
        %dma_start3A_356 = tpu.memref_slice %arg3[%add3A_286] : memref<320000xi32, #tpu.memory_space<hbm>> -> memref<2000xi32, #tpu.memory_space<hbm>>
        %dma_start3A_357 = arith.constant 0 : i32
        %dma_start3A_358 = tpu.memref_slice %arg18[%dma_start3A_357] : memref<3200xi32, #tpu.memory_space<vmem>> -> memref<2000xi32, #tpu.memory_space<vmem>>
        %dma_start3A_359 = tpu.memref_slice %arg3[%add3A_286] : memref<320000xi32, #tpu.memory_space<hbm>> -> memref<2000xi32, #tpu.memory_space<hbm>>
        tpu.enqueue_dma source(%dma_start3A_359 : memref<2000xi32, #tpu.memory_space<hbm>>) target(%dma_start3A_358 : memref<2000xi32, #tpu.memory_space<vmem>>) target_semaphore(%run_scoped3A : memref<!tpu.dma_semaphore, #tpu.memory_space<semaphore_mem>>)
        %dma_wait3A_360 = arith.constant 0 : i32
        %dma_wait3A_361 = tpu.memref_slice %arg18[%dma_wait3A_360] : memref<3200xi32, #tpu.memory_space<vmem>> -> memref<2000xi32, #tpu.memory_space<vmem>>
        %dma_wait3A_362 = tpu.memref_slice %arg3[%add3A_286] : memref<320000xi32, #tpu.memory_space<hbm>> -> memref<2000xi32, #tpu.memory_space<hbm>>
        %dma_wait3A_363 = arith.constant 0 : i32
        %dma_wait3A_364 = tpu.memref_slice %arg18[%dma_wait3A_363] : memref<3200xi32, #tpu.memory_space<vmem>> -> memref<2000xi32, #tpu.memory_space<vmem>>
        %dma_wait3A_365 = tpu.memref_slice %arg3[%add3A_286] : memref<320000xi32, #tpu.memory_space<hbm>> -> memref<2000xi32, #tpu.memory_space<hbm>>
        tpu.wait_dma2 semaphore(%run_scoped3A : memref<!tpu.dma_semaphore, #tpu.memory_space<semaphore_mem>>) src(%dma_wait3A_365 : memref<2000xi32, #tpu.memory_space<hbm>>) dst(%dma_wait3A_364 : memref<2000xi32, #tpu.memory_space<vmem>>)
        tpu.yield
      }) : () -> ()
      %scan3A_287 = arith.constant 0 : i32
      %scan3A_288 = arith.constant 120 : i32
      %scan3A_289 = arith.addi %scan3A_287, %scan3A_288 : i32
      %scan3A_290 = arith.constant 8 : i32
      scf.for %scan3A_354 = %scan3A_287 to %scan3A_289 step %scan3A_290  : i32 {
        %mul3A_355 = arith.constant 1 : i32
        %mul3A_356 = arith.muli %scan3A_354, %mul3A_355 : i32
        %add3A_357 = arith.constant 0 : i32
        %add3A_358 = arith.addi %add3A_357, %mul3A_356 : i32
        %mul3A_359 = arith.constant 16 : i32
        %mul3A_360 = arith.muli %add3A_358, %mul3A_359 : i32
        %get3A_361 = arith.index_cast %mul3A_360 : i32 to index
        %get3A_362 = tpu.vector_load %arg18[%get3A_361] {strides = array<i32>} : memref<3200xi32, #tpu.memory_space<vmem>>, vector<16xi32>,
        %bitcast3A_363 = vector.bitcast %get3A_362 : vector<16xi32> to vector<32xi16>
        %unpack3A_364 = tpu.unpack_subelements %bitcast3A_363, 0 {pack_format = #tpu.pack_format<interleaved>} : vector<32xi16> -> vector<16xi32>
        %unpack3A_365 = tpu.unpack_subelements %bitcast3A_363, 1 {pack_format = #tpu.pack_format<interleaved>} : vector<32xi16> -> vector<16xi32>
        tpu.vector_store_idx %arg10[%unpack3A_365], %broadcast_in_dim3A_3 {add = true} : memref<10000xf32, #tpu.memory_space<vmem>>[vector<16xi32>], vector<16xf32>,
        %scan3A_366 = arith.constant 1 : i32
        %scan3A_367 = arith.addi %scan3A_354, %scan3A_366 : i32
        %mul3A_368 = arith.constant 1 : i32
        %mul3A_369 = arith.muli %scan3A_367, %mul3A_368 : i32
        %add3A_370 = arith.constant 0 : i32
        %add3A_371 = arith.addi %add3A_370, %mul3A_369 : i32
        %mul3A_372 = arith.constant 16 : i32
        %mul3A_373 = arith.muli %add3A_371, %mul3A_372 : i32
        %get3A_374 = arith.index_cast %mul3A_373 : i32 to index
        %get3A_375 = tpu.vector_load %arg18[%get3A_374] {strides = array<i32>} : memref<3200xi32, #tpu.memory_space<vmem>>, vector<16xi32>,
        %bitcast3A_376 = vector.bitcast %get3A_375 : vector<16xi32> to vector<32xi16>
        %unpack3A_377 = tpu.unpack_subelements %bitcast3A_376, 0 {pack_format = #tpu.pack_format<interleaved>} : vector<32xi16> -> vector<16xi32>
        %unpack3A_378 = tpu.unpack_subelements %bitcast3A_376, 1 {pack_format = #tpu.pack_format<interleaved>} : vector<32xi16> -> vector<16xi32>
        tpu.vector_store_idx %arg10[%unpack3A_378], %broadcast_in_dim3A_3 {add = true} : memref<10000xf32, #tpu.memory_space<vmem>>[vector<16xi32>], vector<16xf32>,
        %scan3A_379 = arith.constant 2 : i32
        %scan3A_380 = arith.addi %scan3A_354, %scan3A_379 : i32
        %mul3A_381 = arith.constant 1 : i32
        %mul3A_382 = arith.muli %scan3A_380, %mul3A_381 : i32
        %add3A_383 = arith.constant 0 : i32
        %add3A_384 = arith.addi %add3A_383, %mul3A_382 : i32
        %mul3A_385 = arith.constant 16 : i32
        %mul3A_386 = arith.muli %add3A_384, %mul3A_385 : i32
        %get3A_387 = arith.index_cast %mul3A_386 : i32 to index
        %get3A_388 = tpu.vector_load %arg18[%get3A_387] {strides = array<i32>} : memref<3200xi32, #tpu.memory_space<vmem>>, vector<16xi32>,
        %bitcast3A_389 = vector.bitcast %get3A_388 : vector<16xi32> to vector<32xi16>
        %unpack3A_390 = tpu.unpack_subelements %bitcast3A_389, 0 {pack_format = #tpu.pack_format<interleaved>} : vector<32xi16> -> vector<16xi32>
        %unpack3A_391 = tpu.unpack_subelements %bitcast3A_389, 1 {pack_format = #tpu.pack_format<interleaved>} : vector<32xi16> -> vector<16xi32>
        tpu.vector_store_idx %arg10[%unpack3A_391], %broadcast_in_dim3A_3 {add = true} : memref<10000xf32, #tpu.memory_space<vmem>>[vector<16xi32>], vector<16xf32>,
        %scan3A_392 = arith.constant 3 : i32
        %scan3A_393 = arith.addi %scan3A_354, %scan3A_392 : i32
        %mul3A_394 = arith.constant 1 : i32
        %mul3A_395 = arith.muli %scan3A_393, %mul3A_394 : i32
        %add3A_396 = arith.constant 0 : i32
        %add3A_397 = arith.addi %add3A_396, %mul3A_395 : i32
        %mul3A_398 = arith.constant 16 : i32
        %mul3A_399 = arith.muli %add3A_397, %mul3A_398 : i32
        %get3A_400 = arith.index_cast %mul3A_399 : i32 to index
        %get3A_401 = tpu.vector_load %arg18[%get3A_400] {strides = array<i32>} : memref<3200xi32, #tpu.memory_space<vmem>>, vector<16xi32>,
        %bitcast3A_402 = vector.bitcast %get3A_401 : vector<16xi32> to vector<32xi16>
        %unpack3A_403 = tpu.unpack_subelements %bitcast3A_402, 0 {pack_format = #tpu.pack_format<interleaved>} : vector<32xi16> -> vector<16xi32>
        %unpack3A_404 = tpu.unpack_subelements %bitcast3A_402, 1 {pack_format = #tpu.pack_format<interleaved>} : vector<32xi16> -> vector<16xi32>
        tpu.vector_store_idx %arg10[%unpack3A_404], %broadcast_in_dim3A_3 {add = true} : memref<10000xf32, #tpu.memory_space<vmem>>[vector<16xi32>], vector<16xf32>,
        %scan3A_405 = arith.constant 4 : i32
        %scan3A_406 = arith.addi %scan3A_354, %scan3A_405 : i32
        %mul3A_407 = arith.constant 1 : i32
        %mul3A_408 = arith.muli %scan3A_406, %mul3A_407 : i32
        %add3A_409 = arith.constant 0 : i32
        %add3A_410 = arith.addi %add3A_409, %mul3A_408 : i32
        %mul3A_411 = arith.constant 16 : i32
        %mul3A_412 = arith.muli %add3A_410, %mul3A_411 : i32
        %get3A_413 = arith.index_cast %mul3A_412 : i32 to index
        %get3A_414 = tpu.vector_load %arg18[%get3A_413] {strides = array<i32>} : memref<3200xi32, #tpu.memory_space<vmem>>, vector<16xi32>,
        %bitcast3A_415 = vector.bitcast %get3A_414 : vector<16xi32> to vector<32xi16>
        %unpack3A_416 = tpu.unpack_subelements %bitcast3A_415, 0 {pack_format = #tpu.pack_format<interleaved>} : vector<32xi16> -> vector<16xi32>
        %unpack3A_417 = tpu.unpack_subelements %bitcast3A_415, 1 {pack_format = #tpu.pack_format<interleaved>} : vector<32xi16> -> vector<16xi32>
        tpu.vector_store_idx %arg10[%unpack3A_417], %broadcast_in_dim3A_3 {add = true} : memref<10000xf32, #tpu.memory_space<vmem>>[vector<16xi32>], vector<16xf32>,
        %scan3A_418 = arith.constant 5 : i32
        %scan3A_419 = arith.addi %scan3A_354, %scan3A_418 : i32
        %mul3A_420 = arith.constant 1 : i32
        %mul3A_421 = arith.muli %scan3A_419, %mul3A_420 : i32
        %add3A_422 = arith.constant 0 : i32
        %add3A_423 = arith.addi %add3A_422, %mul3A_421 : i32
        %mul3A_424 = arith.constant 16 : i32
        %mul3A_425 = arith.muli %add3A_423, %mul3A_424 : i32
        %get3A_426 = arith.index_cast %mul3A_425 : i32 to index
        %get3A_427 = tpu.vector_load %arg18[%get3A_426] {strides = array<i32>} : memref<3200xi32, #tpu.memory_space<vmem>>, vector<16xi32>,
        %bitcast3A_428 = vector.bitcast %get3A_427 : vector<16xi32> to vector<32xi16>
        %unpack3A_429 = tpu.unpack_subelements %bitcast3A_428, 0 {pack_format = #tpu.pack_format<interleaved>} : vector<32xi16> -> vector<16xi32>
        %unpack3A_430 = tpu.unpack_subelements %bitcast3A_428, 1 {pack_format = #tpu.pack_format<interleaved>} : vector<32xi16> -> vector<16xi32>
        tpu.vector_store_idx %arg10[%unpack3A_430], %broadcast_in_dim3A_3 {add = true} : memref<10000xf32, #tpu.memory_space<vmem>>[vector<16xi32>], vector<16xf32>,
        %scan3A_431 = arith.constant 6 : i32
        %scan3A_432 = arith.addi %scan3A_354, %scan3A_431 : i32
        %mul3A_433 = arith.constant 1 : i32
        %mul3A_434 = arith.muli %scan3A_432, %mul3A_433 : i32
        %add3A_435 = arith.constant 0 : i32
        %add3A_436 = arith.addi %add3A_435, %mul3A_434 : i32
        %mul3A_437 = arith.constant 16 : i32
        %mul3A_438 = arith.muli %add3A_436, %mul3A_437 : i32
        %get3A_439 = arith.index_cast %mul3A_438 : i32 to index
        %get3A_440 = tpu.vector_load %arg18[%get3A_439] {strides = array<i32>} : memref<3200xi32, #tpu.memory_space<vmem>>, vector<16xi32>,
        %bitcast3A_441 = vector.bitcast %get3A_440 : vector<16xi32> to vector<32xi16>
        %unpack3A_442 = tpu.unpack_subelements %bitcast3A_441, 0 {pack_format = #tpu.pack_format<interleaved>} : vector<32xi16> -> vector<16xi32>
        %unpack3A_443 = tpu.unpack_subelements %bitcast3A_441, 1 {pack_format = #tpu.pack_format<interleaved>} : vector<32xi16> -> vector<16xi32>
        tpu.vector_store_idx %arg10[%unpack3A_443], %broadcast_in_dim3A_3 {add = true} : memref<10000xf32, #tpu.memory_space<vmem>>[vector<16xi32>], vector<16xf32>,
        %scan3A_444 = arith.constant 7 : i32
        %scan3A_445 = arith.addi %scan3A_354, %scan3A_444 : i32
        %mul3A_446 = arith.constant 1 : i32
        %mul3A_447 = arith.muli %scan3A_445, %mul3A_446 : i32
        %add3A_448 = arith.constant 0 : i32
        %add3A_449 = arith.addi %add3A_448, %mul3A_447 : i32
        %mul3A_450 = arith.constant 16 : i32
        %mul3A_451 = arith.muli %add3A_449, %mul3A_450 : i32
        %get3A_452 = arith.index_cast %mul3A_451 : i32 to index
        %get3A_453 = tpu.vector_load %arg18[%get3A_452] {strides = array<i32>} : memref<3200xi32, #tpu.memory_space<vmem>>, vector<16xi32>,
        %bitcast3A_454 = vector.bitcast %get3A_453 : vector<16xi32> to vector<32xi16>
        %unpack3A_455 = tpu.unpack_subelements %bitcast3A_454, 0 {pack_format = #tpu.pack_format<interleaved>} : vector<32xi16> -> vector<16xi32>
        %unpack3A_456 = tpu.unpack_subelements %bitcast3A_454, 1 {pack_format = #tpu.pack_format<interleaved>} : vector<32xi16> -> vector<16xi32>
        tpu.vector_store_idx %arg10[%unpack3A_456], %broadcast_in_dim3A_3 {add = true} : memref<10000xf32, #tpu.memory_space<vmem>>[vector<16xi32>], vector<16xf32>,
      }
      %scan3A_291 = arith.constant 120 : i32
      %scan3A_292 = arith.addi %scan3A_287, %scan3A_291 : i32
      %mul3A_293 = arith.constant 1 : i32
      %mul3A_294 = arith.muli %scan3A_292, %mul3A_293 : i32
      %add3A_295 = arith.constant 0 : i32
      %add3A_296 = arith.addi %add3A_295, %mul3A_294 : i32
      %mul3A_297 = arith.constant 16 : i32
      %mul3A_298 = arith.muli %add3A_296, %mul3A_297 : i32
      %get3A = arith.index_cast %mul3A_298 : i32 to index
      %get3A_299 = tpu.vector_load %arg18[%get3A] {strides = array<i32>} : memref<3200xi32, #tpu.memory_space<vmem>>, vector<16xi32>,
      %bitcast3A = vector.bitcast %get3A_299 : vector<16xi32> to vector<32xi16>
      %unpack3A = tpu.unpack_subelements %bitcast3A, 0 {pack_format = #tpu.pack_format<interleaved>} : vector<32xi16> -> vector<16xi32>
      %unpack3A_300 = tpu.unpack_subelements %bitcast3A, 1 {pack_format = #tpu.pack_format<interleaved>} : vector<32xi16> -> vector<16xi32>
      tpu.vector_store_idx %arg10[%unpack3A_300], %broadcast_in_dim3A_3 {add = true} : memref<10000xf32, #tpu.memory_space<vmem>>[vector<16xi32>], vector<16xf32>,
      %scan3A_301 = arith.constant 121 : i32
      %scan3A_302 = arith.addi %scan3A_287, %scan3A_301 : i32
      %mul3A_303 = arith.constant 1 : i32
      %mul3A_304 = arith.muli %scan3A_302, %mul3A_303 : i32
      %add3A_305 = arith.constant 0 : i32
      %add3A_306 = arith.addi %add3A_305, %mul3A_304 : i32
      %mul3A_307 = arith.constant 16 : i32
      %mul3A_308 = arith.muli %add3A_306, %mul3A_307 : i32
      %get3A_309 = arith.index_cast %mul3A_308 : i32 to index
      %get3A_310 = tpu.vector_load %arg18[%get3A_309] {strides = array<i32>} : memref<3200xi32, #tpu.memory_space<vmem>>, vector<16xi32>,
      %bitcast3A_311 = vector.bitcast %get3A_310 : vector<16xi32> to vector<32xi16>
      %unpack3A_312 = tpu.unpack_subelements %bitcast3A_311, 0 {pack_format = #tpu.pack_format<interleaved>} : vector<32xi16> -> vector<16xi32>
      %unpack3A_313 = tpu.unpack_subelements %bitcast3A_311, 1 {pack_format = #tpu.pack_format<interleaved>} : vector<32xi16> -> vector<16xi32>
      tpu.vector_store_idx %arg10[%unpack3A_313], %broadcast_in_dim3A_3 {add = true} : memref<10000xf32, #tpu.memory_space<vmem>>[vector<16xi32>], vector<16xf32>,
      %scan3A_314 = arith.constant 122 : i32
      %scan3A_315 = arith.addi %scan3A_287, %scan3A_314 : i32
      %mul3A_316 = arith.constant 1 : i32
      %mul3A_317 = arith.muli %scan3A_315, %mul3A_316 : i32
      %add3A_318 = arith.constant 0 : i32
      %add3A_319 = arith.addi %add3A_318, %mul3A_317 : i32
      %mul3A_320 = arith.constant 16 : i32
      %mul3A_321 = arith.muli %add3A_319, %mul3A_320 : i32
      %get3A_322 = arith.index_cast %mul3A_321 : i32 to index
      %get3A_323 = tpu.vector_load %arg18[%get3A_322] {strides = array<i32>} : memref<3200xi32, #tpu.memory_space<vmem>>, vector<16xi32>,
      %bitcast3A_324 = vector.bitcast %get3A_323 : vector<16xi32> to vector<32xi16>
      %unpack3A_325 = tpu.unpack_subelements %bitcast3A_324, 0 {pack_format = #tpu.pack_format<interleaved>} : vector<32xi16> -> vector<16xi32>
      %unpack3A_326 = tpu.unpack_subelements %bitcast3A_324, 1 {pack_format = #tpu.pack_format<interleaved>} : vector<32xi16> -> vector<16xi32>
      tpu.vector_store_idx %arg10[%unpack3A_326], %broadcast_in_dim3A_3 {add = true} : memref<10000xf32, #tpu.memory_space<vmem>>[vector<16xi32>], vector<16xf32>,
      %scan3A_327 = arith.constant 123 : i32
      %scan3A_328 = arith.addi %scan3A_287, %scan3A_327 : i32
      %mul3A_329 = arith.constant 1 : i32
      %mul3A_330 = arith.muli %scan3A_328, %mul3A_329 : i32
      %add3A_331 = arith.constant 0 : i32
      %add3A_332 = arith.addi %add3A_331, %mul3A_330 : i32
      %mul3A_333 = arith.constant 16 : i32
      %mul3A_334 = arith.muli %add3A_332, %mul3A_333 : i32
      %get3A_335 = arith.index_cast %mul3A_334 : i32 to index
      %get3A_336 = tpu.vector_load %arg18[%get3A_335] {strides = array<i32>} : memref<3200xi32, #tpu.memory_space<vmem>>, vector<16xi32>,
      %bitcast3A_337 = vector.bitcast %get3A_336 : vector<16xi32> to vector<32xi16>
      %unpack3A_338 = tpu.unpack_subelements %bitcast3A_337, 0 {pack_format = #tpu.pack_format<interleaved>} : vector<32xi16> -> vector<16xi32>
      %unpack3A_339 = tpu.unpack_subelements %bitcast3A_337, 1 {pack_format = #tpu.pack_format<interleaved>} : vector<32xi16> -> vector<16xi32>
      tpu.vector_store_idx %arg10[%unpack3A_339], %broadcast_in_dim3A_3 {add = true} : memref<10000xf32, #tpu.memory_space<vmem>>[vector<16xi32>], vector<16xf32>,
      %scan3A_340 = arith.constant 124 : i32
      %scan3A_341 = arith.addi %scan3A_287, %scan3A_340 : i32
      %mul3A_342 = arith.constant 1 : i32
      %mul3A_343 = arith.muli %scan3A_341, %mul3A_342 : i32
      %add3A_344 = arith.constant 0 : i32
      %add3A_345 = arith.addi %add3A_344, %mul3A_343 : i32
      %mul3A_346 = arith.constant 16 : i32
      %mul3A_347 = arith.muli %add3A_345, %mul3A_346 : i32
      %get3A_348 = arith.index_cast %mul3A_347 : i32 to index
      %get3A_349 = tpu.vector_load %arg18[%get3A_348] {strides = array<i32>} : memref<3200xi32, #tpu.memory_space<vmem>>, vector<16xi32>,
      %bitcast3A_350 = vector.bitcast %get3A_349 : vector<16xi32> to vector<32xi16>
      %unpack3A_351 = tpu.unpack_subelements %bitcast3A_350, 0 {pack_format = #tpu.pack_format<interleaved>} : vector<32xi16> -> vector<16xi32>
      %unpack3A_352 = tpu.unpack_subelements %bitcast3A_350, 1 {pack_format = #tpu.pack_format<interleaved>} : vector<32xi16> -> vector<16xi32>
      tpu.vector_store_idx %arg10[%unpack3A_352], %broadcast_in_dim3A_3 {add = true} : memref<10000xf32, #tpu.memory_space<vmem>>[vector<16xi32>], vector<16xf32>,
      %scan3A_353 = arith.constant 125 : i32
    }
    %scan3A_52 = arith.constant 5 : i32
    %mul3A_53 = arith.constant 10000 : i32
    %mul3A_54 = arith.muli %add3A, %mul3A_53 : i32
    "tpu.region"() ({
      %run_scoped3A = tpu.sem_alloc : memref<!tpu.dma_semaphore, #tpu.memory_space<semaphore_mem>>
      %dma_start3A_277 = tpu.memref_slice %arg5[%mul3A_54] : memref<320000xf32, #tpu.memory_space<hbm>> -> memref<10000xf32, #tpu.memory_space<hbm>>
      %dma_start3A_278 = tpu.memref_slice %arg5[%mul3A_54] : memref<320000xf32, #tpu.memory_space<hbm>> -> memref<10000xf32, #tpu.memory_space<hbm>>
      tpu.enqueue_dma source(%arg10 : memref<10000xf32, #tpu.memory_space<vmem>>) target(%dma_start3A_278 : memref<10000xf32, #tpu.memory_space<hbm>>) target_semaphore(%run_scoped3A : memref<!tpu.dma_semaphore, #tpu.memory_space<semaphore_mem>>)
      %dma_wait3A_279 = tpu.memref_slice %arg5[%mul3A_54] : memref<320000xf32, #tpu.memory_space<hbm>> -> memref<10000xf32, #tpu.memory_space<hbm>>
      %dma_wait3A_280 = tpu.memref_slice %arg5[%mul3A_54] : memref<320000xf32, #tpu.memory_space<hbm>> -> memref<10000xf32, #tpu.memory_space<hbm>>
      tpu.wait_dma2 semaphore(%run_scoped3A : memref<!tpu.dma_semaphore, #tpu.memory_space<semaphore_mem>>) src(%arg10 : memref<10000xf32, #tpu.memory_space<vmem>>) dst(%dma_wait3A_280 : memref<10000xf32, #tpu.memory_space<hbm>>)
      tpu.yield
    }) : () -> ()
    %mul3A_55 = arith.constant 160000 : i32
    %mul3A_56 = arith.muli %arg0, %mul3A_55 : i32
    %add3A_57 = arith.constant 0 : i32
    %add3A_58 = arith.addi %mul3A_56, %add3A_57 : i32
    %dma_start3A_59 = tpu.memref_slice %arg3[%add3A_58] : memref<320000xi32, #tpu.memory_space<hbm>> -> memref<3200xi32, #tpu.memory_space<hbm>>
    %dma_start3A_60 = tpu.memref_slice %arg3[%add3A_58] : memref<320000xi32, #tpu.memory_space<hbm>> -> memref<3200xi32, #tpu.memory_space<hbm>>
    tpu.enqueue_dma source(%dma_start3A_60 : memref<3200xi32, #tpu.memory_space<hbm>>) target(%arg18 : memref<3200xi32, #tpu.memory_space<vmem>>) target_semaphore(%arg21 : memref<!tpu.dma_semaphore, #tpu.memory_space<semaphore_mem>>)
    %add3A_61 = arith.constant 3200 : i32
    %add3A_62 = arith.addi %mul3A_56, %add3A_61 : i32
    %dma_start3A_63 = tpu.memref_slice %arg3[%add3A_62] : memref<320000xi32, #tpu.memory_space<hbm>> -> memref<3200xi32, #tpu.memory_space<hbm>>
    %dma_start3A_64 = tpu.memref_slice %arg3[%add3A_62] : memref<320000xi32, #tpu.memory_space<hbm>> -> memref<3200xi32, #tpu.memory_space<hbm>>
    tpu.enqueue_dma source(%dma_start3A_64 : memref<3200xi32, #tpu.memory_space<hbm>>) target(%arg19 : memref<3200xi32, #tpu.memory_space<vmem>>) target_semaphore(%arg21 : memref<!tpu.dma_semaphore, #tpu.memory_space<semaphore_mem>>)
    %scan3A_65 = arith.constant 0 : i32
    %scan3A_66 = arith.constant 624 : i32
    %scan3A_67 = arith.addi %scan3A_65, %scan3A_66 : i32
    %scan3A_68 = arith.constant 8 : i32
    scf.for %scan3A_277 = %scan3A_65 to %scan3A_67 step %scan3A_68  : i32 {
      %mul3A_278 = arith.constant 1 : i32
      %mul3A_279 = arith.muli %scan3A_277, %mul3A_278 : i32
      %add3A_280 = arith.constant 0 : i32
      %add3A_281 = arith.addi %add3A_280, %mul3A_279 : i32
      %mul3A_282 = arith.constant 16 : i32
      %mul3A_283 = arith.muli %add3A_281, %mul3A_282 : i32
      %swap3A_284 = arith.index_cast %mul3A_283 : i32 to index
      %swap3A_285 = tpu.vector_load %arg10[%swap3A_284] {strides = array<i32>} : memref<10000xf32, #tpu.memory_space<vmem>>, vector<16xf32>,
      tpu.vector_store %arg10[%swap3A_284], %broadcast_in_dim3A_1 {strides = array<i32>} : memref<10000xf32, #tpu.memory_space<vmem>>, vector<16xf32>,
      %scan3A_286 = arith.constant 1 : i32
      %scan3A_287 = arith.addi %scan3A_277, %scan3A_286 : i32
      %mul3A_288 = arith.constant 1 : i32
      %mul3A_289 = arith.muli %scan3A_287, %mul3A_288 : i32
      %add3A_290 = arith.constant 0 : i32
      %add3A_291 = arith.addi %add3A_290, %mul3A_289 : i32
      %mul3A_292 = arith.constant 16 : i32
      %mul3A_293 = arith.muli %add3A_291, %mul3A_292 : i32
      %swap3A_294 = arith.index_cast %mul3A_293 : i32 to index
      %swap3A_295 = tpu.vector_load %arg10[%swap3A_294] {strides = array<i32>} : memref<10000xf32, #tpu.memory_space<vmem>>, vector<16xf32>,
      tpu.vector_store %arg10[%swap3A_294], %broadcast_in_dim3A_1 {strides = array<i32>} : memref<10000xf32, #tpu.memory_space<vmem>>, vector<16xf32>,
      %scan3A_296 = arith.constant 2 : i32
      %scan3A_297 = arith.addi %scan3A_277, %scan3A_296 : i32
      %mul3A_298 = arith.constant 1 : i32
      %mul3A_299 = arith.muli %scan3A_297, %mul3A_298 : i32
      %add3A_300 = arith.constant 0 : i32
      %add3A_301 = arith.addi %add3A_300, %mul3A_299 : i32
      %mul3A_302 = arith.constant 16 : i32
      %mul3A_303 = arith.muli %add3A_301, %mul3A_302 : i32
      %swap3A_304 = arith.index_cast %mul3A_303 : i32 to index
      %swap3A_305 = tpu.vector_load %arg10[%swap3A_304] {strides = array<i32>} : memref<10000xf32, #tpu.memory_space<vmem>>, vector<16xf32>,
      tpu.vector_store %arg10[%swap3A_304], %broadcast_in_dim3A_1 {strides = array<i32>} : memref<10000xf32, #tpu.memory_space<vmem>>, vector<16xf32>,
      %scan3A_306 = arith.constant 3 : i32
      %scan3A_307 = arith.addi %scan3A_277, %scan3A_306 : i32
      %mul3A_308 = arith.constant 1 : i32
      %mul3A_309 = arith.muli %scan3A_307, %mul3A_308 : i32
      %add3A_310 = arith.constant 0 : i32
      %add3A_311 = arith.addi %add3A_310, %mul3A_309 : i32
      %mul3A_312 = arith.constant 16 : i32
      %mul3A_313 = arith.muli %add3A_311, %mul3A_312 : i32
      %swap3A_314 = arith.index_cast %mul3A_313 : i32 to index
      %swap3A_315 = tpu.vector_load %arg10[%swap3A_314] {strides = array<i32>} : memref<10000xf32, #tpu.memory_space<vmem>>, vector<16xf32>,
      tpu.vector_store %arg10[%swap3A_314], %broadcast_in_dim3A_1 {strides = array<i32>} : memref<10000xf32, #tpu.memory_space<vmem>>, vector<16xf32>,
      %scan3A_316 = arith.constant 4 : i32
      %scan3A_317 = arith.addi %scan3A_277, %scan3A_316 : i32
      %mul3A_318 = arith.constant 1 : i32
      %mul3A_319 = arith.muli %scan3A_317, %mul3A_318 : i32
      %add3A_320 = arith.constant 0 : i32
      %add3A_321 = arith.addi %add3A_320, %mul3A_319 : i32
      %mul3A_322 = arith.constant 16 : i32
      %mul3A_323 = arith.muli %add3A_321, %mul3A_322 : i32
      %swap3A_324 = arith.index_cast %mul3A_323 : i32 to index
      %swap3A_325 = tpu.vector_load %arg10[%swap3A_324] {strides = array<i32>} : memref<10000xf32, #tpu.memory_space<vmem>>, vector<16xf32>,
      tpu.vector_store %arg10[%swap3A_324], %broadcast_in_dim3A_1 {strides = array<i32>} : memref<10000xf32, #tpu.memory_space<vmem>>, vector<16xf32>,
      %scan3A_326 = arith.constant 5 : i32
      %scan3A_327 = arith.addi %scan3A_277, %scan3A_326 : i32
      %mul3A_328 = arith.constant 1 : i32
      %mul3A_329 = arith.muli %scan3A_327, %mul3A_328 : i32
      %add3A_330 = arith.constant 0 : i32
      %add3A_331 = arith.addi %add3A_330, %mul3A_329 : i32
      %mul3A_332 = arith.constant 16 : i32
      %mul3A_333 = arith.muli %add3A_331, %mul3A_332 : i32
      %swap3A_334 = arith.index_cast %mul3A_333 : i32 to index
      %swap3A_335 = tpu.vector_load %arg10[%swap3A_334] {strides = array<i32>} : memref<10000xf32, #tpu.memory_space<vmem>>, vector<16xf32>,
      tpu.vector_store %arg10[%swap3A_334], %broadcast_in_dim3A_1 {strides = array<i32>} : memref<10000xf32, #tpu.memory_space<vmem>>, vector<16xf32>,
      %scan3A_336 = arith.constant 6 : i32
      %scan3A_337 = arith.addi %scan3A_277, %scan3A_336 : i32
      %mul3A_338 = arith.constant 1 : i32
      %mul3A_339 = arith.muli %scan3A_337, %mul3A_338 : i32
      %add3A_340 = arith.constant 0 : i32
      %add3A_341 = arith.addi %add3A_340, %mul3A_339 : i32
      %mul3A_342 = arith.constant 16 : i32
      %mul3A_343 = arith.muli %add3A_341, %mul3A_342 : i32
      %swap3A_344 = arith.index_cast %mul3A_343 : i32 to index
      %swap3A_345 = tpu.vector_load %arg10[%swap3A_344] {strides = array<i32>} : memref<10000xf32, #tpu.memory_space<vmem>>, vector<16xf32>,
      tpu.vector_store %arg10[%swap3A_344], %broadcast_in_dim3A_1 {strides = array<i32>} : memref<10000xf32, #tpu.memory_space<vmem>>, vector<16xf32>,
      %scan3A_346 = arith.constant 7 : i32
      %scan3A_347 = arith.addi %scan3A_277, %scan3A_346 : i32
      %mul3A_348 = arith.constant 1 : i32
      %mul3A_349 = arith.muli %scan3A_347, %mul3A_348 : i32
      %add3A_350 = arith.constant 0 : i32
      %add3A_351 = arith.addi %add3A_350, %mul3A_349 : i32
      %mul3A_352 = arith.constant 16 : i32
      %mul3A_353 = arith.muli %add3A_351, %mul3A_352 : i32
      %swap3A_354 = arith.index_cast %mul3A_353 : i32 to index
      %swap3A_355 = tpu.vector_load %arg10[%swap3A_354] {strides = array<i32>} : memref<10000xf32, #tpu.memory_space<vmem>>, vector<16xf32>,
      tpu.vector_store %arg10[%swap3A_354], %broadcast_in_dim3A_1 {strides = array<i32>} : memref<10000xf32, #tpu.memory_space<vmem>>, vector<16xf32>,
    }
    %scan3A_69 = arith.constant 624 : i32
    %scan3A_70 = arith.addi %scan3A_65, %scan3A_69 : i32
    %mul3A_71 = arith.constant 1 : i32
    %mul3A_72 = arith.muli %scan3A_70, %mul3A_71 : i32
    %add3A_73 = arith.constant 0 : i32
    %add3A_74 = arith.addi %add3A_73, %mul3A_72 : i32
    %mul3A_75 = arith.constant 16 : i32
    %mul3A_76 = arith.muli %add3A_74, %mul3A_75 : i32
    %swap3A_77 = arith.index_cast %mul3A_76 : i32 to index
    %swap3A_78 = tpu.vector_load %arg10[%swap3A_77] {strides = array<i32>} : memref<10000xf32, #tpu.memory_space<vmem>>, vector<16xf32>,
    tpu.vector_store %arg10[%swap3A_77], %broadcast_in_dim3A_1 {strides = array<i32>} : memref<10000xf32, #tpu.memory_space<vmem>>, vector<16xf32>,
    %scan3A_79 = arith.constant 625 : i32
    %scan3A_80 = arith.constant 0 : i32
    %scan3A_81 = arith.constant 624 : i32
    %scan3A_82 = arith.addi %scan3A_80, %scan3A_81 : i32
    %scan3A_83 = arith.constant 8 : i32
    scf.for %scan3A_277 = %scan3A_80 to %scan3A_82 step %scan3A_83  : i32 {
      %mul3A_278 = arith.constant 1 : i32
      %mul3A_279 = arith.muli %scan3A_277, %mul3A_278 : i32
      %add3A_280 = arith.constant 0 : i32
      %add3A_281 = arith.addi %add3A_280, %mul3A_279 : i32
      %mul3A_282 = arith.constant 16 : i32
      %mul3A_283 = arith.muli %add3A_281, %mul3A_282 : i32
      %swap3A_284 = arith.index_cast %mul3A_283 : i32 to index
      %swap3A_285 = tpu.vector_load %arg11[%swap3A_284] {strides = array<i32>} : memref<10000xf32, #tpu.memory_space<vmem>>, vector<16xf32>,
      tpu.vector_store %arg11[%swap3A_284], %broadcast_in_dim3A_1 {strides = array<i32>} : memref<10000xf32, #tpu.memory_space<vmem>>, vector<16xf32>,
      %scan3A_286 = arith.constant 1 : i32
      %scan3A_287 = arith.addi %scan3A_277, %scan3A_286 : i32
      %mul3A_288 = arith.constant 1 : i32
      %mul3A_289 = arith.muli %scan3A_287, %mul3A_288 : i32
      %add3A_290 = arith.constant 0 : i32
      %add3A_291 = arith.addi %add3A_290, %mul3A_289 : i32
      %mul3A_292 = arith.constant 16 : i32
      %mul3A_293 = arith.muli %add3A_291, %mul3A_292 : i32
      %swap3A_294 = arith.index_cast %mul3A_293 : i32 to index
      %swap3A_295 = tpu.vector_load %arg11[%swap3A_294] {strides = array<i32>} : memref<10000xf32, #tpu.memory_space<vmem>>, vector<16xf32>,
      tpu.vector_store %arg11[%swap3A_294], %broadcast_in_dim3A_1 {strides = array<i32>} : memref<10000xf32, #tpu.memory_space<vmem>>, vector<16xf32>,
      %scan3A_296 = arith.constant 2 : i32
      %scan3A_297 = arith.addi %scan3A_277, %scan3A_296 : i32
      %mul3A_298 = arith.constant 1 : i32
      %mul3A_299 = arith.muli %scan3A_297, %mul3A_298 : i32
      %add3A_300 = arith.constant 0 : i32
      %add3A_301 = arith.addi %add3A_300, %mul3A_299 : i32
      %mul3A_302 = arith.constant 16 : i32
      %mul3A_303 = arith.muli %add3A_301, %mul3A_302 : i32
      %swap3A_304 = arith.index_cast %mul3A_303 : i32 to index
      %swap3A_305 = tpu.vector_load %arg11[%swap3A_304] {strides = array<i32>} : memref<10000xf32, #tpu.memory_space<vmem>>, vector<16xf32>,
      tpu.vector_store %arg11[%swap3A_304], %broadcast_in_dim3A_1 {strides = array<i32>} : memref<10000xf32, #tpu.memory_space<vmem>>, vector<16xf32>,
      %scan3A_306 = arith.constant 3 : i32
      %scan3A_307 = arith.addi %scan3A_277, %scan3A_306 : i32
      %mul3A_308 = arith.constant 1 : i32
      %mul3A_309 = arith.muli %scan3A_307, %mul3A_308 : i32
      %add3A_310 = arith.constant 0 : i32
      %add3A_311 = arith.addi %add3A_310, %mul3A_309 : i32
      %mul3A_312 = arith.constant 16 : i32
      %mul3A_313 = arith.muli %add3A_311, %mul3A_312 : i32
      %swap3A_314 = arith.index_cast %mul3A_313 : i32 to index
      %swap3A_315 = tpu.vector_load %arg11[%swap3A_314] {strides = array<i32>} : memref<10000xf32, #tpu.memory_space<vmem>>, vector<16xf32>,
      tpu.vector_store %arg11[%swap3A_314], %broadcast_in_dim3A_1 {strides = array<i32>} : memref<10000xf32, #tpu.memory_space<vmem>>, vector<16xf32>,
      %scan3A_316 = arith.constant 4 : i32
      %scan3A_317 = arith.addi %scan3A_277, %scan3A_316 : i32
      %mul3A_318 = arith.constant 1 : i32
      %mul3A_319 = arith.muli %scan3A_317, %mul3A_318 : i32
      %add3A_320 = arith.constant 0 : i32
      %add3A_321 = arith.addi %add3A_320, %mul3A_319 : i32
      %mul3A_322 = arith.constant 16 : i32
      %mul3A_323 = arith.muli %add3A_321, %mul3A_322 : i32
      %swap3A_324 = arith.index_cast %mul3A_323 : i32 to index
      %swap3A_325 = tpu.vector_load %arg11[%swap3A_324] {strides = array<i32>} : memref<10000xf32, #tpu.memory_space<vmem>>, vector<16xf32>,
      tpu.vector_store %arg11[%swap3A_324], %broadcast_in_dim3A_1 {strides = array<i32>} : memref<10000xf32, #tpu.memory_space<vmem>>, vector<16xf32>,
      %scan3A_326 = arith.constant 5 : i32
      %scan3A_327 = arith.addi %scan3A_277, %scan3A_326 : i32
      %mul3A_328 = arith.constant 1 : i32
      %mul3A_329 = arith.muli %scan3A_327, %mul3A_328 : i32
      %add3A_330 = arith.constant 0 : i32
      %add3A_331 = arith.addi %add3A_330, %mul3A_329 : i32
      %mul3A_332 = arith.constant 16 : i32
      %mul3A_333 = arith.muli %add3A_331, %mul3A_332 : i32
      %swap3A_334 = arith.index_cast %mul3A_333 : i32 to index
      %swap3A_335 = tpu.vector_load %arg11[%swap3A_334] {strides = array<i32>} : memref<10000xf32, #tpu.memory_space<vmem>>, vector<16xf32>,
      tpu.vector_store %arg11[%swap3A_334], %broadcast_in_dim3A_1 {strides = array<i32>} : memref<10000xf32, #tpu.memory_space<vmem>>, vector<16xf32>,
      %scan3A_336 = arith.constant 6 : i32
      %scan3A_337 = arith.addi %scan3A_277, %scan3A_336 : i32
      %mul3A_338 = arith.constant 1 : i32
      %mul3A_339 = arith.muli %scan3A_337, %mul3A_338 : i32
      %add3A_340 = arith.constant 0 : i32
      %add3A_341 = arith.addi %add3A_340, %mul3A_339 : i32
      %mul3A_342 = arith.constant 16 : i32
      %mul3A_343 = arith.muli %add3A_341, %mul3A_342 : i32
      %swap3A_344 = arith.index_cast %mul3A_343 : i32 to index
      %swap3A_345 = tpu.vector_load %arg11[%swap3A_344] {strides = array<i32>} : memref<10000xf32, #tpu.memory_space<vmem>>, vector<16xf32>,
      tpu.vector_store %arg11[%swap3A_344], %broadcast_in_dim3A_1 {strides = array<i32>} : memref<10000xf32, #tpu.memory_space<vmem>>, vector<16xf32>,
      %scan3A_346 = arith.constant 7 : i32
      %scan3A_347 = arith.addi %scan3A_277, %scan3A_346 : i32
      %mul3A_348 = arith.constant 1 : i32
      %mul3A_349 = arith.muli %scan3A_347, %mul3A_348 : i32
      %add3A_350 = arith.constant 0 : i32
      %add3A_351 = arith.addi %add3A_350, %mul3A_349 : i32
      %mul3A_352 = arith.constant 16 : i32
      %mul3A_353 = arith.muli %add3A_351, %mul3A_352 : i32
      %swap3A_354 = arith.index_cast %mul3A_353 : i32 to index
      %swap3A_355 = tpu.vector_load %arg11[%swap3A_354] {strides = array<i32>} : memref<10000xf32, #tpu.memory_space<vmem>>, vector<16xf32>,
      tpu.vector_store %arg11[%swap3A_354], %broadcast_in_dim3A_1 {strides = array<i32>} : memref<10000xf32, #tpu.memory_space<vmem>>, vector<16xf32>,
    }
    %scan3A_84 = arith.constant 624 : i32
    %scan3A_85 = arith.addi %scan3A_80, %scan3A_84 : i32
    %mul3A_86 = arith.constant 1 : i32
    %mul3A_87 = arith.muli %scan3A_85, %mul3A_86 : i32
    %add3A_88 = arith.constant 0 : i32
    %add3A_89 = arith.addi %add3A_88, %mul3A_87 : i32
    %mul3A_90 = arith.constant 16 : i32
    %mul3A_91 = arith.muli %add3A_89, %mul3A_90 : i32
    %swap3A_92 = arith.index_cast %mul3A_91 : i32 to index
    %swap3A_93 = tpu.vector_load %arg11[%swap3A_92] {strides = array<i32>} : memref<10000xf32, #tpu.memory_space<vmem>>, vector<16xf32>,
    tpu.vector_store %arg11[%swap3A_92], %broadcast_in_dim3A_1 {strides = array<i32>} : memref<10000xf32, #tpu.memory_space<vmem>>, vector<16xf32>,
    %scan3A_94 = arith.constant 625 : i32
    %scan3A_95 = arith.constant 0 : i32
    %scan3A_96 = arith.constant 624 : i32
    %scan3A_97 = arith.addi %scan3A_95, %scan3A_96 : i32
    %scan3A_98 = arith.constant 8 : i32
    scf.for %scan3A_277 = %scan3A_95 to %scan3A_97 step %scan3A_98  : i32 {
      %mul3A_278 = arith.constant 1 : i32
      %mul3A_279 = arith.muli %scan3A_277, %mul3A_278 : i32
      %add3A_280 = arith.constant 0 : i32
      %add3A_281 = arith.addi %add3A_280, %mul3A_279 : i32
      %mul3A_282 = arith.constant 16 : i32
      %mul3A_283 = arith.muli %add3A_281, %mul3A_282 : i32
      %swap3A_284 = arith.index_cast %mul3A_283 : i32 to index
      %swap3A_285 = tpu.vector_load %arg12[%swap3A_284] {strides = array<i32>} : memref<10000xf32, #tpu.memory_space<vmem>>, vector<16xf32>,
      tpu.vector_store %arg12[%swap3A_284], %broadcast_in_dim3A_1 {strides = array<i32>} : memref<10000xf32, #tpu.memory_space<vmem>>, vector<16xf32>,
      %scan3A_286 = arith.constant 1 : i32
      %scan3A_287 = arith.addi %scan3A_277, %scan3A_286 : i32
      %mul3A_288 = arith.constant 1 : i32
      %mul3A_289 = arith.muli %scan3A_287, %mul3A_288 : i32
      %add3A_290 = arith.constant 0 : i32
      %add3A_291 = arith.addi %add3A_290, %mul3A_289 : i32
      %mul3A_292 = arith.constant 16 : i32
      %mul3A_293 = arith.muli %add3A_291, %mul3A_292 : i32
      %swap3A_294 = arith.index_cast %mul3A_293 : i32 to index
      %swap3A_295 = tpu.vector_load %arg12[%swap3A_294] {strides = array<i32>} : memref<10000xf32, #tpu.memory_space<vmem>>, vector<16xf32>,
      tpu.vector_store %arg12[%swap3A_294], %broadcast_in_dim3A_1 {strides = array<i32>} : memref<10000xf32, #tpu.memory_space<vmem>>, vector<16xf32>,
      %scan3A_296 = arith.constant 2 : i32
      %scan3A_297 = arith.addi %scan3A_277, %scan3A_296 : i32
      %mul3A_298 = arith.constant 1 : i32
      %mul3A_299 = arith.muli %scan3A_297, %mul3A_298 : i32
      %add3A_300 = arith.constant 0 : i32
      %add3A_301 = arith.addi %add3A_300, %mul3A_299 : i32
      %mul3A_302 = arith.constant 16 : i32
      %mul3A_303 = arith.muli %add3A_301, %mul3A_302 : i32
      %swap3A_304 = arith.index_cast %mul3A_303 : i32 to index
      %swap3A_305 = tpu.vector_load %arg12[%swap3A_304] {strides = array<i32>} : memref<10000xf32, #tpu.memory_space<vmem>>, vector<16xf32>,
      tpu.vector_store %arg12[%swap3A_304], %broadcast_in_dim3A_1 {strides = array<i32>} : memref<10000xf32, #tpu.memory_space<vmem>>, vector<16xf32>,
      %scan3A_306 = arith.constant 3 : i32
      %scan3A_307 = arith.addi %scan3A_277, %scan3A_306 : i32
      %mul3A_308 = arith.constant 1 : i32
      %mul3A_309 = arith.muli %scan3A_307, %mul3A_308 : i32
      %add3A_310 = arith.constant 0 : i32
      %add3A_311 = arith.addi %add3A_310, %mul3A_309 : i32
      %mul3A_312 = arith.constant 16 : i32
      %mul3A_313 = arith.muli %add3A_311, %mul3A_312 : i32
      %swap3A_314 = arith.index_cast %mul3A_313 : i32 to index
      %swap3A_315 = tpu.vector_load %arg12[%swap3A_314] {strides = array<i32>} : memref<10000xf32, #tpu.memory_space<vmem>>, vector<16xf32>,
      tpu.vector_store %arg12[%swap3A_314], %broadcast_in_dim3A_1 {strides = array<i32>} : memref<10000xf32, #tpu.memory_space<vmem>>, vector<16xf32>,
      %scan3A_316 = arith.constant 4 : i32
      %scan3A_317 = arith.addi %scan3A_277, %scan3A_316 : i32
      %mul3A_318 = arith.constant 1 : i32
      %mul3A_319 = arith.muli %scan3A_317, %mul3A_318 : i32
      %add3A_320 = arith.constant 0 : i32
      %add3A_321 = arith.addi %add3A_320, %mul3A_319 : i32
      %mul3A_322 = arith.constant 16 : i32
      %mul3A_323 = arith.muli %add3A_321, %mul3A_322 : i32
      %swap3A_324 = arith.index_cast %mul3A_323 : i32 to index
      %swap3A_325 = tpu.vector_load %arg12[%swap3A_324] {strides = array<i32>} : memref<10000xf32, #tpu.memory_space<vmem>>, vector<16xf32>,
      tpu.vector_store %arg12[%swap3A_324], %broadcast_in_dim3A_1 {strides = array<i32>} : memref<10000xf32, #tpu.memory_space<vmem>>, vector<16xf32>,
      %scan3A_326 = arith.constant 5 : i32
      %scan3A_327 = arith.addi %scan3A_277, %scan3A_326 : i32
      %mul3A_328 = arith.constant 1 : i32
      %mul3A_329 = arith.muli %scan3A_327, %mul3A_328 : i32
      %add3A_330 = arith.constant 0 : i32
      %add3A_331 = arith.addi %add3A_330, %mul3A_329 : i32
      %mul3A_332 = arith.constant 16 : i32
      %mul3A_333 = arith.muli %add3A_331, %mul3A_332 : i32
      %swap3A_334 = arith.index_cast %mul3A_333 : i32 to index
      %swap3A_335 = tpu.vector_load %arg12[%swap3A_334] {strides = array<i32>} : memref<10000xf32, #tpu.memory_space<vmem>>, vector<16xf32>,
      tpu.vector_store %arg12[%swap3A_334], %broadcast_in_dim3A_1 {strides = array<i32>} : memref<10000xf32, #tpu.memory_space<vmem>>, vector<16xf32>,
      %scan3A_336 = arith.constant 6 : i32
      %scan3A_337 = arith.addi %scan3A_277, %scan3A_336 : i32
      %mul3A_338 = arith.constant 1 : i32
      %mul3A_339 = arith.muli %scan3A_337, %mul3A_338 : i32
      %add3A_340 = arith.constant 0 : i32
      %add3A_341 = arith.addi %add3A_340, %mul3A_339 : i32
      %mul3A_342 = arith.constant 16 : i32
      %mul3A_343 = arith.muli %add3A_341, %mul3A_342 : i32
      %swap3A_344 = arith.index_cast %mul3A_343 : i32 to index
      %swap3A_345 = tpu.vector_load %arg12[%swap3A_344] {strides = array<i32>} : memref<10000xf32, #tpu.memory_space<vmem>>, vector<16xf32>,
      tpu.vector_store %arg12[%swap3A_344], %broadcast_in_dim3A_1 {strides = array<i32>} : memref<10000xf32, #tpu.memory_space<vmem>>, vector<16xf32>,
      %scan3A_346 = arith.constant 7 : i32
      %scan3A_347 = arith.addi %scan3A_277, %scan3A_346 : i32
      %mul3A_348 = arith.constant 1 : i32
      %mul3A_349 = arith.muli %scan3A_347, %mul3A_348 : i32
      %add3A_350 = arith.constant 0 : i32
      %add3A_351 = arith.addi %add3A_350, %mul3A_349 : i32
      %mul3A_352 = arith.constant 16 : i32
      %mul3A_353 = arith.muli %add3A_351, %mul3A_352 : i32
      %swap3A_354 = arith.index_cast %mul3A_353 : i32 to index
      %swap3A_355 = tpu.vector_load %arg12[%swap3A_354] {strides = array<i32>} : memref<10000xf32, #tpu.memory_space<vmem>>, vector<16xf32>,
      tpu.vector_store %arg12[%swap3A_354], %broadcast_in_dim3A_1 {strides = array<i32>} : memref<10000xf32, #tpu.memory_space<vmem>>, vector<16xf32>,
    }
    %scan3A_99 = arith.constant 624 : i32
    %scan3A_100 = arith.addi %scan3A_95, %scan3A_99 : i32
    %mul3A_101 = arith.constant 1 : i32
    %mul3A_102 = arith.muli %scan3A_100, %mul3A_101 : i32
    %add3A_103 = arith.constant 0 : i32
    %add3A_104 = arith.addi %add3A_103, %mul3A_102 : i32
    %mul3A_105 = arith.constant 16 : i32
    %mul3A_106 = arith.muli %add3A_104, %mul3A_105 : i32
    %swap3A_107 = arith.index_cast %mul3A_106 : i32 to index
    %swap3A_108 = tpu.vector_load %arg12[%swap3A_107] {strides = array<i32>} : memref<10000xf32, #tpu.memory_space<vmem>>, vector<16xf32>,
    tpu.vector_store %arg12[%swap3A_107], %broadcast_in_dim3A_1 {strides = array<i32>} : memref<10000xf32, #tpu.memory_space<vmem>>, vector<16xf32>,
    %scan3A_109 = arith.constant 625 : i32
    %scan3A_110 = arith.constant 0 : i32
    %scan3A_111 = arith.constant 624 : i32
    %scan3A_112 = arith.addi %scan3A_110, %scan3A_111 : i32
    %scan3A_113 = arith.constant 8 : i32
    scf.for %scan3A_277 = %scan3A_110 to %scan3A_112 step %scan3A_113  : i32 {
      %mul3A_278 = arith.constant 1 : i32
      %mul3A_279 = arith.muli %scan3A_277, %mul3A_278 : i32
      %add3A_280 = arith.constant 0 : i32
      %add3A_281 = arith.addi %add3A_280, %mul3A_279 : i32
      %mul3A_282 = arith.constant 16 : i32
      %mul3A_283 = arith.muli %add3A_281, %mul3A_282 : i32
      %swap3A_284 = arith.index_cast %mul3A_283 : i32 to index
      %swap3A_285 = tpu.vector_load %arg13[%swap3A_284] {strides = array<i32>} : memref<10000xf32, #tpu.memory_space<vmem>>, vector<16xf32>,
      tpu.vector_store %arg13[%swap3A_284], %broadcast_in_dim3A_1 {strides = array<i32>} : memref<10000xf32, #tpu.memory_space<vmem>>, vector<16xf32>,
      %scan3A_286 = arith.constant 1 : i32
      %scan3A_287 = arith.addi %scan3A_277, %scan3A_286 : i32
      %mul3A_288 = arith.constant 1 : i32
      %mul3A_289 = arith.muli %scan3A_287, %mul3A_288 : i32
      %add3A_290 = arith.constant 0 : i32
      %add3A_291 = arith.addi %add3A_290, %mul3A_289 : i32
      %mul3A_292 = arith.constant 16 : i32
      %mul3A_293 = arith.muli %add3A_291, %mul3A_292 : i32
      %swap3A_294 = arith.index_cast %mul3A_293 : i32 to index
      %swap3A_295 = tpu.vector_load %arg13[%swap3A_294] {strides = array<i32>} : memref<10000xf32, #tpu.memory_space<vmem>>, vector<16xf32>,
      tpu.vector_store %arg13[%swap3A_294], %broadcast_in_dim3A_1 {strides = array<i32>} : memref<10000xf32, #tpu.memory_space<vmem>>, vector<16xf32>,
      %scan3A_296 = arith.constant 2 : i32
      %scan3A_297 = arith.addi %scan3A_277, %scan3A_296 : i32
      %mul3A_298 = arith.constant 1 : i32
      %mul3A_299 = arith.muli %scan3A_297, %mul3A_298 : i32
      %add3A_300 = arith.constant 0 : i32
      %add3A_301 = arith.addi %add3A_300, %mul3A_299 : i32
      %mul3A_302 = arith.constant 16 : i32
      %mul3A_303 = arith.muli %add3A_301, %mul3A_302 : i32
      %swap3A_304 = arith.index_cast %mul3A_303 : i32 to index
      %swap3A_305 = tpu.vector_load %arg13[%swap3A_304] {strides = array<i32>} : memref<10000xf32, #tpu.memory_space<vmem>>, vector<16xf32>,
      tpu.vector_store %arg13[%swap3A_304], %broadcast_in_dim3A_1 {strides = array<i32>} : memref<10000xf32, #tpu.memory_space<vmem>>, vector<16xf32>,
      %scan3A_306 = arith.constant 3 : i32
      %scan3A_307 = arith.addi %scan3A_277, %scan3A_306 : i32
      %mul3A_308 = arith.constant 1 : i32
      %mul3A_309 = arith.muli %scan3A_307, %mul3A_308 : i32
      %add3A_310 = arith.constant 0 : i32
      %add3A_311 = arith.addi %add3A_310, %mul3A_309 : i32
      %mul3A_312 = arith.constant 16 : i32
      %mul3A_313 = arith.muli %add3A_311, %mul3A_312 : i32
      %swap3A_314 = arith.index_cast %mul3A_313 : i32 to index
      %swap3A_315 = tpu.vector_load %arg13[%swap3A_314] {strides = array<i32>} : memref<10000xf32, #tpu.memory_space<vmem>>, vector<16xf32>,
      tpu.vector_store %arg13[%swap3A_314], %broadcast_in_dim3A_1 {strides = array<i32>} : memref<10000xf32, #tpu.memory_space<vmem>>, vector<16xf32>,
      %scan3A_316 = arith.constant 4 : i32
      %scan3A_317 = arith.addi %scan3A_277, %scan3A_316 : i32
      %mul3A_318 = arith.constant 1 : i32
      %mul3A_319 = arith.muli %scan3A_317, %mul3A_318 : i32
      %add3A_320 = arith.constant 0 : i32
      %add3A_321 = arith.addi %add3A_320, %mul3A_319 : i32
      %mul3A_322 = arith.constant 16 : i32
      %mul3A_323 = arith.muli %add3A_321, %mul3A_322 : i32
      %swap3A_324 = arith.index_cast %mul3A_323 : i32 to index
      %swap3A_325 = tpu.vector_load %arg13[%swap3A_324] {strides = array<i32>} : memref<10000xf32, #tpu.memory_space<vmem>>, vector<16xf32>,
      tpu.vector_store %arg13[%swap3A_324], %broadcast_in_dim3A_1 {strides = array<i32>} : memref<10000xf32, #tpu.memory_space<vmem>>, vector<16xf32>,
      %scan3A_326 = arith.constant 5 : i32
      %scan3A_327 = arith.addi %scan3A_277, %scan3A_326 : i32
      %mul3A_328 = arith.constant 1 : i32
      %mul3A_329 = arith.muli %scan3A_327, %mul3A_328 : i32
      %add3A_330 = arith.constant 0 : i32
      %add3A_331 = arith.addi %add3A_330, %mul3A_329 : i32
      %mul3A_332 = arith.constant 16 : i32
      %mul3A_333 = arith.muli %add3A_331, %mul3A_332 : i32
      %swap3A_334 = arith.index_cast %mul3A_333 : i32 to index
      %swap3A_335 = tpu.vector_load %arg13[%swap3A_334] {strides = array<i32>} : memref<10000xf32, #tpu.memory_space<vmem>>, vector<16xf32>,
      tpu.vector_store %arg13[%swap3A_334], %broadcast_in_dim3A_1 {strides = array<i32>} : memref<10000xf32, #tpu.memory_space<vmem>>, vector<16xf32>,
      %scan3A_336 = arith.constant 6 : i32
      %scan3A_337 = arith.addi %scan3A_277, %scan3A_336 : i32
      %mul3A_338 = arith.constant 1 : i32
      %mul3A_339 = arith.muli %scan3A_337, %mul3A_338 : i32
      %add3A_340 = arith.constant 0 : i32
      %add3A_341 = arith.addi %add3A_340, %mul3A_339 : i32
      %mul3A_342 = arith.constant 16 : i32
      %mul3A_343 = arith.muli %add3A_341, %mul3A_342 : i32
      %swap3A_344 = arith.index_cast %mul3A_343 : i32 to index
      %swap3A_345 = tpu.vector_load %arg13[%swap3A_344] {strides = array<i32>} : memref<10000xf32, #tpu.memory_space<vmem>>, vector<16xf32>,
      tpu.vector_store %arg13[%swap3A_344], %broadcast_in_dim3A_1 {strides = array<i32>} : memref<10000xf32, #tpu.memory_space<vmem>>, vector<16xf32>,
      %scan3A_346 = arith.constant 7 : i32
      %scan3A_347 = arith.addi %scan3A_277, %scan3A_346 : i32
      %mul3A_348 = arith.constant 1 : i32
      %mul3A_349 = arith.muli %scan3A_347, %mul3A_348 : i32
      %add3A_350 = arith.constant 0 : i32
      %add3A_351 = arith.addi %add3A_350, %mul3A_349 : i32
      %mul3A_352 = arith.constant 16 : i32
      %mul3A_353 = arith.muli %add3A_351, %mul3A_352 : i32
      %swap3A_354 = arith.index_cast %mul3A_353 : i32 to index
      %swap3A_355 = tpu.vector_load %arg13[%swap3A_354] {strides = array<i32>} : memref<10000xf32, #tpu.memory_space<vmem>>, vector<16xf32>,
      tpu.vector_store %arg13[%swap3A_354], %broadcast_in_dim3A_1 {strides = array<i32>} : memref<10000xf32, #tpu.memory_space<vmem>>, vector<16xf32>,
    }
    %scan3A_114 = arith.constant 624 : i32
    %scan3A_115 = arith.addi %scan3A_110, %scan3A_114 : i32
    %mul3A_116 = arith.constant 1 : i32
    %mul3A_117 = arith.muli %scan3A_115, %mul3A_116 : i32
    %add3A_118 = arith.constant 0 : i32
    %add3A_119 = arith.addi %add3A_118, %mul3A_117 : i32
    %mul3A_120 = arith.constant 16 : i32
    %mul3A_121 = arith.muli %add3A_119, %mul3A_120 : i32
    %swap3A_122 = arith.index_cast %mul3A_121 : i32 to index
    %swap3A_123 = tpu.vector_load %arg13[%swap3A_122] {strides = array<i32>} : memref<10000xf32, #tpu.memory_space<vmem>>, vector<16xf32>,
    tpu.vector_store %arg13[%swap3A_122], %broadcast_in_dim3A_1 {strides = array<i32>} : memref<10000xf32, #tpu.memory_space<vmem>>, vector<16xf32>,
    %scan3A_124 = arith.constant 625 : i32
    %scan3A_125 = arith.constant 0 : i32
    %scan3A_126 = arith.constant 624 : i32
    %scan3A_127 = arith.addi %scan3A_125, %scan3A_126 : i32
    %scan3A_128 = arith.constant 8 : i32
    scf.for %scan3A_277 = %scan3A_125 to %scan3A_127 step %scan3A_128  : i32 {
      %mul3A_278 = arith.constant 1 : i32
      %mul3A_279 = arith.muli %scan3A_277, %mul3A_278 : i32
      %add3A_280 = arith.constant 0 : i32
      %add3A_281 = arith.addi %add3A_280, %mul3A_279 : i32
      %mul3A_282 = arith.constant 16 : i32
      %mul3A_283 = arith.muli %add3A_281, %mul3A_282 : i32
      %swap3A_284 = arith.index_cast %mul3A_283 : i32 to index
      %swap3A_285 = tpu.vector_load %arg14[%swap3A_284] {strides = array<i32>} : memref<10000xf32, #tpu.memory_space<vmem>>, vector<16xf32>,
      tpu.vector_store %arg14[%swap3A_284], %broadcast_in_dim3A_1 {strides = array<i32>} : memref<10000xf32, #tpu.memory_space<vmem>>, vector<16xf32>,
      %scan3A_286 = arith.constant 1 : i32
      %scan3A_287 = arith.addi %scan3A_277, %scan3A_286 : i32
      %mul3A_288 = arith.constant 1 : i32
      %mul3A_289 = arith.muli %scan3A_287, %mul3A_288 : i32
      %add3A_290 = arith.constant 0 : i32
      %add3A_291 = arith.addi %add3A_290, %mul3A_289 : i32
      %mul3A_292 = arith.constant 16 : i32
      %mul3A_293 = arith.muli %add3A_291, %mul3A_292 : i32
      %swap3A_294 = arith.index_cast %mul3A_293 : i32 to index
      %swap3A_295 = tpu.vector_load %arg14[%swap3A_294] {strides = array<i32>} : memref<10000xf32, #tpu.memory_space<vmem>>, vector<16xf32>,
      tpu.vector_store %arg14[%swap3A_294], %broadcast_in_dim3A_1 {strides = array<i32>} : memref<10000xf32, #tpu.memory_space<vmem>>, vector<16xf32>,
      %scan3A_296 = arith.constant 2 : i32
      %scan3A_297 = arith.addi %scan3A_277, %scan3A_296 : i32
      %mul3A_298 = arith.constant 1 : i32
      %mul3A_299 = arith.muli %scan3A_297, %mul3A_298 : i32
      %add3A_300 = arith.constant 0 : i32
      %add3A_301 = arith.addi %add3A_300, %mul3A_299 : i32
      %mul3A_302 = arith.constant 16 : i32
      %mul3A_303 = arith.muli %add3A_301, %mul3A_302 : i32
      %swap3A_304 = arith.index_cast %mul3A_303 : i32 to index
      %swap3A_305 = tpu.vector_load %arg14[%swap3A_304] {strides = array<i32>} : memref<10000xf32, #tpu.memory_space<vmem>>, vector<16xf32>,
      tpu.vector_store %arg14[%swap3A_304], %broadcast_in_dim3A_1 {strides = array<i32>} : memref<10000xf32, #tpu.memory_space<vmem>>, vector<16xf32>,
      %scan3A_306 = arith.constant 3 : i32
      %scan3A_307 = arith.addi %scan3A_277, %scan3A_306 : i32
      %mul3A_308 = arith.constant 1 : i32
      %mul3A_309 = arith.muli %scan3A_307, %mul3A_308 : i32
      %add3A_310 = arith.constant 0 : i32
      %add3A_311 = arith.addi %add3A_310, %mul3A_309 : i32
      %mul3A_312 = arith.constant 16 : i32
      %mul3A_313 = arith.muli %add3A_311, %mul3A_312 : i32
      %swap3A_314 = arith.index_cast %mul3A_313 : i32 to index
      %swap3A_315 = tpu.vector_load %arg14[%swap3A_314] {strides = array<i32>} : memref<10000xf32, #tpu.memory_space<vmem>>, vector<16xf32>,
      tpu.vector_store %arg14[%swap3A_314], %broadcast_in_dim3A_1 {strides = array<i32>} : memref<10000xf32, #tpu.memory_space<vmem>>, vector<16xf32>,
      %scan3A_316 = arith.constant 4 : i32
      %scan3A_317 = arith.addi %scan3A_277, %scan3A_316 : i32
      %mul3A_318 = arith.constant 1 : i32
      %mul3A_319 = arith.muli %scan3A_317, %mul3A_318 : i32
      %add3A_320 = arith.constant 0 : i32
      %add3A_321 = arith.addi %add3A_320, %mul3A_319 : i32
      %mul3A_322 = arith.constant 16 : i32
      %mul3A_323 = arith.muli %add3A_321, %mul3A_322 : i32
      %swap3A_324 = arith.index_cast %mul3A_323 : i32 to index
      %swap3A_325 = tpu.vector_load %arg14[%swap3A_324] {strides = array<i32>} : memref<10000xf32, #tpu.memory_space<vmem>>, vector<16xf32>,
      tpu.vector_store %arg14[%swap3A_324], %broadcast_in_dim3A_1 {strides = array<i32>} : memref<10000xf32, #tpu.memory_space<vmem>>, vector<16xf32>,
      %scan3A_326 = arith.constant 5 : i32
      %scan3A_327 = arith.addi %scan3A_277, %scan3A_326 : i32
      %mul3A_328 = arith.constant 1 : i32
      %mul3A_329 = arith.muli %scan3A_327, %mul3A_328 : i32
      %add3A_330 = arith.constant 0 : i32
      %add3A_331 = arith.addi %add3A_330, %mul3A_329 : i32
      %mul3A_332 = arith.constant 16 : i32
      %mul3A_333 = arith.muli %add3A_331, %mul3A_332 : i32
      %swap3A_334 = arith.index_cast %mul3A_333 : i32 to index
      %swap3A_335 = tpu.vector_load %arg14[%swap3A_334] {strides = array<i32>} : memref<10000xf32, #tpu.memory_space<vmem>>, vector<16xf32>,
      tpu.vector_store %arg14[%swap3A_334], %broadcast_in_dim3A_1 {strides = array<i32>} : memref<10000xf32, #tpu.memory_space<vmem>>, vector<16xf32>,
      %scan3A_336 = arith.constant 6 : i32
      %scan3A_337 = arith.addi %scan3A_277, %scan3A_336 : i32
      %mul3A_338 = arith.constant 1 : i32
      %mul3A_339 = arith.muli %scan3A_337, %mul3A_338 : i32
      %add3A_340 = arith.constant 0 : i32
      %add3A_341 = arith.addi %add3A_340, %mul3A_339 : i32
      %mul3A_342 = arith.constant 16 : i32
      %mul3A_343 = arith.muli %add3A_341, %mul3A_342 : i32
      %swap3A_344 = arith.index_cast %mul3A_343 : i32 to index
      %swap3A_345 = tpu.vector_load %arg14[%swap3A_344] {strides = array<i32>} : memref<10000xf32, #tpu.memory_space<vmem>>, vector<16xf32>,
      tpu.vector_store %arg14[%swap3A_344], %broadcast_in_dim3A_1 {strides = array<i32>} : memref<10000xf32, #tpu.memory_space<vmem>>, vector<16xf32>,
      %scan3A_346 = arith.constant 7 : i32
      %scan3A_347 = arith.addi %scan3A_277, %scan3A_346 : i32
      %mul3A_348 = arith.constant 1 : i32
      %mul3A_349 = arith.muli %scan3A_347, %mul3A_348 : i32
      %add3A_350 = arith.constant 0 : i32
      %add3A_351 = arith.addi %add3A_350, %mul3A_349 : i32
      %mul3A_352 = arith.constant 16 : i32
      %mul3A_353 = arith.muli %add3A_351, %mul3A_352 : i32
      %swap3A_354 = arith.index_cast %mul3A_353 : i32 to index
      %swap3A_355 = tpu.vector_load %arg14[%swap3A_354] {strides = array<i32>} : memref<10000xf32, #tpu.memory_space<vmem>>, vector<16xf32>,
      tpu.vector_store %arg14[%swap3A_354], %broadcast_in_dim3A_1 {strides = array<i32>} : memref<10000xf32, #tpu.memory_space<vmem>>, vector<16xf32>,
    }
    %scan3A_129 = arith.constant 624 : i32
    %scan3A_130 = arith.addi %scan3A_125, %scan3A_129 : i32
    %mul3A_131 = arith.constant 1 : i32
    %mul3A_132 = arith.muli %scan3A_130, %mul3A_131 : i32
    %add3A_133 = arith.constant 0 : i32
    %add3A_134 = arith.addi %add3A_133, %mul3A_132 : i32
    %mul3A_135 = arith.constant 16 : i32
    %mul3A_136 = arith.muli %add3A_134, %mul3A_135 : i32
    %swap3A_137 = arith.index_cast %mul3A_136 : i32 to index
    %swap3A_138 = tpu.vector_load %arg14[%swap3A_137] {strides = array<i32>} : memref<10000xf32, #tpu.memory_space<vmem>>, vector<16xf32>,
    tpu.vector_store %arg14[%swap3A_137], %broadcast_in_dim3A_1 {strides = array<i32>} : memref<10000xf32, #tpu.memory_space<vmem>>, vector<16xf32>,
    %scan3A_139 = arith.constant 625 : i32
    %scan3A_140 = arith.constant 0 : i32
    %scan3A_141 = arith.constant 624 : i32
    %scan3A_142 = arith.addi %scan3A_140, %scan3A_141 : i32
    %scan3A_143 = arith.constant 8 : i32
    scf.for %scan3A_277 = %scan3A_140 to %scan3A_142 step %scan3A_143  : i32 {
      %mul3A_278 = arith.constant 1 : i32
      %mul3A_279 = arith.muli %scan3A_277, %mul3A_278 : i32
      %add3A_280 = arith.constant 0 : i32
      %add3A_281 = arith.addi %add3A_280, %mul3A_279 : i32
      %mul3A_282 = arith.constant 16 : i32
      %mul3A_283 = arith.muli %add3A_281, %mul3A_282 : i32
      %swap3A_284 = arith.index_cast %mul3A_283 : i32 to index
      %swap3A_285 = tpu.vector_load %arg15[%swap3A_284] {strides = array<i32>} : memref<10000xf32, #tpu.memory_space<vmem>>, vector<16xf32>,
      tpu.vector_store %arg15[%swap3A_284], %broadcast_in_dim3A_1 {strides = array<i32>} : memref<10000xf32, #tpu.memory_space<vmem>>, vector<16xf32>,
      %scan3A_286 = arith.constant 1 : i32
      %scan3A_287 = arith.addi %scan3A_277, %scan3A_286 : i32
      %mul3A_288 = arith.constant 1 : i32
      %mul3A_289 = arith.muli %scan3A_287, %mul3A_288 : i32
      %add3A_290 = arith.constant 0 : i32
      %add3A_291 = arith.addi %add3A_290, %mul3A_289 : i32
      %mul3A_292 = arith.constant 16 : i32
      %mul3A_293 = arith.muli %add3A_291, %mul3A_292 : i32
      %swap3A_294 = arith.index_cast %mul3A_293 : i32 to index
      %swap3A_295 = tpu.vector_load %arg15[%swap3A_294] {strides = array<i32>} : memref<10000xf32, #tpu.memory_space<vmem>>, vector<16xf32>,
      tpu.vector_store %arg15[%swap3A_294], %broadcast_in_dim3A_1 {strides = array<i32>} : memref<10000xf32, #tpu.memory_space<vmem>>, vector<16xf32>,
      %scan3A_296 = arith.constant 2 : i32
      %scan3A_297 = arith.addi %scan3A_277, %scan3A_296 : i32
      %mul3A_298 = arith.constant 1 : i32
      %mul3A_299 = arith.muli %scan3A_297, %mul3A_298 : i32
      %add3A_300 = arith.constant 0 : i32
      %add3A_301 = arith.addi %add3A_300, %mul3A_299 : i32
      %mul3A_302 = arith.constant 16 : i32
      %mul3A_303 = arith.muli %add3A_301, %mul3A_302 : i32
      %swap3A_304 = arith.index_cast %mul3A_303 : i32 to index
      %swap3A_305 = tpu.vector_load %arg15[%swap3A_304] {strides = array<i32>} : memref<10000xf32, #tpu.memory_space<vmem>>, vector<16xf32>,
      tpu.vector_store %arg15[%swap3A_304], %broadcast_in_dim3A_1 {strides = array<i32>} : memref<10000xf32, #tpu.memory_space<vmem>>, vector<16xf32>,
      %scan3A_306 = arith.constant 3 : i32
      %scan3A_307 = arith.addi %scan3A_277, %scan3A_306 : i32
      %mul3A_308 = arith.constant 1 : i32
      %mul3A_309 = arith.muli %scan3A_307, %mul3A_308 : i32
      %add3A_310 = arith.constant 0 : i32
      %add3A_311 = arith.addi %add3A_310, %mul3A_309 : i32
      %mul3A_312 = arith.constant 16 : i32
      %mul3A_313 = arith.muli %add3A_311, %mul3A_312 : i32
      %swap3A_314 = arith.index_cast %mul3A_313 : i32 to index
      %swap3A_315 = tpu.vector_load %arg15[%swap3A_314] {strides = array<i32>} : memref<10000xf32, #tpu.memory_space<vmem>>, vector<16xf32>,
      tpu.vector_store %arg15[%swap3A_314], %broadcast_in_dim3A_1 {strides = array<i32>} : memref<10000xf32, #tpu.memory_space<vmem>>, vector<16xf32>,
      %scan3A_316 = arith.constant 4 : i32
      %scan3A_317 = arith.addi %scan3A_277, %scan3A_316 : i32
      %mul3A_318 = arith.constant 1 : i32
      %mul3A_319 = arith.muli %scan3A_317, %mul3A_318 : i32
      %add3A_320 = arith.constant 0 : i32
      %add3A_321 = arith.addi %add3A_320, %mul3A_319 : i32
      %mul3A_322 = arith.constant 16 : i32
      %mul3A_323 = arith.muli %add3A_321, %mul3A_322 : i32
      %swap3A_324 = arith.index_cast %mul3A_323 : i32 to index
      %swap3A_325 = tpu.vector_load %arg15[%swap3A_324] {strides = array<i32>} : memref<10000xf32, #tpu.memory_space<vmem>>, vector<16xf32>,
      tpu.vector_store %arg15[%swap3A_324], %broadcast_in_dim3A_1 {strides = array<i32>} : memref<10000xf32, #tpu.memory_space<vmem>>, vector<16xf32>,
      %scan3A_326 = arith.constant 5 : i32
      %scan3A_327 = arith.addi %scan3A_277, %scan3A_326 : i32
      %mul3A_328 = arith.constant 1 : i32
      %mul3A_329 = arith.muli %scan3A_327, %mul3A_328 : i32
      %add3A_330 = arith.constant 0 : i32
      %add3A_331 = arith.addi %add3A_330, %mul3A_329 : i32
      %mul3A_332 = arith.constant 16 : i32
      %mul3A_333 = arith.muli %add3A_331, %mul3A_332 : i32
      %swap3A_334 = arith.index_cast %mul3A_333 : i32 to index
      %swap3A_335 = tpu.vector_load %arg15[%swap3A_334] {strides = array<i32>} : memref<10000xf32, #tpu.memory_space<vmem>>, vector<16xf32>,
      tpu.vector_store %arg15[%swap3A_334], %broadcast_in_dim3A_1 {strides = array<i32>} : memref<10000xf32, #tpu.memory_space<vmem>>, vector<16xf32>,
      %scan3A_336 = arith.constant 6 : i32
      %scan3A_337 = arith.addi %scan3A_277, %scan3A_336 : i32
      %mul3A_338 = arith.constant 1 : i32
      %mul3A_339 = arith.muli %scan3A_337, %mul3A_338 : i32
      %add3A_340 = arith.constant 0 : i32
      %add3A_341 = arith.addi %add3A_340, %mul3A_339 : i32
      %mul3A_342 = arith.constant 16 : i32
      %mul3A_343 = arith.muli %add3A_341, %mul3A_342 : i32
      %swap3A_344 = arith.index_cast %mul3A_343 : i32 to index
      %swap3A_345 = tpu.vector_load %arg15[%swap3A_344] {strides = array<i32>} : memref<10000xf32, #tpu.memory_space<vmem>>, vector<16xf32>,
      tpu.vector_store %arg15[%swap3A_344], %broadcast_in_dim3A_1 {strides = array<i32>} : memref<10000xf32, #tpu.memory_space<vmem>>, vector<16xf32>,
      %scan3A_346 = arith.constant 7 : i32
      %scan3A_347 = arith.addi %scan3A_277, %scan3A_346 : i32
      %mul3A_348 = arith.constant 1 : i32
      %mul3A_349 = arith.muli %scan3A_347, %mul3A_348 : i32
      %add3A_350 = arith.constant 0 : i32
      %add3A_351 = arith.addi %add3A_350, %mul3A_349 : i32
      %mul3A_352 = arith.constant 16 : i32
      %mul3A_353 = arith.muli %add3A_351, %mul3A_352 : i32
      %swap3A_354 = arith.index_cast %mul3A_353 : i32 to index
      %swap3A_355 = tpu.vector_load %arg15[%swap3A_354] {strides = array<i32>} : memref<10000xf32, #tpu.memory_space<vmem>>, vector<16xf32>,
      tpu.vector_store %arg15[%swap3A_354], %broadcast_in_dim3A_1 {strides = array<i32>} : memref<10000xf32, #tpu.memory_space<vmem>>, vector<16xf32>,
    }
    %scan3A_144 = arith.constant 624 : i32
    %scan3A_145 = arith.addi %scan3A_140, %scan3A_144 : i32
    %mul3A_146 = arith.constant 1 : i32
    %mul3A_147 = arith.muli %scan3A_145, %mul3A_146 : i32
    %add3A_148 = arith.constant 0 : i32
    %add3A_149 = arith.addi %add3A_148, %mul3A_147 : i32
    %mul3A_150 = arith.constant 16 : i32
    %mul3A_151 = arith.muli %add3A_149, %mul3A_150 : i32
    %swap3A_152 = arith.index_cast %mul3A_151 : i32 to index
    %swap3A_153 = tpu.vector_load %arg15[%swap3A_152] {strides = array<i32>} : memref<10000xf32, #tpu.memory_space<vmem>>, vector<16xf32>,
    tpu.vector_store %arg15[%swap3A_152], %broadcast_in_dim3A_1 {strides = array<i32>} : memref<10000xf32, #tpu.memory_space<vmem>>, vector<16xf32>,
    %scan3A_154 = arith.constant 625 : i32
    %scan3A_155 = arith.constant 0 : i32
    %scan3A_156 = arith.constant 624 : i32
    %scan3A_157 = arith.addi %scan3A_155, %scan3A_156 : i32
    %scan3A_158 = arith.constant 8 : i32
    scf.for %scan3A_277 = %scan3A_155 to %scan3A_157 step %scan3A_158  : i32 {
      %mul3A_278 = arith.constant 1 : i32
      %mul3A_279 = arith.muli %scan3A_277, %mul3A_278 : i32
      %add3A_280 = arith.constant 0 : i32
      %add3A_281 = arith.addi %add3A_280, %mul3A_279 : i32
      %mul3A_282 = arith.constant 16 : i32
      %mul3A_283 = arith.muli %add3A_281, %mul3A_282 : i32
      %swap3A_284 = arith.index_cast %mul3A_283 : i32 to index
      %swap3A_285 = tpu.vector_load %arg16[%swap3A_284] {strides = array<i32>} : memref<10000xf32, #tpu.memory_space<vmem>>, vector<16xf32>,
      tpu.vector_store %arg16[%swap3A_284], %broadcast_in_dim3A_1 {strides = array<i32>} : memref<10000xf32, #tpu.memory_space<vmem>>, vector<16xf32>,
      %scan3A_286 = arith.constant 1 : i32
      %scan3A_287 = arith.addi %scan3A_277, %scan3A_286 : i32
      %mul3A_288 = arith.constant 1 : i32
      %mul3A_289 = arith.muli %scan3A_287, %mul3A_288 : i32
      %add3A_290 = arith.constant 0 : i32
      %add3A_291 = arith.addi %add3A_290, %mul3A_289 : i32
      %mul3A_292 = arith.constant 16 : i32
      %mul3A_293 = arith.muli %add3A_291, %mul3A_292 : i32
      %swap3A_294 = arith.index_cast %mul3A_293 : i32 to index
      %swap3A_295 = tpu.vector_load %arg16[%swap3A_294] {strides = array<i32>} : memref<10000xf32, #tpu.memory_space<vmem>>, vector<16xf32>,
      tpu.vector_store %arg16[%swap3A_294], %broadcast_in_dim3A_1 {strides = array<i32>} : memref<10000xf32, #tpu.memory_space<vmem>>, vector<16xf32>,
      %scan3A_296 = arith.constant 2 : i32
      %scan3A_297 = arith.addi %scan3A_277, %scan3A_296 : i32
      %mul3A_298 = arith.constant 1 : i32
      %mul3A_299 = arith.muli %scan3A_297, %mul3A_298 : i32
      %add3A_300 = arith.constant 0 : i32
      %add3A_301 = arith.addi %add3A_300, %mul3A_299 : i32
      %mul3A_302 = arith.constant 16 : i32
      %mul3A_303 = arith.muli %add3A_301, %mul3A_302 : i32
      %swap3A_304 = arith.index_cast %mul3A_303 : i32 to index
      %swap3A_305 = tpu.vector_load %arg16[%swap3A_304] {strides = array<i32>} : memref<10000xf32, #tpu.memory_space<vmem>>, vector<16xf32>,
      tpu.vector_store %arg16[%swap3A_304], %broadcast_in_dim3A_1 {strides = array<i32>} : memref<10000xf32, #tpu.memory_space<vmem>>, vector<16xf32>,
      %scan3A_306 = arith.constant 3 : i32
      %scan3A_307 = arith.addi %scan3A_277, %scan3A_306 : i32
      %mul3A_308 = arith.constant 1 : i32
      %mul3A_309 = arith.muli %scan3A_307, %mul3A_308 : i32
      %add3A_310 = arith.constant 0 : i32
      %add3A_311 = arith.addi %add3A_310, %mul3A_309 : i32
      %mul3A_312 = arith.constant 16 : i32
      %mul3A_313 = arith.muli %add3A_311, %mul3A_312 : i32
      %swap3A_314 = arith.index_cast %mul3A_313 : i32 to index
      %swap3A_315 = tpu.vector_load %arg16[%swap3A_314] {strides = array<i32>} : memref<10000xf32, #tpu.memory_space<vmem>>, vector<16xf32>,
      tpu.vector_store %arg16[%swap3A_314], %broadcast_in_dim3A_1 {strides = array<i32>} : memref<10000xf32, #tpu.memory_space<vmem>>, vector<16xf32>,
      %scan3A_316 = arith.constant 4 : i32
      %scan3A_317 = arith.addi %scan3A_277, %scan3A_316 : i32
      %mul3A_318 = arith.constant 1 : i32
      %mul3A_319 = arith.muli %scan3A_317, %mul3A_318 : i32
      %add3A_320 = arith.constant 0 : i32
      %add3A_321 = arith.addi %add3A_320, %mul3A_319 : i32
      %mul3A_322 = arith.constant 16 : i32
      %mul3A_323 = arith.muli %add3A_321, %mul3A_322 : i32
      %swap3A_324 = arith.index_cast %mul3A_323 : i32 to index
      %swap3A_325 = tpu.vector_load %arg16[%swap3A_324] {strides = array<i32>} : memref<10000xf32, #tpu.memory_space<vmem>>, vector<16xf32>,
      tpu.vector_store %arg16[%swap3A_324], %broadcast_in_dim3A_1 {strides = array<i32>} : memref<10000xf32, #tpu.memory_space<vmem>>, vector<16xf32>,
      %scan3A_326 = arith.constant 5 : i32
      %scan3A_327 = arith.addi %scan3A_277, %scan3A_326 : i32
      %mul3A_328 = arith.constant 1 : i32
      %mul3A_329 = arith.muli %scan3A_327, %mul3A_328 : i32
      %add3A_330 = arith.constant 0 : i32
      %add3A_331 = arith.addi %add3A_330, %mul3A_329 : i32
      %mul3A_332 = arith.constant 16 : i32
      %mul3A_333 = arith.muli %add3A_331, %mul3A_332 : i32
      %swap3A_334 = arith.index_cast %mul3A_333 : i32 to index
      %swap3A_335 = tpu.vector_load %arg16[%swap3A_334] {strides = array<i32>} : memref<10000xf32, #tpu.memory_space<vmem>>, vector<16xf32>,
      tpu.vector_store %arg16[%swap3A_334], %broadcast_in_dim3A_1 {strides = array<i32>} : memref<10000xf32, #tpu.memory_space<vmem>>, vector<16xf32>,
      %scan3A_336 = arith.constant 6 : i32
      %scan3A_337 = arith.addi %scan3A_277, %scan3A_336 : i32
      %mul3A_338 = arith.constant 1 : i32
      %mul3A_339 = arith.muli %scan3A_337, %mul3A_338 : i32
      %add3A_340 = arith.constant 0 : i32
      %add3A_341 = arith.addi %add3A_340, %mul3A_339 : i32
      %mul3A_342 = arith.constant 16 : i32
      %mul3A_343 = arith.muli %add3A_341, %mul3A_342 : i32
      %swap3A_344 = arith.index_cast %mul3A_343 : i32 to index
      %swap3A_345 = tpu.vector_load %arg16[%swap3A_344] {strides = array<i32>} : memref<10000xf32, #tpu.memory_space<vmem>>, vector<16xf32>,
      tpu.vector_store %arg16[%swap3A_344], %broadcast_in_dim3A_1 {strides = array<i32>} : memref<10000xf32, #tpu.memory_space<vmem>>, vector<16xf32>,
      %scan3A_346 = arith.constant 7 : i32
      %scan3A_347 = arith.addi %scan3A_277, %scan3A_346 : i32
      %mul3A_348 = arith.constant 1 : i32
      %mul3A_349 = arith.muli %scan3A_347, %mul3A_348 : i32
      %add3A_350 = arith.constant 0 : i32
      %add3A_351 = arith.addi %add3A_350, %mul3A_349 : i32
      %mul3A_352 = arith.constant 16 : i32
      %mul3A_353 = arith.muli %add3A_351, %mul3A_352 : i32
      %swap3A_354 = arith.index_cast %mul3A_353 : i32 to index
      %swap3A_355 = tpu.vector_load %arg16[%swap3A_354] {strides = array<i32>} : memref<10000xf32, #tpu.memory_space<vmem>>, vector<16xf32>,
      tpu.vector_store %arg16[%swap3A_354], %broadcast_in_dim3A_1 {strides = array<i32>} : memref<10000xf32, #tpu.memory_space<vmem>>, vector<16xf32>,
    }
    %scan3A_159 = arith.constant 624 : i32
    %scan3A_160 = arith.addi %scan3A_155, %scan3A_159 : i32
    %mul3A_161 = arith.constant 1 : i32
    %mul3A_162 = arith.muli %scan3A_160, %mul3A_161 : i32
    %add3A_163 = arith.constant 0 : i32
    %add3A_164 = arith.addi %add3A_163, %mul3A_162 : i32
    %mul3A_165 = arith.constant 16 : i32
    %mul3A_166 = arith.muli %add3A_164, %mul3A_165 : i32
    %swap3A_167 = arith.index_cast %mul3A_166 : i32 to index
    %swap3A_168 = tpu.vector_load %arg16[%swap3A_167] {strides = array<i32>} : memref<10000xf32, #tpu.memory_space<vmem>>, vector<16xf32>,
    tpu.vector_store %arg16[%swap3A_167], %broadcast_in_dim3A_1 {strides = array<i32>} : memref<10000xf32, #tpu.memory_space<vmem>>, vector<16xf32>,
    %scan3A_169 = arith.constant 625 : i32
    %scan3A_170 = arith.constant 0 : i32
    %scan3A_171 = arith.constant 624 : i32
    %scan3A_172 = arith.addi %scan3A_170, %scan3A_171 : i32
    %scan3A_173 = arith.constant 8 : i32
    scf.for %scan3A_277 = %scan3A_170 to %scan3A_172 step %scan3A_173  : i32 {
      %mul3A_278 = arith.constant 1 : i32
      %mul3A_279 = arith.muli %scan3A_277, %mul3A_278 : i32
      %add3A_280 = arith.constant 0 : i32
      %add3A_281 = arith.addi %add3A_280, %mul3A_279 : i32
      %mul3A_282 = arith.constant 16 : i32
      %mul3A_283 = arith.muli %add3A_281, %mul3A_282 : i32
      %swap3A_284 = arith.index_cast %mul3A_283 : i32 to index
      %swap3A_285 = tpu.vector_load %arg17[%swap3A_284] {strides = array<i32>} : memref<10000xf32, #tpu.memory_space<vmem>>, vector<16xf32>,
      tpu.vector_store %arg17[%swap3A_284], %broadcast_in_dim3A_1 {strides = array<i32>} : memref<10000xf32, #tpu.memory_space<vmem>>, vector<16xf32>,
      %scan3A_286 = arith.constant 1 : i32
      %scan3A_287 = arith.addi %scan3A_277, %scan3A_286 : i32
      %mul3A_288 = arith.constant 1 : i32
      %mul3A_289 = arith.muli %scan3A_287, %mul3A_288 : i32
      %add3A_290 = arith.constant 0 : i32
      %add3A_291 = arith.addi %add3A_290, %mul3A_289 : i32
      %mul3A_292 = arith.constant 16 : i32
      %mul3A_293 = arith.muli %add3A_291, %mul3A_292 : i32
      %swap3A_294 = arith.index_cast %mul3A_293 : i32 to index
      %swap3A_295 = tpu.vector_load %arg17[%swap3A_294] {strides = array<i32>} : memref<10000xf32, #tpu.memory_space<vmem>>, vector<16xf32>,
      tpu.vector_store %arg17[%swap3A_294], %broadcast_in_dim3A_1 {strides = array<i32>} : memref<10000xf32, #tpu.memory_space<vmem>>, vector<16xf32>,
      %scan3A_296 = arith.constant 2 : i32
      %scan3A_297 = arith.addi %scan3A_277, %scan3A_296 : i32
      %mul3A_298 = arith.constant 1 : i32
      %mul3A_299 = arith.muli %scan3A_297, %mul3A_298 : i32
      %add3A_300 = arith.constant 0 : i32
      %add3A_301 = arith.addi %add3A_300, %mul3A_299 : i32
      %mul3A_302 = arith.constant 16 : i32
      %mul3A_303 = arith.muli %add3A_301, %mul3A_302 : i32
      %swap3A_304 = arith.index_cast %mul3A_303 : i32 to index
      %swap3A_305 = tpu.vector_load %arg17[%swap3A_304] {strides = array<i32>} : memref<10000xf32, #tpu.memory_space<vmem>>, vector<16xf32>,
      tpu.vector_store %arg17[%swap3A_304], %broadcast_in_dim3A_1 {strides = array<i32>} : memref<10000xf32, #tpu.memory_space<vmem>>, vector<16xf32>,
      %scan3A_306 = arith.constant 3 : i32
      %scan3A_307 = arith.addi %scan3A_277, %scan3A_306 : i32
      %mul3A_308 = arith.constant 1 : i32
      %mul3A_309 = arith.muli %scan3A_307, %mul3A_308 : i32
      %add3A_310 = arith.constant 0 : i32
      %add3A_311 = arith.addi %add3A_310, %mul3A_309 : i32
      %mul3A_312 = arith.constant 16 : i32
      %mul3A_313 = arith.muli %add3A_311, %mul3A_312 : i32
      %swap3A_314 = arith.index_cast %mul3A_313 : i32 to index
      %swap3A_315 = tpu.vector_load %arg17[%swap3A_314] {strides = array<i32>} : memref<10000xf32, #tpu.memory_space<vmem>>, vector<16xf32>,
      tpu.vector_store %arg17[%swap3A_314], %broadcast_in_dim3A_1 {strides = array<i32>} : memref<10000xf32, #tpu.memory_space<vmem>>, vector<16xf32>,
      %scan3A_316 = arith.constant 4 : i32
      %scan3A_317 = arith.addi %scan3A_277, %scan3A_316 : i32
      %mul3A_318 = arith.constant 1 : i32
      %mul3A_319 = arith.muli %scan3A_317, %mul3A_318 : i32
      %add3A_320 = arith.constant 0 : i32
      %add3A_321 = arith.addi %add3A_320, %mul3A_319 : i32
      %mul3A_322 = arith.constant 16 : i32
      %mul3A_323 = arith.muli %add3A_321, %mul3A_322 : i32
      %swap3A_324 = arith.index_cast %mul3A_323 : i32 to index
      %swap3A_325 = tpu.vector_load %arg17[%swap3A_324] {strides = array<i32>} : memref<10000xf32, #tpu.memory_space<vmem>>, vector<16xf32>,
      tpu.vector_store %arg17[%swap3A_324], %broadcast_in_dim3A_1 {strides = array<i32>} : memref<10000xf32, #tpu.memory_space<vmem>>, vector<16xf32>,
      %scan3A_326 = arith.constant 5 : i32
      %scan3A_327 = arith.addi %scan3A_277, %scan3A_326 : i32
      %mul3A_328 = arith.constant 1 : i32
      %mul3A_329 = arith.muli %scan3A_327, %mul3A_328 : i32
      %add3A_330 = arith.constant 0 : i32
      %add3A_331 = arith.addi %add3A_330, %mul3A_329 : i32
      %mul3A_332 = arith.constant 16 : i32
      %mul3A_333 = arith.muli %add3A_331, %mul3A_332 : i32
      %swap3A_334 = arith.index_cast %mul3A_333 : i32 to index
      %swap3A_335 = tpu.vector_load %arg17[%swap3A_334] {strides = array<i32>} : memref<10000xf32, #tpu.memory_space<vmem>>, vector<16xf32>,
      tpu.vector_store %arg17[%swap3A_334], %broadcast_in_dim3A_1 {strides = array<i32>} : memref<10000xf32, #tpu.memory_space<vmem>>, vector<16xf32>,
      %scan3A_336 = arith.constant 6 : i32
      %scan3A_337 = arith.addi %scan3A_277, %scan3A_336 : i32
      %mul3A_338 = arith.constant 1 : i32
      %mul3A_339 = arith.muli %scan3A_337, %mul3A_338 : i32
      %add3A_340 = arith.constant 0 : i32
      %add3A_341 = arith.addi %add3A_340, %mul3A_339 : i32
      %mul3A_342 = arith.constant 16 : i32
      %mul3A_343 = arith.muli %add3A_341, %mul3A_342 : i32
      %swap3A_344 = arith.index_cast %mul3A_343 : i32 to index
      %swap3A_345 = tpu.vector_load %arg17[%swap3A_344] {strides = array<i32>} : memref<10000xf32, #tpu.memory_space<vmem>>, vector<16xf32>,
      tpu.vector_store %arg17[%swap3A_344], %broadcast_in_dim3A_1 {strides = array<i32>} : memref<10000xf32, #tpu.memory_space<vmem>>, vector<16xf32>,
      %scan3A_346 = arith.constant 7 : i32
      %scan3A_347 = arith.addi %scan3A_277, %scan3A_346 : i32
      %mul3A_348 = arith.constant 1 : i32
      %mul3A_349 = arith.muli %scan3A_347, %mul3A_348 : i32
      %add3A_350 = arith.constant 0 : i32
      %add3A_351 = arith.addi %add3A_350, %mul3A_349 : i32
      %mul3A_352 = arith.constant 16 : i32
      %mul3A_353 = arith.muli %add3A_351, %mul3A_352 : i32
      %swap3A_354 = arith.index_cast %mul3A_353 : i32 to index
      %swap3A_355 = tpu.vector_load %arg17[%swap3A_354] {strides = array<i32>} : memref<10000xf32, #tpu.memory_space<vmem>>, vector<16xf32>,
      tpu.vector_store %arg17[%swap3A_354], %broadcast_in_dim3A_1 {strides = array<i32>} : memref<10000xf32, #tpu.memory_space<vmem>>, vector<16xf32>,
    }
    %scan3A_174 = arith.constant 624 : i32
    %scan3A_175 = arith.addi %scan3A_170, %scan3A_174 : i32
    %mul3A_176 = arith.constant 1 : i32
    %mul3A_177 = arith.muli %scan3A_175, %mul3A_176 : i32
    %add3A_178 = arith.constant 0 : i32
    %add3A_179 = arith.addi %add3A_178, %mul3A_177 : i32
    %mul3A_180 = arith.constant 16 : i32
    %mul3A_181 = arith.muli %add3A_179, %mul3A_180 : i32
    %swap3A_182 = arith.index_cast %mul3A_181 : i32 to index
    %swap3A_183 = tpu.vector_load %arg17[%swap3A_182] {strides = array<i32>} : memref<10000xf32, #tpu.memory_space<vmem>>, vector<16xf32>,
    tpu.vector_store %arg17[%swap3A_182], %broadcast_in_dim3A_1 {strides = array<i32>} : memref<10000xf32, #tpu.memory_space<vmem>>, vector<16xf32>,
    %scan3A_184 = arith.constant 625 : i32
    %dma_wait3A = arith.constant 0 : i32
    %dma_wait3A_185 = tpu.memref_slice %arg2[%dma_wait3A] : memref<640000xi32, #tpu.memory_space<hbm>> -> memref<10000xi32, #tpu.memory_space<hbm>>
    %dma_wait3A_186 = arith.constant 0 : i32
    %dma_wait3A_187 = tpu.memref_slice %arg2[%dma_wait3A_186] : memref<640000xi32, #tpu.memory_space<hbm>> -> memref<10000xi32, #tpu.memory_space<hbm>>
    tpu.wait_dma2 semaphore(%arg20 : memref<!tpu.dma_semaphore, #tpu.memory_space<semaphore_mem>>) src(%dma_wait3A_187 : memref<10000xi32, #tpu.memory_space<hbm>>) dst(%arg6 : memref<10000xi32, #tpu.memory_space<vmem>>)
    %dma_wait3A_188 = arith.constant 0 : i32
    %dma_wait3A_189 = tpu.memref_slice %arg2[%dma_wait3A_188] : memref<640000xi32, #tpu.memory_space<hbm>> -> memref<10000xi32, #tpu.memory_space<hbm>>
    %dma_wait3A_190 = arith.constant 0 : i32
    %dma_wait3A_191 = tpu.memref_slice %arg2[%dma_wait3A_190] : memref<640000xi32, #tpu.memory_space<hbm>> -> memref<10000xi32, #tpu.memory_space<hbm>>
    tpu.wait_dma2 semaphore(%arg20 : memref<!tpu.dma_semaphore, #tpu.memory_space<semaphore_mem>>) src(%dma_wait3A_191 : memref<10000xi32, #tpu.memory_space<hbm>>) dst(%arg7 : memref<10000xi32, #tpu.memory_space<vmem>>)
    %dma_wait3A_192 = arith.constant 0 : i32
    %dma_wait3A_193 = tpu.memref_slice %arg2[%dma_wait3A_192] : memref<640000xi32, #tpu.memory_space<hbm>> -> memref<10000xi32, #tpu.memory_space<hbm>>
    %dma_wait3A_194 = arith.constant 0 : i32
    %dma_wait3A_195 = tpu.memref_slice %arg2[%dma_wait3A_194] : memref<640000xi32, #tpu.memory_space<hbm>> -> memref<10000xi32, #tpu.memory_space<hbm>>
    tpu.wait_dma2 semaphore(%arg20 : memref<!tpu.dma_semaphore, #tpu.memory_space<semaphore_mem>>) src(%dma_wait3A_195 : memref<10000xi32, #tpu.memory_space<hbm>>) dst(%arg8 : memref<10000xi32, #tpu.memory_space<vmem>>)
    %dma_wait3A_196 = arith.constant 0 : i32
    %dma_wait3A_197 = tpu.memref_slice %arg2[%dma_wait3A_196] : memref<640000xi32, #tpu.memory_space<hbm>> -> memref<10000xi32, #tpu.memory_space<hbm>>
    %dma_wait3A_198 = arith.constant 0 : i32
    %dma_wait3A_199 = tpu.memref_slice %arg2[%dma_wait3A_198] : memref<640000xi32, #tpu.memory_space<hbm>> -> memref<10000xi32, #tpu.memory_space<hbm>>
    tpu.wait_dma2 semaphore(%arg20 : memref<!tpu.dma_semaphore, #tpu.memory_space<semaphore_mem>>) src(%dma_wait3A_199 : memref<10000xi32, #tpu.memory_space<hbm>>) dst(%arg9 : memref<10000xi32, #tpu.memory_space<vmem>>)
    %scan3A_200 = arith.constant 0 : i32
    %scan3A_201 = arith.constant 25 : i32
    %scan3A_202 = arith.addi %scan3A_200, %scan3A_201 : i32
    %scan3A_203 = arith.constant 1 : i32
    scf.for %scan3A_277 = %scan3A_200 to %scan3A_202 step %scan3A_203  : i32 {
      %mul3A_278 = arith.constant 2 : i32
      %mul3A_279 = arith.muli %scan3A_277, %mul3A_278 : i32
      %add3A_280 = arith.constant 0 : i32
      %add3A_281 = arith.addi %add3A_280, %mul3A_279 : i32
      %dma_wait3A_282 = arith.constant 0 : i32
      %dma_wait3A_283 = tpu.memref_slice %arg3[%dma_wait3A_282] : memref<320000xi32, #tpu.memory_space<hbm>> -> memref<3200xi32, #tpu.memory_space<hbm>>
      %dma_wait3A_284 = arith.constant 0 : i32
      %dma_wait3A_285 = tpu.memref_slice %arg3[%dma_wait3A_284] : memref<320000xi32, #tpu.memory_space<hbm>> -> memref<3200xi32, #tpu.memory_space<hbm>>
      tpu.wait_dma2 semaphore(%arg21 : memref<!tpu.dma_semaphore, #tpu.memory_space<semaphore_mem>>) src(%dma_wait3A_285 : memref<3200xi32, #tpu.memory_space<hbm>>) dst(%arg18 : memref<3200xi32, #tpu.memory_space<vmem>>)
      %get3A = arith.constant 0 : index
      %get3A_286 = tpu.vector_load %arg18[%get3A] {strides = array<i32>} : memref<3200xi32, #tpu.memory_space<vmem>>, vector<16xi32>,
      %bitcast3A = vector.bitcast %get3A_286 : vector<16xi32> to vector<32xi16>
      %unpack3A = tpu.unpack_subelements %bitcast3A, 0 {pack_format = #tpu.pack_format<interleaved>} : vector<32xi16> -> vector<16xi32>
      %unpack3A_287 = tpu.unpack_subelements %bitcast3A, 1 {pack_format = #tpu.pack_format<interleaved>} : vector<32xi16> -> vector<16xi32>
      %gather3A = tpu.vector_load_idx %arg6[%unpack3A] : memref<10000xi32, #tpu.memory_space<vmem>>[vector<16xi32>], vector<16xi32>,
      %bitcast3A_288 = vector.bitcast %gather3A : vector<16xi32> to vector<32xbf16>
      %unpack3A_289 = tpu.unpack_subelements %bitcast3A_288, 0 {pack_format = #tpu.pack_format<interleaved>} : vector<32xbf16> -> vector<16xf32>
      %unpack3A_290 = tpu.unpack_subelements %bitcast3A_288, 1 {pack_format = #tpu.pack_format<interleaved>} : vector<32xbf16> -> vector<16xf32>
      %gather3A_291 = tpu.vector_load_idx %arg7[%unpack3A] : memref<10000xi32, #tpu.memory_space<vmem>>[vector<16xi32>], vector<16xi32>,
      %bitcast3A_292 = vector.bitcast %gather3A_291 : vector<16xi32> to vector<32xbf16>
      %unpack3A_293 = tpu.unpack_subelements %bitcast3A_292, 0 {pack_format = #tpu.pack_format<interleaved>} : vector<32xbf16> -> vector<16xf32>
      %unpack3A_294 = tpu.unpack_subelements %bitcast3A_292, 1 {pack_format = #tpu.pack_format<interleaved>} : vector<32xbf16> -> vector<16xf32>
      %gather3A_295 = tpu.vector_load_idx %arg8[%unpack3A] : memref<10000xi32, #tpu.memory_space<vmem>>[vector<16xi32>], vector<16xi32>,
      %bitcast3A_296 = vector.bitcast %gather3A_295 : vector<16xi32> to vector<32xbf16>
      %unpack3A_297 = tpu.unpack_subelements %bitcast3A_296, 0 {pack_format = #tpu.pack_format<interleaved>} : vector<32xbf16> -> vector<16xf32>
      %unpack3A_298 = tpu.unpack_subelements %bitcast3A_296, 1 {pack_format = #tpu.pack_format<interleaved>} : vector<32xbf16> -> vector<16xf32>
      %gather3A_299 = tpu.vector_load_idx %arg9[%unpack3A] : memref<10000xi32, #tpu.memory_space<vmem>>[vector<16xi32>], vector<16xi32>,
      %bitcast3A_300 = vector.bitcast %gather3A_299 : vector<16xi32> to vector<32xbf16>
      %unpack3A_301 = tpu.unpack_subelements %bitcast3A_300, 0 {pack_format = #tpu.pack_format<interleaved>} : vector<32xbf16> -> vector<16xf32>
      %unpack3A_302 = tpu.unpack_subelements %bitcast3A_300, 1 {pack_format = #tpu.pack_format<interleaved>} : vector<32xbf16> -> vector<16xf32>
      %parallel_loop3A = arith.constant 1 : i32
      %parallel_loop3A_303 = arith.constant 200 : i32
      %parallel_loop3A_304 = arith.constant 1 : i32
      %parallel_loop3A_305:9 = scf.for %parallel_loop3A_350 = %parallel_loop3A to %parallel_loop3A_303 step %parallel_loop3A_304 iter_args(%parallel_loop3A_351 = %unpack3A_287, %parallel_loop3A_352 = %unpack3A_289, %parallel_loop3A_353 = %unpack3A_290, %parallel_loop3A_354 = %unpack3A_293, %parallel_loop3A_355 = %unpack3A_294, %parallel_loop3A_356 = %unpack3A_297, %parallel_loop3A_357 = %unpack3A_298, %parallel_loop3A_358 = %unpack3A_301, %parallel_loop3A_359 = %unpack3A_302) -> (vector<16xi32>, vector<16xf32>, vector<16xf32>, vector<16xf32>, vector<16xf32>, vector<16xf32>, vector<16xf32>, vector<16xf32>, vector<16xf32>)  : i32 {
        %parallel_loop3A_360 = arith.constant 16 : i32
        %parallel_loop3A_361 = arith.muli %parallel_loop3A_350, %parallel_loop3A_360 : i32
        %parallel_loop3A_362 = arith.index_cast %parallel_loop3A_361 : i32 to index
        %parallel_loop3A_363 = tpu.vector_load %arg18[%parallel_loop3A_362] {strides = array<i32>} : memref<3200xi32, #tpu.memory_space<vmem>>, vector<16xi32>,
        %parallel_loop3A_364 = vector.bitcast %parallel_loop3A_363 : vector<16xi32> to vector<32xi16>
        %parallel_loop3A_365 = tpu.unpack_subelements %parallel_loop3A_364, 0 {pack_format = #tpu.pack_format<interleaved>} : vector<32xi16> -> vector<16xi32>
        %parallel_loop3A_366 = tpu.unpack_subelements %parallel_loop3A_364, 1 {pack_format = #tpu.pack_format<interleaved>} : vector<32xi16> -> vector<16xi32>
        tpu.vector_store_idx %arg10[%parallel_loop3A_351], %parallel_loop3A_352 {add = true} : memref<10000xf32, #tpu.memory_space<vmem>>[vector<16xi32>], vector<16xf32>,
        tpu.vector_store_idx %arg11[%parallel_loop3A_351], %parallel_loop3A_353 {add = true} : memref<10000xf32, #tpu.memory_space<vmem>>[vector<16xi32>], vector<16xf32>,
        tpu.vector_store_idx %arg12[%parallel_loop3A_351], %parallel_loop3A_354 {add = true} : memref<10000xf32, #tpu.memory_space<vmem>>[vector<16xi32>], vector<16xf32>,
        tpu.vector_store_idx %arg13[%parallel_loop3A_351], %parallel_loop3A_355 {add = true} : memref<10000xf32, #tpu.memory_space<vmem>>[vector<16xi32>], vector<16xf32>,
        tpu.vector_store_idx %arg14[%parallel_loop3A_351], %parallel_loop3A_356 {add = true} : memref<10000xf32, #tpu.memory_space<vmem>>[vector<16xi32>], vector<16xf32>,
        tpu.vector_store_idx %arg15[%parallel_loop3A_351], %parallel_loop3A_357 {add = true} : memref<10000xf32, #tpu.memory_space<vmem>>[vector<16xi32>], vector<16xf32>,
        tpu.vector_store_idx %arg16[%parallel_loop3A_351], %parallel_loop3A_358 {add = true} : memref<10000xf32, #tpu.memory_space<vmem>>[vector<16xi32>], vector<16xf32>,
        tpu.vector_store_idx %arg17[%parallel_loop3A_351], %parallel_loop3A_359 {add = true} : memref<10000xf32, #tpu.memory_space<vmem>>[vector<16xi32>], vector<16xf32>,
        %parallel_loop3A_367 = tpu.vector_load_idx %arg6[%parallel_loop3A_365] : memref<10000xi32, #tpu.memory_space<vmem>>[vector<16xi32>], vector<16xi32>,
        %parallel_loop3A_368 = vector.bitcast %parallel_loop3A_367 : vector<16xi32> to vector<32xbf16>
        %parallel_loop3A_369 = tpu.unpack_subelements %parallel_loop3A_368, 0 {pack_format = #tpu.pack_format<interleaved>} : vector<32xbf16> -> vector<16xf32>
        %parallel_loop3A_370 = tpu.unpack_subelements %parallel_loop3A_368, 1 {pack_format = #tpu.pack_format<interleaved>} : vector<32xbf16> -> vector<16xf32>
        %parallel_loop3A_371 = tpu.vector_load_idx %arg7[%parallel_loop3A_365] : memref<10000xi32, #tpu.memory_space<vmem>>[vector<16xi32>], vector<16xi32>,
        %parallel_loop3A_372 = vector.bitcast %parallel_loop3A_371 : vector<16xi32> to vector<32xbf16>
        %parallel_loop3A_373 = tpu.unpack_subelements %parallel_loop3A_372, 0 {pack_format = #tpu.pack_format<interleaved>} : vector<32xbf16> -> vector<16xf32>
        %parallel_loop3A_374 = tpu.unpack_subelements %parallel_loop3A_372, 1 {pack_format = #tpu.pack_format<interleaved>} : vector<32xbf16> -> vector<16xf32>
        %parallel_loop3A_375 = tpu.vector_load_idx %arg8[%parallel_loop3A_365] : memref<10000xi32, #tpu.memory_space<vmem>>[vector<16xi32>], vector<16xi32>,
        %parallel_loop3A_376 = vector.bitcast %parallel_loop3A_375 : vector<16xi32> to vector<32xbf16>
        %parallel_loop3A_377 = tpu.unpack_subelements %parallel_loop3A_376, 0 {pack_format = #tpu.pack_format<interleaved>} : vector<32xbf16> -> vector<16xf32>
        %parallel_loop3A_378 = tpu.unpack_subelements %parallel_loop3A_376, 1 {pack_format = #tpu.pack_format<interleaved>} : vector<32xbf16> -> vector<16xf32>
        %parallel_loop3A_379 = tpu.vector_load_idx %arg9[%parallel_loop3A_365] : memref<10000xi32, #tpu.memory_space<vmem>>[vector<16xi32>], vector<16xi32>,
        %parallel_loop3A_380 = vector.bitcast %parallel_loop3A_379 : vector<16xi32> to vector<32xbf16>
        %parallel_loop3A_381 = tpu.unpack_subelements %parallel_loop3A_380, 0 {pack_format = #tpu.pack_format<interleaved>} : vector<32xbf16> -> vector<16xf32>
        %parallel_loop3A_382 = tpu.unpack_subelements %parallel_loop3A_380, 1 {pack_format = #tpu.pack_format<interleaved>} : vector<32xbf16> -> vector<16xf32>
        scf.yield %parallel_loop3A_366, %parallel_loop3A_369, %parallel_loop3A_370, %parallel_loop3A_373, %parallel_loop3A_374, %parallel_loop3A_377, %parallel_loop3A_378, %parallel_loop3A_381, %parallel_loop3A_382 : vector<16xi32>, vector<16xf32>, vector<16xf32>, vector<16xf32>, vector<16xf32>, vector<16xf32>, vector<16xf32>, vector<16xf32>, vector<16xf32>
      } {sc.loop_unroll_factor = 8 : i64, sc.parallel_access}
      tpu.vector_store_idx %arg10[%parallel_loop3A_305#0], %parallel_loop3A_305#1 {add = true} : memref<10000xf32, #tpu.memory_space<vmem>>[vector<16xi32>], vector<16xf32>,
      tpu.vector_store_idx %arg11[%parallel_loop3A_305#0], %parallel_loop3A_305#2 {add = true} : memref<10000xf32, #tpu.memory_space<vmem>>[vector<16xi32>], vector<16xf32>,
      tpu.vector_store_idx %arg12[%parallel_loop3A_305#0], %parallel_loop3A_305#3 {add = true} : memref<10000xf32, #tpu.memory_space<vmem>>[vector<16xi32>], vector<16xf32>,
      tpu.vector_store_idx %arg13[%parallel_loop3A_305#0], %parallel_loop3A_305#4 {add = true} : memref<10000xf32, #tpu.memory_space<vmem>>[vector<16xi32>], vector<16xf32>,
      tpu.vector_store_idx %arg14[%parallel_loop3A_305#0], %parallel_loop3A_305#5 {add = true} : memref<10000xf32, #tpu.memory_space<vmem>>[vector<16xi32>], vector<16xf32>,
      tpu.vector_store_idx %arg15[%parallel_loop3A_305#0], %parallel_loop3A_305#6 {add = true} : memref<10000xf32, #tpu.memory_space<vmem>>[vector<16xi32>], vector<16xf32>,
      tpu.vector_store_idx %arg16[%parallel_loop3A_305#0], %parallel_loop3A_305#7 {add = true} : memref<10000xf32, #tpu.memory_space<vmem>>[vector<16xi32>], vector<16xf32>,
      tpu.vector_store_idx %arg17[%parallel_loop3A_305#0], %parallel_loop3A_305#8 {add = true} : memref<10000xf32, #tpu.memory_space<vmem>>[vector<16xi32>], vector<16xf32>,
      %add3A_306 = arith.constant 2 : i32
      %add3A_307 = arith.addi %add3A_281, %add3A_306 : i32
      %add3A_308 = arith.constant 0 : i32
      %add3A_309 = arith.addi %add3A_307, %add3A_308 : i32
      %lt3A = arith.constant 50 : i32
      %lt3A_310 = arith.cmpi slt, %add3A_309, %lt3A : i32
      %convert_element_type3A = arith.extui %lt3A_310 : i1 to i32
      %cond3A = arith.constant 0 : i32
      %cond3A_311 = arith.cmpi ne, %convert_element_type3A, %cond3A : i32
      scf.if %cond3A_311 {
        %mul3A_350 = arith.constant 3200 : i32
        %mul3A_351 = arith.muli %add3A_309, %mul3A_350 : i32
        %add3A_352 = arith.addi %mul3A_56, %mul3A_351 : i32
        %dma_start3A_353 = tpu.memref_slice %arg3[%add3A_352] : memref<320000xi32, #tpu.memory_space<hbm>> -> memref<3200xi32, #tpu.memory_space<hbm>>
        %dma_start3A_354 = tpu.memref_slice %arg3[%add3A_352] : memref<320000xi32, #tpu.memory_space<hbm>> -> memref<3200xi32, #tpu.memory_space<hbm>>
        tpu.enqueue_dma source(%dma_start3A_354 : memref<3200xi32, #tpu.memory_space<hbm>>) target(%arg18 : memref<3200xi32, #tpu.memory_space<vmem>>) target_semaphore(%arg21 : memref<!tpu.dma_semaphore, #tpu.memory_space<semaphore_mem>>)
      } else {
      }
      %dma_wait3A_312 = arith.constant 0 : i32
      %dma_wait3A_313 = tpu.memref_slice %arg3[%dma_wait3A_312] : memref<320000xi32, #tpu.memory_space<hbm>> -> memref<3200xi32, #tpu.memory_space<hbm>>
      %dma_wait3A_314 = arith.constant 0 : i32
      %dma_wait3A_315 = tpu.memref_slice %arg3[%dma_wait3A_314] : memref<320000xi32, #tpu.memory_space<hbm>> -> memref<3200xi32, #tpu.memory_space<hbm>>
      tpu.wait_dma2 semaphore(%arg21 : memref<!tpu.dma_semaphore, #tpu.memory_space<semaphore_mem>>) src(%dma_wait3A_315 : memref<3200xi32, #tpu.memory_space<hbm>>) dst(%arg19 : memref<3200xi32, #tpu.memory_space<vmem>>)
      %get3A_316 = arith.constant 0 : index
      %get3A_317 = tpu.vector_load %arg19[%get3A_316] {strides = array<i32>} : memref<3200xi32, #tpu.memory_space<vmem>>, vector<16xi32>,
      %bitcast3A_318 = vector.bitcast %get3A_317 : vector<16xi32> to vector<32xi16>
      %unpack3A_319 = tpu.unpack_subelements %bitcast3A_318, 0 {pack_format = #tpu.pack_format<interleaved>} : vector<32xi16> -> vector<16xi32>
      %unpack3A_320 = tpu.unpack_subelements %bitcast3A_318, 1 {pack_format = #tpu.pack_format<interleaved>} : vector<32xi16> -> vector<16xi32>
      %gather3A_321 = tpu.vector_load_idx %arg6[%unpack3A_319] : memref<10000xi32, #tpu.memory_space<vmem>>[vector<16xi32>], vector<16xi32>,
      %bitcast3A_322 = vector.bitcast %gather3A_321 : vector<16xi32> to vector<32xbf16>
      %unpack3A_323 = tpu.unpack_subelements %bitcast3A_322, 0 {pack_format = #tpu.pack_format<interleaved>} : vector<32xbf16> -> vector<16xf32>
      %unpack3A_324 = tpu.unpack_subelements %bitcast3A_322, 1 {pack_format = #tpu.pack_format<interleaved>} : vector<32xbf16> -> vector<16xf32>
      %gather3A_325 = tpu.vector_load_idx %arg7[%unpack3A_319] : memref<10000xi32, #tpu.memory_space<vmem>>[vector<16xi32>], vector<16xi32>,
      %bitcast3A_326 = vector.bitcast %gather3A_325 : vector<16xi32> to vector<32xbf16>
      %unpack3A_327 = tpu.unpack_subelements %bitcast3A_326, 0 {pack_format = #tpu.pack_format<interleaved>} : vector<32xbf16> -> vector<16xf32>
      %unpack3A_328 = tpu.unpack_subelements %bitcast3A_326, 1 {pack_format = #tpu.pack_format<interleaved>} : vector<32xbf16> -> vector<16xf32>
      %gather3A_329 = tpu.vector_load_idx %arg8[%unpack3A_319] : memref<10000xi32, #tpu.memory_space<vmem>>[vector<16xi32>], vector<16xi32>,
      %bitcast3A_330 = vector.bitcast %gather3A_329 : vector<16xi32> to vector<32xbf16>
      %unpack3A_331 = tpu.unpack_subelements %bitcast3A_330, 0 {pack_format = #tpu.pack_format<interleaved>} : vector<32xbf16> -> vector<16xf32>
      %unpack3A_332 = tpu.unpack_subelements %bitcast3A_330, 1 {pack_format = #tpu.pack_format<interleaved>} : vector<32xbf16> -> vector<16xf32>
      %gather3A_333 = tpu.vector_load_idx %arg9[%unpack3A_319] : memref<10000xi32, #tpu.memory_space<vmem>>[vector<16xi32>], vector<16xi32>,
      %bitcast3A_334 = vector.bitcast %gather3A_333 : vector<16xi32> to vector<32xbf16>
      %unpack3A_335 = tpu.unpack_subelements %bitcast3A_334, 0 {pack_format = #tpu.pack_format<interleaved>} : vector<32xbf16> -> vector<16xf32>
      %unpack3A_336 = tpu.unpack_subelements %bitcast3A_334, 1 {pack_format = #tpu.pack_format<interleaved>} : vector<32xbf16> -> vector<16xf32>
      %parallel_loop3A_337 = arith.constant 1 : i32
      %parallel_loop3A_338 = arith.constant 200 : i32
      %parallel_loop3A_339 = arith.constant 1 : i32
      %parallel_loop3A_340:9 = scf.for %parallel_loop3A_350 = %parallel_loop3A_337 to %parallel_loop3A_338 step %parallel_loop3A_339 iter_args(%parallel_loop3A_351 = %unpack3A_320, %parallel_loop3A_352 = %unpack3A_323, %parallel_loop3A_353 = %unpack3A_324, %parallel_loop3A_354 = %unpack3A_327, %parallel_loop3A_355 = %unpack3A_328, %parallel_loop3A_356 = %unpack3A_331, %parallel_loop3A_357 = %unpack3A_332, %parallel_loop3A_358 = %unpack3A_335, %parallel_loop3A_359 = %unpack3A_336) -> (vector<16xi32>, vector<16xf32>, vector<16xf32>, vector<16xf32>, vector<16xf32>, vector<16xf32>, vector<16xf32>, vector<16xf32>, vector<16xf32>)  : i32 {
        %parallel_loop3A_360 = arith.constant 16 : i32
        %parallel_loop3A_361 = arith.muli %parallel_loop3A_350, %parallel_loop3A_360 : i32
        %parallel_loop3A_362 = arith.index_cast %parallel_loop3A_361 : i32 to index
        %parallel_loop3A_363 = tpu.vector_load %arg19[%parallel_loop3A_362] {strides = array<i32>} : memref<3200xi32, #tpu.memory_space<vmem>>, vector<16xi32>,
        %parallel_loop3A_364 = vector.bitcast %parallel_loop3A_363 : vector<16xi32> to vector<32xi16>
        %parallel_loop3A_365 = tpu.unpack_subelements %parallel_loop3A_364, 0 {pack_format = #tpu.pack_format<interleaved>} : vector<32xi16> -> vector<16xi32>
        %parallel_loop3A_366 = tpu.unpack_subelements %parallel_loop3A_364, 1 {pack_format = #tpu.pack_format<interleaved>} : vector<32xi16> -> vector<16xi32>
        tpu.vector_store_idx %arg10[%parallel_loop3A_351], %parallel_loop3A_352 {add = true} : memref<10000xf32, #tpu.memory_space<vmem>>[vector<16xi32>], vector<16xf32>,
        tpu.vector_store_idx %arg11[%parallel_loop3A_351], %parallel_loop3A_353 {add = true} : memref<10000xf32, #tpu.memory_space<vmem>>[vector<16xi32>], vector<16xf32>,
        tpu.vector_store_idx %arg12[%parallel_loop3A_351], %parallel_loop3A_354 {add = true} : memref<10000xf32, #tpu.memory_space<vmem>>[vector<16xi32>], vector<16xf32>,
        tpu.vector_store_idx %arg13[%parallel_loop3A_351], %parallel_loop3A_355 {add = true} : memref<10000xf32, #tpu.memory_space<vmem>>[vector<16xi32>], vector<16xf32>,
        tpu.vector_store_idx %arg14[%parallel_loop3A_351], %parallel_loop3A_356 {add = true} : memref<10000xf32, #tpu.memory_space<vmem>>[vector<16xi32>], vector<16xf32>,
        tpu.vector_store_idx %arg15[%parallel_loop3A_351], %parallel_loop3A_357 {add = true} : memref<10000xf32, #tpu.memory_space<vmem>>[vector<16xi32>], vector<16xf32>,
        tpu.vector_store_idx %arg16[%parallel_loop3A_351], %parallel_loop3A_358 {add = true} : memref<10000xf32, #tpu.memory_space<vmem>>[vector<16xi32>], vector<16xf32>,
        tpu.vector_store_idx %arg17[%parallel_loop3A_351], %parallel_loop3A_359 {add = true} : memref<10000xf32, #tpu.memory_space<vmem>>[vector<16xi32>], vector<16xf32>,
        %parallel_loop3A_367 = tpu.vector_load_idx %arg6[%parallel_loop3A_365] : memref<10000xi32, #tpu.memory_space<vmem>>[vector<16xi32>], vector<16xi32>,
        %parallel_loop3A_368 = vector.bitcast %parallel_loop3A_367 : vector<16xi32> to vector<32xbf16>
        %parallel_loop3A_369 = tpu.unpack_subelements %parallel_loop3A_368, 0 {pack_format = #tpu.pack_format<interleaved>} : vector<32xbf16> -> vector<16xf32>
        %parallel_loop3A_370 = tpu.unpack_subelements %parallel_loop3A_368, 1 {pack_format = #tpu.pack_format<interleaved>} : vector<32xbf16> -> vector<16xf32>
        %parallel_loop3A_371 = tpu.vector_load_idx %arg7[%parallel_loop3A_365] : memref<10000xi32, #tpu.memory_space<vmem>>[vector<16xi32>], vector<16xi32>,
        %parallel_loop3A_372 = vector.bitcast %parallel_loop3A_371 : vector<16xi32> to vector<32xbf16>
        %parallel_loop3A_373 = tpu.unpack_subelements %parallel_loop3A_372, 0 {pack_format = #tpu.pack_format<interleaved>} : vector<32xbf16> -> vector<16xf32>
        %parallel_loop3A_374 = tpu.unpack_subelements %parallel_loop3A_372, 1 {pack_format = #tpu.pack_format<interleaved>} : vector<32xbf16> -> vector<16xf32>
        %parallel_loop3A_375 = tpu.vector_load_idx %arg8[%parallel_loop3A_365] : memref<10000xi32, #tpu.memory_space<vmem>>[vector<16xi32>], vector<16xi32>,
        %parallel_loop3A_376 = vector.bitcast %parallel_loop3A_375 : vector<16xi32> to vector<32xbf16>
        %parallel_loop3A_377 = tpu.unpack_subelements %parallel_loop3A_376, 0 {pack_format = #tpu.pack_format<interleaved>} : vector<32xbf16> -> vector<16xf32>
        %parallel_loop3A_378 = tpu.unpack_subelements %parallel_loop3A_376, 1 {pack_format = #tpu.pack_format<interleaved>} : vector<32xbf16> -> vector<16xf32>
        %parallel_loop3A_379 = tpu.vector_load_idx %arg9[%parallel_loop3A_365] : memref<10000xi32, #tpu.memory_space<vmem>>[vector<16xi32>], vector<16xi32>,
        %parallel_loop3A_380 = vector.bitcast %parallel_loop3A_379 : vector<16xi32> to vector<32xbf16>
        %parallel_loop3A_381 = tpu.unpack_subelements %parallel_loop3A_380, 0 {pack_format = #tpu.pack_format<interleaved>} : vector<32xbf16> -> vector<16xf32>
        %parallel_loop3A_382 = tpu.unpack_subelements %parallel_loop3A_380, 1 {pack_format = #tpu.pack_format<interleaved>} : vector<32xbf16> -> vector<16xf32>
        scf.yield %parallel_loop3A_366, %parallel_loop3A_369, %parallel_loop3A_370, %parallel_loop3A_373, %parallel_loop3A_374, %parallel_loop3A_377, %parallel_loop3A_378, %parallel_loop3A_381, %parallel_loop3A_382 : vector<16xi32>, vector<16xf32>, vector<16xf32>, vector<16xf32>, vector<16xf32>, vector<16xf32>, vector<16xf32>, vector<16xf32>, vector<16xf32>
      } {sc.loop_unroll_factor = 8 : i64, sc.parallel_access}
      tpu.vector_store_idx %arg10[%parallel_loop3A_340#0], %parallel_loop3A_340#1 {add = true} : memref<10000xf32, #tpu.memory_space<vmem>>[vector<16xi32>], vector<16xf32>,
      tpu.vector_store_idx %arg11[%parallel_loop3A_340#0], %parallel_loop3A_340#2 {add = true} : memref<10000xf32, #tpu.memory_space<vmem>>[vector<16xi32>], vector<16xf32>,
      tpu.vector_store_idx %arg12[%parallel_loop3A_340#0], %parallel_loop3A_340#3 {add = true} : memref<10000xf32, #tpu.memory_space<vmem>>[vector<16xi32>], vector<16xf32>,
      tpu.vector_store_idx %arg13[%parallel_loop3A_340#0], %parallel_loop3A_340#4 {add = true} : memref<10000xf32, #tpu.memory_space<vmem>>[vector<16xi32>], vector<16xf32>,
      tpu.vector_store_idx %arg14[%parallel_loop3A_340#0], %parallel_loop3A_340#5 {add = true} : memref<10000xf32, #tpu.memory_space<vmem>>[vector<16xi32>], vector<16xf32>,
      tpu.vector_store_idx %arg15[%parallel_loop3A_340#0], %parallel_loop3A_340#6 {add = true} : memref<10000xf32, #tpu.memory_space<vmem>>[vector<16xi32>], vector<16xf32>,
      tpu.vector_store_idx %arg16[%parallel_loop3A_340#0], %parallel_loop3A_340#7 {add = true} : memref<10000xf32, #tpu.memory_space<vmem>>[vector<16xi32>], vector<16xf32>,
      tpu.vector_store_idx %arg17[%parallel_loop3A_340#0], %parallel_loop3A_340#8 {add = true} : memref<10000xf32, #tpu.memory_space<vmem>>[vector<16xi32>], vector<16xf32>,
      %add3A_341 = arith.constant 2 : i32
      %add3A_342 = arith.addi %add3A_281, %add3A_341 : i32
      %add3A_343 = arith.constant 1 : i32
      %add3A_344 = arith.addi %add3A_342, %add3A_343 : i32
      %lt3A_345 = arith.constant 50 : i32
      %lt3A_346 = arith.cmpi slt, %add3A_344, %lt3A_345 : i32
      %convert_element_type3A_347 = arith.extui %lt3A_346 : i1 to i32
      %cond3A_348 = arith.constant 0 : i32
      %cond3A_349 = arith.cmpi ne, %convert_element_type3A_347, %cond3A_348 : i32
      scf.if %cond3A_349 {
        %mul3A_350 = arith.constant 3200 : i32
        %mul3A_351 = arith.muli %add3A_344, %mul3A_350 : i32
        %add3A_352 = arith.addi %mul3A_56, %mul3A_351 : i32
        %dma_start3A_353 = tpu.memref_slice %arg3[%add3A_352] : memref<320000xi32, #tpu.memory_space<hbm>> -> memref<3200xi32, #tpu.memory_space<hbm>>
        %dma_start3A_354 = tpu.memref_slice %arg3[%add3A_352] : memref<320000xi32, #tpu.memory_space<hbm>> -> memref<3200xi32, #tpu.memory_space<hbm>>
        tpu.enqueue_dma source(%dma_start3A_354 : memref<3200xi32, #tpu.memory_space<hbm>>) target(%arg19 : memref<3200xi32, #tpu.memory_space<vmem>>) target_semaphore(%arg21 : memref<!tpu.dma_semaphore, #tpu.memory_space<semaphore_mem>>)
      } else {
      }
    }
    %scan3A_204 = arith.constant 25 : i32
    %mul3A_205 = arith.constant 128 : i32
    %mul3A_206 = arith.muli %arg0, %mul3A_205 : i32
    %mul3A_207 = arith.constant 8 : i32
    %mul3A_208 = arith.muli %mul3A_207, %arg1 : i32
    %add3A_209 = arith.addi %mul3A_206, %mul3A_208 : i32
    %add3A_210 = arith.constant 0 : i32
    %add3A_211 = arith.addi %add3A_209, %add3A_210 : i32
    %mul3A_212 = arith.constant 10000 : i32
    %mul3A_213 = arith.muli %add3A_211, %mul3A_212 : i32
    "tpu.region"() ({
      %run_scoped3A = tpu.sem_alloc : memref<!tpu.dma_semaphore, #tpu.memory_space<semaphore_mem>>
      %dma_start3A_277 = tpu.memref_slice %arg4[%mul3A_213] : memref<2560000xf32, #tpu.memory_space<hbm>> -> memref<10000xf32, #tpu.memory_space<hbm>>
      %dma_start3A_278 = tpu.memref_slice %arg4[%mul3A_213] : memref<2560000xf32, #tpu.memory_space<hbm>> -> memref<10000xf32, #tpu.memory_space<hbm>>
      tpu.enqueue_dma source(%arg10 : memref<10000xf32, #tpu.memory_space<vmem>>) target(%dma_start3A_278 : memref<10000xf32, #tpu.memory_space<hbm>>) target_semaphore(%run_scoped3A : memref<!tpu.dma_semaphore, #tpu.memory_space<semaphore_mem>>)
      %dma_wait3A_279 = tpu.memref_slice %arg4[%mul3A_213] : memref<2560000xf32, #tpu.memory_space<hbm>> -> memref<10000xf32, #tpu.memory_space<hbm>>
      %dma_wait3A_280 = tpu.memref_slice %arg4[%mul3A_213] : memref<2560000xf32, #tpu.memory_space<hbm>> -> memref<10000xf32, #tpu.memory_space<hbm>>
      tpu.wait_dma2 semaphore(%run_scoped3A : memref<!tpu.dma_semaphore, #tpu.memory_space<semaphore_mem>>) src(%arg10 : memref<10000xf32, #tpu.memory_space<vmem>>) dst(%dma_wait3A_280 : memref<10000xf32, #tpu.memory_space<hbm>>)
      tpu.yield
    }) : () -> ()
    %mul3A_214 = arith.constant 128 : i32
    %mul3A_215 = arith.muli %arg0, %mul3A_214 : i32
    %mul3A_216 = arith.constant 8 : i32
    %mul3A_217 = arith.muli %mul3A_216, %arg1 : i32
    %add3A_218 = arith.addi %mul3A_215, %mul3A_217 : i32
    %add3A_219 = arith.constant 1 : i32
    %add3A_220 = arith.addi %add3A_218, %add3A_219 : i32
    %mul3A_221 = arith.constant 10000 : i32
    %mul3A_222 = arith.muli %add3A_220, %mul3A_221 : i32
    "tpu.region"() ({
      %run_scoped3A = tpu.sem_alloc : memref<!tpu.dma_semaphore, #tpu.memory_space<semaphore_mem>>
      %dma_start3A_277 = tpu.memref_slice %arg4[%mul3A_222] : memref<2560000xf32, #tpu.memory_space<hbm>> -> memref<10000xf32, #tpu.memory_space<hbm>>
      %dma_start3A_278 = tpu.memref_slice %arg4[%mul3A_222] : memref<2560000xf32, #tpu.memory_space<hbm>> -> memref<10000xf32, #tpu.memory_space<hbm>>
      tpu.enqueue_dma source(%arg11 : memref<10000xf32, #tpu.memory_space<vmem>>) target(%dma_start3A_278 : memref<10000xf32, #tpu.memory_space<hbm>>) target_semaphore(%run_scoped3A : memref<!tpu.dma_semaphore, #tpu.memory_space<semaphore_mem>>)
      %dma_wait3A_279 = tpu.memref_slice %arg4[%mul3A_222] : memref<2560000xf32, #tpu.memory_space<hbm>> -> memref<10000xf32, #tpu.memory_space<hbm>>
      %dma_wait3A_280 = tpu.memref_slice %arg4[%mul3A_222] : memref<2560000xf32, #tpu.memory_space<hbm>> -> memref<10000xf32, #tpu.memory_space<hbm>>
      tpu.wait_dma2 semaphore(%run_scoped3A : memref<!tpu.dma_semaphore, #tpu.memory_space<semaphore_mem>>) src(%arg11 : memref<10000xf32, #tpu.memory_space<vmem>>) dst(%dma_wait3A_280 : memref<10000xf32, #tpu.memory_space<hbm>>)
      tpu.yield
    }) : () -> ()
    %mul3A_223 = arith.constant 128 : i32
    %mul3A_224 = arith.muli %arg0, %mul3A_223 : i32
    %mul3A_225 = arith.constant 8 : i32
    %mul3A_226 = arith.muli %mul3A_225, %arg1 : i32
    %add3A_227 = arith.addi %mul3A_224, %mul3A_226 : i32
    %add3A_228 = arith.constant 2 : i32
    %add3A_229 = arith.addi %add3A_227, %add3A_228 : i32
    %mul3A_230 = arith.constant 10000 : i32
    %mul3A_231 = arith.muli %add3A_229, %mul3A_230 : i32
    "tpu.region"() ({
      %run_scoped3A = tpu.sem_alloc : memref<!tpu.dma_semaphore, #tpu.memory_space<semaphore_mem>>
      %dma_start3A_277 = tpu.memref_slice %arg4[%mul3A_231] : memref<2560000xf32, #tpu.memory_space<hbm>> -> memref<10000xf32, #tpu.memory_space<hbm>>
      %dma_start3A_278 = tpu.memref_slice %arg4[%mul3A_231] : memref<2560000xf32, #tpu.memory_space<hbm>> -> memref<10000xf32, #tpu.memory_space<hbm>>
      tpu.enqueue_dma source(%arg12 : memref<10000xf32, #tpu.memory_space<vmem>>) target(%dma_start3A_278 : memref<10000xf32, #tpu.memory_space<hbm>>) target_semaphore(%run_scoped3A : memref<!tpu.dma_semaphore, #tpu.memory_space<semaphore_mem>>)
      %dma_wait3A_279 = tpu.memref_slice %arg4[%mul3A_231] : memref<2560000xf32, #tpu.memory_space<hbm>> -> memref<10000xf32, #tpu.memory_space<hbm>>
      %dma_wait3A_280 = tpu.memref_slice %arg4[%mul3A_231] : memref<2560000xf32, #tpu.memory_space<hbm>> -> memref<10000xf32, #tpu.memory_space<hbm>>
      tpu.wait_dma2 semaphore(%run_scoped3A : memref<!tpu.dma_semaphore, #tpu.memory_space<semaphore_mem>>) src(%arg12 : memref<10000xf32, #tpu.memory_space<vmem>>) dst(%dma_wait3A_280 : memref<10000xf32, #tpu.memory_space<hbm>>)
      tpu.yield
    }) : () -> ()
    %mul3A_232 = arith.constant 128 : i32
    %mul3A_233 = arith.muli %arg0, %mul3A_232 : i32
    %mul3A_234 = arith.constant 8 : i32
    %mul3A_235 = arith.muli %mul3A_234, %arg1 : i32
    %add3A_236 = arith.addi %mul3A_233, %mul3A_235 : i32
    %add3A_237 = arith.constant 3 : i32
    %add3A_238 = arith.addi %add3A_236, %add3A_237 : i32
    %mul3A_239 = arith.constant 10000 : i32
    %mul3A_240 = arith.muli %add3A_238, %mul3A_239 : i32
    "tpu.region"() ({
      %run_scoped3A = tpu.sem_alloc : memref<!tpu.dma_semaphore, #tpu.memory_space<semaphore_mem>>
      %dma_start3A_277 = tpu.memref_slice %arg4[%mul3A_240] : memref<2560000xf32, #tpu.memory_space<hbm>> -> memref<10000xf32, #tpu.memory_space<hbm>>
      %dma_start3A_278 = tpu.memref_slice %arg4[%mul3A_240] : memref<2560000xf32, #tpu.memory_space<hbm>> -> memref<10000xf32, #tpu.memory_space<hbm>>
      tpu.enqueue_dma source(%arg13 : memref<10000xf32, #tpu.memory_space<vmem>>) target(%dma_start3A_278 : memref<10000xf32, #tpu.memory_space<hbm>>) target_semaphore(%run_scoped3A : memref<!tpu.dma_semaphore, #tpu.memory_space<semaphore_mem>>)
      %dma_wait3A_279 = tpu.memref_slice %arg4[%mul3A_240] : memref<2560000xf32, #tpu.memory_space<hbm>> -> memref<10000xf32, #tpu.memory_space<hbm>>
      %dma_wait3A_280 = tpu.memref_slice %arg4[%mul3A_240] : memref<2560000xf32, #tpu.memory_space<hbm>> -> memref<10000xf32, #tpu.memory_space<hbm>>
      tpu.wait_dma2 semaphore(%run_scoped3A : memref<!tpu.dma_semaphore, #tpu.memory_space<semaphore_mem>>) src(%arg13 : memref<10000xf32, #tpu.memory_space<vmem>>) dst(%dma_wait3A_280 : memref<10000xf32, #tpu.memory_space<hbm>>)
      tpu.yield
    }) : () -> ()
    %mul3A_241 = arith.constant 128 : i32
    %mul3A_242 = arith.muli %arg0, %mul3A_241 : i32
    %mul3A_243 = arith.constant 8 : i32
    %mul3A_244 = arith.muli %mul3A_243, %arg1 : i32
    %add3A_245 = arith.addi %mul3A_242, %mul3A_244 : i32
    %add3A_246 = arith.constant 4 : i32
    %add3A_247 = arith.addi %add3A_245, %add3A_246 : i32
    %mul3A_248 = arith.constant 10000 : i32
    %mul3A_249 = arith.muli %add3A_247, %mul3A_248 : i32
    "tpu.region"() ({
      %run_scoped3A = tpu.sem_alloc : memref<!tpu.dma_semaphore, #tpu.memory_space<semaphore_mem>>
      %dma_start3A_277 = tpu.memref_slice %arg4[%mul3A_249] : memref<2560000xf32, #tpu.memory_space<hbm>> -> memref<10000xf32, #tpu.memory_space<hbm>>
      %dma_start3A_278 = tpu.memref_slice %arg4[%mul3A_249] : memref<2560000xf32, #tpu.memory_space<hbm>> -> memref<10000xf32, #tpu.memory_space<hbm>>
      tpu.enqueue_dma source(%arg14 : memref<10000xf32, #tpu.memory_space<vmem>>) target(%dma_start3A_278 : memref<10000xf32, #tpu.memory_space<hbm>>) target_semaphore(%run_scoped3A : memref<!tpu.dma_semaphore, #tpu.memory_space<semaphore_mem>>)
      %dma_wait3A_279 = tpu.memref_slice %arg4[%mul3A_249] : memref<2560000xf32, #tpu.memory_space<hbm>> -> memref<10000xf32, #tpu.memory_space<hbm>>
      %dma_wait3A_280 = tpu.memref_slice %arg4[%mul3A_249] : memref<2560000xf32, #tpu.memory_space<hbm>> -> memref<10000xf32, #tpu.memory_space<hbm>>
      tpu.wait_dma2 semaphore(%run_scoped3A : memref<!tpu.dma_semaphore, #tpu.memory_space<semaphore_mem>>) src(%arg14 : memref<10000xf32, #tpu.memory_space<vmem>>) dst(%dma_wait3A_280 : memref<10000xf32, #tpu.memory_space<hbm>>)
      tpu.yield
    }) : () -> ()
    %mul3A_250 = arith.constant 128 : i32
    %mul3A_251 = arith.muli %arg0, %mul3A_250 : i32
    %mul3A_252 = arith.constant 8 : i32
    %mul3A_253 = arith.muli %mul3A_252, %arg1 : i32
    %add3A_254 = arith.addi %mul3A_251, %mul3A_253 : i32
    %add3A_255 = arith.constant 5 : i32
    %add3A_256 = arith.addi %add3A_254, %add3A_255 : i32
    %mul3A_257 = arith.constant 10000 : i32
    %mul3A_258 = arith.muli %add3A_256, %mul3A_257 : i32
    "tpu.region"() ({
      %run_scoped3A = tpu.sem_alloc : memref<!tpu.dma_semaphore, #tpu.memory_space<semaphore_mem>>
      %dma_start3A_277 = tpu.memref_slice %arg4[%mul3A_258] : memref<2560000xf32, #tpu.memory_space<hbm>> -> memref<10000xf32, #tpu.memory_space<hbm>>
      %dma_start3A_278 = tpu.memref_slice %arg4[%mul3A_258] : memref<2560000xf32, #tpu.memory_space<hbm>> -> memref<10000xf32, #tpu.memory_space<hbm>>
      tpu.enqueue_dma source(%arg15 : memref<10000xf32, #tpu.memory_space<vmem>>) target(%dma_start3A_278 : memref<10000xf32, #tpu.memory_space<hbm>>) target_semaphore(%run_scoped3A : memref<!tpu.dma_semaphore, #tpu.memory_space<semaphore_mem>>)
      %dma_wait3A_279 = tpu.memref_slice %arg4[%mul3A_258] : memref<2560000xf32, #tpu.memory_space<hbm>> -> memref<10000xf32, #tpu.memory_space<hbm>>
      %dma_wait3A_280 = tpu.memref_slice %arg4[%mul3A_258] : memref<2560000xf32, #tpu.memory_space<hbm>> -> memref<10000xf32, #tpu.memory_space<hbm>>
      tpu.wait_dma2 semaphore(%run_scoped3A : memref<!tpu.dma_semaphore, #tpu.memory_space<semaphore_mem>>) src(%arg15 : memref<10000xf32, #tpu.memory_space<vmem>>) dst(%dma_wait3A_280 : memref<10000xf32, #tpu.memory_space<hbm>>)
      tpu.yield
    }) : () -> ()
    %mul3A_259 = arith.constant 128 : i32
    %mul3A_260 = arith.muli %arg0, %mul3A_259 : i32
    %mul3A_261 = arith.constant 8 : i32
    %mul3A_262 = arith.muli %mul3A_261, %arg1 : i32
    %add3A_263 = arith.addi %mul3A_260, %mul3A_262 : i32
    %add3A_264 = arith.constant 6 : i32
    %add3A_265 = arith.addi %add3A_263, %add3A_264 : i32
    %mul3A_266 = arith.constant 10000 : i32
    %mul3A_267 = arith.muli %add3A_265, %mul3A_266 : i32
    "tpu.region"() ({
      %run_scoped3A = tpu.sem_alloc : memref<!tpu.dma_semaphore, #tpu.memory_space<semaphore_mem>>
      %dma_start3A_277 = tpu.memref_slice %arg4[%mul3A_267] : memref<2560000xf32, #tpu.memory_space<hbm>> -> memref<10000xf32, #tpu.memory_space<hbm>>
      %dma_start3A_278 = tpu.memref_slice %arg4[%mul3A_267] : memref<2560000xf32, #tpu.memory_space<hbm>> -> memref<10000xf32, #tpu.memory_space<hbm>>
      tpu.enqueue_dma source(%arg16 : memref<10000xf32, #tpu.memory_space<vmem>>) target(%dma_start3A_278 : memref<10000xf32, #tpu.memory_space<hbm>>) target_semaphore(%run_scoped3A : memref<!tpu.dma_semaphore, #tpu.memory_space<semaphore_mem>>)
      %dma_wait3A_279 = tpu.memref_slice %arg4[%mul3A_267] : memref<2560000xf32, #tpu.memory_space<hbm>> -> memref<10000xf32, #tpu.memory_space<hbm>>
      %dma_wait3A_280 = tpu.memref_slice %arg4[%mul3A_267] : memref<2560000xf32, #tpu.memory_space<hbm>> -> memref<10000xf32, #tpu.memory_space<hbm>>
      tpu.wait_dma2 semaphore(%run_scoped3A : memref<!tpu.dma_semaphore, #tpu.memory_space<semaphore_mem>>) src(%arg16 : memref<10000xf32, #tpu.memory_space<vmem>>) dst(%dma_wait3A_280 : memref<10000xf32, #tpu.memory_space<hbm>>)
      tpu.yield
    }) : () -> ()
    %mul3A_268 = arith.constant 128 : i32
    %mul3A_269 = arith.muli %arg0, %mul3A_268 : i32
    %mul3A_270 = arith.constant 8 : i32
    %mul3A_271 = arith.muli %mul3A_270, %arg1 : i32
    %add3A_272 = arith.addi %mul3A_269, %mul3A_271 : i32
    %add3A_273 = arith.constant 7 : i32
    %add3A_274 = arith.addi %add3A_272, %add3A_273 : i32
    %mul3A_275 = arith.constant 10000 : i32
    %mul3A_276 = arith.muli %add3A_274, %mul3A_275 : i32
    "tpu.region"() ({
      %run_scoped3A = tpu.sem_alloc : memref<!tpu.dma_semaphore, #tpu.memory_space<semaphore_mem>>
      %dma_start3A_277 = tpu.memref_slice %arg4[%mul3A_276] : memref<2560000xf32, #tpu.memory_space<hbm>> -> memref<10000xf32, #tpu.memory_space<hbm>>
      %dma_start3A_278 = tpu.memref_slice %arg4[%mul3A_276] : memref<2560000xf32, #tpu.memory_space<hbm>> -> memref<10000xf32, #tpu.memory_space<hbm>>
      tpu.enqueue_dma source(%arg17 : memref<10000xf32, #tpu.memory_space<vmem>>) target(%dma_start3A_278 : memref<10000xf32, #tpu.memory_space<hbm>>) target_semaphore(%run_scoped3A : memref<!tpu.dma_semaphore, #tpu.memory_space<semaphore_mem>>)
      %dma_wait3A_279 = tpu.memref_slice %arg4[%mul3A_276] : memref<2560000xf32, #tpu.memory_space<hbm>> -> memref<10000xf32, #tpu.memory_space<hbm>>
      %dma_wait3A_280 = tpu.memref_slice %arg4[%mul3A_276] : memref<2560000xf32, #tpu.memory_space<hbm>> -> memref<10000xf32, #tpu.memory_space<hbm>>
      tpu.wait_dma2 semaphore(%run_scoped3A : memref<!tpu.dma_semaphore, #tpu.memory_space<semaphore_mem>>) src(%arg17 : memref<10000xf32, #tpu.memory_space<vmem>>) dst(%dma_wait3A_280 : memref<10000xf32, #tpu.memory_space<hbm>>)
      tpu.yield
    }) : () -> ()
    return
  }
}

module attributes {stable_mosaic.version = 14 : i64} {
  func.func @_tc_pre_body(%arg0: memref<128x10000xf32, #tpu.memory_space<vmem>>, %arg1: memref<128x64xf32, #tpu.memory_space<vmem>>, %arg2: memref<128x64xf32, #tpu.memory_space<vmem>>, %arg3: memref<2x320000xi32, #tpu.memory_space<vmem>>, %arg4: memref<64x10000xi32, #tpu.memory_space<vmem>>, %arg5: memref<1x320000xi32, #tpu.memory_space<vmem>>) attributes {dimension_semantics = [], scalar_prefetch = 0 : i64, scratch_operands = 0 : i64, tpu.core_type = #tpu.core_type<tc>} {
    %get3A = arith.constant 0 : index
    %get3A_0 = arith.constant 0 : index
    %get3A_1 = vector.load %arg0[%get3A, %get3A_0] : memref<128x10000xf32, #tpu.memory_space<vmem>>, vector<128x10000xf32>
    %get3A_2 = arith.constant 0 : index
    %get3A_3 = arith.constant 0 : index
    %get3A_4 = vector.load %arg1[%get3A_2, %get3A_3] : memref<128x64xf32, #tpu.memory_space<vmem>>, vector<128x64xf32>
    %dot_general3A = arith.constant dense<0.000000e+00> : vector<64x10000xf32>
    %dot_general3A_5 = tpu.matmul %get3A_4, %get3A_1, %dot_general3A {dimension_numbers = #tpu.dot_dimension_numbers<[0], [0], [1], [1], [0, 1, 1, 1], [], []>, transpose_lhs_hint = false} : vector<128x64xf32>, vector<128x10000xf32>, vector<64x10000xf32> -> vector<64x10000xf32>
    %get3A_6 = arith.constant 0 : index
    %get3A_7 = arith.constant 0 : index
    %get3A_8 = vector.load %arg2[%get3A_6, %get3A_7] : memref<128x64xf32, #tpu.memory_space<vmem>>, vector<128x64xf32>
    %dot_general3A_9 = arith.constant dense<0.000000e+00> : vector<64x10000xf32>
    %dot_general3A_10 = tpu.matmul %get3A_8, %get3A_1, %dot_general3A_9 {dimension_numbers = #tpu.dot_dimension_numbers<[0], [0], [1], [1], [0, 1, 1, 1], [], []>, transpose_lhs_hint = false} : vector<128x64xf32>, vector<128x10000xf32>, vector<64x10000xf32> -> vector<64x10000xf32>
    %convert_element_type3A = arith.truncf %dot_general3A_5 : vector<64x10000xf32> to vector<64x10000xbf16>
    %bitcast_convert_type3A = tpu.bitcast %convert_element_type3A : vector<64x10000xbf16> -> vector<64x10000xi16>
    %convert_element_type3A_11 = arith.extui %bitcast_convert_type3A : vector<64x10000xi16> to vector<64x10000xi32>
    %convert_element_type3A_12 = arith.truncf %dot_general3A_10 : vector<64x10000xf32> to vector<64x10000xbf16>
    %bitcast_convert_type3A_13 = tpu.bitcast %convert_element_type3A_12 : vector<64x10000xbf16> -> vector<64x10000xi16>
    %convert_element_type3A_14 = arith.extui %bitcast_convert_type3A_13 : vector<64x10000xi16> to vector<64x10000xi32>
    %shift_left3A = arith.constant 16 : i32
    %shift_left3A_15 = vector.broadcast %shift_left3A : i32 to vector<64x10000xi32>
    %shift_left3A_16 = arith.shli %convert_element_type3A_14, %shift_left3A_15 : vector<64x10000xi32>
    %or3A = arith.ori %convert_element_type3A_11, %shift_left3A_16 : vector<64x10000xi32>
    %bitcast_convert_type3A_17 = tpu.bitcast %or3A : vector<64x10000xi32> -> vector<64x10000xi32>
    %swap3A = arith.constant 0 : index
    %swap3A_18 = arith.constant 0 : index
    %swap3A_19 = vector.load %arg4[%swap3A, %swap3A_18] : memref<64x10000xi32, #tpu.memory_space<vmem>>, vector<64x10000xi32>
    tpu.vector_store %arg4[%swap3A, %swap3A_18], %bitcast_convert_type3A_17 {strides = array<i32>} : memref<64x10000xi32, #tpu.memory_space<vmem>>, vector<64x10000xi32>,
    %get3A_20 = arith.constant 0 : index
    %get3A_21 = arith.constant 0 : index
    %get3A_22 = vector.load %arg3[%get3A_20, %get3A_21] : memref<2x320000xi32, #tpu.memory_space<vmem>>, vector<2x320000xi32>
    %bitcast_convert_type3A_23 = tpu.bitcast %get3A_22 : vector<2x320000xi32> -> vector<2x320000xi32>
    %slice3A = vector.extract_strided_slice %bitcast_convert_type3A_23 {offsets = [0, 0], sizes = [1, 320000], strides = [1, 1]} : vector<2x320000xi32> to vector<1x320000xi32>
    %slice3A_24 = vector.extract_strided_slice %bitcast_convert_type3A_23 {offsets = [1, 0], sizes = [1, 320000], strides = [1, 1]} : vector<2x320000xi32> to vector<1x320000xi32>
    %shift_left3A_25 = arith.constant 16 : i32
    %shift_left3A_26 = vector.broadcast %shift_left3A_25 : i32 to vector<1x320000xi32>
    %shift_left3A_27 = arith.shli %slice3A_24, %shift_left3A_26 : vector<1x320000xi32>
    %or3A_28 = arith.ori %slice3A, %shift_left3A_27 : vector<1x320000xi32>
    %bitcast_convert_type3A_29 = tpu.bitcast %or3A_28 : vector<1x320000xi32> -> vector<1x320000xi32>
    %swap3A_30 = arith.constant 0 : index
    %swap3A_31 = arith.constant 0 : index
    %swap3A_32 = vector.load %arg5[%swap3A_30, %swap3A_31] : memref<1x320000xi32, #tpu.memory_space<vmem>>, vector<1x320000xi32>
    tpu.vector_store %arg5[%swap3A_30, %swap3A_31], %bitcast_convert_type3A_29 {strides = array<i32>} : memref<1x320000xi32, #tpu.memory_space<vmem>>, vector<1x320000xi32>,
    return
  }
}

module attributes {stable_mosaic.version = 14 : i64} {
  func.func @_tc_mid_body(%arg0: memref<256x10000xf32, #tpu.memory_space<vmem>>, %arg1: memref<32x10000xf32, #tpu.memory_space<vmem>>, %arg2: memref<128x10000xf32, #tpu.memory_space<vmem>>, %arg3: memref<128x128xf32, #tpu.memory_space<vmem>>, %arg4: memref<128x64xf32, #tpu.memory_space<vmem>>, %arg5: memref<128x64xf32, #tpu.memory_space<vmem>>, %arg6: memref<128x128xf32, #tpu.memory_space<vmem>>, %arg7: memref<128x1xf32, #tpu.memory_space<vmem>>, %arg8: memref<128x1xf32, #tpu.memory_space<vmem>>, %arg9: memref<64x10000xi32, #tpu.memory_space<vmem>>, %arg10: memref<128x10000xf32, #tpu.memory_space<vmem>>) attributes {dimension_semantics = [], scalar_prefetch = 0 : i64, scratch_operands = 0 : i64, tpu.core_type = #tpu.core_type<tc>} {
    %get3A = arith.constant 0 : index
    %get3A_0 = arith.constant 0 : index
    %get3A_1 = vector.load %arg1[%get3A, %get3A_0] : memref<32x10000xf32, #tpu.memory_space<vmem>>, vector<32x10000xf32>
    %reduce_sum3A = arith.constant dense<0.000000e+00> : vector<10000xf32>
    %reduce_sum3A_2 = vector.multi_reduction <add>, %get3A_1, %reduce_sum3A [0] : vector<32x10000xf32> to vector<10000xf32>
    %broadcast_in_dim3A = vector.shape_cast %reduce_sum3A_2 : vector<10000xf32> to vector<1x10000xf32>
    %max3A = arith.constant 1.000000e+00 : f32
    %max3A_3 = vector.broadcast %max3A : f32 to vector<1x10000xf32>
    %max3A_4 = arith.maximumf %broadcast_in_dim3A, %max3A_3 : vector<1x10000xf32>
    %get3A_5 = arith.constant 0 : index
    %get3A_6 = arith.constant 0 : index
    %get3A_7 = vector.load %arg0[%get3A_5, %get3A_6] : memref<256x10000xf32, #tpu.memory_space<vmem>>, vector<128x10000xf32>
    %get3A_8 = arith.constant 128 : index
    %get3A_9 = arith.constant 0 : index
    %get3A_10 = vector.load %arg0[%get3A_8, %get3A_9] : memref<256x10000xf32, #tpu.memory_space<vmem>>, vector<128x10000xf32>
    %add3A = arith.addf %get3A_7, %get3A_10 : vector<128x10000xf32>
    %div3A = vector.broadcast %max3A_4 : vector<1x10000xf32> to vector<128x10000xf32>
    %div3A_11 = arith.divf %add3A, %div3A : vector<128x10000xf32>
    %get3A_12 = arith.constant 0 : index
    %get3A_13 = arith.constant 0 : index
    %get3A_14 = vector.load %arg3[%get3A_12, %get3A_13] : memref<128x128xf32, #tpu.memory_space<vmem>>, vector<128x128xf32>
    %get3A_15 = arith.constant 0 : index
    %get3A_16 = arith.constant 0 : index
    %get3A_17 = vector.load %arg2[%get3A_15, %get3A_16] : memref<128x10000xf32, #tpu.memory_space<vmem>>, vector<128x10000xf32>
    %dot_general3A = arith.constant dense<0.000000e+00> : vector<128x10000xf32>
    %dot_general3A_18 = tpu.matmul %get3A_14, %get3A_17, %dot_general3A {dimension_numbers = #tpu.dot_dimension_numbers<[0], [0], [1], [1], [0, 1, 1, 1], [], []>, transpose_lhs_hint = false} : vector<128x128xf32>, vector<128x10000xf32>, vector<128x10000xf32> -> vector<128x10000xf32>
    %add3A_19 = arith.addf %div3A_11, %dot_general3A_18 : vector<128x10000xf32>
    %get3A_20 = arith.constant 0 : index
    %get3A_21 = arith.constant 0 : index
    %get3A_22 = vector.load %arg7[%get3A_20, %get3A_21] : memref<128x1xf32, #tpu.memory_space<vmem>>, vector<128x1xf32>
    %add3A_23 = vector.broadcast %get3A_22 : vector<128x1xf32> to vector<128x10000xf32>
    %add3A_24 = arith.addf %add3A_19, %add3A_23 : vector<128x10000xf32>
    %max3A_25 = arith.constant 0.000000e+00 : f32
    %max3A_26 = vector.broadcast %max3A_25 : f32 to vector<128x10000xf32>
    %max3A_27 = arith.maximumf %add3A_24, %max3A_26 : vector<128x10000xf32>
    %get3A_28 = arith.constant 0 : index
    %get3A_29 = arith.constant 0 : index
    %get3A_30 = vector.load %arg4[%get3A_28, %get3A_29] : memref<128x64xf32, #tpu.memory_space<vmem>>, vector<128x64xf32>
    %dot_general3A_31 = arith.constant dense<0.000000e+00> : vector<64x10000xf32>
    %dot_general3A_32 = tpu.matmul %get3A_30, %max3A_27, %dot_general3A_31 {dimension_numbers = #tpu.dot_dimension_numbers<[0], [0], [1], [1], [0, 1, 1, 1], [], []>, transpose_lhs_hint = false} : vector<128x64xf32>, vector<128x10000xf32>, vector<64x10000xf32> -> vector<64x10000xf32>
    %get3A_33 = arith.constant 0 : index
    %get3A_34 = arith.constant 0 : index
    %get3A_35 = vector.load %arg5[%get3A_33, %get3A_34] : memref<128x64xf32, #tpu.memory_space<vmem>>, vector<128x64xf32>
    %dot_general3A_36 = arith.constant dense<0.000000e+00> : vector<64x10000xf32>
    %dot_general3A_37 = tpu.matmul %get3A_35, %max3A_27, %dot_general3A_36 {dimension_numbers = #tpu.dot_dimension_numbers<[0], [0], [1], [1], [0, 1, 1, 1], [], []>, transpose_lhs_hint = false} : vector<128x64xf32>, vector<128x10000xf32>, vector<64x10000xf32> -> vector<64x10000xf32>
    %convert_element_type3A = arith.truncf %dot_general3A_32 : vector<64x10000xf32> to vector<64x10000xbf16>
    %bitcast_convert_type3A = tpu.bitcast %convert_element_type3A : vector<64x10000xbf16> -> vector<64x10000xi16>
    %convert_element_type3A_38 = arith.extui %bitcast_convert_type3A : vector<64x10000xi16> to vector<64x10000xi32>
    %convert_element_type3A_39 = arith.truncf %dot_general3A_37 : vector<64x10000xf32> to vector<64x10000xbf16>
    %bitcast_convert_type3A_40 = tpu.bitcast %convert_element_type3A_39 : vector<64x10000xbf16> -> vector<64x10000xi16>
    %convert_element_type3A_41 = arith.extui %bitcast_convert_type3A_40 : vector<64x10000xi16> to vector<64x10000xi32>
    %shift_left3A = arith.constant 16 : i32
    %shift_left3A_42 = vector.broadcast %shift_left3A : i32 to vector<64x10000xi32>
    %shift_left3A_43 = arith.shli %convert_element_type3A_41, %shift_left3A_42 : vector<64x10000xi32>
    %or3A = arith.ori %convert_element_type3A_38, %shift_left3A_43 : vector<64x10000xi32>
    %bitcast_convert_type3A_44 = tpu.bitcast %or3A : vector<64x10000xi32> -> vector<64x10000xi32>
    %swap3A = arith.constant 0 : index
    %swap3A_45 = arith.constant 0 : index
    %swap3A_46 = vector.load %arg9[%swap3A, %swap3A_45] : memref<64x10000xi32, #tpu.memory_space<vmem>>, vector<64x10000xi32>
    tpu.vector_store %arg9[%swap3A, %swap3A_45], %bitcast_convert_type3A_44 {strides = array<i32>} : memref<64x10000xi32, #tpu.memory_space<vmem>>, vector<64x10000xi32>,
    %get3A_47 = arith.constant 0 : index
    %get3A_48 = arith.constant 0 : index
    %get3A_49 = vector.load %arg6[%get3A_47, %get3A_48] : memref<128x128xf32, #tpu.memory_space<vmem>>, vector<128x128xf32>
    %dot_general3A_50 = arith.constant dense<0.000000e+00> : vector<128x10000xf32>
    %dot_general3A_51 = tpu.matmul %get3A_49, %max3A_27, %dot_general3A_50 {dimension_numbers = #tpu.dot_dimension_numbers<[0], [0], [1], [1], [0, 1, 1, 1], [], []>, transpose_lhs_hint = false} : vector<128x128xf32>, vector<128x10000xf32>, vector<128x10000xf32> -> vector<128x10000xf32>
    %get3A_52 = arith.constant 0 : index
    %get3A_53 = arith.constant 0 : index
    %get3A_54 = vector.load %arg8[%get3A_52, %get3A_53] : memref<128x1xf32, #tpu.memory_space<vmem>>, vector<128x1xf32>
    %add3A_55 = vector.broadcast %get3A_54 : vector<128x1xf32> to vector<128x10000xf32>
    %add3A_56 = arith.addf %dot_general3A_51, %add3A_55 : vector<128x10000xf32>
    %swap3A_57 = arith.constant 0 : index
    %swap3A_58 = arith.constant 0 : index
    %swap3A_59 = vector.load %arg10[%swap3A_57, %swap3A_58] : memref<128x10000xf32, #tpu.memory_space<vmem>>, vector<128x10000xf32>
    tpu.vector_store %arg10[%swap3A_57, %swap3A_58], %add3A_56 {strides = array<i32>} : memref<128x10000xf32, #tpu.memory_space<vmem>>, vector<128x10000xf32>,
    return
  }
}

module attributes {stable_mosaic.version = 14 : i64} {
  func.func @_tc_dec_body(%arg0: memref<256x10000xf32, #tpu.memory_space<vmem>>, %arg1: memref<32x10000xf32, #tpu.memory_space<vmem>>, %arg2: memref<128x10000xf32, #tpu.memory_space<vmem>>, %arg3: memref<128x128xf32, #tpu.memory_space<vmem>>, %arg4: memref<128x1xf32, #tpu.memory_space<vmem>>, %arg5: memref<1x128xf32, #tpu.memory_space<vmem>>, %arg6: memref<1x1xf32, #tpu.memory_space<vmem>>, %arg7: memref<1x10000xf32, #tpu.memory_space<vmem>>) attributes {dimension_semantics = [], scalar_prefetch = 0 : i64, scratch_operands = 0 : i64, tpu.core_type = #tpu.core_type<tc>} {
    %get3A = arith.constant 0 : index
    %get3A_0 = arith.constant 0 : index
    %get3A_1 = vector.load %arg1[%get3A, %get3A_0] : memref<32x10000xf32, #tpu.memory_space<vmem>>, vector<32x10000xf32>
    %reduce_sum3A = arith.constant dense<0.000000e+00> : vector<10000xf32>
    %reduce_sum3A_2 = vector.multi_reduction <add>, %get3A_1, %reduce_sum3A [0] : vector<32x10000xf32> to vector<10000xf32>
    %broadcast_in_dim3A = vector.shape_cast %reduce_sum3A_2 : vector<10000xf32> to vector<1x10000xf32>
    %max3A = arith.constant 1.000000e+00 : f32
    %max3A_3 = vector.broadcast %max3A : f32 to vector<1x10000xf32>
    %max3A_4 = arith.maximumf %broadcast_in_dim3A, %max3A_3 : vector<1x10000xf32>
    %get3A_5 = arith.constant 0 : index
    %get3A_6 = arith.constant 0 : index
    %get3A_7 = vector.load %arg0[%get3A_5, %get3A_6] : memref<256x10000xf32, #tpu.memory_space<vmem>>, vector<128x10000xf32>
    %get3A_8 = arith.constant 128 : index
    %get3A_9 = arith.constant 0 : index
    %get3A_10 = vector.load %arg0[%get3A_8, %get3A_9] : memref<256x10000xf32, #tpu.memory_space<vmem>>, vector<128x10000xf32>
    %add3A = arith.addf %get3A_7, %get3A_10 : vector<128x10000xf32>
    %div3A = vector.broadcast %max3A_4 : vector<1x10000xf32> to vector<128x10000xf32>
    %div3A_11 = arith.divf %add3A, %div3A : vector<128x10000xf32>
    %get3A_12 = arith.constant 0 : index
    %get3A_13 = arith.constant 0 : index
    %get3A_14 = vector.load %arg2[%get3A_12, %get3A_13] : memref<128x10000xf32, #tpu.memory_space<vmem>>, vector<128x10000xf32>
    %add3A_15 = arith.addf %div3A_11, %get3A_14 : vector<128x10000xf32>
    %get3A_16 = arith.constant 0 : index
    %get3A_17 = arith.constant 0 : index
    %get3A_18 = vector.load %arg3[%get3A_16, %get3A_17] : memref<128x128xf32, #tpu.memory_space<vmem>>, vector<128x128xf32>
    %dot_general3A = arith.constant dense<0.000000e+00> : vector<128x10000xf32>
    %dot_general3A_19 = tpu.matmul %get3A_18, %add3A_15, %dot_general3A {dimension_numbers = #tpu.dot_dimension_numbers<[0], [0], [1], [1], [0, 1, 1, 1], [], []>, transpose_lhs_hint = false} : vector<128x128xf32>, vector<128x10000xf32>, vector<128x10000xf32> -> vector<128x10000xf32>
    %get3A_20 = arith.constant 0 : index
    %get3A_21 = arith.constant 0 : index
    %get3A_22 = vector.load %arg4[%get3A_20, %get3A_21] : memref<128x1xf32, #tpu.memory_space<vmem>>, vector<128x1xf32>
    %add3A_23 = vector.broadcast %get3A_22 : vector<128x1xf32> to vector<128x10000xf32>
    %add3A_24 = arith.addf %dot_general3A_19, %add3A_23 : vector<128x10000xf32>
    %max3A_25 = arith.constant 0.000000e+00 : f32
    %max3A_26 = vector.broadcast %max3A_25 : f32 to vector<128x10000xf32>
    %max3A_27 = arith.maximumf %add3A_24, %max3A_26 : vector<128x10000xf32>
    %get3A_28 = arith.constant 0 : index
    %get3A_29 = arith.constant 0 : index
    %get3A_30 = vector.load %arg5[%get3A_28, %get3A_29] : memref<1x128xf32, #tpu.memory_space<vmem>>, vector<1x128xf32>
    %dot_general3A_31 = arith.constant dense<0.000000e+00> : vector<1x10000xf32>
    %dot_general3A_32 = tpu.matmul %get3A_30, %max3A_27, %dot_general3A_31 {dimension_numbers = #tpu.dot_dimension_numbers<[1], [0], [0], [1], [0, 0, 1, 1], [], []>, transpose_lhs_hint = false} : vector<1x128xf32>, vector<128x10000xf32>, vector<1x10000xf32> -> vector<1x10000xf32>
    %get3A_33 = arith.constant 0 : index
    %get3A_34 = arith.constant 0 : index
    %get3A_35 = vector.load %arg6[%get3A_33, %get3A_34] : memref<1x1xf32, #tpu.memory_space<vmem>>, vector<1x1xf32>
    %add3A_36 = vector.broadcast %get3A_35 : vector<1x1xf32> to vector<1x10000xf32>
    %add3A_37 = arith.addf %dot_general3A_32, %add3A_36 : vector<1x10000xf32>
    %swap3A = arith.constant 0 : index
    %swap3A_38 = arith.constant 0 : index
    %swap3A_39 = vector.load %arg7[%swap3A, %swap3A_38] : memref<1x10000xf32, #tpu.memory_space<vmem>>, vector<1x10000xf32>
    tpu.vector_store %arg7[%swap3A, %swap3A_38], %add3A_37 {strides = array<i32>} : memref<1x10000xf32, #tpu.memory_space<vmem>>, vector<1x10000xf32>,
    return
  }
}

</mosaic_0001>

<sc_bundles>
// kernel: sage_seg_sum.3.cloned.1.call-start
scs
__scs_entry_jumppad:
0x0: {  	(pc) =	sbr.rel $0x88, $3  }
0x1: {  	(tag) =	ssettag $0x0;
	lr =	simm.s32 $0x1  }
0x2: {  	[smem:$0x3F95] =	sst lr;
	_ =	strace $0xD0000000  }
0x3: {  	_ = 	snop  }
0x4: {  	_ = 	snop  }
0x5: {  	_ = 	snop  }
0x6: {  	_ = 	snop  }
0x7: {  	_ = 	snop  }
__scs_overlays_trampoline_lowered:
0x8: {  	[smem:$0x3FA4] =	sst s0  }
0x9: {  	[smem:$0x3FA5] =	sst s1  }
0xa: {  	[smem:$0x3FA6] =	sst s2  }
0xb: {  	[smem:$0x3FA7] =	sst s3  }
0xc: {  	[smem:$0x3FA8] =	sst s4  }
0xd: {  	[smem:$0x3FA9] =	sst s5  }
0xe: {  	[smem:$0x3FAA] =	sst s6  }
0xf: {  	[smem:$0x3FAB] =	sst s7  }
0x10: {  	[smem:$0x3FAC] =	sst s8  }
0x11: {  	[smem:$0x3FAD] =	sst s9;
	s0 =	simm.s32 @!p0 $0x0  }
0x12: {  	s1 =	sld [smem:$0x3F93];
	s0 =	simm.s32 @p0 $0x1  }
0x13: {  	[smem:$0x3FAE] =	sst s0;
	s0 =	simm.s32 @!p1 $0x0  }
0x14: {  	s2 =	sld [smem:$0x3F92];
	s0 =	simm.s32 @p1 $0x1  }
0x15: {  	[smem:$0x3FAF] =	sst s0;
	s0 =	simm.s32 @!p2 $0x0  }
0x16: {  	s3 =	sld [smem:$0x3FDB];
	s0 =	simm.s32 @p2 $0x1  }
0x17: {  	s4 =	simm.s32 $0x1BF5;
	[smem:$0x3FB1] =	sst s0  }
0x18: {  	s0 =	sld [smem:$0x3F94];
	_ =	swait.ge [sflag:s4], $0x0  }
0x19: {  	s7 =	sld [smem:$0x3F95]  }
0x1a: {  	s8 =	sadd.s32 $0xFFFFE003, lr  }
0x1b: {  	s9 =	sadd.s32 $0xFFFFFEF7, lr;
	s5 =	simm.s32 $0xFFFFFFFF;
	p2 =	slt.u32 s8, $0xFFFFF086  }
0x1c: {  	p1 =	slt.u32 s9, $0xF7A;
	s5 =	simm.s32 @!p2 $0x0  }
0x1d: {  	s5 =	simm.s32 @p1 $0x1;
	p0 =	seq.s32 s7, s2  }
0x1e: {  	s7 =	smul.u32 @!p0 $0xF7A, s2;
	p2 =	seq.s32 @!p0 s5, $0x0  }
0x1f: {  	s9 =	smul.u32 $0xF7A, s1;
	s8 =	simm.s32 @!p0 $0x1BF5;
	p2 =	por !p2, p0  }
0x20: {  	[sflag:s8] =	ssyncset.s32 @!p0 $0xFFFFF086;
	s6 =	sadd.s32 @!p0 s3, s7;
	s7 =	simm.s32 @!p0 $0x108  }
0x21: {  	s3 =	sadd.s32 s3, s9;
	s6 =	sadd.s32 @!p0 $0x88, s6;
	s7 =	simm.s32 @p2 $0x1082  }
0x22: {  	[simem:s7], [sflag:s8] =	dma.local @!p0 [hbm:s6], $0xF7A  }
0x23: {  	s9 =	sor.u32 $0xD0000000, s2;
	s6 =	simm.s32 $0x108;
	_ =	swait.ge @!p0 [sflag:s8], $0x0  }
0x24: {  	s3 =	sadd.s32 $0x88, s3;
	s6 =	simm.s32 @!p1 $0x1082;
	[sflag:s4] =	ssyncset.s32 $0xFFFFF086  }
0x25: {  	[simem:s6], [sflag:s4] =	dma.local [hbm:s3], $0xF7A  }
0x26: {  	[smem:$0x3F95] =	sst s1;
	(tag) =	ssettag s2;
	_ =	strace s9  }
0x27: {  	s1 =	sld [smem:$0x3FA5]  }
0x28: {  	s2 =	sld [smem:$0x3FA6]  }
0x29: {  	s4 =	sld [smem:$0x3FA8]  }
0x2a: {  	p0 =	seq.s32 s5, $0x0;
	s5 =	sld [smem:$0x3FA9]  }
0x2b: {  	s6 =	sld [smem:$0x3FAA]  }
0x2c: {  	s7 =	sld [smem:$0x3FAB]  }
0x2d: {  	s3 =	simm.s32 $0x108;
	s8 =	sld [smem:$0x3FAC]  }
0x2e: {  	s3 =	simm.s32 @!p0 $0x1082;
	s9 =	sld [smem:$0x3FAD]  }
0x2f: {  	lr =	sadd.s32 s0, s3;
	s0 =	sld [smem:$0x3FA4]  }
0x30: {  	s3 =	sld [smem:$0x3FA7]  }
0x31: {  	[smem:$0x3FB0] =	sst s10  }
0x32: {  	s10 =	sld [smem:$0x3FAE];
	_ =	sdelay $0x3  }
0x33: {  	p0 =	seq.s32 s10, $0x1;
	s10 =	sld [smem:$0x3FB0];
	_ =	sdelay $0x3  }
0x34: {  	[smem:$0x3FB0] =	sst s10  }
0x35: {  	s10 =	sld [smem:$0x3FAF];
	_ =	sdelay $0x3  }
0x36: {  	p1 =	seq.s32 s10, $0x1;
	s10 =	sld [smem:$0x3FB0];
	_ =	sdelay $0x3  }
0x37: {  	[smem:$0x3FB0] =	sst s10  }
0x38: {  	s10 =	sld [smem:$0x3FB1]  }
0x39: {  	_ = 	snop;
	(pc) =	sbr.ind lr, $3  }
0x3a: {  	_ = 	snop  }
0x3b: {  	_ = 	snop  }
0x3c: {  	p2 =	seq.s32 s10, $0x1;
	s10 =	sld [smem:$0x3FB0]  }
0x3d: {  	_ =	shalt  }
0x3e: {  	_ =	shalt  }
0x3f: {  	_ =	shalt  }
0x40: {  	_ =	shalt  }
0x41: {  	_ =	shalt  }
0x42: {  	_ =	shalt  }
0x43: {  	_ =	shalt  }
0x44: {  	_ =	shalt  }
0x45: {  	_ =	shalt  }
0x46: {  	_ =	shalt  }
0x47: {  	_ =	shalt  }
0x48: {  	_ =	shalt  }
0x49: {  	_ =	shalt  }
0x4a: {  	_ =	shalt  }
0x4b: {  	_ =	shalt  }
0x4c: {  	_ =	shalt  }
0x4d: {  	_ =	shalt  }
0x4e: {  	_ =	shalt  }
0x4f: {  	_ =	shalt  }
0x50: {  	_ =	shalt  }
0x51: {  	_ =	shalt  }
0x52: {  	_ =	shalt  }
0x53: {  	_ =	shalt  }
0x54: {  	_ =	shalt  }
0x55: {  	_ =	shalt  }
0x56: {  	_ =	shalt  }
0x57: {  	_ =	shalt  }
0x58: {  	_ =	shalt  }
0x59: {  	_ =	shalt  }
0x5a: {  	_ =	shalt  }
0x5b: {  	_ =	shalt  }
0x5c: {  	_ =	shalt  }
0x5d: {  	_ =	shalt  }
0x5e: {  	_ =	shalt  }
0x5f: {  	_ =	shalt  }
0x60: {  	_ =	shalt  }
0x61: {  	_ =	shalt  }
0x62: {  	_ =	shalt  }
0x63: {  	_ =	shalt  }
0x64: {  	_ =	shalt  }
0x65: {  	_ =	shalt  }
0x66: {  	_ =	shalt  }
0x67: {  	_ =	shalt  }
0x68: {  	_ =	shalt  }
0x69: {  	_ =	shalt  }
0x6a: {  	_ =	shalt  }
0x6b: {  	_ =	shalt  }
0x6c: {  	_ =	shalt  }
0x6d: {  	_ =	shalt  }
0x6e: {  	_ =	shalt  }
0x6f: {  	_ =	shalt  }
0x70: {  	_ =	shalt  }
0x71: {  	_ =	shalt  }
0x72: {  	_ =	shalt  }
0x73: {  	_ =	shalt  }
0x74: {  	_ =	shalt  }
0x75: {  	_ =	shalt  }
0x76: {  	_ =	shalt  }
0x77: {  	_ =	shalt  }
0x78: {  	_ =	shalt  }
0x79: {  	_ =	shalt  }
0x7a: {  	_ =	shalt  }
0x7b: {  	_ =	shalt  }
0x7c: {  	_ =	shalt  }
0x7d: {  	_ =	shalt  }
0x7e: {  	_ =	shalt  }
0x7f: {  	_ =	shalt  }
0x80: {  	_ =	shalt  }
0x81: {  	_ =	shalt  }
0x82: {  	_ =	shalt  }
0x83: {  	_ =	shalt  }
0x84: {  	_ =	shalt  }
0x85: {  	_ =	shalt  }
0x86: {  	_ =	shalt  }
0x87: {  	_ =	shalt  }
.Lfunc_end0:
.L_simem_size_0:
called_computation.1_lowered:
.L_overlay_start_0:
0x88: {  	s2 =	sld [smem:$0x3FD9]  }
0x89: {  	s3 =	sld [smem:$0x3FFE];
	_ =	sdelay $0x1  }
0x8a: {  	s1 =	srdreg.scid  }
0x8b: {  	s0 =	sand.u32 $0x1, s1  }
0x8c: {  	s16 =	sshll.u32 s0, $0xA;
	s2 =	sadd.s32 s3, s2  }
0x8d: {  	s2 =	sadd.s32 s2, s16  }
0x8e: {  	[smem:$0x3FBC] =	sst s2  }
0x8f: {  	_ = 	snop  }
0x90: {  	(tm) =	ssettm $0x1  }
0x91: {  	s17 =	sld [smem:$0x3FFB];
	_ =	sdelay $0x3  }
0x92: {  	_ =	strace s17  }
0x93: {  	s2 =	sld [smem:$0x3FFC];
	_ =	sdelay $0x3  }
0x94: {  	_ =	strace s2  }
0x95: {  	s2 =	sld [smem:$0x3FFD];
	_ =	sdelay $0x3  }
0x96: {  	_ =	strace s2  }
0x97: {  	_ =	strace $0x8FFFFFFF  }
0x98: {  	s18 =	sld [smem:$0x3FDB];
	_ =	sdelay $0x1  }
0x99: {  	s19 =	simm.s32 $_scs_section_size  }
0x9a: {  	s4 =	simm.s32 $_size__tile_overlayer_lowered;
	s5 =	simm.s32 $_tile_overlayer_lowered  }
0x9b: {  	s22 =	simm.s32 $0x1BFF;
	s21 =	sshll.u32 s5, $0x1;
	s2 =	sadd.s32 s19, s18  }
0x9c: {  	s6 =	simm.s32 $0x0;
	s20 =	sshll.u32 s4, $0x1;
	s4 =	sadd.s32 s21, s2  }
0x9d: {  	[timem:s6], [sflag:s22] =	dma.local [hbm:s4], s20  }
0x9e: {  	_ =	swait.ge [sflag:s22], s20  }
0x9f: {  	s3 =	ssub.s32 $0x0, s20;
	[sflag:s22] =	ssyncset.done $0x0  }
0xa0: {  	[sflag:s22] =	ssyncadd.s32 s3;
	_ =	sdelay $0x1  }
0xa1: {  	s23 =	simm.s32 $0x1B8B  }
0xa2: {  	_ =	swait.ge [sflag:s23], $0x1  }
0xa3: {  	[sflag:s23] =	ssyncset.done $0x0  }
0xa4: {  	s25 =	simm.s32 $0x1B8E;
	s24 =	sld [smem:$0x3FFE];
	[sflag:s23] =	ssyncadd.s32 $0xFFFFFFFF  }
0xa5: {  	s26 =	simm.s32 $execute0_lowered;
	[smem:$0x3FD2] =	sst s25  }
0xa6: {  	s4 =	sshll.u32 s26, $0x1;
	_ =	strace $0x80000049;
	[dreg:$0x1] =	wrdreg $0xFFFFFFFF  }
0xa7: {  	s28 =	simm.s32 $_size_execute0_lowered;
	s2 =	sadd.s32 s2, s4;
	[dreg:$0x0] =	wrdreg $0x0  }
0xa8: {  	s4 =	sshll.u32 s28, $0x1;
	[dreg:$0x2] =	wrdreg s2  }
0xa9: {  	[dreg:$0x3] =	wrdreg s4  }
0xaa: {  	[dreg:$0x4] =	wrdreg $0xC0  }
0xab: {  	_ =	task [dreg:s6], $0x5FFFF  }
0xac: {  	[dreg:$0x1] =	wrdreg $0xFFFFFFFF  }
0xad: {  	[dreg:$0x0] =	wrdreg $0x60  }
0xae: {  	[dreg:$0x2] =	wrdreg s24  }
0xaf: {  	[dreg:$0x3] =	wrdreg $0x9  }
0xb0: {  	_ =	task.clear_ibuf [dreg:s6], $0x4FFFF;
	_ =	strace $0x90000049  }
0xb1: {  	s29 =	simm.s32 $0x9;
	_ =	strace $0x8000004B  }
0xb2: {  	_ =	swait.ge [sflag:s29], $0x1  }
0xb3: {  	[sflag:s29] =	ssyncadd.s32 $0xFFFFFFFF  }
0xb4: {  	_ =	strace $0x9000004B  }
0xb5: {  	_ =	sfence  }
0xb6: {  	s30 =	sld [smem:$0x0];
	_ =	sdelay $0x2  }
0xb7: {  	s31 =	sshll.u32 s1, $0xD;
	s1 =	sshrl.u32 s1, $0x2  }
0xb8: {  	s3 =	sand.u32 $0x4000, s31;
	s1 =	sadd.s32 s1, s30  }
0xb9: {  	s0 =	sor.u32 s3, s0;
	s1 =	sshll.u32 s1, $0x11  }
0xba: {  	s0 =	sor.u32 s1, s0  }
0xbb: {  	s0 =	sadd.s32 $0x8F2B, s0  }
0xbc: {  	[sflag:s0] =	ssyncadd.remote.s32 $0x1  }
0xbd: {  	_ =	sfence.sel $0xFFFF  }
0xbe: {  	[dreg:$0x0] =	wrdreg $0xFFFFFFFF;
	(pc) =	sbr.abs _section_cstart, $3  }
0xbf: {  	[dreg:$0x1] =	wrdreg $0xFFFFFFFF  }
0xc0: {  	_ =	task.clear_ibuf [dreg:s6], $0x2FFFF;
	_ =	strace $0x9FFFFFFF  }
0xc1: {  	(tm) =	ssettm $0x7FFFFFFF  }
tec
execute0_lowered:
.L_overlay_start_1:
0x0: {  	(tag) =	ssettag $0x1  }
0x1: {  	s0 =	rddreg [dreg:$0x0];
	s1 =	simm.s32 $0x0;
	s2 =	srdreg.scid  }
0x2: {  	s9 =	stileid.u32;
	s28 =	simm.s32 $0x2;
	s29 =	simm.s32 $0x9E00  }
0x3: {  	s30 =	simm.s32 $0xC580;
	s31 =	simm.s32 $0xED00;
	[smem:$0x7FF] =	sst s1  }
0x4: {  	s2 =	sand.u32 $0x1, s2;
	s4 =	sadd.s32 $0x1A00, s0;
	s7 =	smul.u32 $0x9C40, s9  }
0x5: {  	s3 =	sadd.s32 $0x15400, s0;
	s0 =	sadd.s32 $0x1F200, s0;
	s16 =	smul.u32 $0x1388, s9  }
0x6: {  	s9 =	sshll.u32 s9, $0x3;
	_ =	strace $0x8000004A;
	s5 =	ssub.s32 $0x2, s2  }
0x7: {  	s8 =	sshll.u32 s2, $0x7;
	s2 =	smul.u32 $0x27100, s2;
	s6 =	sshrl.u32 s5, $0x1  }
0x8: {  	s7 =	sshrl.u32 s7, $0x3;
	s9 =	sor.u32 s9, s8;
	s5 =	ssub.s32 s5, s6  }
0x9: {  	s7 =	sadd.s32 s4, s7;
	s4 =	sadd.s32 s4, s16;
	s18 =	smul.u32 $0x2710, s9  }
0xa: {  	s21 =	sshrl.u32 s2, $0x3;
	s22 =	smul.u32 $0x4E2, s9;
	s10 =	sadd.s32 $0x1900, s2  }
0xb: {  	s11 =	sadd.s32 $0x2580, s2;
	s2 =	simm.s32 $0x13C00;
	s6 =	simm.s32 $0x3  }
0xc: {  	[dreg:$0x2] =	wrdreg s4;
	s17 =	sadd.s32 $0x4E2, s7;
	s19 =	sadd.s32 $0x9C4, s7  }
0xd: {  	s20 =	sadd.s32 $0xEA6, s7;
	s8 =	sadd.s32 s3, s21;
	[dreg:$0x3] =	wrdreg s17  }
0xe: {  	s21 =	simm.s32 $0x2780;
	s7 =	simm.s32 $0x0;
	[dreg:$0x4] =	wrdreg s19  }
0xf: {  	[dreg:$0x5] =	wrdreg s20;
	s4 =	sshrl.u32 s18, $0x3;
	s23 =	sadd.s32 $0x190, s8  }
0x10: {  	s20 =	smax.u32 s5, $0x1;
	s5 =	simm.s32 $0x1B280;
	[dreg:$0x6] =	wrdreg s23  }
0x11: {  	s4 =	sadd.s32 s0, s4;
	s0 =	sadd.s32 s0, s22;
	s22 =	simm.s32 $0x4F00  }
0x12: {  	s23 =	simm.s32 $0x7680;
	[dreg:$0x7] =	wrdreg s0;
	s24 =	sadd.s32 $0x4E2, s4  }
.Ltmp0:
0x13: {  	s25 =	sadd.s32 $0x9C4, s4;
	s26 =	sadd.s32 $0xEA6, s4;
	(pc) =	sbr.rel .LBB2_1-.Ltmp0, $4  }
0x14: {  	s16 =	sadd.s32 $0x1388, s4;
	s17 =	sadd.s32 $0x186A, s4;
	[dreg:$0x8] =	wrdreg s24  }
0x15: {  	s18 =	sadd.s32 $0x1D4C, s4;
	s19 =	sadd.s32 $0x222E, s4;
	[dreg:$0x9] =	wrdreg s25  }
0x16: {  	s0 =	simm.s32 $0x11480;
	s4 =	simm.s32 $0x18B00;
	[dreg:$0xa] =	wrdreg s26  }
0x17: {  	v0 =	vimm.f32 $0.0e+00;
	s25 =	simm.s32 $0x1E680;
	s26 =	simm.s32 $0x1;
	s24 =	simm.s32 $0x16380  }
.LBB2_28:
0x18: {  	s9 =	rddreg [dreg:$0x7]  }
0x19: {  	[hbm4b:s9+s1] =	stream.linear.scatter [tilespmem:s29], [sflag:$0x3], $0x2710, $0x38;
	[tilespmem:$0x1F300] =	vst v63  }
0x1a: {  	_ =	swait.ge [sflag:s6], $0x2710  }
0x1b: {  	[sflag:s6] =	ssyncset.done $0x0  }
0x1c: {  	s13 =	rddreg [dreg:$0x8];
	[sflag:s6] =	ssyncadd.s32 $0xFFFFD8F0  }
0x1d: {  	[hbm4b:s13+s1] =	stream.linear.scatter [tilespmem:s30], [sflag:$0x3], $0x2710, $0x38;
	[tilespmem:$0x1F300] =	vst v63  }
0x1e: {  	_ =	swait.ge [sflag:s6], $0x2710  }
0x1f: {  	[sflag:s6] =	ssyncset.done $0x0  }
0x20: {  	s14 =	rddreg [dreg:$0x9];
	[sflag:s6] =	ssyncadd.s32 $0xFFFFD8F0  }
0x21: {  	[hbm4b:s14+s1] =	stream.linear.scatter [tilespmem:s31], [sflag:$0x3], $0x2710, $0x38;
	[tilespmem:$0x1F300] =	vst v63  }
0x22: {  	_ =	swait.ge [sflag:s6], $0x2710  }
0x23: {  	[sflag:s6] =	ssyncset.done $0x0  }
0x24: {  	s15 =	rddreg [dreg:$0xa];
	[sflag:s6] =	ssyncadd.s32 $0xFFFFD8F0  }
0x25: {  	[hbm4b:s15+s1] =	stream.linear.scatter [tilespmem:s0], [sflag:$0x3], $0x2710, $0x38;
	[tilespmem:$0x1F300] =	vst v63  }
0x26: {  	_ =	swait.ge [sflag:s6], $0x2710  }
0x27: {  	[sflag:s6] =	ssyncset.done $0x0  }
0x28: {  	[sflag:s6] =	ssyncadd.s32 $0xFFFFD8F0  }
0x29: {  	[hbm4b:s16+s1] =	stream.linear.scatter [tilespmem:s2], [sflag:$0x3], $0x2710, $0x38;
	[tilespmem:$0x1F300] =	vst v63  }
0x2a: {  	_ =	swait.ge [sflag:s6], $0x2710  }
0x2b: {  	[sflag:s6] =	ssyncset.done $0x0  }
0x2c: {  	[sflag:s6] =	ssyncadd.s32 $0xFFFFD8F0  }
0x2d: {  	[hbm4b:s17+s1] =	stream.linear.scatter [tilespmem:s24], [sflag:$0x3], $0x2710, $0x38;
	[tilespmem:$0x1F300] =	vst v63  }
0x2e: {  	_ =	swait.ge [sflag:s6], $0x2710  }
0x2f: {  	[sflag:s6] =	ssyncset.done $0x0  }
0x30: {  	[sflag:s6] =	ssyncadd.s32 $0xFFFFD8F0  }
0x31: {  	[hbm4b:s18+s1] =	stream.linear.scatter [tilespmem:s4], [sflag:$0x3], $0x2710, $0x38;
	[tilespmem:$0x1F300] =	vst v63  }
0x32: {  	s7 =	sadd.s32 $0x1, s7;
	_ =	swait.ge [sflag:s6], $0x2710  }
0x33: {  	p0 =	sne.s32 s7, s20;
	[sflag:s6] =	ssyncset.done $0x0  }
.Ltmp1:
0x34: {  	[sflag:s6] =	ssyncadd.s32 $0xFFFFD8F0;
	(pc) =	sbr.rel @!p0 .LBB2_29-.Ltmp1, $4  }
0x35: {  	[hbm4b:s19+s1] =	stream.linear.scatter [tilespmem:s5], [sflag:$0x3], $0x2710, $0x38;
	[tilespmem:$0x1F300] =	vst v63  }
0x36: {  	_ =	swait.ge [sflag:s6], $0x2710  }
0x37: {  	[sflag:s6] =	ssyncset.done $0x0  }
0x38: {  	[sflag:s6] =	ssyncadd.s32 $0xFFFFD8F0  }
.LBB2_1:
0x39: {  	s9 =	rddreg [dreg:$0x2]  }
0x3a: {  	[tilespmem:s1], [sflag:$0x1] =	stream.linear.gather [hbm4b:s9+s1], $0x2710, $0x38;
	[tilespmem:$0x1F300] =	vst v63  }
0x3b: {  	s15 =	rddreg [dreg:$0x3]  }
0x3c: {  	[tilespmem:s21], [sflag:$0x1] =	stream.linear.gather [hbm4b:s15+s1], $0x2710, $0x38;
	[tilespmem:$0x1F300] =	vst v63  }
0x3d: {  	s12 =	rddreg [dreg:$0x4]  }
0x3e: {  	[tilespmem:s22], [sflag:$0x1] =	stream.linear.gather [hbm4b:s12+s1], $0x2710, $0x38;
	[tilespmem:$0x1F300] =	vst v63  }
0x3f: {  	s13 =	rddreg [dreg:$0x5]  }
0x40: {  	[tilespmem:s23], [sflag:$0x1] =	stream.linear.gather [hbm4b:s13+s1], $0x2710, $0x38;
	[tilespmem:$0x1F300] =	vst v63  }
0x41: {  	s14 =	simm.s32 $0x1DA00  }
0x42: {  	[tilespmem:s14], [sflag:$0x2] =	stream.linear.gather [hbm4b:s8+s1], $0xC80, $0x38;
	[tilespmem:$0x1F300] =	vst v63  }
0x43: {  	s9 =	simm.s32 $0x9E40;
	s15 =	rddreg [dreg:$0x6]  }
0x44: {  	[tilespmem:s25], [sflag:$0x2] =	stream.linear.gather [hbm4b:s15+s1], $0xC80, $0x38;
	[tilespmem:$0x1F300] =	vst v63  }
0x45: {  	[tilespmem:s9+$0xFFFFFFC0] =	vst v0  }
0x46: {  	[tilespmem:s9+$0x30] =	vst v0  }
0x47: {  	[tilespmem:s9+$0x20] =	vst v0  }
0x48: {  	[tilespmem:s9+$0x10] =	vst v0  }
0x49: {  	[tilespmem:s9+$0x0] =	vst v0  }
0x4a: {  	[tilespmem:s9+$0xFFFFFFF0] =	vst v0  }
0x4b: {  	s12 =	simm.s32 $0x0;
	[tilespmem:s9+$0xFFFFFFE0] =	vst v0  }
.LBB2_2:
0x4c: {  	s12 =	sadd.s32 $0x8, s12;
	[tilespmem:s9+$0xFFFFFFD0] =	vst v0;
	s9 =	sadd.s32 $0x80, s9  }
0x4d: {  	[tilespmem:s9+$0xFFFFFFC0] =	vst v0;
	p0 =	slt.u32 s12, $0x268  }
0x4e: {  	[tilespmem:s9+$0x30] =	vst v0  }
.Ltmp2:
0x4f: {  	[tilespmem:s9+$0x20] =	vst v0;
	(pc) =	sbr.rel @p0 .LBB2_2-.Ltmp2, $4  }
0x50: {  	[tilespmem:s9+$0x10] =	vst v0  }
0x51: {  	[tilespmem:s9+$0x0] =	vst v0  }
0x52: {  	[tilespmem:s9+$0xFFFFFFF0] =	vst v0  }
0x53: {  	[tilespmem:s9+$0xFFFFFFE0] =	vst v0  }
0x54: {  	[tilespmem:s9+$0xFFFFFFD0] =	vst v0  }
0x55: {  	s9 =	simm.s32 $0xC5C0;
	[tilespmem:$0xC500] =	vst v0  }
0x56: {  	[tilespmem:s9+$0xFFFFFFC0] =	vst v0  }
0x57: {  	[tilespmem:s9+$0x30] =	vst v0  }
0x58: {  	[tilespmem:s9+$0x20] =	vst v0  }
0x59: {  	[tilespmem:s9+$0x10] =	vst v0  }
0x5a: {  	[tilespmem:s9+$0x0] =	vst v0  }
0x5b: {  	[tilespmem:s9+$0xFFFFFFF0] =	vst v0  }
0x5c: {  	s12 =	simm.s32 $0x0;
	[tilespmem:s9+$0xFFFFFFE0] =	vst v0  }
.LBB2_4:
0x5d: {  	s12 =	sadd.s32 $0x8, s12;
	[tilespmem:s9+$0xFFFFFFD0] =	vst v0;
	s9 =	sadd.s32 $0x80, s9  }
0x5e: {  	[tilespmem:s9+$0xFFFFFFC0] =	vst v0;
	p0 =	slt.u32 s12, $0x268  }
0x5f: {  	[tilespmem:s9+$0x30] =	vst v0  }
.Ltmp3:
0x60: {  	[tilespmem:s9+$0x20] =	vst v0;
	(pc) =	sbr.rel @p0 .LBB2_4-.Ltmp3, $4  }
0x61: {  	[tilespmem:s9+$0x10] =	vst v0  }
0x62: {  	[tilespmem:s9+$0x0] =	vst v0  }
0x63: {  	[tilespmem:s9+$0xFFFFFFF0] =	vst v0  }
0x64: {  	[tilespmem:s9+$0xFFFFFFE0] =	vst v0  }
0x65: {  	[tilespmem:s9+$0xFFFFFFD0] =	vst v0  }
0x66: {  	s9 =	simm.s32 $0xED40;
	[tilespmem:$0xEC80] =	vst v0  }
0x67: {  	[tilespmem:s9+$0xFFFFFFC0] =	vst v0  }
0x68: {  	[tilespmem:s9+$0x30] =	vst v0  }
0x69: {  	[tilespmem:s9+$0x20] =	vst v0  }
0x6a: {  	[tilespmem:s9+$0x10] =	vst v0  }
0x6b: {  	[tilespmem:s9+$0x0] =	vst v0  }
0x6c: {  	[tilespmem:s9+$0xFFFFFFF0] =	vst v0  }
0x6d: {  	s12 =	simm.s32 $0x0;
	[tilespmem:s9+$0xFFFFFFE0] =	vst v0  }
.LBB2_6:
0x6e: {  	s12 =	sadd.s32 $0x8, s12;
	[tilespmem:s9+$0xFFFFFFD0] =	vst v0;
	s9 =	sadd.s32 $0x80, s9  }
0x6f: {  	[tilespmem:s9+$0xFFFFFFC0] =	vst v0;
	p0 =	slt.u32 s12, $0x268  }
0x70: {  	[tilespmem:s9+$0x30] =	vst v0  }
.Ltmp4:
0x71: {  	[tilespmem:s9+$0x20] =	vst v0;
	(pc) =	sbr.rel @p0 .LBB2_6-.Ltmp4, $4  }
0x72: {  	[tilespmem:s9+$0x10] =	vst v0  }
0x73: {  	[tilespmem:s9+$0x0] =	vst v0  }
0x74: {  	[tilespmem:s9+$0xFFFFFFF0] =	vst v0  }
0x75: {  	[tilespmem:s9+$0xFFFFFFE0] =	vst v0  }
0x76: {  	[tilespmem:s9+$0xFFFFFFD0] =	vst v0  }
0x77: {  	s9 =	simm.s32 $0x114C0;
	[tilespmem:$0x11400] =	vst v0  }
0x78: {  	[tilespmem:s9+$0xFFFFFFC0] =	vst v0  }
0x79: {  	[tilespmem:s9+$0x30] =	vst v0  }
0x7a: {  	[tilespmem:s9+$0x20] =	vst v0  }
0x7b: {  	[tilespmem:s9+$0x10] =	vst v0  }
0x7c: {  	[tilespmem:s9+$0x0] =	vst v0  }
0x7d: {  	[tilespmem:s9+$0xFFFFFFF0] =	vst v0  }
0x7e: {  	s12 =	simm.s32 $0x0;
	[tilespmem:s9+$0xFFFFFFE0] =	vst v0  }
.LBB2_8:
0x7f: {  	s12 =	sadd.s32 $0x8, s12;
	[tilespmem:s9+$0xFFFFFFD0] =	vst v0;
	s9 =	sadd.s32 $0x80, s9  }
0x80: {  	[tilespmem:s9+$0xFFFFFFC0] =	vst v0;
	p0 =	slt.u32 s12, $0x268  }
0x81: {  	[tilespmem:s9+$0x30] =	vst v0  }
.Ltmp5:
0x82: {  	[tilespmem:s9+$0x20] =	vst v0;
	(pc) =	sbr.rel @p0 .LBB2_8-.Ltmp5, $4  }
0x83: {  	[tilespmem:s9+$0x10] =	vst v0  }
0x84: {  	[tilespmem:s9+$0x0] =	vst v0  }
0x85: {  	[tilespmem:s9+$0xFFFFFFF0] =	vst v0  }
0x86: {  	[tilespmem:s9+$0xFFFFFFE0] =	vst v0  }
0x87: {  	[tilespmem:s9+$0xFFFFFFD0] =	vst v0  }
0x88: {  	s9 =	simm.s32 $0x13C40;
	[tilespmem:$0x13B80] =	vst v0  }
0x89: {  	[tilespmem:s9+$0xFFFFFFC0] =	vst v0  }
0x8a: {  	[tilespmem:s9+$0x30] =	vst v0  }
0x8b: {  	[tilespmem:s9+$0x20] =	vst v0  }
0x8c: {  	[tilespmem:s9+$0x10] =	vst v0  }
0x8d: {  	[tilespmem:s9+$0x0] =	vst v0  }
0x8e: {  	[tilespmem:s9+$0xFFFFFFF0] =	vst v0  }
0x8f: {  	s12 =	simm.s32 $0x0;
	[tilespmem:s9+$0xFFFFFFE0] =	vst v0  }
.LBB2_10:
0x90: {  	s12 =	sadd.s32 $0x8, s12;
	[tilespmem:s9+$0xFFFFFFD0] =	vst v0;
	s9 =	sadd.s32 $0x80, s9  }
0x91: {  	[tilespmem:s9+$0xFFFFFFC0] =	vst v0;
	p0 =	slt.u32 s12, $0x268  }
0x92: {  	[tilespmem:s9+$0x30] =	vst v0  }
.Ltmp6:
0x93: {  	[tilespmem:s9+$0x20] =	vst v0;
	(pc) =	sbr.rel @p0 .LBB2_10-.Ltmp6, $4  }
0x94: {  	[tilespmem:s9+$0x10] =	vst v0  }
0x95: {  	[tilespmem:s9+$0x0] =	vst v0  }
0x96: {  	[tilespmem:s9+$0xFFFFFFF0] =	vst v0  }
0x97: {  	[tilespmem:s9+$0xFFFFFFE0] =	vst v0  }
0x98: {  	[tilespmem:s9+$0xFFFFFFD0] =	vst v0  }
0x99: {  	s9 =	simm.s32 $0x163C0;
	[tilespmem:$0x16300] =	vst v0  }
0x9a: {  	[tilespmem:s9+$0xFFFFFFC0] =	vst v0  }
0x9b: {  	[tilespmem:s9+$0x30] =	vst v0  }
0x9c: {  	[tilespmem:s9+$0x20] =	vst v0  }
0x9d: {  	[tilespmem:s9+$0x10] =	vst v0  }
0x9e: {  	[tilespmem:s9+$0x0] =	vst v0  }
0x9f: {  	[tilespmem:s9+$0xFFFFFFF0] =	vst v0  }
0xa0: {  	s12 =	simm.s32 $0x0;
	[tilespmem:s9+$0xFFFFFFE0] =	vst v0  }
.LBB2_12:
0xa1: {  	s12 =	sadd.s32 $0x8, s12;
	[tilespmem:s9+$0xFFFFFFD0] =	vst v0;
	s9 =	sadd.s32 $0x80, s9  }
0xa2: {  	[tilespmem:s9+$0xFFFFFFC0] =	vst v0;
	p0 =	slt.u32 s12, $0x268  }
0xa3: {  	[tilespmem:s9+$0x30] =	vst v0  }
.Ltmp7:
0xa4: {  	[tilespmem:s9+$0x20] =	vst v0;
	(pc) =	sbr.rel @p0 .LBB2_12-.Ltmp7, $4  }
0xa5: {  	[tilespmem:s9+$0x10] =	vst v0  }
0xa6: {  	[tilespmem:s9+$0x0] =	vst v0  }
0xa7: {  	[tilespmem:s9+$0xFFFFFFF0] =	vst v0  }
0xa8: {  	[tilespmem:s9+$0xFFFFFFE0] =	vst v0  }
0xa9: {  	[tilespmem:s9+$0xFFFFFFD0] =	vst v0  }
0xaa: {  	s9 =	simm.s32 $0x18B40;
	[tilespmem:$0x18A80] =	vst v0  }
0xab: {  	[tilespmem:s9+$0xFFFFFFC0] =	vst v0  }
0xac: {  	[tilespmem:s9+$0x30] =	vst v0  }
0xad: {  	[tilespmem:s9+$0x20] =	vst v0  }
0xae: {  	[tilespmem:s9+$0x10] =	vst v0  }
0xaf: {  	[tilespmem:s9+$0x0] =	vst v0  }
0xb0: {  	[tilespmem:s9+$0xFFFFFFF0] =	vst v0  }
0xb1: {  	s12 =	simm.s32 $0x0;
	[tilespmem:s9+$0xFFFFFFE0] =	vst v0  }
.LBB2_14:
0xb2: {  	s12 =	sadd.s32 $0x8, s12;
	[tilespmem:s9+$0xFFFFFFD0] =	vst v0;
	s9 =	sadd.s32 $0x80, s9  }
0xb3: {  	[tilespmem:s9+$0xFFFFFFC0] =	vst v0;
	p0 =	slt.u32 s12, $0x268  }
0xb4: {  	[tilespmem:s9+$0x30] =	vst v0  }
.Ltmp8:
0xb5: {  	[tilespmem:s9+$0x20] =	vst v0;
	(pc) =	sbr.rel @p0 .LBB2_14-.Ltmp8, $4  }
0xb6: {  	[tilespmem:s9+$0x10] =	vst v0  }
0xb7: {  	[tilespmem:s9+$0x0] =	vst v0  }
0xb8: {  	[tilespmem:s9+$0xFFFFFFF0] =	vst v0  }
0xb9: {  	[tilespmem:s9+$0xFFFFFFE0] =	vst v0  }
0xba: {  	[tilespmem:s9+$0xFFFFFFD0] =	vst v0  }
0xbb: {  	s9 =	simm.s32 $0x1B2C0;
	[tilespmem:$0x1B200] =	vst v0  }
0xbc: {  	[tilespmem:s9+$0xFFFFFFC0] =	vst v0  }
0xbd: {  	[tilespmem:s9+$0x30] =	vst v0  }
0xbe: {  	[tilespmem:s9+$0x20] =	vst v0  }
0xbf: {  	[tilespmem:s9+$0x10] =	vst v0  }
0xc0: {  	[tilespmem:s9+$0x0] =	vst v0  }
0xc1: {  	[tilespmem:s9+$0xFFFFFFF0] =	vst v0  }
0xc2: {  	s12 =	simm.s32 $0x0;
	[tilespmem:s9+$0xFFFFFFE0] =	vst v0  }
.LBB2_16:
0xc3: {  	s12 =	sadd.s32 $0x8, s12;
	[tilespmem:s9+$0xFFFFFFD0] =	vst v0;
	s9 =	sadd.s32 $0x80, s9  }
0xc4: {  	[tilespmem:s9+$0xFFFFFFC0] =	vst v0;
	p0 =	slt.u32 s12, $0x268  }
0xc5: {  	[tilespmem:s9+$0x30] =	vst v0  }
.Ltmp9:
0xc6: {  	[tilespmem:s9+$0x20] =	vst v0;
	(pc) =	sbr.rel @p0 .LBB2_16-.Ltmp9, $4  }
0xc7: {  	[tilespmem:s9+$0x10] =	vst v0  }
0xc8: {  	[tilespmem:s9+$0x0] =	vst v0  }
0xc9: {  	[tilespmem:s9+$0xFFFFFFF0] =	vst v0  }
0xca: {  	[tilespmem:s9+$0xFFFFFFE0] =	vst v0  }
0xcb: {  	[tilespmem:s9+$0xFFFFFFD0] =	vst v0  }
0xcc: {  	[tilespmem:$0x1D980] =	vst v0  }
0xcd: {  	_ =	swait.ge [sflag:s26], $0x2710  }
0xce: {  	[sflag:s26] =	ssyncset.done $0x0  }
0xcf: {  	[sflag:s26] =	ssyncadd.s32 $0xFFFFD8F0  }
0xd0: {  	_ =	swait.ge [sflag:s26], $0x2710  }
0xd1: {  	[sflag:s26] =	ssyncset.done $0x0  }
0xd2: {  	[sflag:s26] =	ssyncadd.s32 $0xFFFFD8F0  }
0xd3: {  	_ =	swait.ge [sflag:s26], $0x2710  }
0xd4: {  	[sflag:s26] =	ssyncset.done $0x0  }
0xd5: {  	[sflag:s26] =	ssyncadd.s32 $0xFFFFD8F0  }
0xd6: {  	_ =	swait.ge [sflag:s26], $0x2710  }
0xd7: {  	[sflag:s26] =	ssyncset.done $0x0  }
0xd8: {  	s9 =	simm.s32 $0x0;
	s12 =	simm.s32 $0x0;
	[sflag:s26] =	ssyncadd.s32 $0xFFFFD8F0  }
.LBB2_18:
0xd9: {  	_ =	swait.ge [sflag:s28], $0xC80  }
0xda: {  	[sflag:s28] =	ssyncset.done $0x0  }
0xdb: {  	[sflag:s28] =	ssyncadd.s32 $0xFFFFF380  }
0xdc: {  	v1 =	vld [tilespmem:$0x1DA00];
	_ =	sdelay $0x4  }
0xdd: {  	v2 =	vunpack.i.l.s16.s32 v1;
	_ =	sdelay $0x4  }
0xde: {  	v3 =	vld.idx.msk [tilespmem:v2+s1+$0x0], $0xffff  }
0xdf: {  	v1 =	vunpack.i.u.s16.s32 v1  }
0xe0: {  	s13 =	simm.s32 $0x1DA40;
	v4 =	vld.idx.msk [tilespmem:v2+s21+$0x0], $0xffff  }
0xe1: {  	v6 =	vld [tilespmem:s13+$0xFFFFFFD0]  }
0xe2: {  	v5 =	vld.idx.msk [tilespmem:v2+s22+$0x0], $0xffff  }
0xe3: {  	v2 =	vld.idx.msk [tilespmem:v2+s23+$0x0], $0xffff;
	v7 =	vunpack.i.l.bf16.f32 v3  }
0xe4: {  	v3 =	vunpack.i.u.bf16.f32 v3;
	[tilespmem:v1+s29+$0x0] =	vst.idx.add.f32.msk $0xffff, v7  }
0xe5: {  	v7 =	vunpack.i.l.bf16.f32 v4;
	[tilespmem:v1+s30+$0x0] =	vst.idx.add.f32.msk $0xffff, v3  }
0xe6: {  	v3 =	vunpack.i.u.bf16.f32 v4;
	[tilespmem:v1+s31+$0x0] =	vst.idx.add.f32.msk $0xffff, v7  }
0xe7: {  	v4 =	vunpack.i.l.bf16.f32 v5;
	v7 =	vunpack.i.l.s16.s32 v6;
	[tilespmem:v1+s0+$0x0] =	vst.idx.add.f32.msk $0xffff, v3  }
0xe8: {  	v3 =	vunpack.i.u.bf16.f32 v5;
	[tilespmem:v1+s2+$0x0] =	vst.idx.add.f32.msk $0xffff, v4  }
0xe9: {  	v4 =	vunpack.i.l.bf16.f32 v2;
	[tilespmem:v1+s24+$0x0] =	vst.idx.add.f32.msk $0xffff, v3  }
0xea: {  	v2 =	vunpack.i.u.bf16.f32 v2;
	[tilespmem:v1+s4+$0x0] =	vst.idx.add.f32.msk $0xffff, v4  }
0xeb: {  	[tilespmem:v1+s5+$0x0] =	vst.idx.add.f32.msk $0xffff, v2  }
0xec: {  	v1 =	vld.idx.msk [tilespmem:v7+s9+$0x0], $0xffff  }
0xed: {  	v2 =	vunpack.i.u.s16.s32 v6  }
0xee: {  	v3 =	vld.idx.msk [tilespmem:v7+s21+$0x0], $0xffff  }
0xef: {  	v5 =	vld [tilespmem:s13+$0xFFFFFFE0]  }
0xf0: {  	v4 =	vld.idx.msk [tilespmem:v7+s22+$0x0], $0xffff  }
0xf1: {  	v6 =	vld.idx.msk [tilespmem:v7+s23+$0x0], $0xffff;
	v7 =	vunpack.i.l.bf16.f32 v1  }
0xf2: {  	v1 =	vunpack.i.u.bf16.f32 v1;
	[tilespmem:v2+s29+$0x0] =	vst.idx.add.f32.msk $0xffff, v7  }
0xf3: {  	v7 =	vunpack.i.l.bf16.f32 v3;
	[tilespmem:v2+s30+$0x0] =	vst.idx.add.f32.msk $0xffff, v1  }
0xf4: {  	v1 =	vunpack.i.u.bf16.f32 v3;
	[tilespmem:v2+s31+$0x0] =	vst.idx.add.f32.msk $0xffff, v7  }
0xf5: {  	v3 =	vunpack.i.l.bf16.f32 v4;
	v7 =	vunpack.i.l.s16.s32 v5;
	[tilespmem:v2+s0+$0x0] =	vst.idx.add.f32.msk $0xffff, v1  }
0xf6: {  	v1 =	vunpack.i.u.bf16.f32 v4;
	[tilespmem:v2+s2+$0x0] =	vst.idx.add.f32.msk $0xffff, v3  }
0xf7: {  	v3 =	vunpack.i.l.bf16.f32 v6;
	[tilespmem:v2+s24+$0x0] =	vst.idx.add.f32.msk $0xffff, v1  }
0xf8: {  	v1 =	vunpack.i.u.bf16.f32 v6;
	[tilespmem:v2+s4+$0x0] =	vst.idx.add.f32.msk $0xffff, v3  }
0xf9: {  	[tilespmem:v2+s5+$0x0] =	vst.idx.add.f32.msk $0xffff, v1  }
0xfa: {  	v1 =	vld.idx.msk [tilespmem:v7+s9+$0x0], $0xffff  }
0xfb: {  	v2 =	vunpack.i.u.s16.s32 v5  }
0xfc: {  	v3 =	vld.idx.msk [tilespmem:v7+s21+$0x0], $0xffff  }
0xfd: {  	v5 =	vld [tilespmem:s13+$0xFFFFFFF0]  }
0xfe: {  	v4 =	vld.idx.msk [tilespmem:v7+s22+$0x0], $0xffff  }
0xff: {  	v6 =	vld.idx.msk [tilespmem:v7+s23+$0x0], $0xffff;
	v7 =	vunpack.i.l.bf16.f32 v1  }
0x100: {  	v1 =	vunpack.i.u.bf16.f32 v1;
	[tilespmem:v2+s29+$0x0] =	vst.idx.add.f32.msk $0xffff, v7  }
0x101: {  	v7 =	vunpack.i.l.bf16.f32 v3;
	[tilespmem:v2+s30+$0x0] =	vst.idx.add.f32.msk $0xffff, v1  }
0x102: {  	v1 =	vunpack.i.u.bf16.f32 v3;
	[tilespmem:v2+s31+$0x0] =	vst.idx.add.f32.msk $0xffff, v7  }
0x103: {  	v3 =	vunpack.i.l.bf16.f32 v4;
	v7 =	vunpack.i.l.s16.s32 v5;
	[tilespmem:v2+s0+$0x0] =	vst.idx.add.f32.msk $0xffff, v1  }
0x104: {  	v1 =	vunpack.i.u.bf16.f32 v4;
	[tilespmem:v2+s2+$0x0] =	vst.idx.add.f32.msk $0xffff, v3  }
0x105: {  	v3 =	vunpack.i.l.bf16.f32 v6;
	[tilespmem:v2+s24+$0x0] =	vst.idx.add.f32.msk $0xffff, v1  }
0x106: {  	v1 =	vunpack.i.u.bf16.f32 v6;
	[tilespmem:v2+s4+$0x0] =	vst.idx.add.f32.msk $0xffff, v3  }
0x107: {  	[tilespmem:v2+s5+$0x0] =	vst.idx.add.f32.msk $0xffff, v1  }
0x108: {  	v1 =	vld.idx.msk [tilespmem:v7+s9+$0x0], $0xffff  }
0x109: {  	v2 =	vunpack.i.u.s16.s32 v5  }
0x10a: {  	v3 =	vld.idx.msk [tilespmem:v7+s21+$0x0], $0xffff  }
0x10b: {  	v5 =	vld [tilespmem:s13+$0x0]  }
0x10c: {  	v4 =	vld.idx.msk [tilespmem:v7+s22+$0x0], $0xffff  }
0x10d: {  	v6 =	vld.idx.msk [tilespmem:v7+s23+$0x0], $0xffff;
	v7 =	vunpack.i.l.bf16.f32 v1  }
0x10e: {  	v1 =	vunpack.i.u.bf16.f32 v1;
	[tilespmem:v2+s29+$0x0] =	vst.idx.add.f32.msk $0xffff, v7  }
0x10f: {  	v7 =	vunpack.i.l.bf16.f32 v3;
	[tilespmem:v2+s30+$0x0] =	vst.idx.add.f32.msk $0xffff, v1  }
0x110: {  	v1 =	vunpack.i.u.bf16.f32 v3;
	[tilespmem:v2+s31+$0x0] =	vst.idx.add.f32.msk $0xffff, v7  }
0x111: {  	v3 =	vunpack.i.l.bf16.f32 v4;
	v7 =	vunpack.i.l.s16.s32 v5;
	[tilespmem:v2+s0+$0x0] =	vst.idx.add.f32.msk $0xffff, v1  }
0x112: {  	v1 =	vunpack.i.u.bf16.f32 v4;
	[tilespmem:v2+s2+$0x0] =	vst.idx.add.f32.msk $0xffff, v3  }
0x113: {  	v3 =	vunpack.i.l.bf16.f32 v6;
	[tilespmem:v2+s24+$0x0] =	vst.idx.add.f32.msk $0xffff, v1  }
0x114: {  	v1 =	vunpack.i.u.bf16.f32 v6;
	[tilespmem:v2+s4+$0x0] =	vst.idx.add.f32.msk $0xffff, v3  }
0x115: {  	[tilespmem:v2+s5+$0x0] =	vst.idx.add.f32.msk $0xffff, v1  }
0x116: {  	v1 =	vld.idx.msk [tilespmem:v7+s9+$0x0], $0xffff  }
0x117: {  	v2 =	vunpack.i.u.s16.s32 v5  }
0x118: {  	v3 =	vld.idx.msk [tilespmem:v7+s21+$0x0], $0xffff  }
0x119: {  	v5 =	vld [tilespmem:s13+$0x10]  }
0x11a: {  	v4 =	vld.idx.msk [tilespmem:v7+s22+$0x0], $0xffff  }
0x11b: {  	v6 =	vld.idx.msk [tilespmem:v7+s23+$0x0], $0xffff;
	v7 =	vunpack.i.l.bf16.f32 v1  }
0x11c: {  	v1 =	vunpack.i.u.bf16.f32 v1;
	[tilespmem:v2+s29+$0x0] =	vst.idx.add.f32.msk $0xffff, v7  }
0x11d: {  	v7 =	vunpack.i.l.bf16.f32 v3;
	[tilespmem:v2+s30+$0x0] =	vst.idx.add.f32.msk $0xffff, v1  }
0x11e: {  	v1 =	vunpack.i.u.bf16.f32 v3;
	[tilespmem:v2+s31+$0x0] =	vst.idx.add.f32.msk $0xffff, v7  }
0x11f: {  	v3 =	vunpack.i.l.bf16.f32 v4;
	v7 =	vunpack.i.l.s16.s32 v5;
	[tilespmem:v2+s0+$0x0] =	vst.idx.add.f32.msk $0xffff, v1  }
0x120: {  	v1 =	vunpack.i.u.bf16.f32 v4;
	[tilespmem:v2+s2+$0x0] =	vst.idx.add.f32.msk $0xffff, v3  }
0x121: {  	v3 =	vunpack.i.l.bf16.f32 v6;
	[tilespmem:v2+s24+$0x0] =	vst.idx.add.f32.msk $0xffff, v1  }
0x122: {  	v1 =	vunpack.i.u.bf16.f32 v6;
	[tilespmem:v2+s4+$0x0] =	vst.idx.add.f32.msk $0xffff, v3  }
0x123: {  	[tilespmem:v2+s5+$0x0] =	vst.idx.add.f32.msk $0xffff, v1  }
0x124: {  	v1 =	vld.idx.msk [tilespmem:v7+s9+$0x0], $0xffff  }
0x125: {  	v2 =	vunpack.i.u.s16.s32 v5  }
0x126: {  	v3 =	vld.idx.msk [tilespmem:v7+s21+$0x0], $0xffff  }
0x127: {  	v5 =	vld [tilespmem:s13+$0x20]  }
0x128: {  	v4 =	vld.idx.msk [tilespmem:v7+s22+$0x0], $0xffff  }
0x129: {  	v6 =	vld.idx.msk [tilespmem:v7+s23+$0x0], $0xffff;
	v7 =	vunpack.i.l.bf16.f32 v1  }
0x12a: {  	v1 =	vunpack.i.u.bf16.f32 v1;
	[tilespmem:v2+s29+$0x0] =	vst.idx.add.f32.msk $0xffff, v7  }
0x12b: {  	v7 =	vunpack.i.l.bf16.f32 v3;
	[tilespmem:v2+s30+$0x0] =	vst.idx.add.f32.msk $0xffff, v1  }
0x12c: {  	v1 =	vunpack.i.u.bf16.f32 v3;
	[tilespmem:v2+s31+$0x0] =	vst.idx.add.f32.msk $0xffff, v7  }
0x12d: {  	v3 =	vunpack.i.l.bf16.f32 v4;
	v7 =	vunpack.i.l.s16.s32 v5;
	[tilespmem:v2+s0+$0x0] =	vst.idx.add.f32.msk $0xffff, v1  }
0x12e: {  	v1 =	vunpack.i.u.bf16.f32 v4;
	[tilespmem:v2+s2+$0x0] =	vst.idx.add.f32.msk $0xffff, v3  }
0x12f: {  	v3 =	vunpack.i.l.bf16.f32 v6;
	[tilespmem:v2+s24+$0x0] =	vst.idx.add.f32.msk $0xffff, v1  }
0x130: {  	v1 =	vunpack.i.u.bf16.f32 v6;
	[tilespmem:v2+s4+$0x0] =	vst.idx.add.f32.msk $0xffff, v3  }
0x131: {  	[tilespmem:v2+s5+$0x0] =	vst.idx.add.f32.msk $0xffff, v1  }
0x132: {  	v1 =	vld.idx.msk [tilespmem:v7+s9+$0x0], $0xffff  }
0x133: {  	v2 =	vunpack.i.u.s16.s32 v5  }
0x134: {  	v3 =	vld.idx.msk [tilespmem:v7+s21+$0x0], $0xffff  }
0x135: {  	v5 =	vld [tilespmem:s13+$0x30]  }
0x136: {  	v4 =	vld.idx.msk [tilespmem:v7+s22+$0x0], $0xffff  }
0x137: {  	v6 =	vld.idx.msk [tilespmem:v7+s23+$0x0], $0xffff;
	v7 =	vunpack.i.l.bf16.f32 v1  }
0x138: {  	v1 =	vunpack.i.u.bf16.f32 v1;
	[tilespmem:v2+s29+$0x0] =	vst.idx.add.f32.msk $0xffff, v7  }
0x139: {  	v7 =	vunpack.i.l.bf16.f32 v3;
	[tilespmem:v2+s30+$0x0] =	vst.idx.add.f32.msk $0xffff, v1  }
0x13a: {  	v1 =	vunpack.i.u.bf16.f32 v3;
	[tilespmem:v2+s31+$0x0] =	vst.idx.add.f32.msk $0xffff, v7  }
0x13b: {  	v3 =	vunpack.i.l.bf16.f32 v4;
	v7 =	vunpack.i.l.s16.s32 v5;
	[tilespmem:v2+s0+$0x0] =	vst.idx.add.f32.msk $0xffff, v1  }
0x13c: {  	v1 =	vunpack.i.u.bf16.f32 v4;
	[tilespmem:v2+s2+$0x0] =	vst.idx.add.f32.msk $0xffff, v3  }
0x13d: {  	v3 =	vunpack.i.l.bf16.f32 v6;
	[tilespmem:v2+s24+$0x0] =	vst.idx.add.f32.msk $0xffff, v1  }
0x13e: {  	v1 =	vunpack.i.u.bf16.f32 v6;
	[tilespmem:v2+s4+$0x0] =	vst.idx.add.f32.msk $0xffff, v3  }
0x13f: {  	[tilespmem:v2+s5+$0x0] =	vst.idx.add.f32.msk $0xffff, v1  }
0x140: {  	v1 =	vld.idx.msk [tilespmem:v7+s9+$0x0], $0xffff  }
0x141: {  	v2 =	vunpack.i.u.s16.s32 v5  }
0x142: {  	v3 =	vld.idx.msk [tilespmem:v7+s21+$0x0], $0xffff  }
0x143: {  	v5 =	vld [tilespmem:s13+$0x40]  }
0x144: {  	v4 =	vld.idx.msk [tilespmem:v7+s22+$0x0], $0xffff  }
0x145: {  	v6 =	vld.idx.msk [tilespmem:v7+s23+$0x0], $0xffff;
	v7 =	vunpack.i.l.bf16.f32 v1  }
0x146: {  	v1 =	vunpack.i.u.bf16.f32 v1;
	[tilespmem:v2+s29+$0x0] =	vst.idx.add.f32.msk $0xffff, v7  }
0x147: {  	v7 =	vunpack.i.l.bf16.f32 v3;
	[tilespmem:v2+s30+$0x0] =	vst.idx.add.f32.msk $0xffff, v1  }
0x148: {  	v1 =	vunpack.i.u.bf16.f32 v3;
	[tilespmem:v2+s31+$0x0] =	vst.idx.add.f32.msk $0xffff, v7  }
0x149: {  	v8 =	vunpack.i.l.s16.s32 v5;
	v3 =	vunpack.i.l.bf16.f32 v4;
	[tilespmem:v2+s0+$0x0] =	vst.idx.add.f32.msk $0xffff, v1  }
0x14a: {  	v1 =	vunpack.i.u.bf16.f32 v4;
	[tilespmem:v2+s2+$0x0] =	vst.idx.add.f32.msk $0xffff, v3  }
0x14b: {  	v3 =	vunpack.i.l.bf16.f32 v6;
	[tilespmem:v2+s24+$0x0] =	vst.idx.add.f32.msk $0xffff, v1  }
0x14c: {  	v1 =	vunpack.i.u.bf16.f32 v6;
	[tilespmem:v2+s4+$0x0] =	vst.idx.add.f32.msk $0xffff, v3  }
0x14d: {  	[tilespmem:v2+s5+$0x0] =	vst.idx.add.f32.msk $0xffff, v1  }
0x14e: {  	v3 =	vld.idx.msk [tilespmem:v8+s23+$0x0], $0xffff  }
0x14f: {  	v4 =	vld.idx.msk [tilespmem:v8+s22+$0x0], $0xffff  }
0x150: {  	v7 =	vld.idx.msk [tilespmem:v8+s9+$0x0], $0xffff  }
0x151: {  	s15 =	simm.s32 $0x1;
	v1 =	vunpack.i.u.s16.s32 v5;
	v6 =	vld.idx.msk [tilespmem:v8+s21+$0x0], $0xffff  }
.LBB2_19:
0x152: {  	_ = 	snop  }
0x153: {  	s15 =	sadd.s32 $0x8, s15;
	s13 =	sadd.s32 $0x80, s13  }
0x154: {  	v2 =	vld [tilespmem:s13+$0xFFFFFFD0];
	p0 =	slt.u32 s15, $0xB9;
	v8 =	vunpack.i.l.bf16.f32 v3;
	v5 =	vunpack.i.u.bf16.f32 v4;
	v4 =	vunpack.i.l.bf16.f32 v4  }
0x155: {  	v3 =	vunpack.i.u.bf16.f32 v3;
	v9 =	vunpack.i.u.bf16.f32 v7;
	v7 =	vunpack.i.l.bf16.f32 v7  }
0x156: {  	[tilespmem:v1+s29+$0x0] =	vst.idx.add.f32.msk $0xffff, v7;
	v7 =	vunpack.i.u.bf16.f32 v6;
	v6 =	vunpack.i.l.bf16.f32 v6  }
0x157: {  	[tilespmem:v1+s30+$0x0] =	vst.idx.add.f32.msk $0xffff, v9  }
0x158: {  	[tilespmem:v1+s31+$0x0] =	vst.idx.add.f32.msk $0xffff, v6  }
0x159: {  	v6 =	vunpack.i.l.s16.s32 v2;
	[tilespmem:v1+s0+$0x0] =	vst.idx.add.f32.msk $0xffff, v7  }
0x15a: {  	[tilespmem:v1+s2+$0x0] =	vst.idx.add.f32.msk $0xffff, v4  }
0x15b: {  	[tilespmem:v1+s24+$0x0] =	vst.idx.add.f32.msk $0xffff, v5  }
0x15c: {  	[tilespmem:v1+s4+$0x0] =	vst.idx.add.f32.msk $0xffff, v8  }
0x15d: {  	s14 =	simm.s32 $0x0;
	[tilespmem:v1+s5+$0x0] =	vst.idx.add.f32.msk $0xffff, v3  }
0x15e: {  	v1 =	vld.idx.msk [tilespmem:v6+s14+$0x0], $0xffff  }
0x15f: {  	v3 =	vld.idx.msk [tilespmem:v6+s21+$0x0], $0xffff  }
0x160: {  	v2 =	vunpack.i.u.s16.s32 v2;
	v4 =	vld.idx.msk [tilespmem:v6+s22+$0x0], $0xffff  }
0x161: {  	v5 =	vld.idx.msk [tilespmem:v6+s23+$0x0], $0xffff;
	_ =	sdelay $0x1  }
0x162: {  	v6 =	vld [tilespmem:s13+$0xFFFFFFE0]  }
0x163: {  	v7 =	vunpack.i.l.bf16.f32 v1  }
0x164: {  	v1 =	vunpack.i.u.bf16.f32 v1;
	[tilespmem:v2+s29+$0x0] =	vst.idx.add.f32.msk $0xffff, v7  }
0x165: {  	v7 =	vunpack.i.l.bf16.f32 v3;
	[tilespmem:v2+s30+$0x0] =	vst.idx.add.f32.msk $0xffff, v1  }
0x166: {  	v1 =	vunpack.i.u.bf16.f32 v3;
	[tilespmem:v2+s31+$0x0] =	vst.idx.add.f32.msk $0xffff, v7  }
0x167: {  	v3 =	vunpack.i.l.bf16.f32 v4;
	v7 =	vunpack.i.l.s16.s32 v6;
	[tilespmem:v2+s0+$0x0] =	vst.idx.add.f32.msk $0xffff, v1  }
0x168: {  	v1 =	vunpack.i.u.bf16.f32 v4;
	[tilespmem:v2+s2+$0x0] =	vst.idx.add.f32.msk $0xffff, v3  }
0x169: {  	v3 =	vunpack.i.l.bf16.f32 v5;
	[tilespmem:v2+s24+$0x0] =	vst.idx.add.f32.msk $0xffff, v1  }
0x16a: {  	v1 =	vunpack.i.u.bf16.f32 v5;
	[tilespmem:v2+s4+$0x0] =	vst.idx.add.f32.msk $0xffff, v3  }
0x16b: {  	[tilespmem:v2+s5+$0x0] =	vst.idx.add.f32.msk $0xffff, v1  }
0x16c: {  	v1 =	vld.idx.msk [tilespmem:v7+s14+$0x0], $0xffff  }
0x16d: {  	v2 =	vld.idx.msk [tilespmem:v7+s21+$0x0], $0xffff  }
0x16e: {  	v3 =	vunpack.i.u.s16.s32 v6;
	v4 =	vld.idx.msk [tilespmem:v7+s22+$0x0], $0xffff  }
0x16f: {  	v5 =	vld.idx.msk [tilespmem:v7+s23+$0x0], $0xffff;
	_ =	sdelay $0x1  }
0x170: {  	v6 =	vld [tilespmem:s13+$0xFFFFFFF0]  }
0x171: {  	v7 =	vunpack.i.l.bf16.f32 v1  }
0x172: {  	v1 =	vunpack.i.u.bf16.f32 v1;
	[tilespmem:v3+s29+$0x0] =	vst.idx.add.f32.msk $0xffff, v7  }
0x173: {  	v7 =	vunpack.i.l.bf16.f32 v2;
	[tilespmem:v3+s30+$0x0] =	vst.idx.add.f32.msk $0xffff, v1  }
0x174: {  	v1 =	vunpack.i.u.bf16.f32 v2;
	[tilespmem:v3+s31+$0x0] =	vst.idx.add.f32.msk $0xffff, v7  }
0x175: {  	v2 =	vunpack.i.l.bf16.f32 v4;
	v7 =	vunpack.i.l.s16.s32 v6;
	[tilespmem:v3+s0+$0x0] =	vst.idx.add.f32.msk $0xffff, v1  }
0x176: {  	v1 =	vunpack.i.u.bf16.f32 v4;
	[tilespmem:v3+s2+$0x0] =	vst.idx.add.f32.msk $0xffff, v2  }
0x177: {  	v2 =	vunpack.i.l.bf16.f32 v5;
	[tilespmem:v3+s24+$0x0] =	vst.idx.add.f32.msk $0xffff, v1  }
0x178: {  	v1 =	vunpack.i.u.bf16.f32 v5;
	[tilespmem:v3+s4+$0x0] =	vst.idx.add.f32.msk $0xffff, v2  }
0x179: {  	[tilespmem:v3+s5+$0x0] =	vst.idx.add.f32.msk $0xffff, v1  }
0x17a: {  	v1 =	vld.idx.msk [tilespmem:v7+s14+$0x0], $0xffff  }
0x17b: {  	v2 =	vld.idx.msk [tilespmem:v7+s21+$0x0], $0xffff  }
0x17c: {  	v3 =	vunpack.i.u.s16.s32 v6;
	v4 =	vld.idx.msk [tilespmem:v7+s22+$0x0], $0xffff  }
0x17d: {  	v5 =	vld.idx.msk [tilespmem:v7+s23+$0x0], $0xffff;
	_ =	sdelay $0x1  }
0x17e: {  	v6 =	vld [tilespmem:s13+$0x0]  }
0x17f: {  	v7 =	vunpack.i.l.bf16.f32 v1  }
0x180: {  	v1 =	vunpack.i.u.bf16.f32 v1;
	[tilespmem:v3+s29+$0x0] =	vst.idx.add.f32.msk $0xffff, v7  }
0x181: {  	v7 =	vunpack.i.l.bf16.f32 v2;
	[tilespmem:v3+s30+$0x0] =	vst.idx.add.f32.msk $0xffff, v1  }
0x182: {  	v1 =	vunpack.i.u.bf16.f32 v2;
	[tilespmem:v3+s31+$0x0] =	vst.idx.add.f32.msk $0xffff, v7  }
0x183: {  	v2 =	vunpack.i.l.bf16.f32 v4;
	v7 =	vunpack.i.l.s16.s32 v6;
	[tilespmem:v3+s0+$0x0] =	vst.idx.add.f32.msk $0xffff, v1  }
0x184: {  	v1 =	vunpack.i.u.bf16.f32 v4;
	[tilespmem:v3+s2+$0x0] =	vst.idx.add.f32.msk $0xffff, v2  }
0x185: {  	v2 =	vunpack.i.l.bf16.f32 v5;
	[tilespmem:v3+s24+$0x0] =	vst.idx.add.f32.msk $0xffff, v1  }
0x186: {  	v1 =	vunpack.i.u.bf16.f32 v5;
	[tilespmem:v3+s4+$0x0] =	vst.idx.add.f32.msk $0xffff, v2  }
0x187: {  	[tilespmem:v3+s5+$0x0] =	vst.idx.add.f32.msk $0xffff, v1  }
0x188: {  	v1 =	vld.idx.msk [tilespmem:v7+s14+$0x0], $0xffff  }
0x189: {  	v2 =	vld.idx.msk [tilespmem:v7+s21+$0x0], $0xffff  }
0x18a: {  	v3 =	vunpack.i.u.s16.s32 v6;
	v4 =	vld.idx.msk [tilespmem:v7+s22+$0x0], $0xffff  }
0x18b: {  	v5 =	vld.idx.msk [tilespmem:v7+s23+$0x0], $0xffff;
	_ =	sdelay $0x1  }
0x18c: {  	v6 =	vld [tilespmem:s13+$0x10]  }
0x18d: {  	v7 =	vunpack.i.l.bf16.f32 v1  }
0x18e: {  	v1 =	vunpack.i.u.bf16.f32 v1;
	[tilespmem:v3+s29+$0x0] =	vst.idx.add.f32.msk $0xffff, v7  }
0x18f: {  	v7 =	vunpack.i.l.bf16.f32 v2;
	[tilespmem:v3+s30+$0x0] =	vst.idx.add.f32.msk $0xffff, v1  }
0x190: {  	v1 =	vunpack.i.u.bf16.f32 v2;
	[tilespmem:v3+s31+$0x0] =	vst.idx.add.f32.msk $0xffff, v7  }
0x191: {  	v2 =	vunpack.i.l.bf16.f32 v4;
	v7 =	vunpack.i.l.s16.s32 v6;
	[tilespmem:v3+s0+$0x0] =	vst.idx.add.f32.msk $0xffff, v1  }
0x192: {  	v1 =	vunpack.i.u.bf16.f32 v4;
	[tilespmem:v3+s2+$0x0] =	vst.idx.add.f32.msk $0xffff, v2  }
0x193: {  	v2 =	vunpack.i.l.bf16.f32 v5;
	[tilespmem:v3+s24+$0x0] =	vst.idx.add.f32.msk $0xffff, v1  }
0x194: {  	v1 =	vunpack.i.u.bf16.f32 v5;
	[tilespmem:v3+s4+$0x0] =	vst.idx.add.f32.msk $0xffff, v2  }
0x195: {  	[tilespmem:v3+s5+$0x0] =	vst.idx.add.f32.msk $0xffff, v1  }
0x196: {  	v1 =	vld.idx.msk [tilespmem:v7+s14+$0x0], $0xffff  }
0x197: {  	v2 =	vld.idx.msk [tilespmem:v7+s21+$0x0], $0xffff  }
0x198: {  	v3 =	vunpack.i.u.s16.s32 v6;
	v4 =	vld.idx.msk [tilespmem:v7+s22+$0x0], $0xffff  }
0x199: {  	v5 =	vld.idx.msk [tilespmem:v7+s23+$0x0], $0xffff;
	_ =	sdelay $0x1  }
0x19a: {  	v6 =	vld [tilespmem:s13+$0x20]  }
0x19b: {  	v7 =	vunpack.i.l.bf16.f32 v1  }
0x19c: {  	v1 =	vunpack.i.u.bf16.f32 v1;
	[tilespmem:v3+s29+$0x0] =	vst.idx.add.f32.msk $0xffff, v7  }
0x19d: {  	v7 =	vunpack.i.l.bf16.f32 v2;
	[tilespmem:v3+s30+$0x0] =	vst.idx.add.f32.msk $0xffff, v1  }
0x19e: {  	v1 =	vunpack.i.u.bf16.f32 v2;
	[tilespmem:v3+s31+$0x0] =	vst.idx.add.f32.msk $0xffff, v7  }
0x19f: {  	v2 =	vunpack.i.l.bf16.f32 v4;
	v7 =	vunpack.i.l.s16.s32 v6;
	[tilespmem:v3+s0+$0x0] =	vst.idx.add.f32.msk $0xffff, v1  }
0x1a0: {  	v1 =	vunpack.i.u.bf16.f32 v4;
	[tilespmem:v3+s2+$0x0] =	vst.idx.add.f32.msk $0xffff, v2  }
0x1a1: {  	v2 =	vunpack.i.l.bf16.f32 v5;
	[tilespmem:v3+s24+$0x0] =	vst.idx.add.f32.msk $0xffff, v1  }
0x1a2: {  	v1 =	vunpack.i.u.bf16.f32 v5;
	[tilespmem:v3+s4+$0x0] =	vst.idx.add.f32.msk $0xffff, v2  }
0x1a3: {  	[tilespmem:v3+s5+$0x0] =	vst.idx.add.f32.msk $0xffff, v1  }
0x1a4: {  	v1 =	vld.idx.msk [tilespmem:v7+s14+$0x0], $0xffff  }
0x1a5: {  	v2 =	vld.idx.msk [tilespmem:v7+s21+$0x0], $0xffff  }
0x1a6: {  	v3 =	vunpack.i.u.s16.s32 v6;
	v4 =	vld.idx.msk [tilespmem:v7+s22+$0x0], $0xffff  }
0x1a7: {  	v5 =	vld.idx.msk [tilespmem:v7+s23+$0x0], $0xffff;
	_ =	sdelay $0x1  }
0x1a8: {  	v6 =	vld [tilespmem:s13+$0x30]  }
0x1a9: {  	v7 =	vunpack.i.l.bf16.f32 v1  }
0x1aa: {  	v1 =	vunpack.i.u.bf16.f32 v1;
	[tilespmem:v3+s29+$0x0] =	vst.idx.add.f32.msk $0xffff, v7  }
0x1ab: {  	v7 =	vunpack.i.l.bf16.f32 v2;
	[tilespmem:v3+s30+$0x0] =	vst.idx.add.f32.msk $0xffff, v1  }
0x1ac: {  	v1 =	vunpack.i.u.bf16.f32 v2;
	[tilespmem:v3+s31+$0x0] =	vst.idx.add.f32.msk $0xffff, v7  }
0x1ad: {  	v2 =	vunpack.i.l.bf16.f32 v4;
	v7 =	vunpack.i.l.s16.s32 v6;
	[tilespmem:v3+s0+$0x0] =	vst.idx.add.f32.msk $0xffff, v1  }
0x1ae: {  	v1 =	vunpack.i.u.bf16.f32 v4;
	[tilespmem:v3+s2+$0x0] =	vst.idx.add.f32.msk $0xffff, v2  }
0x1af: {  	v2 =	vunpack.i.l.bf16.f32 v5;
	[tilespmem:v3+s24+$0x0] =	vst.idx.add.f32.msk $0xffff, v1  }
0x1b0: {  	v1 =	vunpack.i.u.bf16.f32 v5;
	[tilespmem:v3+s4+$0x0] =	vst.idx.add.f32.msk $0xffff, v2  }
0x1b1: {  	[tilespmem:v3+s5+$0x0] =	vst.idx.add.f32.msk $0xffff, v1  }
0x1b2: {  	v1 =	vld.idx.msk [tilespmem:v7+s14+$0x0], $0xffff  }
0x1b3: {  	v2 =	vld.idx.msk [tilespmem:v7+s21+$0x0], $0xffff  }
0x1b4: {  	v3 =	vunpack.i.u.s16.s32 v6;
	v4 =	vld.idx.msk [tilespmem:v7+s22+$0x0], $0xffff  }
0x1b5: {  	v5 =	vld.idx.msk [tilespmem:v7+s23+$0x0], $0xffff;
	_ =	sdelay $0x1  }
0x1b6: {  	v6 =	vld [tilespmem:s13+$0x40]  }
0x1b7: {  	v7 =	vunpack.i.l.bf16.f32 v1  }
0x1b8: {  	v1 =	vunpack.i.u.bf16.f32 v1;
	[tilespmem:v3+s29+$0x0] =	vst.idx.add.f32.msk $0xffff, v7  }
0x1b9: {  	v7 =	vunpack.i.l.bf16.f32 v2;
	[tilespmem:v3+s30+$0x0] =	vst.idx.add.f32.msk $0xffff, v1  }
0x1ba: {  	v2 =	vunpack.i.u.bf16.f32 v2;
	[tilespmem:v3+s31+$0x0] =	vst.idx.add.f32.msk $0xffff, v7  }
0x1bb: {  	v7 =	vunpack.i.l.bf16.f32 v4;
	v1 =	vunpack.i.u.s16.s32 v6;
	v6 =	vunpack.i.l.s16.s32 v6;
	[tilespmem:v3+s0+$0x0] =	vst.idx.add.f32.msk $0xffff, v2  }
0x1bc: {  	v2 =	vunpack.i.u.bf16.f32 v4;
	[tilespmem:v3+s2+$0x0] =	vst.idx.add.f32.msk $0xffff, v7  }
0x1bd: {  	v4 =	vunpack.i.l.bf16.f32 v5;
	[tilespmem:v3+s24+$0x0] =	vst.idx.add.f32.msk $0xffff, v2  }
0x1be: {  	v2 =	vunpack.i.u.bf16.f32 v5;
	[tilespmem:v3+s4+$0x0] =	vst.idx.add.f32.msk $0xffff, v4  }
.Ltmp10:
0x1bf: {  	[tilespmem:v3+s5+$0x0] =	vst.idx.add.f32.msk $0xffff, v2;
	(pc) =	sbr.rel @p0 .LBB2_19-.Ltmp10, $4  }
0x1c0: {  	v3 =	vld.idx.msk [tilespmem:v6+s23+$0x0], $0xffff  }
0x1c1: {  	v4 =	vld.idx.msk [tilespmem:v6+s22+$0x0], $0xffff  }
0x1c2: {  	v7 =	vld.idx.msk [tilespmem:v6+s14+$0x0], $0xffff  }
0x1c3: {  	v6 =	vld.idx.msk [tilespmem:v6+s21+$0x0], $0xffff  }
0x1c4: {  	_ =	sdelay $0x1  }
0x1c5: {  	v2 =	vunpack.i.u.bf16.f32 v4;
	v5 =	vunpack.i.l.bf16.f32 v4  }
0x1c6: {  	v4 =	vunpack.i.l.bf16.f32 v3;
	v3 =	vunpack.i.u.bf16.f32 v3;
	v8 =	vunpack.i.u.bf16.f32 v7  }
0x1c7: {  	v9 =	vunpack.i.l.bf16.f32 v7;
	v7 =	vunpack.i.u.bf16.f32 v6;
	v6 =	vunpack.i.l.bf16.f32 v6  }
.LBB2_21:
0x1c8: {  	s13 =	sshra.s32 s14, $0x2  }
0x1c9: {  	v10 =	vld [tilespmem:s13+$0x1E610];
	_ =	sdelay $0x1  }
0x1ca: {  	[tilespmem:v1+s29+$0x0] =	vst.idx.add.f32.msk $0xffff, v9  }
0x1cb: {  	[tilespmem:v1+s30+$0x0] =	vst.idx.add.f32.msk $0xffff, v8  }
0x1cc: {  	[tilespmem:v1+s31+$0x0] =	vst.idx.add.f32.msk $0xffff, v6  }
0x1cd: {  	[tilespmem:v1+s0+$0x0] =	vst.idx.add.f32.msk $0xffff, v7;
	v6 =	vunpack.i.l.s16.s32 v10  }
0x1ce: {  	[tilespmem:v1+s2+$0x0] =	vst.idx.add.f32.msk $0xffff, v5  }
0x1cf: {  	[tilespmem:v1+s24+$0x0] =	vst.idx.add.f32.msk $0xffff, v2  }
0x1d0: {  	[tilespmem:v1+s4+$0x0] =	vst.idx.add.f32.msk $0xffff, v4  }
0x1d1: {  	[tilespmem:v1+s5+$0x0] =	vst.idx.add.f32.msk $0xffff, v3  }
0x1d2: {  	v2 =	vld.idx.msk [tilespmem:v6+s1+$0x0], $0xffff  }
0x1d3: {  	v3 =	vld.idx.msk [tilespmem:v6+s21+$0x0], $0xffff  }
0x1d4: {  	v4 =	vld.idx.msk [tilespmem:v6+s22+$0x0], $0xffff  }
0x1d5: {  	p0 =	sne.s32 s14, $0x180;
	v11 =	vld.idx.msk [tilespmem:v6+s23+$0x0], $0xffff  }
.Ltmp11:
0x1d6: {  	_ = 	snop;
	(pc) =	sbr.rel @p0 .LBB2_21-.Ltmp11, $4  }
0x1d7: {  	_ = 	snop  }
0x1d8: {  	v1 =	vunpack.i.u.s16.s32 v10;
	v8 =	vunpack.i.u.bf16.f32 v2;
	v9 =	vunpack.i.l.bf16.f32 v2  }
0x1d9: {  	v7 =	vunpack.i.u.bf16.f32 v3;
	v6 =	vunpack.i.l.bf16.f32 v3;
	v2 =	vunpack.i.u.bf16.f32 v4  }
0x1da: {  	s14 =	sadd.s32 $0x40, s14;
	v5 =	vunpack.i.l.bf16.f32 v4;
	v3 =	vunpack.i.u.bf16.f32 v11;
	v4 =	vunpack.i.l.bf16.f32 v11  }
0x1db: {  	_ =	sdelay $0x3  }
0x1dc: {  	[tilespmem:v1+s29+$0x0] =	vst.idx.add.f32.msk $0xffff, v9  }
0x1dd: {  	[tilespmem:v1+s30+$0x0] =	vst.idx.add.f32.msk $0xffff, v8  }
0x1de: {  	p0 =	seq.s32 s12, $0x18;
	[tilespmem:v1+s31+$0x0] =	vst.idx.add.f32.msk $0xffff, v6  }
0x1df: {  	s13 =	smul.u32 @!p0 $0x1900, s12;
	[tilespmem:v1+s0+$0x0] =	vst.idx.add.f32.msk $0xffff, v7  }
0x1e0: {  	[tilespmem:v1+s2+$0x0] =	vst.idx.add.f32.msk $0xffff, v5  }
0x1e1: {  	s13 =	sadd.s32 @!p0 s13, s10;
	[tilespmem:v1+s24+$0x0] =	vst.idx.add.f32.msk $0xffff, v2  }
0x1e2: {  	s13 =	sshrl.u32 @!p0 s13, $0x3;
	[tilespmem:v1+s4+$0x0] =	vst.idx.add.f32.msk $0xffff, v4  }
0x1e3: {  	s14 =	simm.s32 @!p0 $0x0;
	s15 =	simm.s32 @!p0 $0x1DA00;
	s13 =	sadd.s32 @!p0 s3, s13;
	[tilespmem:v1+s5+$0x0] =	vst.idx.add.f32.msk $0xffff, v3  }
0x1e4: {  	[tilespmem:s15], [sflag:$0x2] =	stream.linear.gather @!p0 [hbm4b:s13+s14], $0xC80, $0x38;
	[tilespmem:$0x1F300] =	vst v63  }
0x1e5: {  	_ =	swait.ge [sflag:s28], $0xC80  }
0x1e6: {  	[sflag:s28] =	ssyncset.done $0x0  }
0x1e7: {  	[sflag:s28] =	ssyncadd.s32 $0xFFFFF380  }
0x1e8: {  	v1 =	vld [tilespmem:$0x1E680];
	_ =	sdelay $0x4  }
0x1e9: {  	v2 =	vunpack.i.l.s16.s32 v1;
	_ =	sdelay $0x4  }
0x1ea: {  	v3 =	vld.idx.msk [tilespmem:v2+s1+$0x0], $0xffff  }
0x1eb: {  	v1 =	vunpack.i.u.s16.s32 v1  }
0x1ec: {  	s14 =	simm.s32 $0x1E6C0;
	v4 =	vld.idx.msk [tilespmem:v2+s21+$0x0], $0xffff  }
0x1ed: {  	v6 =	vld [tilespmem:s14+$0xFFFFFFD0]  }
0x1ee: {  	v5 =	vld.idx.msk [tilespmem:v2+s22+$0x0], $0xffff  }
0x1ef: {  	v2 =	vld.idx.msk [tilespmem:v2+s23+$0x0], $0xffff;
	v7 =	vunpack.i.l.bf16.f32 v3  }
0x1f0: {  	v3 =	vunpack.i.u.bf16.f32 v3;
	[tilespmem:v1+s29+$0x0] =	vst.idx.add.f32.msk $0xffff, v7  }
0x1f1: {  	v7 =	vunpack.i.l.bf16.f32 v4;
	[tilespmem:v1+s30+$0x0] =	vst.idx.add.f32.msk $0xffff, v3  }
0x1f2: {  	v3 =	vunpack.i.u.bf16.f32 v4;
	[tilespmem:v1+s31+$0x0] =	vst.idx.add.f32.msk $0xffff, v7  }
0x1f3: {  	v4 =	vunpack.i.l.bf16.f32 v5;
	v7 =	vunpack.i.l.s16.s32 v6;
	[tilespmem:v1+s0+$0x0] =	vst.idx.add.f32.msk $0xffff, v3  }
0x1f4: {  	v3 =	vunpack.i.u.bf16.f32 v5;
	[tilespmem:v1+s2+$0x0] =	vst.idx.add.f32.msk $0xffff, v4  }
0x1f5: {  	v4 =	vunpack.i.l.bf16.f32 v2;
	[tilespmem:v1+s24+$0x0] =	vst.idx.add.f32.msk $0xffff, v3  }
0x1f6: {  	v2 =	vunpack.i.u.bf16.f32 v2;
	[tilespmem:v1+s4+$0x0] =	vst.idx.add.f32.msk $0xffff, v4  }
0x1f7: {  	s13 =	simm.s32 $0x0;
	[tilespmem:v1+s5+$0x0] =	vst.idx.add.f32.msk $0xffff, v2  }
0x1f8: {  	v1 =	vld.idx.msk [tilespmem:v7+s13+$0x0], $0xffff  }
0x1f9: {  	v2 =	vunpack.i.u.s16.s32 v6  }
0x1fa: {  	v3 =	vld.idx.msk [tilespmem:v7+s21+$0x0], $0xffff  }
0x1fb: {  	v5 =	vld [tilespmem:s14+$0xFFFFFFE0]  }
0x1fc: {  	v4 =	vld.idx.msk [tilespmem:v7+s22+$0x0], $0xffff  }
0x1fd: {  	v6 =	vld.idx.msk [tilespmem:v7+s23+$0x0], $0xffff;
	v7 =	vunpack.i.l.bf16.f32 v1  }
0x1fe: {  	v1 =	vunpack.i.u.bf16.f32 v1;
	[tilespmem:v2+s29+$0x0] =	vst.idx.add.f32.msk $0xffff, v7  }
0x1ff: {  	v7 =	vunpack.i.l.bf16.f32 v3;
	[tilespmem:v2+s30+$0x0] =	vst.idx.add.f32.msk $0xffff, v1  }
0x200: {  	v1 =	vunpack.i.u.bf16.f32 v3;
	[tilespmem:v2+s31+$0x0] =	vst.idx.add.f32.msk $0xffff, v7  }
0x201: {  	v3 =	vunpack.i.l.bf16.f32 v4;
	v7 =	vunpack.i.l.s16.s32 v5;
	[tilespmem:v2+s0+$0x0] =	vst.idx.add.f32.msk $0xffff, v1  }
0x202: {  	v1 =	vunpack.i.u.bf16.f32 v4;
	[tilespmem:v2+s2+$0x0] =	vst.idx.add.f32.msk $0xffff, v3  }
0x203: {  	v3 =	vunpack.i.l.bf16.f32 v6;
	[tilespmem:v2+s24+$0x0] =	vst.idx.add.f32.msk $0xffff, v1  }
0x204: {  	v1 =	vunpack.i.u.bf16.f32 v6;
	[tilespmem:v2+s4+$0x0] =	vst.idx.add.f32.msk $0xffff, v3  }
0x205: {  	[tilespmem:v2+s5+$0x0] =	vst.idx.add.f32.msk $0xffff, v1  }
0x206: {  	v1 =	vld.idx.msk [tilespmem:v7+s13+$0x0], $0xffff  }
0x207: {  	v2 =	vunpack.i.u.s16.s32 v5  }
0x208: {  	v3 =	vld.idx.msk [tilespmem:v7+s21+$0x0], $0xffff  }
0x209: {  	v5 =	vld [tilespmem:s14+$0xFFFFFFF0]  }
0x20a: {  	v4 =	vld.idx.msk [tilespmem:v7+s22+$0x0], $0xffff  }
0x20b: {  	v6 =	vld.idx.msk [tilespmem:v7+s23+$0x0], $0xffff;
	v7 =	vunpack.i.l.bf16.f32 v1  }
0x20c: {  	v1 =	vunpack.i.u.bf16.f32 v1;
	[tilespmem:v2+s29+$0x0] =	vst.idx.add.f32.msk $0xffff, v7  }
0x20d: {  	v7 =	vunpack.i.l.bf16.f32 v3;
	[tilespmem:v2+s30+$0x0] =	vst.idx.add.f32.msk $0xffff, v1  }
0x20e: {  	v1 =	vunpack.i.u.bf16.f32 v3;
	[tilespmem:v2+s31+$0x0] =	vst.idx.add.f32.msk $0xffff, v7  }
0x20f: {  	v3 =	vunpack.i.l.bf16.f32 v4;
	v7 =	vunpack.i.l.s16.s32 v5;
	[tilespmem:v2+s0+$0x0] =	vst.idx.add.f32.msk $0xffff, v1  }
0x210: {  	v1 =	vunpack.i.u.bf16.f32 v4;
	[tilespmem:v2+s2+$0x0] =	vst.idx.add.f32.msk $0xffff, v3  }
0x211: {  	v3 =	vunpack.i.l.bf16.f32 v6;
	[tilespmem:v2+s24+$0x0] =	vst.idx.add.f32.msk $0xffff, v1  }
0x212: {  	v1 =	vunpack.i.u.bf16.f32 v6;
	[tilespmem:v2+s4+$0x0] =	vst.idx.add.f32.msk $0xffff, v3  }
0x213: {  	[tilespmem:v2+s5+$0x0] =	vst.idx.add.f32.msk $0xffff, v1  }
0x214: {  	v1 =	vld.idx.msk [tilespmem:v7+s13+$0x0], $0xffff  }
0x215: {  	v2 =	vunpack.i.u.s16.s32 v5  }
0x216: {  	v3 =	vld.idx.msk [tilespmem:v7+s21+$0x0], $0xffff  }
0x217: {  	v5 =	vld [tilespmem:s14+$0x0]  }
0x218: {  	v4 =	vld.idx.msk [tilespmem:v7+s22+$0x0], $0xffff  }
0x219: {  	v6 =	vld.idx.msk [tilespmem:v7+s23+$0x0], $0xffff;
	v7 =	vunpack.i.l.bf16.f32 v1  }
0x21a: {  	v1 =	vunpack.i.u.bf16.f32 v1;
	[tilespmem:v2+s29+$0x0] =	vst.idx.add.f32.msk $0xffff, v7  }
0x21b: {  	v7 =	vunpack.i.l.bf16.f32 v3;
	[tilespmem:v2+s30+$0x0] =	vst.idx.add.f32.msk $0xffff, v1  }
0x21c: {  	v1 =	vunpack.i.u.bf16.f32 v3;
	[tilespmem:v2+s31+$0x0] =	vst.idx.add.f32.msk $0xffff, v7  }
0x21d: {  	v3 =	vunpack.i.l.bf16.f32 v4;
	v7 =	vunpack.i.l.s16.s32 v5;
	[tilespmem:v2+s0+$0x0] =	vst.idx.add.f32.msk $0xffff, v1  }
0x21e: {  	v1 =	vunpack.i.u.bf16.f32 v4;
	[tilespmem:v2+s2+$0x0] =	vst.idx.add.f32.msk $0xffff, v3  }
0x21f: {  	v3 =	vunpack.i.l.bf16.f32 v6;
	[tilespmem:v2+s24+$0x0] =	vst.idx.add.f32.msk $0xffff, v1  }
0x220: {  	v1 =	vunpack.i.u.bf16.f32 v6;
	[tilespmem:v2+s4+$0x0] =	vst.idx.add.f32.msk $0xffff, v3  }
0x221: {  	[tilespmem:v2+s5+$0x0] =	vst.idx.add.f32.msk $0xffff, v1  }
0x222: {  	v1 =	vld.idx.msk [tilespmem:v7+s13+$0x0], $0xffff  }
0x223: {  	v2 =	vunpack.i.u.s16.s32 v5  }
0x224: {  	v3 =	vld.idx.msk [tilespmem:v7+s21+$0x0], $0xffff  }
0x225: {  	v5 =	vld [tilespmem:s14+$0x10]  }
0x226: {  	v4 =	vld.idx.msk [tilespmem:v7+s22+$0x0], $0xffff  }
0x227: {  	v6 =	vld.idx.msk [tilespmem:v7+s23+$0x0], $0xffff;
	v7 =	vunpack.i.l.bf16.f32 v1  }
0x228: {  	v1 =	vunpack.i.u.bf16.f32 v1;
	[tilespmem:v2+s29+$0x0] =	vst.idx.add.f32.msk $0xffff, v7  }
0x229: {  	v7 =	vunpack.i.l.bf16.f32 v3;
	[tilespmem:v2+s30+$0x0] =	vst.idx.add.f32.msk $0xffff, v1  }
0x22a: {  	v1 =	vunpack.i.u.bf16.f32 v3;
	[tilespmem:v2+s31+$0x0] =	vst.idx.add.f32.msk $0xffff, v7  }
0x22b: {  	v3 =	vunpack.i.l.bf16.f32 v4;
	v7 =	vunpack.i.l.s16.s32 v5;
	[tilespmem:v2+s0+$0x0] =	vst.idx.add.f32.msk $0xffff, v1  }
0x22c: {  	v1 =	vunpack.i.u.bf16.f32 v4;
	[tilespmem:v2+s2+$0x0] =	vst.idx.add.f32.msk $0xffff, v3  }
0x22d: {  	v3 =	vunpack.i.l.bf16.f32 v6;
	[tilespmem:v2+s24+$0x0] =	vst.idx.add.f32.msk $0xffff, v1  }
0x22e: {  	v1 =	vunpack.i.u.bf16.f32 v6;
	[tilespmem:v2+s4+$0x0] =	vst.idx.add.f32.msk $0xffff, v3  }
0x22f: {  	[tilespmem:v2+s5+$0x0] =	vst.idx.add.f32.msk $0xffff, v1  }
0x230: {  	v1 =	vld.idx.msk [tilespmem:v7+s13+$0x0], $0xffff  }
0x231: {  	v2 =	vunpack.i.u.s16.s32 v5  }
0x232: {  	v3 =	vld.idx.msk [tilespmem:v7+s21+$0x0], $0xffff  }
0x233: {  	v5 =	vld [tilespmem:s14+$0x20]  }
0x234: {  	v4 =	vld.idx.msk [tilespmem:v7+s22+$0x0], $0xffff  }
0x235: {  	v6 =	vld.idx.msk [tilespmem:v7+s23+$0x0], $0xffff;
	v7 =	vunpack.i.l.bf16.f32 v1  }
0x236: {  	v1 =	vunpack.i.u.bf16.f32 v1;
	[tilespmem:v2+s29+$0x0] =	vst.idx.add.f32.msk $0xffff, v7  }
0x237: {  	v7 =	vunpack.i.l.bf16.f32 v3;
	[tilespmem:v2+s30+$0x0] =	vst.idx.add.f32.msk $0xffff, v1  }
0x238: {  	v1 =	vunpack.i.u.bf16.f32 v3;
	[tilespmem:v2+s31+$0x0] =	vst.idx.add.f32.msk $0xffff, v7  }
0x239: {  	v3 =	vunpack.i.l.bf16.f32 v4;
	v7 =	vunpack.i.l.s16.s32 v5;
	[tilespmem:v2+s0+$0x0] =	vst.idx.add.f32.msk $0xffff, v1  }
0x23a: {  	v1 =	vunpack.i.u.bf16.f32 v4;
	[tilespmem:v2+s2+$0x0] =	vst.idx.add.f32.msk $0xffff, v3  }
0x23b: {  	v3 =	vunpack.i.l.bf16.f32 v6;
	[tilespmem:v2+s24+$0x0] =	vst.idx.add.f32.msk $0xffff, v1  }
0x23c: {  	v1 =	vunpack.i.u.bf16.f32 v6;
	[tilespmem:v2+s4+$0x0] =	vst.idx.add.f32.msk $0xffff, v3  }
0x23d: {  	[tilespmem:v2+s5+$0x0] =	vst.idx.add.f32.msk $0xffff, v1  }
0x23e: {  	v1 =	vld.idx.msk [tilespmem:v7+s13+$0x0], $0xffff  }
0x23f: {  	v2 =	vunpack.i.u.s16.s32 v5  }
0x240: {  	v3 =	vld.idx.msk [tilespmem:v7+s21+$0x0], $0xffff  }
0x241: {  	v5 =	vld [tilespmem:s14+$0x30]  }
0x242: {  	v4 =	vld.idx.msk [tilespmem:v7+s22+$0x0], $0xffff  }
0x243: {  	v6 =	vld.idx.msk [tilespmem:v7+s23+$0x0], $0xffff;
	v7 =	vunpack.i.l.bf16.f32 v1  }
0x244: {  	v1 =	vunpack.i.u.bf16.f32 v1;
	[tilespmem:v2+s29+$0x0] =	vst.idx.add.f32.msk $0xffff, v7  }
0x245: {  	v7 =	vunpack.i.l.bf16.f32 v3;
	[tilespmem:v2+s30+$0x0] =	vst.idx.add.f32.msk $0xffff, v1  }
0x246: {  	v1 =	vunpack.i.u.bf16.f32 v3;
	[tilespmem:v2+s31+$0x0] =	vst.idx.add.f32.msk $0xffff, v7  }
0x247: {  	v3 =	vunpack.i.l.bf16.f32 v4;
	v7 =	vunpack.i.l.s16.s32 v5;
	[tilespmem:v2+s0+$0x0] =	vst.idx.add.f32.msk $0xffff, v1  }
0x248: {  	v1 =	vunpack.i.u.bf16.f32 v4;
	[tilespmem:v2+s2+$0x0] =	vst.idx.add.f32.msk $0xffff, v3  }
0x249: {  	v3 =	vunpack.i.l.bf16.f32 v6;
	[tilespmem:v2+s24+$0x0] =	vst.idx.add.f32.msk $0xffff, v1  }
0x24a: {  	v1 =	vunpack.i.u.bf16.f32 v6;
	[tilespmem:v2+s4+$0x0] =	vst.idx.add.f32.msk $0xffff, v3  }
0x24b: {  	[tilespmem:v2+s5+$0x0] =	vst.idx.add.f32.msk $0xffff, v1  }
0x24c: {  	v1 =	vld.idx.msk [tilespmem:v7+s13+$0x0], $0xffff  }
0x24d: {  	v2 =	vunpack.i.u.s16.s32 v5  }
0x24e: {  	v3 =	vld.idx.msk [tilespmem:v7+s21+$0x0], $0xffff  }
0x24f: {  	v6 =	vld [tilespmem:s14+$0x40]  }
0x250: {  	v4 =	vld.idx.msk [tilespmem:v7+s22+$0x0], $0xffff  }
0x251: {  	v5 =	vld.idx.msk [tilespmem:v7+s23+$0x0], $0xffff;
	v7 =	vunpack.i.l.bf16.f32 v1  }
0x252: {  	v1 =	vunpack.i.u.bf16.f32 v1;
	[tilespmem:v2+s29+$0x0] =	vst.idx.add.f32.msk $0xffff, v7  }
0x253: {  	v7 =	vunpack.i.l.bf16.f32 v3;
	[tilespmem:v2+s30+$0x0] =	vst.idx.add.f32.msk $0xffff, v1  }
0x254: {  	v1 =	vunpack.i.u.bf16.f32 v3;
	[tilespmem:v2+s31+$0x0] =	vst.idx.add.f32.msk $0xffff, v7  }
0x255: {  	v8 =	vunpack.i.l.s16.s32 v6;
	v3 =	vunpack.i.l.bf16.f32 v4;
	[tilespmem:v2+s0+$0x0] =	vst.idx.add.f32.msk $0xffff, v1  }
0x256: {  	v1 =	vunpack.i.u.bf16.f32 v4;
	[tilespmem:v2+s2+$0x0] =	vst.idx.add.f32.msk $0xffff, v3  }
0x257: {  	v3 =	vunpack.i.l.bf16.f32 v5;
	[tilespmem:v2+s24+$0x0] =	vst.idx.add.f32.msk $0xffff, v1  }
0x258: {  	v1 =	vunpack.i.u.bf16.f32 v5;
	[tilespmem:v2+s4+$0x0] =	vst.idx.add.f32.msk $0xffff, v3  }
0x259: {  	[tilespmem:v2+s5+$0x0] =	vst.idx.add.f32.msk $0xffff, v1  }
0x25a: {  	v2 =	vld.idx.msk [tilespmem:v8+s23+$0x0], $0xffff  }
0x25b: {  	v5 =	vld.idx.msk [tilespmem:v8+s22+$0x0], $0xffff  }
0x25c: {  	v7 =	vld.idx.msk [tilespmem:v8+s13+$0x0], $0xffff  }
0x25d: {  	s15 =	simm.s32 $0x1;
	v1 =	vunpack.i.u.s16.s32 v6;
	v4 =	vld.idx.msk [tilespmem:v8+s21+$0x0], $0xffff  }
.LBB2_23:
0x25e: {  	_ = 	snop  }
0x25f: {  	s15 =	sadd.s32 $0x8, s15;
	s14 =	sadd.s32 $0x80, s14  }
0x260: {  	v3 =	vld [tilespmem:s14+$0xFFFFFFD0];
	p1 =	slt.u32 s15, $0xB9;
	v8 =	vunpack.i.l.bf16.f32 v2;
	v6 =	vunpack.i.u.bf16.f32 v5;
	v5 =	vunpack.i.l.bf16.f32 v5  }
0x261: {  	v2 =	vunpack.i.u.bf16.f32 v2;
	v9 =	vunpack.i.u.bf16.f32 v7;
	v7 =	vunpack.i.l.bf16.f32 v7  }
0x262: {  	[tilespmem:v1+s29+$0x0] =	vst.idx.add.f32.msk $0xffff, v7;
	v7 =	vunpack.i.u.bf16.f32 v4;
	v4 =	vunpack.i.l.bf16.f32 v4  }
0x263: {  	[tilespmem:v1+s30+$0x0] =	vst.idx.add.f32.msk $0xffff, v9  }
0x264: {  	[tilespmem:v1+s31+$0x0] =	vst.idx.add.f32.msk $0xffff, v4  }
0x265: {  	v4 =	vunpack.i.l.s16.s32 v3;
	[tilespmem:v1+s0+$0x0] =	vst.idx.add.f32.msk $0xffff, v7  }
0x266: {  	[tilespmem:v1+s2+$0x0] =	vst.idx.add.f32.msk $0xffff, v5  }
0x267: {  	[tilespmem:v1+s24+$0x0] =	vst.idx.add.f32.msk $0xffff, v6  }
0x268: {  	[tilespmem:v1+s4+$0x0] =	vst.idx.add.f32.msk $0xffff, v8  }
0x269: {  	[tilespmem:v1+s5+$0x0] =	vst.idx.add.f32.msk $0xffff, v2  }
0x26a: {  	v1 =	vld.idx.msk [tilespmem:v4+s13+$0x0], $0xffff  }
0x26b: {  	v2 =	vld.idx.msk [tilespmem:v4+s21+$0x0], $0xffff  }
0x26c: {  	v3 =	vunpack.i.u.s16.s32 v3;
	v5 =	vld.idx.msk [tilespmem:v4+s22+$0x0], $0xffff  }
0x26d: {  	v4 =	vld.idx.msk [tilespmem:v4+s23+$0x0], $0xffff;
	_ =	sdelay $0x1  }
0x26e: {  	v6 =	vld [tilespmem:s14+$0xFFFFFFE0]  }
0x26f: {  	v7 =	vunpack.i.l.bf16.f32 v1  }
0x270: {  	v1 =	vunpack.i.u.bf16.f32 v1;
	[tilespmem:v3+s29+$0x0] =	vst.idx.add.f32.msk $0xffff, v7  }
0x271: {  	v7 =	vunpack.i.l.bf16.f32 v2;
	[tilespmem:v3+s30+$0x0] =	vst.idx.add.f32.msk $0xffff, v1  }
0x272: {  	v1 =	vunpack.i.u.bf16.f32 v2;
	[tilespmem:v3+s31+$0x0] =	vst.idx.add.f32.msk $0xffff, v7  }
0x273: {  	v2 =	vunpack.i.l.bf16.f32 v5;
	v7 =	vunpack.i.l.s16.s32 v6;
	[tilespmem:v3+s0+$0x0] =	vst.idx.add.f32.msk $0xffff, v1  }
0x274: {  	v1 =	vunpack.i.u.bf16.f32 v5;
	[tilespmem:v3+s2+$0x0] =	vst.idx.add.f32.msk $0xffff, v2  }
0x275: {  	v2 =	vunpack.i.l.bf16.f32 v4;
	[tilespmem:v3+s24+$0x0] =	vst.idx.add.f32.msk $0xffff, v1  }
0x276: {  	v1 =	vunpack.i.u.bf16.f32 v4;
	[tilespmem:v3+s4+$0x0] =	vst.idx.add.f32.msk $0xffff, v2  }
0x277: {  	[tilespmem:v3+s5+$0x0] =	vst.idx.add.f32.msk $0xffff, v1  }
0x278: {  	v1 =	vld.idx.msk [tilespmem:v7+s13+$0x0], $0xffff  }
0x279: {  	v2 =	vld.idx.msk [tilespmem:v7+s21+$0x0], $0xffff  }
0x27a: {  	v3 =	vunpack.i.u.s16.s32 v6;
	v4 =	vld.idx.msk [tilespmem:v7+s22+$0x0], $0xffff  }
0x27b: {  	v5 =	vld.idx.msk [tilespmem:v7+s23+$0x0], $0xffff;
	_ =	sdelay $0x1  }
0x27c: {  	v6 =	vld [tilespmem:s14+$0xFFFFFFF0]  }
0x27d: {  	v7 =	vunpack.i.l.bf16.f32 v1  }
0x27e: {  	v1 =	vunpack.i.u.bf16.f32 v1;
	[tilespmem:v3+s29+$0x0] =	vst.idx.add.f32.msk $0xffff, v7  }
0x27f: {  	v7 =	vunpack.i.l.bf16.f32 v2;
	[tilespmem:v3+s30+$0x0] =	vst.idx.add.f32.msk $0xffff, v1  }
0x280: {  	v1 =	vunpack.i.u.bf16.f32 v2;
	[tilespmem:v3+s31+$0x0] =	vst.idx.add.f32.msk $0xffff, v7  }
0x281: {  	v2 =	vunpack.i.l.bf16.f32 v4;
	v7 =	vunpack.i.l.s16.s32 v6;
	[tilespmem:v3+s0+$0x0] =	vst.idx.add.f32.msk $0xffff, v1  }
0x282: {  	v1 =	vunpack.i.u.bf16.f32 v4;
	[tilespmem:v3+s2+$0x0] =	vst.idx.add.f32.msk $0xffff, v2  }
0x283: {  	v2 =	vunpack.i.l.bf16.f32 v5;
	[tilespmem:v3+s24+$0x0] =	vst.idx.add.f32.msk $0xffff, v1  }
0x284: {  	v1 =	vunpack.i.u.bf16.f32 v5;
	[tilespmem:v3+s4+$0x0] =	vst.idx.add.f32.msk $0xffff, v2  }
0x285: {  	[tilespmem:v3+s5+$0x0] =	vst.idx.add.f32.msk $0xffff, v1  }
0x286: {  	v1 =	vld.idx.msk [tilespmem:v7+s13+$0x0], $0xffff  }
0x287: {  	v2 =	vld.idx.msk [tilespmem:v7+s21+$0x0], $0xffff  }
0x288: {  	v3 =	vunpack.i.u.s16.s32 v6;
	v4 =	vld.idx.msk [tilespmem:v7+s22+$0x0], $0xffff  }
0x289: {  	v5 =	vld.idx.msk [tilespmem:v7+s23+$0x0], $0xffff;
	_ =	sdelay $0x1  }
0x28a: {  	v6 =	vld [tilespmem:s14+$0x0]  }
0x28b: {  	v7 =	vunpack.i.l.bf16.f32 v1  }
0x28c: {  	v1 =	vunpack.i.u.bf16.f32 v1;
	[tilespmem:v3+s29+$0x0] =	vst.idx.add.f32.msk $0xffff, v7  }
0x28d: {  	v7 =	vunpack.i.l.bf16.f32 v2;
	[tilespmem:v3+s30+$0x0] =	vst.idx.add.f32.msk $0xffff, v1  }
0x28e: {  	v1 =	vunpack.i.u.bf16.f32 v2;
	[tilespmem:v3+s31+$0x0] =	vst.idx.add.f32.msk $0xffff, v7  }
0x28f: {  	v2 =	vunpack.i.l.bf16.f32 v4;
	v7 =	vunpack.i.l.s16.s32 v6;
	[tilespmem:v3+s0+$0x0] =	vst.idx.add.f32.msk $0xffff, v1  }
0x290: {  	v1 =	vunpack.i.u.bf16.f32 v4;
	[tilespmem:v3+s2+$0x0] =	vst.idx.add.f32.msk $0xffff, v2  }
0x291: {  	v2 =	vunpack.i.l.bf16.f32 v5;
	[tilespmem:v3+s24+$0x0] =	vst.idx.add.f32.msk $0xffff, v1  }
0x292: {  	v1 =	vunpack.i.u.bf16.f32 v5;
	[tilespmem:v3+s4+$0x0] =	vst.idx.add.f32.msk $0xffff, v2  }
0x293: {  	[tilespmem:v3+s5+$0x0] =	vst.idx.add.f32.msk $0xffff, v1  }
0x294: {  	v1 =	vld.idx.msk [tilespmem:v7+s13+$0x0], $0xffff  }
0x295: {  	v2 =	vld.idx.msk [tilespmem:v7+s21+$0x0], $0xffff  }
0x296: {  	v3 =	vunpack.i.u.s16.s32 v6;
	v4 =	vld.idx.msk [tilespmem:v7+s22+$0x0], $0xffff  }
0x297: {  	v5 =	vld.idx.msk [tilespmem:v7+s23+$0x0], $0xffff;
	_ =	sdelay $0x1  }
0x298: {  	v6 =	vld [tilespmem:s14+$0x10]  }
0x299: {  	v7 =	vunpack.i.l.bf16.f32 v1  }
0x29a: {  	v1 =	vunpack.i.u.bf16.f32 v1;
	[tilespmem:v3+s29+$0x0] =	vst.idx.add.f32.msk $0xffff, v7  }
0x29b: {  	v7 =	vunpack.i.l.bf16.f32 v2;
	[tilespmem:v3+s30+$0x0] =	vst.idx.add.f32.msk $0xffff, v1  }
0x29c: {  	v1 =	vunpack.i.u.bf16.f32 v2;
	[tilespmem:v3+s31+$0x0] =	vst.idx.add.f32.msk $0xffff, v7  }
0x29d: {  	v2 =	vunpack.i.l.bf16.f32 v4;
	v7 =	vunpack.i.l.s16.s32 v6;
	[tilespmem:v3+s0+$0x0] =	vst.idx.add.f32.msk $0xffff, v1  }
0x29e: {  	v1 =	vunpack.i.u.bf16.f32 v4;
	[tilespmem:v3+s2+$0x0] =	vst.idx.add.f32.msk $0xffff, v2  }
0x29f: {  	v2 =	vunpack.i.l.bf16.f32 v5;
	[tilespmem:v3+s24+$0x0] =	vst.idx.add.f32.msk $0xffff, v1  }
0x2a0: {  	v1 =	vunpack.i.u.bf16.f32 v5;
	[tilespmem:v3+s4+$0x0] =	vst.idx.add.f32.msk $0xffff, v2  }
0x2a1: {  	[tilespmem:v3+s5+$0x0] =	vst.idx.add.f32.msk $0xffff, v1  }
0x2a2: {  	v1 =	vld.idx.msk [tilespmem:v7+s13+$0x0], $0xffff  }
0x2a3: {  	v2 =	vld.idx.msk [tilespmem:v7+s21+$0x0], $0xffff  }
0x2a4: {  	v3 =	vunpack.i.u.s16.s32 v6;
	v4 =	vld.idx.msk [tilespmem:v7+s22+$0x0], $0xffff  }
0x2a5: {  	v5 =	vld.idx.msk [tilespmem:v7+s23+$0x0], $0xffff;
	_ =	sdelay $0x1  }
0x2a6: {  	v6 =	vld [tilespmem:s14+$0x20]  }
0x2a7: {  	v7 =	vunpack.i.l.bf16.f32 v1  }
0x2a8: {  	v1 =	vunpack.i.u.bf16.f32 v1;
	[tilespmem:v3+s29+$0x0] =	vst.idx.add.f32.msk $0xffff, v7  }
0x2a9: {  	v7 =	vunpack.i.l.bf16.f32 v2;
	[tilespmem:v3+s30+$0x0] =	vst.idx.add.f32.msk $0xffff, v1  }
0x2aa: {  	v1 =	vunpack.i.u.bf16.f32 v2;
	[tilespmem:v3+s31+$0x0] =	vst.idx.add.f32.msk $0xffff, v7  }
0x2ab: {  	v2 =	vunpack.i.l.bf16.f32 v4;
	v7 =	vunpack.i.l.s16.s32 v6;
	[tilespmem:v3+s0+$0x0] =	vst.idx.add.f32.msk $0xffff, v1  }
0x2ac: {  	v1 =	vunpack.i.u.bf16.f32 v4;
	[tilespmem:v3+s2+$0x0] =	vst.idx.add.f32.msk $0xffff, v2  }
0x2ad: {  	v2 =	vunpack.i.l.bf16.f32 v5;
	[tilespmem:v3+s24+$0x0] =	vst.idx.add.f32.msk $0xffff, v1  }
0x2ae: {  	v1 =	vunpack.i.u.bf16.f32 v5;
	[tilespmem:v3+s4+$0x0] =	vst.idx.add.f32.msk $0xffff, v2  }
0x2af: {  	[tilespmem:v3+s5+$0x0] =	vst.idx.add.f32.msk $0xffff, v1  }
0x2b0: {  	v1 =	vld.idx.msk [tilespmem:v7+s13+$0x0], $0xffff  }
0x2b1: {  	v2 =	vld.idx.msk [tilespmem:v7+s21+$0x0], $0xffff  }
0x2b2: {  	v3 =	vunpack.i.u.s16.s32 v6;
	v4 =	vld.idx.msk [tilespmem:v7+s22+$0x0], $0xffff  }
0x2b3: {  	v5 =	vld.idx.msk [tilespmem:v7+s23+$0x0], $0xffff;
	_ =	sdelay $0x1  }
0x2b4: {  	v6 =	vld [tilespmem:s14+$0x30]  }
0x2b5: {  	v7 =	vunpack.i.l.bf16.f32 v1  }
0x2b6: {  	v1 =	vunpack.i.u.bf16.f32 v1;
	[tilespmem:v3+s29+$0x0] =	vst.idx.add.f32.msk $0xffff, v7  }
0x2b7: {  	v7 =	vunpack.i.l.bf16.f32 v2;
	[tilespmem:v3+s30+$0x0] =	vst.idx.add.f32.msk $0xffff, v1  }
0x2b8: {  	v1 =	vunpack.i.u.bf16.f32 v2;
	[tilespmem:v3+s31+$0x0] =	vst.idx.add.f32.msk $0xffff, v7  }
0x2b9: {  	v2 =	vunpack.i.l.bf16.f32 v4;
	v7 =	vunpack.i.l.s16.s32 v6;
	[tilespmem:v3+s0+$0x0] =	vst.idx.add.f32.msk $0xffff, v1  }
0x2ba: {  	v1 =	vunpack.i.u.bf16.f32 v4;
	[tilespmem:v3+s2+$0x0] =	vst.idx.add.f32.msk $0xffff, v2  }
0x2bb: {  	v2 =	vunpack.i.l.bf16.f32 v5;
	[tilespmem:v3+s24+$0x0] =	vst.idx.add.f32.msk $0xffff, v1  }
0x2bc: {  	v1 =	vunpack.i.u.bf16.f32 v5;
	[tilespmem:v3+s4+$0x0] =	vst.idx.add.f32.msk $0xffff, v2  }
0x2bd: {  	[tilespmem:v3+s5+$0x0] =	vst.idx.add.f32.msk $0xffff, v1  }
0x2be: {  	v1 =	vld.idx.msk [tilespmem:v7+s13+$0x0], $0xffff  }
0x2bf: {  	v2 =	vld.idx.msk [tilespmem:v7+s21+$0x0], $0xffff  }
0x2c0: {  	v3 =	vunpack.i.u.s16.s32 v6;
	v4 =	vld.idx.msk [tilespmem:v7+s22+$0x0], $0xffff  }
0x2c1: {  	v5 =	vld.idx.msk [tilespmem:v7+s23+$0x0], $0xffff;
	_ =	sdelay $0x1  }
0x2c2: {  	v6 =	vld [tilespmem:s14+$0x40]  }
0x2c3: {  	v7 =	vunpack.i.l.bf16.f32 v1  }
0x2c4: {  	v1 =	vunpack.i.u.bf16.f32 v1;
	[tilespmem:v3+s29+$0x0] =	vst.idx.add.f32.msk $0xffff, v7  }
0x2c5: {  	v7 =	vunpack.i.l.bf16.f32 v2;
	[tilespmem:v3+s30+$0x0] =	vst.idx.add.f32.msk $0xffff, v1  }
0x2c6: {  	v2 =	vunpack.i.u.bf16.f32 v2;
	[tilespmem:v3+s31+$0x0] =	vst.idx.add.f32.msk $0xffff, v7  }
0x2c7: {  	v7 =	vunpack.i.l.bf16.f32 v4;
	v1 =	vunpack.i.u.s16.s32 v6;
	v6 =	vunpack.i.l.s16.s32 v6;
	[tilespmem:v3+s0+$0x0] =	vst.idx.add.f32.msk $0xffff, v2  }
0x2c8: {  	v2 =	vunpack.i.u.bf16.f32 v4;
	[tilespmem:v3+s2+$0x0] =	vst.idx.add.f32.msk $0xffff, v7  }
0x2c9: {  	v4 =	vunpack.i.l.bf16.f32 v5;
	[tilespmem:v3+s24+$0x0] =	vst.idx.add.f32.msk $0xffff, v2  }
0x2ca: {  	v2 =	vunpack.i.u.bf16.f32 v5;
	[tilespmem:v3+s4+$0x0] =	vst.idx.add.f32.msk $0xffff, v4  }
.Ltmp12:
0x2cb: {  	[tilespmem:v3+s5+$0x0] =	vst.idx.add.f32.msk $0xffff, v2;
	(pc) =	sbr.rel @p1 .LBB2_23-.Ltmp12, $4  }
0x2cc: {  	v2 =	vld.idx.msk [tilespmem:v6+s23+$0x0], $0xffff  }
0x2cd: {  	v5 =	vld.idx.msk [tilespmem:v6+s22+$0x0], $0xffff  }
0x2ce: {  	v7 =	vld.idx.msk [tilespmem:v6+s13+$0x0], $0xffff  }
0x2cf: {  	v4 =	vld.idx.msk [tilespmem:v6+s21+$0x0], $0xffff  }
0x2d0: {  	_ =	sdelay $0x1  }
0x2d1: {  	v3 =	vunpack.i.u.bf16.f32 v5;
	v6 =	vunpack.i.l.bf16.f32 v5  }
0x2d2: {  	v5 =	vunpack.i.l.bf16.f32 v2;
	v2 =	vunpack.i.u.bf16.f32 v2;
	v8 =	vunpack.i.u.bf16.f32 v7  }
0x2d3: {  	v9 =	vunpack.i.l.bf16.f32 v7;
	v7 =	vunpack.i.u.bf16.f32 v4;
	v4 =	vunpack.i.l.bf16.f32 v4  }
.LBB2_25:
0x2d4: {  	s14 =	sshra.s32 s13, $0x2  }
0x2d5: {  	v10 =	vld [tilespmem:s14+$0x1F290];
	_ =	sdelay $0x1  }
0x2d6: {  	[tilespmem:v1+s29+$0x0] =	vst.idx.add.f32.msk $0xffff, v9  }
0x2d7: {  	[tilespmem:v1+s30+$0x0] =	vst.idx.add.f32.msk $0xffff, v8  }
0x2d8: {  	[tilespmem:v1+s31+$0x0] =	vst.idx.add.f32.msk $0xffff, v4  }
0x2d9: {  	[tilespmem:v1+s0+$0x0] =	vst.idx.add.f32.msk $0xffff, v7;
	v4 =	vunpack.i.l.s16.s32 v10  }
0x2da: {  	[tilespmem:v1+s2+$0x0] =	vst.idx.add.f32.msk $0xffff, v6  }
0x2db: {  	[tilespmem:v1+s24+$0x0] =	vst.idx.add.f32.msk $0xffff, v3  }
0x2dc: {  	[tilespmem:v1+s4+$0x0] =	vst.idx.add.f32.msk $0xffff, v5  }
0x2dd: {  	[tilespmem:v1+s5+$0x0] =	vst.idx.add.f32.msk $0xffff, v2  }
0x2de: {  	v2 =	vld.idx.msk [tilespmem:v4+s1+$0x0], $0xffff  }
0x2df: {  	v3 =	vld.idx.msk [tilespmem:v4+s21+$0x0], $0xffff  }
0x2e0: {  	v5 =	vld.idx.msk [tilespmem:v4+s22+$0x0], $0xffff  }
0x2e1: {  	p1 =	sne.s32 s13, $0x180;
	v11 =	vld.idx.msk [tilespmem:v4+s23+$0x0], $0xffff  }
.Ltmp13:
0x2e2: {  	_ = 	snop;
	(pc) =	sbr.rel @p1 .LBB2_25-.Ltmp13, $4  }
0x2e3: {  	_ = 	snop  }
0x2e4: {  	v1 =	vunpack.i.u.s16.s32 v10;
	v8 =	vunpack.i.u.bf16.f32 v2;
	v9 =	vunpack.i.l.bf16.f32 v2  }
0x2e5: {  	v7 =	vunpack.i.u.bf16.f32 v3;
	v4 =	vunpack.i.l.bf16.f32 v3;
	v3 =	vunpack.i.u.bf16.f32 v5  }
0x2e6: {  	s13 =	sadd.s32 $0x40, s13;
	v6 =	vunpack.i.l.bf16.f32 v5;
	v2 =	vunpack.i.u.bf16.f32 v11;
	v5 =	vunpack.i.l.bf16.f32 v11  }
0x2e7: {  	_ =	sdelay $0x3  }
0x2e8: {  	[tilespmem:v1+s29+$0x0] =	vst.idx.add.f32.msk $0xffff, v9  }
0x2e9: {  	[tilespmem:v1+s30+$0x0] =	vst.idx.add.f32.msk $0xffff, v8  }
0x2ea: {  	[tilespmem:v1+s31+$0x0] =	vst.idx.add.f32.msk $0xffff, v4  }
.Ltmp14:
0x2eb: {  	[tilespmem:v1+s0+$0x0] =	vst.idx.add.f32.msk $0xffff, v7;
	(pc) =	sbr.rel @p0 .LBB2_28-.Ltmp14, $4  }
0x2ec: {  	[tilespmem:v1+s2+$0x0] =	vst.idx.add.f32.msk $0xffff, v6  }
0x2ed: {  	[tilespmem:v1+s24+$0x0] =	vst.idx.add.f32.msk $0xffff, v3  }
0x2ee: {  	[tilespmem:v1+s4+$0x0] =	vst.idx.add.f32.msk $0xffff, v5  }
0x2ef: {  	[tilespmem:v1+s5+$0x0] =	vst.idx.add.f32.msk $0xffff, v2  }
0x2f0: {  	s13 =	smul.u32 $0x1900, s12  }
.Ltmp15:
0x2f1: {  	_ = 	snop;
	(pc) =	sbr.rel .LBB2_18-.Ltmp15, $4  }
0x2f2: {  	s13 =	sadd.s32 s13, s11  }
0x2f3: {  	s13 =	sshrl.u32 s13, $0x3  }
0x2f4: {  	s12 =	sadd.s32 $0x1, s12;
	s13 =	sadd.s32 s3, s13  }
0x2f5: {  	[tilespmem:s25], [sflag:$0x2] =	stream.linear.gather [hbm4b:s13+s1], $0xC80, $0x38;
	[tilespmem:$0x1F300] =	vst v63  }
.LBB2_29:
0x2f6: {  	_ =	sfence.sel $0x180000  }
0x2f7: {  	[bflag:$0x0] =	sbarrier.arrive $0xFFFF  }
0x2f8: {  	_ =	strace $0x9000004A  }
0x2f9: {  	s0 =	stileid.u32;
	[bflag:$0x2] =	sbarrier.arrive $0xFFFF  }
0x2fa: {  	p0 =	sne.s32 s0, $0x0;
	s0 =	rddreg [dreg:$0x1]  }
0x2fb: {  	s0 =	sadd.s32 @!p0 $0x100000, s0  }
0x2fc: {  	[sflag:s0] =	ssyncadd.tile.s32 @!p0 $0x1;
	_ =	shalt  }
.Lfunc_end2:
_tile_overlayer_lowered:
.L_overlay_start_2:
0x2fd: {  	(tag) =	ssettag $0x2  }
0x2fe: {  	s0 =	rddreg [dreg:$0x0];
	s2 =	stileid.u32  }
0x2ff: {  	s1 =	rddreg [dreg:$0x1];
	p0 =	sne.s32 s2, $0x0  }
0x300: {  	s3 =	rddreg [dreg:$0x2];
	[bflag:$0x3] =	sbarrier.arrive $0xFFFF;
	s2 =	simm.s32 @!p0 $0x1C03  }
0x301: {  	[timem:s3], [sflag:s2] =	dma.local @!p0 [hbm:s0], s1  }
0x302: {  	s0 =	simm.s32 @!p0 $0x3  }
0x303: {  	_ =	swait.ge @!p0 [sflag:s0], s1  }
0x304: {  	s1 =	ssub.s32 @!p0 $0x0, s1;
	[sflag:s0] =	ssyncset.done @!p0 $0x0  }
0x305: {  	[sflag:s0] =	ssyncadd.s32 @!p0 s1  }
0x306: {  	[bflag:$0x3] =	sbarrier.arrive $0xFFFF  }
0x307: {  	_ =	shalt  }

// kernel: sage_seg_sum_cnt.3.cloned.1.call-start
scs
__scs_entry_jumppad:
0x0: {  	(pc) =	sbr.rel $0x88, $3  }
0x1: {  	(tag) =	ssettag $0x0;
	lr =	simm.s32 $0x1  }
0x2: {  	[smem:$0x3F95] =	sst lr;
	_ =	strace $0xD0000000  }
0x3: {  	_ = 	snop  }
0x4: {  	_ = 	snop  }
0x5: {  	_ = 	snop  }
0x6: {  	_ = 	snop  }
0x7: {  	_ = 	snop  }
__scs_overlays_trampoline_lowered:
0x8: {  	[smem:$0x3FA4] =	sst s0  }
0x9: {  	[smem:$0x3FA5] =	sst s1  }
0xa: {  	[smem:$0x3FA6] =	sst s2  }
0xb: {  	[smem:$0x3FA7] =	sst s3  }
0xc: {  	[smem:$0x3FA8] =	sst s4  }
0xd: {  	[smem:$0x3FA9] =	sst s5  }
0xe: {  	[smem:$0x3FAA] =	sst s6  }
0xf: {  	[smem:$0x3FAB] =	sst s7  }
0x10: {  	[smem:$0x3FAC] =	sst s8  }
0x11: {  	[smem:$0x3FAD] =	sst s9;
	s0 =	simm.s32 @!p0 $0x0  }
0x12: {  	s1 =	sld [smem:$0x3F93];
	s0 =	simm.s32 @p0 $0x1  }
0x13: {  	[smem:$0x3FAE] =	sst s0;
	s0 =	simm.s32 @!p1 $0x0  }
0x14: {  	s2 =	sld [smem:$0x3F92];
	s0 =	simm.s32 @p1 $0x1  }
0x15: {  	[smem:$0x3FAF] =	sst s0;
	s0 =	simm.s32 @!p2 $0x0  }
0x16: {  	s3 =	sld [smem:$0x3FDB];
	s0 =	simm.s32 @p2 $0x1  }
0x17: {  	s4 =	simm.s32 $0x1BF5;
	[smem:$0x3FB1] =	sst s0  }
0x18: {  	s0 =	sld [smem:$0x3F94];
	_ =	swait.ge [sflag:s4], $0x0  }
0x19: {  	s7 =	sld [smem:$0x3F95]  }
0x1a: {  	s8 =	sadd.s32 $0xFFFFE003, lr  }
0x1b: {  	s9 =	sadd.s32 $0xFFFFFEF7, lr;
	s5 =	simm.s32 $0xFFFFFFFF;
	p2 =	slt.u32 s8, $0xFFFFF086  }
0x1c: {  	p1 =	slt.u32 s9, $0xF7A;
	s5 =	simm.s32 @!p2 $0x0  }
0x1d: {  	s5 =	simm.s32 @p1 $0x1;
	p0 =	seq.s32 s7, s2  }
0x1e: {  	s7 =	smul.u32 @!p0 $0xF7A, s2;
	p2 =	seq.s32 @!p0 s5, $0x0  }
0x1f: {  	s9 =	smul.u32 $0xF7A, s1;
	s8 =	simm.s32 @!p0 $0x1BF5;
	p2 =	por !p2, p0  }
0x20: {  	[sflag:s8] =	ssyncset.s32 @!p0 $0xFFFFF086;
	s6 =	sadd.s32 @!p0 s3, s7;
	s7 =	simm.s32 @!p0 $0x108  }
0x21: {  	s3 =	sadd.s32 s3, s9;
	s6 =	sadd.s32 @!p0 $0x88, s6;
	s7 =	simm.s32 @p2 $0x1082  }
0x22: {  	[simem:s7], [sflag:s8] =	dma.local @!p0 [hbm:s6], $0xF7A  }
0x23: {  	s9 =	sor.u32 $0xD0000000, s2;
	s6 =	simm.s32 $0x108;
	_ =	swait.ge @!p0 [sflag:s8], $0x0  }
0x24: {  	s3 =	sadd.s32 $0x88, s3;
	s6 =	simm.s32 @!p1 $0x1082;
	[sflag:s4] =	ssyncset.s32 $0xFFFFF086  }
0x25: {  	[simem:s6], [sflag:s4] =	dma.local [hbm:s3], $0xF7A  }
0x26: {  	[smem:$0x3F95] =	sst s1;
	(tag) =	ssettag s2;
	_ =	strace s9  }
0x27: {  	s1 =	sld [smem:$0x3FA5]  }
0x28: {  	s2 =	sld [smem:$0x3FA6]  }
0x29: {  	s4 =	sld [smem:$0x3FA8]  }
0x2a: {  	p0 =	seq.s32 s5, $0x0;
	s5 =	sld [smem:$0x3FA9]  }
0x2b: {  	s6 =	sld [smem:$0x3FAA]  }
0x2c: {  	s7 =	sld [smem:$0x3FAB]  }
0x2d: {  	s3 =	simm.s32 $0x108;
	s8 =	sld [smem:$0x3FAC]  }
0x2e: {  	s3 =	simm.s32 @!p0 $0x1082;
	s9 =	sld [smem:$0x3FAD]  }
0x2f: {  	lr =	sadd.s32 s0, s3;
	s0 =	sld [smem:$0x3FA4]  }
0x30: {  	s3 =	sld [smem:$0x3FA7]  }
0x31: {  	[smem:$0x3FB0] =	sst s10  }
0x32: {  	s10 =	sld [smem:$0x3FAE];
	_ =	sdelay $0x3  }
0x33: {  	p0 =	seq.s32 s10, $0x1;
	s10 =	sld [smem:$0x3FB0];
	_ =	sdelay $0x3  }
0x34: {  	[smem:$0x3FB0] =	sst s10  }
0x35: {  	s10 =	sld [smem:$0x3FAF];
	_ =	sdelay $0x3  }
0x36: {  	p1 =	seq.s32 s10, $0x1;
	s10 =	sld [smem:$0x3FB0];
	_ =	sdelay $0x3  }
0x37: {  	[smem:$0x3FB0] =	sst s10  }
0x38: {  	s10 =	sld [smem:$0x3FB1]  }
0x39: {  	_ = 	snop;
	(pc) =	sbr.ind lr, $3  }
0x3a: {  	_ = 	snop  }
0x3b: {  	_ = 	snop  }
0x3c: {  	p2 =	seq.s32 s10, $0x1;
	s10 =	sld [smem:$0x3FB0]  }
0x3d: {  	_ =	shalt  }
0x3e: {  	_ =	shalt  }
0x3f: {  	_ =	shalt  }
0x40: {  	_ =	shalt  }
0x41: {  	_ =	shalt  }
0x42: {  	_ =	shalt  }
0x43: {  	_ =	shalt  }
0x44: {  	_ =	shalt  }
0x45: {  	_ =	shalt  }
0x46: {  	_ =	shalt  }
0x47: {  	_ =	shalt  }
0x48: {  	_ =	shalt  }
0x49: {  	_ =	shalt  }
0x4a: {  	_ =	shalt  }
0x4b: {  	_ =	shalt  }
0x4c: {  	_ =	shalt  }
0x4d: {  	_ =	shalt  }
0x4e: {  	_ =	shalt  }
0x4f: {  	_ =	shalt  }
0x50: {  	_ =	shalt  }
0x51: {  	_ =	shalt  }
0x52: {  	_ =	shalt  }
0x53: {  	_ =	shalt  }
0x54: {  	_ =	shalt  }
0x55: {  	_ =	shalt  }
0x56: {  	_ =	shalt  }
0x57: {  	_ =	shalt  }
0x58: {  	_ =	shalt  }
0x59: {  	_ =	shalt  }
0x5a: {  	_ =	shalt  }
0x5b: {  	_ =	shalt  }
0x5c: {  	_ =	shalt  }
0x5d: {  	_ =	shalt  }
0x5e: {  	_ =	shalt  }
0x5f: {  	_ =	shalt  }
0x60: {  	_ =	shalt  }
0x61: {  	_ =	shalt  }
0x62: {  	_ =	shalt  }
0x63: {  	_ =	shalt  }
0x64: {  	_ =	shalt  }
0x65: {  	_ =	shalt  }
0x66: {  	_ =	shalt  }
0x67: {  	_ =	shalt  }
0x68: {  	_ =	shalt  }
0x69: {  	_ =	shalt  }
0x6a: {  	_ =	shalt  }
0x6b: {  	_ =	shalt  }
0x6c: {  	_ =	shalt  }
0x6d: {  	_ =	shalt  }
0x6e: {  	_ =	shalt  }
0x6f: {  	_ =	shalt  }
0x70: {  	_ =	shalt  }
0x71: {  	_ =	shalt  }
0x72: {  	_ =	shalt  }
0x73: {  	_ =	shalt  }
0x74: {  	_ =	shalt  }
0x75: {  	_ =	shalt  }
0x76: {  	_ =	shalt  }
0x77: {  	_ =	shalt  }
0x78: {  	_ =	shalt  }
0x79: {  	_ =	shalt  }
0x7a: {  	_ =	shalt  }
0x7b: {  	_ =	shalt  }
0x7c: {  	_ =	shalt  }
0x7d: {  	_ =	shalt  }
0x7e: {  	_ =	shalt  }
0x7f: {  	_ =	shalt  }
0x80: {  	_ =	shalt  }
0x81: {  	_ =	shalt  }
0x82: {  	_ =	shalt  }
0x83: {  	_ =	shalt  }
0x84: {  	_ =	shalt  }
0x85: {  	_ =	shalt  }
0x86: {  	_ =	shalt  }
0x87: {  	_ =	shalt  }
.Lfunc_end0:
.L_simem_size_0:
called_computation_lowered:
.L_overlay_start_0:
0x88: {  	s2 =	sld [smem:$0x3FD9]  }
0x89: {  	s3 =	sld [smem:$0x3FFE];
	_ =	sdelay $0x1  }
0x8a: {  	s1 =	srdreg.scid  }
0x8b: {  	s0 =	sand.u32 $0x1, s1  }
0x8c: {  	s16 =	sshll.u32 s0, $0xA;
	s2 =	sadd.s32 s3, s2  }
0x8d: {  	s2 =	sadd.s32 s2, s16  }
0x8e: {  	[smem:$0x3FBC] =	sst s2  }
0x8f: {  	_ = 	snop  }
0x90: {  	(tm) =	ssettm $0x1  }
0x91: {  	s17 =	sld [smem:$0x3FFB];
	_ =	sdelay $0x3  }
0x92: {  	_ =	strace s17  }
0x93: {  	s2 =	sld [smem:$0x3FFC];
	_ =	sdelay $0x3  }
0x94: {  	_ =	strace s2  }
0x95: {  	s2 =	sld [smem:$0x3FFD];
	_ =	sdelay $0x3  }
0x96: {  	_ =	strace s2  }
0x97: {  	_ =	strace $0x8FFFFFFF  }
0x98: {  	s18 =	sld [smem:$0x3FDB];
	_ =	sdelay $0x1  }
0x99: {  	s19 =	simm.s32 $_scs_section_size  }
0x9a: {  	s4 =	simm.s32 $_size__tile_overlayer_lowered;
	s5 =	simm.s32 $_tile_overlayer_lowered  }
0x9b: {  	s22 =	simm.s32 $0x1BFF;
	s21 =	sshll.u32 s5, $0x1;
	s2 =	sadd.s32 s19, s18  }
0x9c: {  	s6 =	simm.s32 $0x0;
	s20 =	sshll.u32 s4, $0x1;
	s4 =	sadd.s32 s21, s2  }
0x9d: {  	[timem:s6], [sflag:s22] =	dma.local [hbm:s4], s20  }
0x9e: {  	_ =	swait.ge [sflag:s22], s20  }
0x9f: {  	s3 =	ssub.s32 $0x0, s20;
	[sflag:s22] =	ssyncset.done $0x0  }
0xa0: {  	[sflag:s22] =	ssyncadd.s32 s3;
	_ =	sdelay $0x1  }
0xa1: {  	s23 =	simm.s32 $0x1B8B  }
0xa2: {  	_ =	swait.ge [sflag:s23], $0x1  }
0xa3: {  	[sflag:s23] =	ssyncset.done $0x0  }
0xa4: {  	s25 =	simm.s32 $0x1B8E;
	s24 =	sld [smem:$0x3FFE];
	[sflag:s23] =	ssyncadd.s32 $0xFFFFFFFF  }
0xa5: {  	s26 =	simm.s32 $execute0_lowered;
	[smem:$0x3FD2] =	sst s25  }
0xa6: {  	s4 =	sshll.u32 s26, $0x1;
	_ =	strace $0x80000046;
	[dreg:$0x1] =	wrdreg $0xFFFFFFFF  }
0xa7: {  	s28 =	simm.s32 $_size_execute0_lowered;
	s2 =	sadd.s32 s2, s4;
	[dreg:$0x0] =	wrdreg $0x0  }
0xa8: {  	s4 =	sshll.u32 s28, $0x1;
	[dreg:$0x2] =	wrdreg s2  }
0xa9: {  	[dreg:$0x3] =	wrdreg s4  }
0xaa: {  	[dreg:$0x4] =	wrdreg $0xC0  }
0xab: {  	_ =	task [dreg:s6], $0x5FFFF  }
0xac: {  	[dreg:$0x1] =	wrdreg $0xFFFFFFFF  }
0xad: {  	[dreg:$0x0] =	wrdreg $0x60  }
0xae: {  	[dreg:$0x2] =	wrdreg s24  }
0xaf: {  	[dreg:$0x3] =	wrdreg $0x9  }
0xb0: {  	_ =	task.clear_ibuf [dreg:s6], $0x4FFFF;
	_ =	strace $0x90000046  }
0xb1: {  	s29 =	simm.s32 $0x9;
	_ =	strace $0x80000048  }
0xb2: {  	_ =	swait.ge [sflag:s29], $0x1  }
0xb3: {  	[sflag:s29] =	ssyncadd.s32 $0xFFFFFFFF  }
0xb4: {  	_ =	strace $0x90000048  }
0xb5: {  	_ =	sfence  }
0xb6: {  	s30 =	sld [smem:$0x0];
	_ =	sdelay $0x2  }
0xb7: {  	s31 =	sshll.u32 s1, $0xD;
	s1 =	sshrl.u32 s1, $0x2  }
0xb8: {  	s3 =	sand.u32 $0x4000, s31;
	s1 =	sadd.s32 s1, s30  }
0xb9: {  	s0 =	sor.u32 s3, s0;
	s1 =	sshll.u32 s1, $0x11  }
0xba: {  	s0 =	sor.u32 s1, s0  }
0xbb: {  	s0 =	sadd.s32 $0x8F2B, s0  }
0xbc: {  	[sflag:s0] =	ssyncadd.remote.s32 $0x1  }
0xbd: {  	_ =	sfence.sel $0xFFFF  }
0xbe: {  	[dreg:$0x0] =	wrdreg $0xFFFFFFFF;
	(pc) =	sbr.abs _section_cstart, $3  }
0xbf: {  	[dreg:$0x1] =	wrdreg $0xFFFFFFFF  }
0xc0: {  	_ =	task.clear_ibuf [dreg:s6], $0x2FFFF;
	_ =	strace $0x9FFFFFFF  }
0xc1: {  	(tm) =	ssettm $0x7FFFFFFF  }
tec
execute0_lowered:
.L_overlay_start_1:
0x0: {  	(tag) =	ssettag $0x1  }
0x1: {  	s0 =	srdreg.scid  }
0x2: {  	s10 =	stileid.u32;
	s1 =	rddreg [dreg:$0x0];
	s2 =	simm.s32 $0x0  }
0x3: {  	s28 =	simm.s32 $0x3;
	s29 =	simm.s32 $0x9E00;
	s30 =	simm.s32 $0x1E680  }
0x4: {  	s31 =	simm.s32 $0x1;
	s0 =	sand.u32 $0x1, s0;
	s3 =	sshll.u32 s10, $0x1  }
0x5: {  	[smem:$0x7FF] =	sst s2;
	s6 =	sadd.s32 $0x1A00, s1;
	s7 =	smul.u32 $0x1388, s10  }
0x6: {  	s9 =	smul.u32 $0x9C40, s10;
	s11 =	sadd.s32 $0x1F200, s1;
	s13 =	sshll.u32 s10, $0x3  }
0x7: {  	s4 =	sor.u32 s0, s3;
	_ =	strace $0x80000047;
	s3 =	sadd.s32 $0x15400, s1  }
0x8: {  	s8 =	ssub.s32 $0x2, s0;
	s12 =	sshll.u32 s0, $0x7;
	s0 =	smul.u32 $0x27100, s0  }
0x9: {  	s5 =	smul.u32 $0x4E2, s4;
	s7 =	sadd.s32 s6, s7;
	s9 =	sshrl.u32 s9, $0x3  }
0xa: {  	s26 =	sshrl.u32 s8, $0x1;
	[dreg:$0x2] =	wrdreg s7;
	s6 =	sadd.s32 s6, s9  }
0xb: {  	s7 =	sor.u32 s13, s12;
	s17 =	sshrl.u32 s0, $0x3;
	s12 =	sadd.s32 $0x1900, s0  }
0xc: {  	s13 =	sadd.s32 $0x2580, s0;
	s0 =	simm.s32 $0xC580;
	s9 =	simm.s32 $0x18B00  }
0xd: {  	s1 =	sadd.s32 s5, s1;
	s5 =	ssub.s32 s8, s26;
	s14 =	sadd.s32 $0x4E2, s6  }
0xe: {  	s15 =	sadd.s32 $0x9C4, s6;
	s6 =	sadd.s32 $0xEA6, s6;
	s16 =	smul.u32 $0x2710, s7  }
0xf: {  	s8 =	smul.u32 $0x2710, s4;
	s10 =	sadd.s32 s3, s17;
	[dreg:$0x3] =	wrdreg s14  }
0x10: {  	s18 =	smul.u32 $0x4E2, s7;
	s7 =	simm.s32 $0x16380;
	[dreg:$0x4] =	wrdreg s15  }
0x11: {  	[dreg:$0x5] =	wrdreg s6;
	s1 =	sadd.s32 $0x6D400, s1;
	s20 =	sadd.s32 $0x190, s10  }
0x12: {  	s6 =	simm.s32 $0x13C00;
	[dreg:$0x6] =	wrdreg s1;
	s19 =	sshrl.u32 s16, $0x3  }
0x13: {  	[dreg:$0x7] =	wrdreg s20;
	s21 =	sadd.s32 s11, s18;
	s4 =	sadd.s32 s11, s19  }
0x14: {  	s14 =	simm.s32 $0x0;
	[dreg:$0x8] =	wrdreg s21;
	s22 =	sadd.s32 $0x4E2, s4  }
0x15: {  	s1 =	simm.s32 $0x2;
	s23 =	sadd.s32 $0x9C4, s4;
	[dreg:$0x9] =	wrdreg s22  }
0x16: {  	s11 =	simm.s32 $0x1B280;
	s24 =	sadd.s32 $0xEA6, s4;
	[dreg:$0xa] =	wrdreg s23  }
.Ltmp0:
0x17: {  	s25 =	sadd.s32 $0x1388, s4;
	[dreg:$0xb] =	wrdreg s24;
	(pc) =	sbr.rel .LBB2_1-.Ltmp0, $4  }
0x18: {  	s26 =	sadd.s32 $0x186A, s4;
	s20 =	sadd.s32 $0x1D4C, s4;
	[dreg:$0xc] =	wrdreg s25  }
0x19: {  	s21 =	sadd.s32 $0x222E, s4;
	s4 =	simm.s32 $0xED00;
	[dreg:$0xd] =	wrdreg s26  }
0x1a: {  	s22 =	smax.u32 s5, $0x1;
	s23 =	simm.s32 $0x2780;
	s24 =	simm.s32 $0x4F00  }
0x1b: {  	v0 =	vimm.f32 $0.0e+00;
	v1 =	vimm.f32 $1.000000000e+00;
	s25 =	simm.s32 $0x7680;
	s26 =	simm.s32 $0x1DA00;
	s5 =	simm.s32 $0x11480  }
.LBB2_34:
0x1c: {  	s15 =	rddreg [dreg:$0x8]  }
0x1d: {  	[hbm4b:s15+s2] =	stream.linear.scatter [tilespmem:s29], [sflag:$0x3], $0x2710, $0x38;
	[tilespmem:$0x1F300] =	vst v63  }
0x1e: {  	_ =	swait.ge [sflag:s28], $0x2710  }
0x1f: {  	[sflag:s28] =	ssyncset.done $0x0  }
0x20: {  	s19 =	rddreg [dreg:$0x9];
	[sflag:s28] =	ssyncadd.s32 $0xFFFFD8F0  }
0x21: {  	[hbm4b:s19+s2] =	stream.linear.scatter [tilespmem:s0], [sflag:$0x3], $0x2710, $0x38;
	[tilespmem:$0x1F300] =	vst v63  }
0x22: {  	_ =	swait.ge [sflag:s28], $0x2710  }
0x23: {  	[sflag:s28] =	ssyncset.done $0x0  }
0x24: {  	s16 =	rddreg [dreg:$0xa];
	[sflag:s28] =	ssyncadd.s32 $0xFFFFD8F0  }
0x25: {  	[hbm4b:s16+s2] =	stream.linear.scatter [tilespmem:s4], [sflag:$0x3], $0x2710, $0x38;
	[tilespmem:$0x1F300] =	vst v63  }
0x26: {  	_ =	swait.ge [sflag:s28], $0x2710  }
0x27: {  	[sflag:s28] =	ssyncset.done $0x0  }
0x28: {  	s17 =	rddreg [dreg:$0xb];
	[sflag:s28] =	ssyncadd.s32 $0xFFFFD8F0  }
0x29: {  	[hbm4b:s17+s2] =	stream.linear.scatter [tilespmem:s5], [sflag:$0x3], $0x2710, $0x38;
	[tilespmem:$0x1F300] =	vst v63  }
0x2a: {  	_ =	swait.ge [sflag:s28], $0x2710  }
0x2b: {  	[sflag:s28] =	ssyncset.done $0x0  }
0x2c: {  	s18 =	rddreg [dreg:$0xc];
	[sflag:s28] =	ssyncadd.s32 $0xFFFFD8F0  }
0x2d: {  	[hbm4b:s18+s2] =	stream.linear.scatter [tilespmem:s6], [sflag:$0x3], $0x2710, $0x38;
	[tilespmem:$0x1F300] =	vst v63  }
0x2e: {  	_ =	swait.ge [sflag:s28], $0x2710  }
0x2f: {  	[sflag:s28] =	ssyncset.done $0x0  }
0x30: {  	s19 =	rddreg [dreg:$0xd];
	[sflag:s28] =	ssyncadd.s32 $0xFFFFD8F0  }
0x31: {  	[hbm4b:s19+s2] =	stream.linear.scatter [tilespmem:s7], [sflag:$0x3], $0x2710, $0x38;
	[tilespmem:$0x1F300] =	vst v63  }
0x32: {  	_ =	swait.ge [sflag:s28], $0x2710  }
0x33: {  	[sflag:s28] =	ssyncset.done $0x0  }
0x34: {  	[sflag:s28] =	ssyncadd.s32 $0xFFFFD8F0  }
0x35: {  	[hbm4b:s20+s2] =	stream.linear.scatter [tilespmem:s9], [sflag:$0x3], $0x2710, $0x38;
	[tilespmem:$0x1F300] =	vst v63  }
0x36: {  	s14 =	sadd.s32 $0x1, s14;
	_ =	swait.ge [sflag:s28], $0x2710  }
0x37: {  	p0 =	sne.s32 s14, s22;
	[sflag:s28] =	ssyncset.done $0x0  }
.Ltmp1:
0x38: {  	[sflag:s28] =	ssyncadd.s32 $0xFFFFD8F0;
	(pc) =	sbr.rel @!p0 .LBB2_35-.Ltmp1, $4  }
0x39: {  	[hbm4b:s21+s2] =	stream.linear.scatter [tilespmem:s11], [sflag:$0x3], $0x2710, $0x38;
	[tilespmem:$0x1F300] =	vst v63  }
0x3a: {  	_ =	swait.ge [sflag:s28], $0x2710  }
0x3b: {  	[sflag:s28] =	ssyncset.done $0x0  }
0x3c: {  	[sflag:s28] =	ssyncadd.s32 $0xFFFFD8F0  }
.LBB2_1:
0x3d: {  	s15 =	rddreg [dreg:$0x2]  }
0x3e: {  	[tilespmem:s2], [sflag:$0x1] =	stream.linear.gather [hbm4b:s15+s2], $0x2710, $0x38;
	[tilespmem:$0x1F300] =	vst v63  }
0x3f: {  	s17 =	rddreg [dreg:$0x3]  }
0x40: {  	[tilespmem:s23], [sflag:$0x1] =	stream.linear.gather [hbm4b:s17+s2], $0x2710, $0x38;
	[tilespmem:$0x1F300] =	vst v63  }
0x41: {  	s18 =	rddreg [dreg:$0x4]  }
0x42: {  	[tilespmem:s24], [sflag:$0x1] =	stream.linear.gather [hbm4b:s18+s2], $0x2710, $0x38;
	[tilespmem:$0x1F300] =	vst v63  }
0x43: {  	s19 =	rddreg [dreg:$0x5];
	s15 =	simm.s32 $0x9E40  }
0x44: {  	[tilespmem:s25], [sflag:$0x1] =	stream.linear.gather [hbm4b:s19+s2], $0x2710, $0x38;
	[tilespmem:$0x1F300] =	vst v63  }
0x45: {  	[tilespmem:s15+$0xFFFFFFC0] =	vst v0  }
0x46: {  	[tilespmem:s15+$0x30] =	vst v0  }
0x47: {  	[tilespmem:s15+$0x20] =	vst v0  }
0x48: {  	[tilespmem:s15+$0x10] =	vst v0  }
0x49: {  	[tilespmem:s15+$0x0] =	vst v0  }
0x4a: {  	[tilespmem:s15+$0xFFFFFFF0] =	vst v0  }
0x4b: {  	s16 =	simm.s32 $0x0;
	[tilespmem:s15+$0xFFFFFFE0] =	vst v0  }
.LBB2_2:
0x4c: {  	s16 =	sadd.s32 $0x8, s16;
	[tilespmem:s15+$0xFFFFFFD0] =	vst v0;
	s15 =	sadd.s32 $0x80, s15  }
0x4d: {  	[tilespmem:s15+$0xFFFFFFC0] =	vst v0;
	p0 =	slt.u32 s16, $0x268  }
0x4e: {  	[tilespmem:s15+$0x30] =	vst v0  }
.Ltmp2:
0x4f: {  	[tilespmem:s15+$0x20] =	vst v0;
	(pc) =	sbr.rel @p0 .LBB2_2-.Ltmp2, $4  }
0x50: {  	[tilespmem:s15+$0x10] =	vst v0  }
0x51: {  	[tilespmem:s15+$0x0] =	vst v0  }
0x52: {  	[tilespmem:s15+$0xFFFFFFF0] =	vst v0  }
0x53: {  	[tilespmem:s15+$0xFFFFFFE0] =	vst v0  }
0x54: {  	[tilespmem:s15+$0xFFFFFFD0] =	vst v0  }
0x55: {  	s15 =	simm.s32 $0x0;
	[tilespmem:$0xC500] =	vst v0  }
.LBB2_4:
0x56: {  	s16 =	smul.u32 $0x7D0, s15;
	_ =	sdelay $0x1  }
0x57: {  	s16 =	sadd.s32 s8, s16  }
0x58: {  	s16 =	sshrl.u32 s16, $0x3  }
0x59: {  	s16 =	sadd.s32 s3, s16  }
0x5a: {  	[tilespmem:s26], [sflag:$0x3] =	stream.linear.gather [hbm4b:s16+s2], $0x7D0, $0x38;
	[tilespmem:$0x1F300] =	vst v63  }
0x5b: {  	_ =	swait.ge [sflag:s28], $0x7D0  }
0x5c: {  	[sflag:s28] =	ssyncset.done $0x0  }
0x5d: {  	s17 =	simm.s32 $0x1DA40;
	s16 =	simm.s32 $0xFFFFFFF8;
	[sflag:s28] =	ssyncadd.s32 $0xFFFFF830  }
.LBB2_5:
0x5e: {  	v2 =	vld [tilespmem:s17+$0xFFFFFFC0];
	_ =	sdelay $0x4  }
0x5f: {  	v2 =	vunpack.i.u.s16.s32 v2;
	_ =	sdelay $0x4  }
0x60: {  	[tilespmem:v2+s29+$0x0] =	vst.idx.add.f32.msk $0xffff, v1  }
0x61: {  	v2 =	vld [tilespmem:s17+$0xFFFFFFD0];
	_ =	sdelay $0x4  }
0x62: {  	v2 =	vunpack.i.u.s16.s32 v2;
	_ =	sdelay $0x4  }
0x63: {  	[tilespmem:v2+s29+$0x0] =	vst.idx.add.f32.msk $0xffff, v1  }
0x64: {  	v2 =	vld [tilespmem:s17+$0xFFFFFFE0];
	_ =	sdelay $0x4  }
0x65: {  	v2 =	vunpack.i.u.s16.s32 v2;
	_ =	sdelay $0x4  }
0x66: {  	[tilespmem:v2+s29+$0x0] =	vst.idx.add.f32.msk $0xffff, v1  }
0x67: {  	v2 =	vld [tilespmem:s17+$0xFFFFFFF0];
	_ =	sdelay $0x4  }
0x68: {  	v2 =	vunpack.i.u.s16.s32 v2;
	_ =	sdelay $0x4  }
0x69: {  	[tilespmem:v2+s29+$0x0] =	vst.idx.add.f32.msk $0xffff, v1  }
0x6a: {  	v2 =	vld [tilespmem:s17+$0x0];
	_ =	sdelay $0x4  }
0x6b: {  	v2 =	vunpack.i.u.s16.s32 v2;
	_ =	sdelay $0x4  }
0x6c: {  	[tilespmem:v2+s29+$0x0] =	vst.idx.add.f32.msk $0xffff, v1  }
0x6d: {  	v2 =	vld [tilespmem:s17+$0x10];
	_ =	sdelay $0x4  }
0x6e: {  	v2 =	vunpack.i.u.s16.s32 v2;
	_ =	sdelay $0x4  }
0x6f: {  	[tilespmem:v2+s29+$0x0] =	vst.idx.add.f32.msk $0xffff, v1  }
0x70: {  	v2 =	vld [tilespmem:s17+$0x20];
	_ =	sdelay $0x4  }
0x71: {  	v2 =	vunpack.i.u.s16.s32 v2;
	_ =	sdelay $0x4  }
0x72: {  	[tilespmem:v2+s29+$0x0] =	vst.idx.add.f32.msk $0xffff, v1  }
0x73: {  	v2 =	vld [tilespmem:s17+$0x30];
	_ =	sdelay $0x3  }
0x74: {  	s16 =	sadd.s32 $0x8, s16  }
0x75: {  	p0 =	slt.u32 s16, $0x70;
	v2 =	vunpack.i.u.s16.s32 v2  }
.Ltmp3:
0x76: {  	_ = 	snop;
	(pc) =	sbr.rel @p0 .LBB2_5-.Ltmp3, $2  }
0x77: {  	_ =	sdelay $0x2  }
0x78: {  	s17 =	sadd.s32 $0x80, s17;
	[tilespmem:v2+s29+$0x0] =	vst.idx.add.f32.msk $0xffff, v1  }
0x79: {  	v2 =	vld [tilespmem:$0x1E180];
	_ =	sdelay $0x4  }
0x7a: {  	v2 =	vunpack.i.u.s16.s32 v2;
	_ =	sdelay $0x4  }
0x7b: {  	[tilespmem:v2+s29+$0x0] =	vst.idx.add.f32.msk $0xffff, v1  }
0x7c: {  	v2 =	vld [tilespmem:$0x1E190];
	_ =	sdelay $0x4  }
0x7d: {  	v2 =	vunpack.i.u.s16.s32 v2;
	_ =	sdelay $0x4  }
0x7e: {  	[tilespmem:v2+s29+$0x0] =	vst.idx.add.f32.msk $0xffff, v1  }
0x7f: {  	v2 =	vld [tilespmem:$0x1E1A0];
	_ =	sdelay $0x4  }
0x80: {  	v2 =	vunpack.i.u.s16.s32 v2;
	_ =	sdelay $0x4  }
0x81: {  	[tilespmem:v2+s29+$0x0] =	vst.idx.add.f32.msk $0xffff, v1  }
0x82: {  	v2 =	vld [tilespmem:$0x1E1B0];
	_ =	sdelay $0x4  }
0x83: {  	v2 =	vunpack.i.u.s16.s32 v2;
	_ =	sdelay $0x4  }
0x84: {  	[tilespmem:v2+s29+$0x0] =	vst.idx.add.f32.msk $0xffff, v1  }
0x85: {  	v2 =	vld [tilespmem:$0x1E1C0];
	_ =	sdelay $0x3  }
0x86: {  	s15 =	sadd.s32 $0x1, s15  }
0x87: {  	p0 =	sne.s32 s15, $0x5;
	v2 =	vunpack.i.u.s16.s32 v2  }
.Ltmp4:
0x88: {  	_ = 	snop;
	(pc) =	sbr.rel @p0 .LBB2_4-.Ltmp4, $2  }
0x89: {  	_ =	sdelay $0x2  }
0x8a: {  	[tilespmem:v2+s29+$0x0] =	vst.idx.add.f32.msk $0xffff, v1  }
0x8b: {  	s15 =	rddreg [dreg:$0x6]  }
0x8c: {  	[hbm4b:s15+s2] =	stream.linear.scatter [tilespmem:s29], [sflag:$0x3], $0x2710, $0x38;
	[tilespmem:$0x1F300] =	vst v63  }
0x8d: {  	_ =	swait.ge [sflag:s28], $0x2710  }
0x8e: {  	[sflag:s28] =	ssyncset.done $0x0  }
0x8f: {  	[sflag:s28] =	ssyncadd.s32 $0xFFFFD8F0  }
0x90: {  	[tilespmem:s26], [sflag:$0x2] =	stream.linear.gather [hbm4b:s10+s2], $0xC80, $0x38;
	[tilespmem:$0x1F300] =	vst v63  }
0x91: {  	s15 =	simm.s32 $0x9E40;
	s19 =	rddreg [dreg:$0x7]  }
0x92: {  	[tilespmem:s30], [sflag:$0x2] =	stream.linear.gather [hbm4b:s19+s2], $0xC80, $0x38;
	[tilespmem:$0x1F300] =	vst v63  }
0x93: {  	[tilespmem:s15+$0xFFFFFFC0] =	vst v0  }
0x94: {  	[tilespmem:s15+$0x30] =	vst v0  }
0x95: {  	[tilespmem:s15+$0x20] =	vst v0  }
0x96: {  	[tilespmem:s15+$0x10] =	vst v0  }
0x97: {  	[tilespmem:s15+$0x0] =	vst v0  }
0x98: {  	[tilespmem:s15+$0xFFFFFFF0] =	vst v0  }
0x99: {  	s16 =	simm.s32 $0x0;
	[tilespmem:s15+$0xFFFFFFE0] =	vst v0  }
.LBB2_8:
0x9a: {  	s16 =	sadd.s32 $0x8, s16;
	[tilespmem:s15+$0xFFFFFFD0] =	vst v0;
	s15 =	sadd.s32 $0x80, s15  }
0x9b: {  	[tilespmem:s15+$0xFFFFFFC0] =	vst v0;
	p0 =	slt.u32 s16, $0x268  }
0x9c: {  	[tilespmem:s15+$0x30] =	vst v0  }
.Ltmp5:
0x9d: {  	[tilespmem:s15+$0x20] =	vst v0;
	(pc) =	sbr.rel @p0 .LBB2_8-.Ltmp5, $4  }
0x9e: {  	[tilespmem:s15+$0x10] =	vst v0  }
0x9f: {  	[tilespmem:s15+$0x0] =	vst v0  }
0xa0: {  	[tilespmem:s15+$0xFFFFFFF0] =	vst v0  }
0xa1: {  	[tilespmem:s15+$0xFFFFFFE0] =	vst v0  }
0xa2: {  	[tilespmem:s15+$0xFFFFFFD0] =	vst v0  }
0xa3: {  	s15 =	simm.s32 $0xC5C0;
	[tilespmem:$0xC500] =	vst v0  }
0xa4: {  	[tilespmem:s15+$0xFFFFFFC0] =	vst v0  }
0xa5: {  	[tilespmem:s15+$0x30] =	vst v0  }
0xa6: {  	[tilespmem:s15+$0x20] =	vst v0  }
0xa7: {  	[tilespmem:s15+$0x10] =	vst v0  }
0xa8: {  	[tilespmem:s15+$0x0] =	vst v0  }
0xa9: {  	[tilespmem:s15+$0xFFFFFFF0] =	vst v0  }
0xaa: {  	s16 =	simm.s32 $0x0;
	[tilespmem:s15+$0xFFFFFFE0] =	vst v0  }
.LBB2_10:
0xab: {  	s16 =	sadd.s32 $0x8, s16;
	[tilespmem:s15+$0xFFFFFFD0] =	vst v0;
	s15 =	sadd.s32 $0x80, s15  }
0xac: {  	[tilespmem:s15+$0xFFFFFFC0] =	vst v0;
	p0 =	slt.u32 s16, $0x268  }
0xad: {  	[tilespmem:s15+$0x30] =	vst v0  }
.Ltmp6:
0xae: {  	[tilespmem:s15+$0x20] =	vst v0;
	(pc) =	sbr.rel @p0 .LBB2_10-.Ltmp6, $4  }
0xaf: {  	[tilespmem:s15+$0x10] =	vst v0  }
0xb0: {  	[tilespmem:s15+$0x0] =	vst v0  }
0xb1: {  	[tilespmem:s15+$0xFFFFFFF0] =	vst v0  }
0xb2: {  	[tilespmem:s15+$0xFFFFFFE0] =	vst v0  }
0xb3: {  	[tilespmem:s15+$0xFFFFFFD0] =	vst v0  }
0xb4: {  	s15 =	simm.s32 $0xED40;
	[tilespmem:$0xEC80] =	vst v0  }
0xb5: {  	[tilespmem:s15+$0xFFFFFFC0] =	vst v0  }
0xb6: {  	[tilespmem:s15+$0x30] =	vst v0  }
0xb7: {  	[tilespmem:s15+$0x20] =	vst v0  }
0xb8: {  	[tilespmem:s15+$0x10] =	vst v0  }
0xb9: {  	[tilespmem:s15+$0x0] =	vst v0  }
0xba: {  	[tilespmem:s15+$0xFFFFFFF0] =	vst v0  }
0xbb: {  	s16 =	simm.s32 $0x0;
	[tilespmem:s15+$0xFFFFFFE0] =	vst v0  }
.LBB2_12:
0xbc: {  	s16 =	sadd.s32 $0x8, s16;
	[tilespmem:s15+$0xFFFFFFD0] =	vst v0;
	s15 =	sadd.s32 $0x80, s15  }
0xbd: {  	[tilespmem:s15+$0xFFFFFFC0] =	vst v0;
	p0 =	slt.u32 s16, $0x268  }
0xbe: {  	[tilespmem:s15+$0x30] =	vst v0  }
.Ltmp7:
0xbf: {  	[tilespmem:s15+$0x20] =	vst v0;
	(pc) =	sbr.rel @p0 .LBB2_12-.Ltmp7, $4  }
0xc0: {  	[tilespmem:s15+$0x10] =	vst v0  }
0xc1: {  	[tilespmem:s15+$0x0] =	vst v0  }
0xc2: {  	[tilespmem:s15+$0xFFFFFFF0] =	vst v0  }
0xc3: {  	[tilespmem:s15+$0xFFFFFFE0] =	vst v0  }
0xc4: {  	[tilespmem:s15+$0xFFFFFFD0] =	vst v0  }
0xc5: {  	s15 =	simm.s32 $0x114C0;
	[tilespmem:$0x11400] =	vst v0  }
0xc6: {  	[tilespmem:s15+$0xFFFFFFC0] =	vst v0  }
0xc7: {  	[tilespmem:s15+$0x30] =	vst v0  }
0xc8: {  	[tilespmem:s15+$0x20] =	vst v0  }
0xc9: {  	[tilespmem:s15+$0x10] =	vst v0  }
0xca: {  	[tilespmem:s15+$0x0] =	vst v0  }
0xcb: {  	[tilespmem:s15+$0xFFFFFFF0] =	vst v0  }
0xcc: {  	s16 =	simm.s32 $0x0;
	[tilespmem:s15+$0xFFFFFFE0] =	vst v0  }
.LBB2_14:
0xcd: {  	s16 =	sadd.s32 $0x8, s16;
	[tilespmem:s15+$0xFFFFFFD0] =	vst v0;
	s15 =	sadd.s32 $0x80, s15  }
0xce: {  	[tilespmem:s15+$0xFFFFFFC0] =	vst v0;
	p0 =	slt.u32 s16, $0x268  }
0xcf: {  	[tilespmem:s15+$0x30] =	vst v0  }
.Ltmp8:
0xd0: {  	[tilespmem:s15+$0x20] =	vst v0;
	(pc) =	sbr.rel @p0 .LBB2_14-.Ltmp8, $4  }
0xd1: {  	[tilespmem:s15+$0x10] =	vst v0  }
0xd2: {  	[tilespmem:s15+$0x0] =	vst v0  }
0xd3: {  	[tilespmem:s15+$0xFFFFFFF0] =	vst v0  }
0xd4: {  	[tilespmem:s15+$0xFFFFFFE0] =	vst v0  }
0xd5: {  	[tilespmem:s15+$0xFFFFFFD0] =	vst v0  }
0xd6: {  	s15 =	simm.s32 $0x13C40;
	[tilespmem:$0x13B80] =	vst v0  }
0xd7: {  	[tilespmem:s15+$0xFFFFFFC0] =	vst v0  }
0xd8: {  	[tilespmem:s15+$0x30] =	vst v0  }
0xd9: {  	[tilespmem:s15+$0x20] =	vst v0  }
0xda: {  	[tilespmem:s15+$0x10] =	vst v0  }
0xdb: {  	[tilespmem:s15+$0x0] =	vst v0  }
0xdc: {  	[tilespmem:s15+$0xFFFFFFF0] =	vst v0  }
0xdd: {  	s16 =	simm.s32 $0x0;
	[tilespmem:s15+$0xFFFFFFE0] =	vst v0  }
.LBB2_16:
0xde: {  	s16 =	sadd.s32 $0x8, s16;
	[tilespmem:s15+$0xFFFFFFD0] =	vst v0;
	s15 =	sadd.s32 $0x80, s15  }
0xdf: {  	[tilespmem:s15+$0xFFFFFFC0] =	vst v0;
	p0 =	slt.u32 s16, $0x268  }
0xe0: {  	[tilespmem:s15+$0x30] =	vst v0  }
.Ltmp9:
0xe1: {  	[tilespmem:s15+$0x20] =	vst v0;
	(pc) =	sbr.rel @p0 .LBB2_16-.Ltmp9, $4  }
0xe2: {  	[tilespmem:s15+$0x10] =	vst v0  }
0xe3: {  	[tilespmem:s15+$0x0] =	vst v0  }
0xe4: {  	[tilespmem:s15+$0xFFFFFFF0] =	vst v0  }
0xe5: {  	[tilespmem:s15+$0xFFFFFFE0] =	vst v0  }
0xe6: {  	[tilespmem:s15+$0xFFFFFFD0] =	vst v0  }
0xe7: {  	s15 =	simm.s32 $0x163C0;
	[tilespmem:$0x16300] =	vst v0  }
0xe8: {  	[tilespmem:s15+$0xFFFFFFC0] =	vst v0  }
0xe9: {  	[tilespmem:s15+$0x30] =	vst v0  }
0xea: {  	[tilespmem:s15+$0x20] =	vst v0  }
0xeb: {  	[tilespmem:s15+$0x10] =	vst v0  }
0xec: {  	[tilespmem:s15+$0x0] =	vst v0  }
0xed: {  	[tilespmem:s15+$0xFFFFFFF0] =	vst v0  }
0xee: {  	s16 =	simm.s32 $0x0;
	[tilespmem:s15+$0xFFFFFFE0] =	vst v0  }
.LBB2_18:
0xef: {  	s16 =	sadd.s32 $0x8, s16;
	[tilespmem:s15+$0xFFFFFFD0] =	vst v0;
	s15 =	sadd.s32 $0x80, s15  }
0xf0: {  	[tilespmem:s15+$0xFFFFFFC0] =	vst v0;
	p0 =	slt.u32 s16, $0x268  }
0xf1: {  	[tilespmem:s15+$0x30] =	vst v0  }
.Ltmp10:
0xf2: {  	[tilespmem:s15+$0x20] =	vst v0;
	(pc) =	sbr.rel @p0 .LBB2_18-.Ltmp10, $4  }
0xf3: {  	[tilespmem:s15+$0x10] =	vst v0  }
0xf4: {  	[tilespmem:s15+$0x0] =	vst v0  }
0xf5: {  	[tilespmem:s15+$0xFFFFFFF0] =	vst v0  }
0xf6: {  	[tilespmem:s15+$0xFFFFFFE0] =	vst v0  }
0xf7: {  	[tilespmem:s15+$0xFFFFFFD0] =	vst v0  }
0xf8: {  	s15 =	simm.s32 $0x18B40;
	[tilespmem:$0x18A80] =	vst v0  }
0xf9: {  	[tilespmem:s15+$0xFFFFFFC0] =	vst v0  }
0xfa: {  	[tilespmem:s15+$0x30] =	vst v0  }
0xfb: {  	[tilespmem:s15+$0x20] =	vst v0  }
0xfc: {  	[tilespmem:s15+$0x10] =	vst v0  }
0xfd: {  	[tilespmem:s15+$0x0] =	vst v0  }
0xfe: {  	[tilespmem:s15+$0xFFFFFFF0] =	vst v0  }
0xff: {  	s16 =	simm.s32 $0x0;
	[tilespmem:s15+$0xFFFFFFE0] =	vst v0  }
.LBB2_20:
0x100: {  	s16 =	sadd.s32 $0x8, s16;
	[tilespmem:s15+$0xFFFFFFD0] =	vst v0;
	s15 =	sadd.s32 $0x80, s15  }
0x101: {  	[tilespmem:s15+$0xFFFFFFC0] =	vst v0;
	p0 =	slt.u32 s16, $0x268  }
0x102: {  	[tilespmem:s15+$0x30] =	vst v0  }
.Ltmp11:
0x103: {  	[tilespmem:s15+$0x20] =	vst v0;
	(pc) =	sbr.rel @p0 .LBB2_20-.Ltmp11, $4  }
0x104: {  	[tilespmem:s15+$0x10] =	vst v0  }
0x105: {  	[tilespmem:s15+$0x0] =	vst v0  }
0x106: {  	[tilespmem:s15+$0xFFFFFFF0] =	vst v0  }
0x107: {  	[tilespmem:s15+$0xFFFFFFE0] =	vst v0  }
0x108: {  	[tilespmem:s15+$0xFFFFFFD0] =	vst v0  }
0x109: {  	s15 =	simm.s32 $0x1B2C0;
	[tilespmem:$0x1B200] =	vst v0  }
0x10a: {  	[tilespmem:s15+$0xFFFFFFC0] =	vst v0  }
0x10b: {  	[tilespmem:s15+$0x30] =	vst v0  }
0x10c: {  	[tilespmem:s15+$0x20] =	vst v0  }
0x10d: {  	[tilespmem:s15+$0x10] =	vst v0  }
0x10e: {  	[tilespmem:s15+$0x0] =	vst v0  }
0x10f: {  	[tilespmem:s15+$0xFFFFFFF0] =	vst v0  }
0x110: {  	s16 =	simm.s32 $0x0;
	[tilespmem:s15+$0xFFFFFFE0] =	vst v0  }
.LBB2_22:
0x111: {  	s16 =	sadd.s32 $0x8, s16;
	[tilespmem:s15+$0xFFFFFFD0] =	vst v0;
	s15 =	sadd.s32 $0x80, s15  }
0x112: {  	[tilespmem:s15+$0xFFFFFFC0] =	vst v0;
	p0 =	slt.u32 s16, $0x268  }
0x113: {  	[tilespmem:s15+$0x30] =	vst v0  }
.Ltmp12:
0x114: {  	[tilespmem:s15+$0x20] =	vst v0;
	(pc) =	sbr.rel @p0 .LBB2_22-.Ltmp12, $4  }
0x115: {  	[tilespmem:s15+$0x10] =	vst v0  }
0x116: {  	[tilespmem:s15+$0x0] =	vst v0  }
0x117: {  	[tilespmem:s15+$0xFFFFFFF0] =	vst v0  }
0x118: {  	[tilespmem:s15+$0xFFFFFFE0] =	vst v0  }
0x119: {  	[tilespmem:s15+$0xFFFFFFD0] =	vst v0  }
0x11a: {  	[tilespmem:$0x1D980] =	vst v0  }
0x11b: {  	_ =	swait.ge [sflag:s31], $0x2710  }
0x11c: {  	[sflag:s31] =	ssyncset.done $0x0  }
0x11d: {  	[sflag:s31] =	ssyncadd.s32 $0xFFFFD8F0  }
0x11e: {  	_ =	swait.ge [sflag:s31], $0x2710  }
0x11f: {  	[sflag:s31] =	ssyncset.done $0x0  }
0x120: {  	[sflag:s31] =	ssyncadd.s32 $0xFFFFD8F0  }
0x121: {  	_ =	swait.ge [sflag:s31], $0x2710  }
0x122: {  	[sflag:s31] =	ssyncset.done $0x0  }
0x123: {  	[sflag:s31] =	ssyncadd.s32 $0xFFFFD8F0  }
0x124: {  	_ =	swait.ge [sflag:s31], $0x2710  }
0x125: {  	[sflag:s31] =	ssyncset.done $0x0  }
0x126: {  	s15 =	simm.s32 $0x0;
	s16 =	simm.s32 $0x0;
	[sflag:s31] =	ssyncadd.s32 $0xFFFFD8F0  }
.LBB2_24:
0x127: {  	_ =	swait.ge [sflag:s1], $0xC80  }
0x128: {  	[sflag:s1] =	ssyncset.done $0x0  }
0x129: {  	[sflag:s1] =	ssyncadd.s32 $0xFFFFF380  }
0x12a: {  	v2 =	vld [tilespmem:$0x1DA00];
	_ =	sdelay $0x4  }
0x12b: {  	v3 =	vunpack.i.l.s16.s32 v2;
	_ =	sdelay $0x4  }
0x12c: {  	v4 =	vld.idx.msk [tilespmem:v3+s2+$0x0], $0xffff  }
0x12d: {  	v2 =	vunpack.i.u.s16.s32 v2  }
0x12e: {  	s17 =	simm.s32 $0x1DA40;
	v5 =	vld.idx.msk [tilespmem:v3+s23+$0x0], $0xffff  }
0x12f: {  	v7 =	vld [tilespmem:s17+$0xFFFFFFD0]  }
0x130: {  	v6 =	vld.idx.msk [tilespmem:v3+s24+$0x0], $0xffff  }
0x131: {  	v3 =	vld.idx.msk [tilespmem:v3+s25+$0x0], $0xffff;
	v8 =	vunpack.i.l.bf16.f32 v4  }
0x132: {  	v4 =	vunpack.i.u.bf16.f32 v4;
	[tilespmem:v2+s29+$0x0] =	vst.idx.add.f32.msk $0xffff, v8  }
0x133: {  	v8 =	vunpack.i.l.bf16.f32 v5;
	[tilespmem:v2+s0+$0x0] =	vst.idx.add.f32.msk $0xffff, v4  }
0x134: {  	v4 =	vunpack.i.u.bf16.f32 v5;
	[tilespmem:v2+s4+$0x0] =	vst.idx.add.f32.msk $0xffff, v8  }
0x135: {  	v5 =	vunpack.i.l.bf16.f32 v6;
	v8 =	vunpack.i.l.s16.s32 v7;
	[tilespmem:v2+s5+$0x0] =	vst.idx.add.f32.msk $0xffff, v4  }
0x136: {  	v4 =	vunpack.i.u.bf16.f32 v6;
	[tilespmem:v2+s6+$0x0] =	vst.idx.add.f32.msk $0xffff, v5  }
0x137: {  	v5 =	vunpack.i.l.bf16.f32 v3;
	[tilespmem:v2+s7+$0x0] =	vst.idx.add.f32.msk $0xffff, v4  }
0x138: {  	v3 =	vunpack.i.u.bf16.f32 v3;
	[tilespmem:v2+s9+$0x0] =	vst.idx.add.f32.msk $0xffff, v5  }
0x139: {  	[tilespmem:v2+s11+$0x0] =	vst.idx.add.f32.msk $0xffff, v3  }
0x13a: {  	v2 =	vld.idx.msk [tilespmem:v8+s15+$0x0], $0xffff  }
0x13b: {  	v3 =	vunpack.i.u.s16.s32 v7  }
0x13c: {  	v4 =	vld.idx.msk [tilespmem:v8+s23+$0x0], $0xffff  }
0x13d: {  	v6 =	vld [tilespmem:s17+$0xFFFFFFE0]  }
0x13e: {  	v5 =	vld.idx.msk [tilespmem:v8+s24+$0x0], $0xffff  }
0x13f: {  	v7 =	vld.idx.msk [tilespmem:v8+s25+$0x0], $0xffff;
	v8 =	vunpack.i.l.bf16.f32 v2  }
0x140: {  	v2 =	vunpack.i.u.bf16.f32 v2;
	[tilespmem:v3+s29+$0x0] =	vst.idx.add.f32.msk $0xffff, v8  }
0x141: {  	v8 =	vunpack.i.l.bf16.f32 v4;
	[tilespmem:v3+s0+$0x0] =	vst.idx.add.f32.msk $0xffff, v2  }
0x142: {  	v2 =	vunpack.i.u.bf16.f32 v4;
	[tilespmem:v3+s4+$0x0] =	vst.idx.add.f32.msk $0xffff, v8  }
0x143: {  	v4 =	vunpack.i.l.bf16.f32 v5;
	v8 =	vunpack.i.l.s16.s32 v6;
	[tilespmem:v3+s5+$0x0] =	vst.idx.add.f32.msk $0xffff, v2  }
0x144: {  	v2 =	vunpack.i.u.bf16.f32 v5;
	[tilespmem:v3+s6+$0x0] =	vst.idx.add.f32.msk $0xffff, v4  }
0x145: {  	v4 =	vunpack.i.l.bf16.f32 v7;
	[tilespmem:v3+s7+$0x0] =	vst.idx.add.f32.msk $0xffff, v2  }
0x146: {  	v2 =	vunpack.i.u.bf16.f32 v7;
	[tilespmem:v3+s9+$0x0] =	vst.idx.add.f32.msk $0xffff, v4  }
0x147: {  	[tilespmem:v3+s11+$0x0] =	vst.idx.add.f32.msk $0xffff, v2  }
0x148: {  	v2 =	vld.idx.msk [tilespmem:v8+s15+$0x0], $0xffff  }
0x149: {  	v3 =	vunpack.i.u.s16.s32 v6  }
0x14a: {  	v4 =	vld.idx.msk [tilespmem:v8+s23+$0x0], $0xffff  }
0x14b: {  	v6 =	vld [tilespmem:s17+$0xFFFFFFF0]  }
0x14c: {  	v5 =	vld.idx.msk [tilespmem:v8+s24+$0x0], $0xffff  }
0x14d: {  	v7 =	vld.idx.msk [tilespmem:v8+s25+$0x0], $0xffff;
	v8 =	vunpack.i.l.bf16.f32 v2  }
0x14e: {  	v2 =	vunpack.i.u.bf16.f32 v2;
	[tilespmem:v3+s29+$0x0] =	vst.idx.add.f32.msk $0xffff, v8  }
0x14f: {  	v8 =	vunpack.i.l.bf16.f32 v4;
	[tilespmem:v3+s0+$0x0] =	vst.idx.add.f32.msk $0xffff, v2  }
0x150: {  	v2 =	vunpack.i.u.bf16.f32 v4;
	[tilespmem:v3+s4+$0x0] =	vst.idx.add.f32.msk $0xffff, v8  }
0x151: {  	v4 =	vunpack.i.l.bf16.f32 v5;
	v8 =	vunpack.i.l.s16.s32 v6;
	[tilespmem:v3+s5+$0x0] =	vst.idx.add.f32.msk $0xffff, v2  }
0x152: {  	v2 =	vunpack.i.u.bf16.f32 v5;
	[tilespmem:v3+s6+$0x0] =	vst.idx.add.f32.msk $0xffff, v4  }
0x153: {  	v4 =	vunpack.i.l.bf16.f32 v7;
	[tilespmem:v3+s7+$0x0] =	vst.idx.add.f32.msk $0xffff, v2  }
0x154: {  	v2 =	vunpack.i.u.bf16.f32 v7;
	[tilespmem:v3+s9+$0x0] =	vst.idx.add.f32.msk $0xffff, v4  }
0x155: {  	[tilespmem:v3+s11+$0x0] =	vst.idx.add.f32.msk $0xffff, v2  }
0x156: {  	v2 =	vld.idx.msk [tilespmem:v8+s15+$0x0], $0xffff  }
0x157: {  	v3 =	vunpack.i.u.s16.s32 v6  }
0x158: {  	v4 =	vld.idx.msk [tilespmem:v8+s23+$0x0], $0xffff  }
0x159: {  	v6 =	vld [tilespmem:s17+$0x0]  }
0x15a: {  	v5 =	vld.idx.msk [tilespmem:v8+s24+$0x0], $0xffff  }
0x15b: {  	v7 =	vld.idx.msk [tilespmem:v8+s25+$0x0], $0xffff;
	v8 =	vunpack.i.l.bf16.f32 v2  }
0x15c: {  	v2 =	vunpack.i.u.bf16.f32 v2;
	[tilespmem:v3+s29+$0x0] =	vst.idx.add.f32.msk $0xffff, v8  }
0x15d: {  	v8 =	vunpack.i.l.bf16.f32 v4;
	[tilespmem:v3+s0+$0x0] =	vst.idx.add.f32.msk $0xffff, v2  }
0x15e: {  	v2 =	vunpack.i.u.bf16.f32 v4;
	[tilespmem:v3+s4+$0x0] =	vst.idx.add.f32.msk $0xffff, v8  }
0x15f: {  	v4 =	vunpack.i.l.bf16.f32 v5;
	v8 =	vunpack.i.l.s16.s32 v6;
	[tilespmem:v3+s5+$0x0] =	vst.idx.add.f32.msk $0xffff, v2  }
0x160: {  	v2 =	vunpack.i.u.bf16.f32 v5;
	[tilespmem:v3+s6+$0x0] =	vst.idx.add.f32.msk $0xffff, v4  }
0x161: {  	v4 =	vunpack.i.l.bf16.f32 v7;
	[tilespmem:v3+s7+$0x0] =	vst.idx.add.f32.msk $0xffff, v2  }
0x162: {  	v2 =	vunpack.i.u.bf16.f32 v7;
	[tilespmem:v3+s9+$0x0] =	vst.idx.add.f32.msk $0xffff, v4  }
0x163: {  	[tilespmem:v3+s11+$0x0] =	vst.idx.add.f32.msk $0xffff, v2  }
0x164: {  	v2 =	vld.idx.msk [tilespmem:v8+s15+$0x0], $0xffff  }
0x165: {  	v3 =	vunpack.i.u.s16.s32 v6  }
0x166: {  	v4 =	vld.idx.msk [tilespmem:v8+s23+$0x0], $0xffff  }
0x167: {  	v6 =	vld [tilespmem:s17+$0x10]  }
0x168: {  	v5 =	vld.idx.msk [tilespmem:v8+s24+$0x0], $0xffff  }
0x169: {  	v7 =	vld.idx.msk [tilespmem:v8+s25+$0x0], $0xffff;
	v8 =	vunpack.i.l.bf16.f32 v2  }
0x16a: {  	v2 =	vunpack.i.u.bf16.f32 v2;
	[tilespmem:v3+s29+$0x0] =	vst.idx.add.f32.msk $0xffff, v8  }
0x16b: {  	v8 =	vunpack.i.l.bf16.f32 v4;
	[tilespmem:v3+s0+$0x0] =	vst.idx.add.f32.msk $0xffff, v2  }
0x16c: {  	v2 =	vunpack.i.u.bf16.f32 v4;
	[tilespmem:v3+s4+$0x0] =	vst.idx.add.f32.msk $0xffff, v8  }
0x16d: {  	v4 =	vunpack.i.l.bf16.f32 v5;
	v8 =	vunpack.i.l.s16.s32 v6;
	[tilespmem:v3+s5+$0x0] =	vst.idx.add.f32.msk $0xffff, v2  }
0x16e: {  	v2 =	vunpack.i.u.bf16.f32 v5;
	[tilespmem:v3+s6+$0x0] =	vst.idx.add.f32.msk $0xffff, v4  }
0x16f: {  	v4 =	vunpack.i.l.bf16.f32 v7;
	[tilespmem:v3+s7+$0x0] =	vst.idx.add.f32.msk $0xffff, v2  }
0x170: {  	v2 =	vunpack.i.u.bf16.f32 v7;
	[tilespmem:v3+s9+$0x0] =	vst.idx.add.f32.msk $0xffff, v4  }
0x171: {  	[tilespmem:v3+s11+$0x0] =	vst.idx.add.f32.msk $0xffff, v2  }
0x172: {  	v2 =	vld.idx.msk [tilespmem:v8+s15+$0x0], $0xffff  }
0x173: {  	v3 =	vunpack.i.u.s16.s32 v6  }
0x174: {  	v4 =	vld.idx.msk [tilespmem:v8+s23+$0x0], $0xffff  }
0x175: {  	v6 =	vld [tilespmem:s17+$0x20]  }
0x176: {  	v5 =	vld.idx.msk [tilespmem:v8+s24+$0x0], $0xffff  }
0x177: {  	v7 =	vld.idx.msk [tilespmem:v8+s25+$0x0], $0xffff;
	v8 =	vunpack.i.l.bf16.f32 v2  }
0x178: {  	v2 =	vunpack.i.u.bf16.f32 v2;
	[tilespmem:v3+s29+$0x0] =	vst.idx.add.f32.msk $0xffff, v8  }
0x179: {  	v8 =	vunpack.i.l.bf16.f32 v4;
	[tilespmem:v3+s0+$0x0] =	vst.idx.add.f32.msk $0xffff, v2  }
0x17a: {  	v2 =	vunpack.i.u.bf16.f32 v4;
	[tilespmem:v3+s4+$0x0] =	vst.idx.add.f32.msk $0xffff, v8  }
0x17b: {  	v4 =	vunpack.i.l.bf16.f32 v5;
	v8 =	vunpack.i.l.s16.s32 v6;
	[tilespmem:v3+s5+$0x0] =	vst.idx.add.f32.msk $0xffff, v2  }
0x17c: {  	v2 =	vunpack.i.u.bf16.f32 v5;
	[tilespmem:v3+s6+$0x0] =	vst.idx.add.f32.msk $0xffff, v4  }
0x17d: {  	v4 =	vunpack.i.l.bf16.f32 v7;
	[tilespmem:v3+s7+$0x0] =	vst.idx.add.f32.msk $0xffff, v2  }
0x17e: {  	v2 =	vunpack.i.u.bf16.f32 v7;
	[tilespmem:v3+s9+$0x0] =	vst.idx.add.f32.msk $0xffff, v4  }
0x17f: {  	[tilespmem:v3+s11+$0x0] =	vst.idx.add.f32.msk $0xffff, v2  }
0x180: {  	v2 =	vld.idx.msk [tilespmem:v8+s15+$0x0], $0xffff  }
0x181: {  	v3 =	vunpack.i.u.s16.s32 v6  }
0x182: {  	v4 =	vld.idx.msk [tilespmem:v8+s23+$0x0], $0xffff  }
0x183: {  	v6 =	vld [tilespmem:s17+$0x30]  }
0x184: {  	v5 =	vld.idx.msk [tilespmem:v8+s24+$0x0], $0xffff  }
0x185: {  	v7 =	vld.idx.msk [tilespmem:v8+s25+$0x0], $0xffff;
	v8 =	vunpack.i.l.bf16.f32 v2  }
0x186: {  	v2 =	vunpack.i.u.bf16.f32 v2;
	[tilespmem:v3+s29+$0x0] =	vst.idx.add.f32.msk $0xffff, v8  }
0x187: {  	v8 =	vunpack.i.l.bf16.f32 v4;
	[tilespmem:v3+s0+$0x0] =	vst.idx.add.f32.msk $0xffff, v2  }
0x188: {  	v2 =	vunpack.i.u.bf16.f32 v4;
	[tilespmem:v3+s4+$0x0] =	vst.idx.add.f32.msk $0xffff, v8  }
0x189: {  	v4 =	vunpack.i.l.bf16.f32 v5;
	v8 =	vunpack.i.l.s16.s32 v6;
	[tilespmem:v3+s5+$0x0] =	vst.idx.add.f32.msk $0xffff, v2  }
0x18a: {  	v2 =	vunpack.i.u.bf16.f32 v5;
	[tilespmem:v3+s6+$0x0] =	vst.idx.add.f32.msk $0xffff, v4  }
0x18b: {  	v4 =	vunpack.i.l.bf16.f32 v7;
	[tilespmem:v3+s7+$0x0] =	vst.idx.add.f32.msk $0xffff, v2  }
0x18c: {  	v2 =	vunpack.i.u.bf16.f32 v7;
	[tilespmem:v3+s9+$0x0] =	vst.idx.add.f32.msk $0xffff, v4  }
0x18d: {  	[tilespmem:v3+s11+$0x0] =	vst.idx.add.f32.msk $0xffff, v2  }
0x18e: {  	v2 =	vld.idx.msk [tilespmem:v8+s15+$0x0], $0xffff  }
0x18f: {  	v3 =	vunpack.i.u.s16.s32 v6  }
0x190: {  	v4 =	vld.idx.msk [tilespmem:v8+s23+$0x0], $0xffff  }
0x191: {  	v6 =	vld [tilespmem:s17+$0x40]  }
0x192: {  	v5 =	vld.idx.msk [tilespmem:v8+s24+$0x0], $0xffff  }
0x193: {  	v7 =	vld.idx.msk [tilespmem:v8+s25+$0x0], $0xffff;
	v8 =	vunpack.i.l.bf16.f32 v2  }
0x194: {  	v2 =	vunpack.i.u.bf16.f32 v2;
	[tilespmem:v3+s29+$0x0] =	vst.idx.add.f32.msk $0xffff, v8  }
0x195: {  	v8 =	vunpack.i.l.bf16.f32 v4;
	[tilespmem:v3+s0+$0x0] =	vst.idx.add.f32.msk $0xffff, v2  }
0x196: {  	v2 =	vunpack.i.u.bf16.f32 v4;
	[tilespmem:v3+s4+$0x0] =	vst.idx.add.f32.msk $0xffff, v8  }
0x197: {  	v9 =	vunpack.i.l.s16.s32 v6;
	v4 =	vunpack.i.l.bf16.f32 v5;
	[tilespmem:v3+s5+$0x0] =	vst.idx.add.f32.msk $0xffff, v2  }
0x198: {  	v2 =	vunpack.i.u.bf16.f32 v5;
	[tilespmem:v3+s6+$0x0] =	vst.idx.add.f32.msk $0xffff, v4  }
0x199: {  	v4 =	vunpack.i.l.bf16.f32 v7;
	[tilespmem:v3+s7+$0x0] =	vst.idx.add.f32.msk $0xffff, v2  }
0x19a: {  	v2 =	vunpack.i.u.bf16.f32 v7;
	[tilespmem:v3+s9+$0x0] =	vst.idx.add.f32.msk $0xffff, v4  }
0x19b: {  	[tilespmem:v3+s11+$0x0] =	vst.idx.add.f32.msk $0xffff, v2  }
0x19c: {  	v4 =	vld.idx.msk [tilespmem:v9+s25+$0x0], $0xffff  }
0x19d: {  	v5 =	vld.idx.msk [tilespmem:v9+s24+$0x0], $0xffff  }
0x19e: {  	v8 =	vld.idx.msk [tilespmem:v9+s15+$0x0], $0xffff  }
0x19f: {  	s19 =	simm.s32 $0x1;
	v2 =	vunpack.i.u.s16.s32 v6;
	v7 =	vld.idx.msk [tilespmem:v9+s23+$0x0], $0xffff  }
.LBB2_25:
0x1a0: {  	_ = 	snop  }
0x1a1: {  	s19 =	sadd.s32 $0x8, s19;
	s17 =	sadd.s32 $0x80, s17  }
0x1a2: {  	v3 =	vld [tilespmem:s17+$0xFFFFFFD0];
	p0 =	slt.u32 s19, $0xB9;
	v9 =	vunpack.i.l.bf16.f32 v4;
	v6 =	vunpack.i.u.bf16.f32 v5;
	v5 =	vunpack.i.l.bf16.f32 v5  }
0x1a3: {  	v4 =	vunpack.i.u.bf16.f32 v4;
	v10 =	vunpack.i.u.bf16.f32 v8;
	v8 =	vunpack.i.l.bf16.f32 v8  }
0x1a4: {  	[tilespmem:v2+s29+$0x0] =	vst.idx.add.f32.msk $0xffff, v8;
	v8 =	vunpack.i.u.bf16.f32 v7;
	v7 =	vunpack.i.l.bf16.f32 v7  }
0x1a5: {  	[tilespmem:v2+s0+$0x0] =	vst.idx.add.f32.msk $0xffff, v10  }
0x1a6: {  	[tilespmem:v2+s4+$0x0] =	vst.idx.add.f32.msk $0xffff, v7  }
0x1a7: {  	v7 =	vunpack.i.l.s16.s32 v3;
	[tilespmem:v2+s5+$0x0] =	vst.idx.add.f32.msk $0xffff, v8  }
0x1a8: {  	[tilespmem:v2+s6+$0x0] =	vst.idx.add.f32.msk $0xffff, v5  }
0x1a9: {  	[tilespmem:v2+s7+$0x0] =	vst.idx.add.f32.msk $0xffff, v6  }
0x1aa: {  	[tilespmem:v2+s9+$0x0] =	vst.idx.add.f32.msk $0xffff, v9  }
0x1ab: {  	s18 =	simm.s32 $0x0;
	[tilespmem:v2+s11+$0x0] =	vst.idx.add.f32.msk $0xffff, v4  }
0x1ac: {  	v2 =	vld.idx.msk [tilespmem:v7+s18+$0x0], $0xffff  }
0x1ad: {  	v4 =	vld.idx.msk [tilespmem:v7+s23+$0x0], $0xffff  }
0x1ae: {  	v3 =	vunpack.i.u.s16.s32 v3;
	v5 =	vld.idx.msk [tilespmem:v7+s24+$0x0], $0xffff  }
0x1af: {  	v6 =	vld.idx.msk [tilespmem:v7+s25+$0x0], $0xffff;
	_ =	sdelay $0x1  }
0x1b0: {  	v7 =	vld [tilespmem:s17+$0xFFFFFFE0]  }
0x1b1: {  	v8 =	vunpack.i.l.bf16.f32 v2  }
0x1b2: {  	v2 =	vunpack.i.u.bf16.f32 v2;
	[tilespmem:v3+s29+$0x0] =	vst.idx.add.f32.msk $0xffff, v8  }
0x1b3: {  	v8 =	vunpack.i.l.bf16.f32 v4;
	[tilespmem:v3+s0+$0x0] =	vst.idx.add.f32.msk $0xffff, v2  }
0x1b4: {  	v2 =	vunpack.i.u.bf16.f32 v4;
	[tilespmem:v3+s4+$0x0] =	vst.idx.add.f32.msk $0xffff, v8  }
0x1b5: {  	v4 =	vunpack.i.l.bf16.f32 v5;
	v8 =	vunpack.i.l.s16.s32 v7;
	[tilespmem:v3+s5+$0x0] =	vst.idx.add.f32.msk $0xffff, v2  }
0x1b6: {  	v2 =	vunpack.i.u.bf16.f32 v5;
	[tilespmem:v3+s6+$0x0] =	vst.idx.add.f32.msk $0xffff, v4  }
0x1b7: {  	v4 =	vunpack.i.l.bf16.f32 v6;
	[tilespmem:v3+s7+$0x0] =	vst.idx.add.f32.msk $0xffff, v2  }
0x1b8: {  	v2 =	vunpack.i.u.bf16.f32 v6;
	[tilespmem:v3+s9+$0x0] =	vst.idx.add.f32.msk $0xffff, v4  }
0x1b9: {  	[tilespmem:v3+s11+$0x0] =	vst.idx.add.f32.msk $0xffff, v2  }
0x1ba: {  	v2 =	vld.idx.msk [tilespmem:v8+s18+$0x0], $0xffff  }
0x1bb: {  	v3 =	vld.idx.msk [tilespmem:v8+s23+$0x0], $0xffff  }
0x1bc: {  	v4 =	vunpack.i.u.s16.s32 v7;
	v5 =	vld.idx.msk [tilespmem:v8+s24+$0x0], $0xffff  }
0x1bd: {  	v6 =	vld.idx.msk [tilespmem:v8+s25+$0x0], $0xffff;
	_ =	sdelay $0x1  }
0x1be: {  	v7 =	vld [tilespmem:s17+$0xFFFFFFF0]  }
0x1bf: {  	v8 =	vunpack.i.l.bf16.f32 v2  }
0x1c0: {  	v2 =	vunpack.i.u.bf16.f32 v2;
	[tilespmem:v4+s29+$0x0] =	vst.idx.add.f32.msk $0xffff, v8  }
0x1c1: {  	v8 =	vunpack.i.l.bf16.f32 v3;
	[tilespmem:v4+s0+$0x0] =	vst.idx.add.f32.msk $0xffff, v2  }
0x1c2: {  	v2 =	vunpack.i.u.bf16.f32 v3;
	[tilespmem:v4+s4+$0x0] =	vst.idx.add.f32.msk $0xffff, v8  }
0x1c3: {  	v3 =	vunpack.i.l.bf16.f32 v5;
	v8 =	vunpack.i.l.s16.s32 v7;
	[tilespmem:v4+s5+$0x0] =	vst.idx.add.f32.msk $0xffff, v2  }
0x1c4: {  	v2 =	vunpack.i.u.bf16.f32 v5;
	[tilespmem:v4+s6+$0x0] =	vst.idx.add.f32.msk $0xffff, v3  }
0x1c5: {  	v3 =	vunpack.i.l.bf16.f32 v6;
	[tilespmem:v4+s7+$0x0] =	vst.idx.add.f32.msk $0xffff, v2  }
0x1c6: {  	v2 =	vunpack.i.u.bf16.f32 v6;
	[tilespmem:v4+s9+$0x0] =	vst.idx.add.f32.msk $0xffff, v3  }
0x1c7: {  	[tilespmem:v4+s11+$0x0] =	vst.idx.add.f32.msk $0xffff, v2  }
0x1c8: {  	v2 =	vld.idx.msk [tilespmem:v8+s18+$0x0], $0xffff  }
0x1c9: {  	v3 =	vld.idx.msk [tilespmem:v8+s23+$0x0], $0xffff  }
0x1ca: {  	v4 =	vunpack.i.u.s16.s32 v7;
	v5 =	vld.idx.msk [tilespmem:v8+s24+$0x0], $0xffff  }
0x1cb: {  	v6 =	vld.idx.msk [tilespmem:v8+s25+$0x0], $0xffff;
	_ =	sdelay $0x1  }
0x1cc: {  	v7 =	vld [tilespmem:s17+$0x0]  }
0x1cd: {  	v8 =	vunpack.i.l.bf16.f32 v2  }
0x1ce: {  	v2 =	vunpack.i.u.bf16.f32 v2;
	[tilespmem:v4+s29+$0x0] =	vst.idx.add.f32.msk $0xffff, v8  }
0x1cf: {  	v8 =	vunpack.i.l.bf16.f32 v3;
	[tilespmem:v4+s0+$0x0] =	vst.idx.add.f32.msk $0xffff, v2  }
0x1d0: {  	v2 =	vunpack.i.u.bf16.f32 v3;
	[tilespmem:v4+s4+$0x0] =	vst.idx.add.f32.msk $0xffff, v8  }
0x1d1: {  	v3 =	vunpack.i.l.bf16.f32 v5;
	v8 =	vunpack.i.l.s16.s32 v7;
	[tilespmem:v4+s5+$0x0] =	vst.idx.add.f32.msk $0xffff, v2  }
0x1d2: {  	v2 =	vunpack.i.u.bf16.f32 v5;
	[tilespmem:v4+s6+$0x0] =	vst.idx.add.f32.msk $0xffff, v3  }
0x1d3: {  	v3 =	vunpack.i.l.bf16.f32 v6;
	[tilespmem:v4+s7+$0x0] =	vst.idx.add.f32.msk $0xffff, v2  }
0x1d4: {  	v2 =	vunpack.i.u.bf16.f32 v6;
	[tilespmem:v4+s9+$0x0] =	vst.idx.add.f32.msk $0xffff, v3  }
0x1d5: {  	[tilespmem:v4+s11+$0x0] =	vst.idx.add.f32.msk $0xffff, v2  }
0x1d6: {  	v2 =	vld.idx.msk [tilespmem:v8+s18+$0x0], $0xffff  }
0x1d7: {  	v3 =	vld.idx.msk [tilespmem:v8+s23+$0x0], $0xffff  }
0x1d8: {  	v4 =	vunpack.i.u.s16.s32 v7;
	v5 =	vld.idx.msk [tilespmem:v8+s24+$0x0], $0xffff  }
0x1d9: {  	v6 =	vld.idx.msk [tilespmem:v8+s25+$0x0], $0xffff;
	_ =	sdelay $0x1  }
0x1da: {  	v7 =	vld [tilespmem:s17+$0x10]  }
0x1db: {  	v8 =	vunpack.i.l.bf16.f32 v2  }
0x1dc: {  	v2 =	vunpack.i.u.bf16.f32 v2;
	[tilespmem:v4+s29+$0x0] =	vst.idx.add.f32.msk $0xffff, v8  }
0x1dd: {  	v8 =	vunpack.i.l.bf16.f32 v3;
	[tilespmem:v4+s0+$0x0] =	vst.idx.add.f32.msk $0xffff, v2  }
0x1de: {  	v2 =	vunpack.i.u.bf16.f32 v3;
	[tilespmem:v4+s4+$0x0] =	vst.idx.add.f32.msk $0xffff, v8  }
0x1df: {  	v3 =	vunpack.i.l.bf16.f32 v5;
	v8 =	vunpack.i.l.s16.s32 v7;
	[tilespmem:v4+s5+$0x0] =	vst.idx.add.f32.msk $0xffff, v2  }
0x1e0: {  	v2 =	vunpack.i.u.bf16.f32 v5;
	[tilespmem:v4+s6+$0x0] =	vst.idx.add.f32.msk $0xffff, v3  }
0x1e1: {  	v3 =	vunpack.i.l.bf16.f32 v6;
	[tilespmem:v4+s7+$0x0] =	vst.idx.add.f32.msk $0xffff, v2  }
0x1e2: {  	v2 =	vunpack.i.u.bf16.f32 v6;
	[tilespmem:v4+s9+$0x0] =	vst.idx.add.f32.msk $0xffff, v3  }
0x1e3: {  	[tilespmem:v4+s11+$0x0] =	vst.idx.add.f32.msk $0xffff, v2  }
0x1e4: {  	v2 =	vld.idx.msk [tilespmem:v8+s18+$0x0], $0xffff  }
0x1e5: {  	v3 =	vld.idx.msk [tilespmem:v8+s23+$0x0], $0xffff  }
0x1e6: {  	v4 =	vunpack.i.u.s16.s32 v7;
	v5 =	vld.idx.msk [tilespmem:v8+s24+$0x0], $0xffff  }
0x1e7: {  	v6 =	vld.idx.msk [tilespmem:v8+s25+$0x0], $0xffff;
	_ =	sdelay $0x1  }
0x1e8: {  	v7 =	vld [tilespmem:s17+$0x20]  }
0x1e9: {  	v8 =	vunpack.i.l.bf16.f32 v2  }
0x1ea: {  	v2 =	vunpack.i.u.bf16.f32 v2;
	[tilespmem:v4+s29+$0x0] =	vst.idx.add.f32.msk $0xffff, v8  }
0x1eb: {  	v8 =	vunpack.i.l.bf16.f32 v3;
	[tilespmem:v4+s0+$0x0] =	vst.idx.add.f32.msk $0xffff, v2  }
0x1ec: {  	v2 =	vunpack.i.u.bf16.f32 v3;
	[tilespmem:v4+s4+$0x0] =	vst.idx.add.f32.msk $0xffff, v8  }
0x1ed: {  	v3 =	vunpack.i.l.bf16.f32 v5;
	v8 =	vunpack.i.l.s16.s32 v7;
	[tilespmem:v4+s5+$0x0] =	vst.idx.add.f32.msk $0xffff, v2  }
0x1ee: {  	v2 =	vunpack.i.u.bf16.f32 v5;
	[tilespmem:v4+s6+$0x0] =	vst.idx.add.f32.msk $0xffff, v3  }
0x1ef: {  	v3 =	vunpack.i.l.bf16.f32 v6;
	[tilespmem:v4+s7+$0x0] =	vst.idx.add.f32.msk $0xffff, v2  }
0x1f0: {  	v2 =	vunpack.i.u.bf16.f32 v6;
	[tilespmem:v4+s9+$0x0] =	vst.idx.add.f32.msk $0xffff, v3  }
0x1f1: {  	[tilespmem:v4+s11+$0x0] =	vst.idx.add.f32.msk $0xffff, v2  }
0x1f2: {  	v2 =	vld.idx.msk [tilespmem:v8+s18+$0x0], $0xffff  }
0x1f3: {  	v3 =	vld.idx.msk [tilespmem:v8+s23+$0x0], $0xffff  }
0x1f4: {  	v4 =	vunpack.i.u.s16.s32 v7;
	v5 =	vld.idx.msk [tilespmem:v8+s24+$0x0], $0xffff  }
0x1f5: {  	v6 =	vld.idx.msk [tilespmem:v8+s25+$0x0], $0xffff;
	_ =	sdelay $0x1  }
0x1f6: {  	v7 =	vld [tilespmem:s17+$0x30]  }
0x1f7: {  	v8 =	vunpack.i.l.bf16.f32 v2  }
0x1f8: {  	v2 =	vunpack.i.u.bf16.f32 v2;
	[tilespmem:v4+s29+$0x0] =	vst.idx.add.f32.msk $0xffff, v8  }
0x1f9: {  	v8 =	vunpack.i.l.bf16.f32 v3;
	[tilespmem:v4+s0+$0x0] =	vst.idx.add.f32.msk $0xffff, v2  }
0x1fa: {  	v2 =	vunpack.i.u.bf16.f32 v3;
	[tilespmem:v4+s4+$0x0] =	vst.idx.add.f32.msk $0xffff, v8  }
0x1fb: {  	v3 =	vunpack.i.l.bf16.f32 v5;
	v8 =	vunpack.i.l.s16.s32 v7;
	[tilespmem:v4+s5+$0x0] =	vst.idx.add.f32.msk $0xffff, v2  }
0x1fc: {  	v2 =	vunpack.i.u.bf16.f32 v5;
	[tilespmem:v4+s6+$0x0] =	vst.idx.add.f32.msk $0xffff, v3  }
0x1fd: {  	v3 =	vunpack.i.l.bf16.f32 v6;
	[tilespmem:v4+s7+$0x0] =	vst.idx.add.f32.msk $0xffff, v2  }
0x1fe: {  	v2 =	vunpack.i.u.bf16.f32 v6;
	[tilespmem:v4+s9+$0x0] =	vst.idx.add.f32.msk $0xffff, v3  }
0x1ff: {  	[tilespmem:v4+s11+$0x0] =	vst.idx.add.f32.msk $0xffff, v2  }
0x200: {  	v2 =	vld.idx.msk [tilespmem:v8+s18+$0x0], $0xffff  }
0x201: {  	v3 =	vld.idx.msk [tilespmem:v8+s23+$0x0], $0xffff  }
0x202: {  	v4 =	vunpack.i.u.s16.s32 v7;
	v5 =	vld.idx.msk [tilespmem:v8+s24+$0x0], $0xffff  }
0x203: {  	v6 =	vld.idx.msk [tilespmem:v8+s25+$0x0], $0xffff;
	_ =	sdelay $0x1  }
0x204: {  	v7 =	vld [tilespmem:s17+$0x40]  }
0x205: {  	v8 =	vunpack.i.l.bf16.f32 v2  }
0x206: {  	v2 =	vunpack.i.u.bf16.f32 v2;
	[tilespmem:v4+s29+$0x0] =	vst.idx.add.f32.msk $0xffff, v8  }
0x207: {  	v8 =	vunpack.i.l.bf16.f32 v3;
	[tilespmem:v4+s0+$0x0] =	vst.idx.add.f32.msk $0xffff, v2  }
0x208: {  	v3 =	vunpack.i.u.bf16.f32 v3;
	[tilespmem:v4+s4+$0x0] =	vst.idx.add.f32.msk $0xffff, v8  }
0x209: {  	v8 =	vunpack.i.l.bf16.f32 v5;
	v2 =	vunpack.i.u.s16.s32 v7;
	v7 =	vunpack.i.l.s16.s32 v7;
	[tilespmem:v4+s5+$0x0] =	vst.idx.add.f32.msk $0xffff, v3  }
0x20a: {  	v3 =	vunpack.i.u.bf16.f32 v5;
	[tilespmem:v4+s6+$0x0] =	vst.idx.add.f32.msk $0xffff, v8  }
0x20b: {  	v5 =	vunpack.i.l.bf16.f32 v6;
	[tilespmem:v4+s7+$0x0] =	vst.idx.add.f32.msk $0xffff, v3  }
0x20c: {  	v3 =	vunpack.i.u.bf16.f32 v6;
	[tilespmem:v4+s9+$0x0] =	vst.idx.add.f32.msk $0xffff, v5  }
.Ltmp13:
0x20d: {  	[tilespmem:v4+s11+$0x0] =	vst.idx.add.f32.msk $0xffff, v3;
	(pc) =	sbr.rel @p0 .LBB2_25-.Ltmp13, $4  }
0x20e: {  	v4 =	vld.idx.msk [tilespmem:v7+s25+$0x0], $0xffff  }
0x20f: {  	v5 =	vld.idx.msk [tilespmem:v7+s24+$0x0], $0xffff  }
0x210: {  	v8 =	vld.idx.msk [tilespmem:v7+s18+$0x0], $0xffff  }
0x211: {  	v7 =	vld.idx.msk [tilespmem:v7+s23+$0x0], $0xffff  }
0x212: {  	_ =	sdelay $0x1  }
0x213: {  	v3 =	vunpack.i.u.bf16.f32 v5;
	v6 =	vunpack.i.l.bf16.f32 v5  }
0x214: {  	v5 =	vunpack.i.l.bf16.f32 v4;
	v4 =	vunpack.i.u.bf16.f32 v4;
	v9 =	vunpack.i.u.bf16.f32 v8  }
0x215: {  	v10 =	vunpack.i.l.bf16.f32 v8;
	v8 =	vunpack.i.u.bf16.f32 v7;
	v7 =	vunpack.i.l.bf16.f32 v7  }
.LBB2_27:
0x216: {  	s17 =	sshra.s32 s18, $0x2  }
0x217: {  	v11 =	vld [tilespmem:s17+$0x1E610];
	_ =	sdelay $0x1  }
0x218: {  	[tilespmem:v2+s29+$0x0] =	vst.idx.add.f32.msk $0xffff, v10  }
0x219: {  	[tilespmem:v2+s0+$0x0] =	vst.idx.add.f32.msk $0xffff, v9  }
0x21a: {  	[tilespmem:v2+s4+$0x0] =	vst.idx.add.f32.msk $0xffff, v7  }
0x21b: {  	[tilespmem:v2+s5+$0x0] =	vst.idx.add.f32.msk $0xffff, v8;
	v7 =	vunpack.i.l.s16.s32 v11  }
0x21c: {  	[tilespmem:v2+s6+$0x0] =	vst.idx.add.f32.msk $0xffff, v6  }
0x21d: {  	[tilespmem:v2+s7+$0x0] =	vst.idx.add.f32.msk $0xffff, v3  }
0x21e: {  	[tilespmem:v2+s9+$0x0] =	vst.idx.add.f32.msk $0xffff, v5  }
0x21f: {  	[tilespmem:v2+s11+$0x0] =	vst.idx.add.f32.msk $0xffff, v4  }
0x220: {  	v3 =	vld.idx.msk [tilespmem:v7+s2+$0x0], $0xffff  }
0x221: {  	v4 =	vld.idx.msk [tilespmem:v7+s23+$0x0], $0xffff  }
0x222: {  	v5 =	vld.idx.msk [tilespmem:v7+s24+$0x0], $0xffff  }
0x223: {  	p0 =	sne.s32 s18, $0x180;
	v12 =	vld.idx.msk [tilespmem:v7+s25+$0x0], $0xffff  }
.Ltmp14:
0x224: {  	_ = 	snop;
	(pc) =	sbr.rel @p0 .LBB2_27-.Ltmp14, $4  }
0x225: {  	_ = 	snop  }
0x226: {  	v2 =	vunpack.i.u.s16.s32 v11;
	v9 =	vunpack.i.u.bf16.f32 v3;
	v10 =	vunpack.i.l.bf16.f32 v3  }
0x227: {  	v8 =	vunpack.i.u.bf16.f32 v4;
	v7 =	vunpack.i.l.bf16.f32 v4;
	v3 =	vunpack.i.u.bf16.f32 v5  }
0x228: {  	s18 =	sadd.s32 $0x40, s18;
	v6 =	vunpack.i.l.bf16.f32 v5;
	v4 =	vunpack.i.u.bf16.f32 v12;
	v5 =	vunpack.i.l.bf16.f32 v12  }
0x229: {  	_ =	sdelay $0x3  }
0x22a: {  	[tilespmem:v2+s29+$0x0] =	vst.idx.add.f32.msk $0xffff, v10  }
0x22b: {  	[tilespmem:v2+s0+$0x0] =	vst.idx.add.f32.msk $0xffff, v9  }
0x22c: {  	p0 =	seq.s32 s16, $0x18;
	[tilespmem:v2+s4+$0x0] =	vst.idx.add.f32.msk $0xffff, v7  }
0x22d: {  	s17 =	smul.u32 @!p0 $0x1900, s16;
	[tilespmem:v2+s5+$0x0] =	vst.idx.add.f32.msk $0xffff, v8  }
0x22e: {  	[tilespmem:v2+s6+$0x0] =	vst.idx.add.f32.msk $0xffff, v6  }
0x22f: {  	s17 =	sadd.s32 @!p0 s17, s12;
	[tilespmem:v2+s7+$0x0] =	vst.idx.add.f32.msk $0xffff, v3  }
0x230: {  	s17 =	sshrl.u32 @!p0 s17, $0x3;
	[tilespmem:v2+s9+$0x0] =	vst.idx.add.f32.msk $0xffff, v5  }
0x231: {  	s18 =	simm.s32 @!p0 $0x0;
	s19 =	simm.s32 @!p0 $0x1DA00;
	s17 =	sadd.s32 @!p0 s3, s17;
	[tilespmem:v2+s11+$0x0] =	vst.idx.add.f32.msk $0xffff, v4  }
0x232: {  	[tilespmem:s19], [sflag:$0x2] =	stream.linear.gather @!p0 [hbm4b:s17+s18], $0xC80, $0x38;
	[tilespmem:$0x1F300] =	vst v63  }
0x233: {  	_ =	swait.ge [sflag:s1], $0xC80  }
0x234: {  	[sflag:s1] =	ssyncset.done $0x0  }
0x235: {  	[sflag:s1] =	ssyncadd.s32 $0xFFFFF380  }
0x236: {  	v2 =	vld [tilespmem:$0x1E680];
	_ =	sdelay $0x4  }
0x237: {  	v3 =	vunpack.i.l.s16.s32 v2;
	_ =	sdelay $0x4  }
0x238: {  	v4 =	vld.idx.msk [tilespmem:v3+s2+$0x0], $0xffff  }
0x239: {  	v2 =	vunpack.i.u.s16.s32 v2  }
0x23a: {  	s18 =	simm.s32 $0x1E6C0;
	v5 =	vld.idx.msk [tilespmem:v3+s23+$0x0], $0xffff  }
0x23b: {  	v7 =	vld [tilespmem:s18+$0xFFFFFFD0]  }
0x23c: {  	v6 =	vld.idx.msk [tilespmem:v3+s24+$0x0], $0xffff  }
0x23d: {  	v3 =	vld.idx.msk [tilespmem:v3+s25+$0x0], $0xffff;
	v8 =	vunpack.i.l.bf16.f32 v4  }
0x23e: {  	v4 =	vunpack.i.u.bf16.f32 v4;
	[tilespmem:v2+s29+$0x0] =	vst.idx.add.f32.msk $0xffff, v8  }
0x23f: {  	v8 =	vunpack.i.l.bf16.f32 v5;
	[tilespmem:v2+s0+$0x0] =	vst.idx.add.f32.msk $0xffff, v4  }
0x240: {  	v4 =	vunpack.i.u.bf16.f32 v5;
	[tilespmem:v2+s4+$0x0] =	vst.idx.add.f32.msk $0xffff, v8  }
0x241: {  	v5 =	vunpack.i.l.bf16.f32 v6;
	v8 =	vunpack.i.l.s16.s32 v7;
	[tilespmem:v2+s5+$0x0] =	vst.idx.add.f32.msk $0xffff, v4  }
0x242: {  	v4 =	vunpack.i.u.bf16.f32 v6;
	[tilespmem:v2+s6+$0x0] =	vst.idx.add.f32.msk $0xffff, v5  }
0x243: {  	v5 =	vunpack.i.l.bf16.f32 v3;
	[tilespmem:v2+s7+$0x0] =	vst.idx.add.f32.msk $0xffff, v4  }
0x244: {  	v3 =	vunpack.i.u.bf16.f32 v3;
	[tilespmem:v2+s9+$0x0] =	vst.idx.add.f32.msk $0xffff, v5  }
0x245: {  	s17 =	simm.s32 $0x0;
	[tilespmem:v2+s11+$0x0] =	vst.idx.add.f32.msk $0xffff, v3  }
0x246: {  	v2 =	vld.idx.msk [tilespmem:v8+s17+$0x0], $0xffff  }
0x247: {  	v3 =	vunpack.i.u.s16.s32 v7  }
0x248: {  	v4 =	vld.idx.msk [tilespmem:v8+s23+$0x0], $0xffff  }
0x249: {  	v6 =	vld [tilespmem:s18+$0xFFFFFFE0]  }
0x24a: {  	v5 =	vld.idx.msk [tilespmem:v8+s24+$0x0], $0xffff  }
0x24b: {  	v7 =	vld.idx.msk [tilespmem:v8+s25+$0x0], $0xffff;
	v8 =	vunpack.i.l.bf16.f32 v2  }
0x24c: {  	v2 =	vunpack.i.u.bf16.f32 v2;
	[tilespmem:v3+s29+$0x0] =	vst.idx.add.f32.msk $0xffff, v8  }
0x24d: {  	v8 =	vunpack.i.l.bf16.f32 v4;
	[tilespmem:v3+s0+$0x0] =	vst.idx.add.f32.msk $0xffff, v2  }
0x24e: {  	v2 =	vunpack.i.u.bf16.f32 v4;
	[tilespmem:v3+s4+$0x0] =	vst.idx.add.f32.msk $0xffff, v8  }
0x24f: {  	v4 =	vunpack.i.l.bf16.f32 v5;
	v8 =	vunpack.i.l.s16.s32 v6;
	[tilespmem:v3+s5+$0x0] =	vst.idx.add.f32.msk $0xffff, v2  }
0x250: {  	v2 =	vunpack.i.u.bf16.f32 v5;
	[tilespmem:v3+s6+$0x0] =	vst.idx.add.f32.msk $0xffff, v4  }
0x251: {  	v4 =	vunpack.i.l.bf16.f32 v7;
	[tilespmem:v3+s7+$0x0] =	vst.idx.add.f32.msk $0xffff, v2  }
0x252: {  	v2 =	vunpack.i.u.bf16.f32 v7;
	[tilespmem:v3+s9+$0x0] =	vst.idx.add.f32.msk $0xffff, v4  }
0x253: {  	[tilespmem:v3+s11+$0x0] =	vst.idx.add.f32.msk $0xffff, v2  }
0x254: {  	v2 =	vld.idx.msk [tilespmem:v8+s17+$0x0], $0xffff  }
0x255: {  	v3 =	vunpack.i.u.s16.s32 v6  }
0x256: {  	v4 =	vld.idx.msk [tilespmem:v8+s23+$0x0], $0xffff  }
0x257: {  	v6 =	vld [tilespmem:s18+$0xFFFFFFF0]  }
0x258: {  	v5 =	vld.idx.msk [tilespmem:v8+s24+$0x0], $0xffff  }
0x259: {  	v7 =	vld.idx.msk [tilespmem:v8+s25+$0x0], $0xffff;
	v8 =	vunpack.i.l.bf16.f32 v2  }
0x25a: {  	v2 =	vunpack.i.u.bf16.f32 v2;
	[tilespmem:v3+s29+$0x0] =	vst.idx.add.f32.msk $0xffff, v8  }
0x25b: {  	v8 =	vunpack.i.l.bf16.f32 v4;
	[tilespmem:v3+s0+$0x0] =	vst.idx.add.f32.msk $0xffff, v2  }
0x25c: {  	v2 =	vunpack.i.u.bf16.f32 v4;
	[tilespmem:v3+s4+$0x0] =	vst.idx.add.f32.msk $0xffff, v8  }
0x25d: {  	v4 =	vunpack.i.l.bf16.f32 v5;
	v8 =	vunpack.i.l.s16.s32 v6;
	[tilespmem:v3+s5+$0x0] =	vst.idx.add.f32.msk $0xffff, v2  }
0x25e: {  	v2 =	vunpack.i.u.bf16.f32 v5;
	[tilespmem:v3+s6+$0x0] =	vst.idx.add.f32.msk $0xffff, v4  }
0x25f: {  	v4 =	vunpack.i.l.bf16.f32 v7;
	[tilespmem:v3+s7+$0x0] =	vst.idx.add.f32.msk $0xffff, v2  }
0x260: {  	v2 =	vunpack.i.u.bf16.f32 v7;
	[tilespmem:v3+s9+$0x0] =	vst.idx.add.f32.msk $0xffff, v4  }
0x261: {  	[tilespmem:v3+s11+$0x0] =	vst.idx.add.f32.msk $0xffff, v2  }
0x262: {  	v2 =	vld.idx.msk [tilespmem:v8+s17+$0x0], $0xffff  }
0x263: {  	v3 =	vunpack.i.u.s16.s32 v6  }
0x264: {  	v4 =	vld.idx.msk [tilespmem:v8+s23+$0x0], $0xffff  }
0x265: {  	v6 =	vld [tilespmem:s18+$0x0]  }
0x266: {  	v5 =	vld.idx.msk [tilespmem:v8+s24+$0x0], $0xffff  }
0x267: {  	v7 =	vld.idx.msk [tilespmem:v8+s25+$0x0], $0xffff;
	v8 =	vunpack.i.l.bf16.f32 v2  }
0x268: {  	v2 =	vunpack.i.u.bf16.f32 v2;
	[tilespmem:v3+s29+$0x0] =	vst.idx.add.f32.msk $0xffff, v8  }
0x269: {  	v8 =	vunpack.i.l.bf16.f32 v4;
	[tilespmem:v3+s0+$0x0] =	vst.idx.add.f32.msk $0xffff, v2  }
0x26a: {  	v2 =	vunpack.i.u.bf16.f32 v4;
	[tilespmem:v3+s4+$0x0] =	vst.idx.add.f32.msk $0xffff, v8  }
0x26b: {  	v4 =	vunpack.i.l.bf16.f32 v5;
	v8 =	vunpack.i.l.s16.s32 v6;
	[tilespmem:v3+s5+$0x0] =	vst.idx.add.f32.msk $0xffff, v2  }
0x26c: {  	v2 =	vunpack.i.u.bf16.f32 v5;
	[tilespmem:v3+s6+$0x0] =	vst.idx.add.f32.msk $0xffff, v4  }
0x26d: {  	v4 =	vunpack.i.l.bf16.f32 v7;
	[tilespmem:v3+s7+$0x0] =	vst.idx.add.f32.msk $0xffff, v2  }
0x26e: {  	v2 =	vunpack.i.u.bf16.f32 v7;
	[tilespmem:v3+s9+$0x0] =	vst.idx.add.f32.msk $0xffff, v4  }
0x26f: {  	[tilespmem:v3+s11+$0x0] =	vst.idx.add.f32.msk $0xffff, v2  }
0x270: {  	v2 =	vld.idx.msk [tilespmem:v8+s17+$0x0], $0xffff  }
0x271: {  	v3 =	vunpack.i.u.s16.s32 v6  }
0x272: {  	v4 =	vld.idx.msk [tilespmem:v8+s23+$0x0], $0xffff  }
0x273: {  	v6 =	vld [tilespmem:s18+$0x10]  }
0x274: {  	v5 =	vld.idx.msk [tilespmem:v8+s24+$0x0], $0xffff  }
0x275: {  	v7 =	vld.idx.msk [tilespmem:v8+s25+$0x0], $0xffff;
	v8 =	vunpack.i.l.bf16.f32 v2  }
0x276: {  	v2 =	vunpack.i.u.bf16.f32 v2;
	[tilespmem:v3+s29+$0x0] =	vst.idx.add.f32.msk $0xffff, v8  }
0x277: {  	v8 =	vunpack.i.l.bf16.f32 v4;
	[tilespmem:v3+s0+$0x0] =	vst.idx.add.f32.msk $0xffff, v2  }
0x278: {  	v2 =	vunpack.i.u.bf16.f32 v4;
	[tilespmem:v3+s4+$0x0] =	vst.idx.add.f32.msk $0xffff, v8  }
0x279: {  	v4 =	vunpack.i.l.bf16.f32 v5;
	v8 =	vunpack.i.l.s16.s32 v6;
	[tilespmem:v3+s5+$0x0] =	vst.idx.add.f32.msk $0xffff, v2  }
0x27a: {  	v2 =	vunpack.i.u.bf16.f32 v5;
	[tilespmem:v3+s6+$0x0] =	vst.idx.add.f32.msk $0xffff, v4  }
0x27b: {  	v4 =	vunpack.i.l.bf16.f32 v7;
	[tilespmem:v3+s7+$0x0] =	vst.idx.add.f32.msk $0xffff, v2  }
0x27c: {  	v2 =	vunpack.i.u.bf16.f32 v7;
	[tilespmem:v3+s9+$0x0] =	vst.idx.add.f32.msk $0xffff, v4  }
0x27d: {  	[tilespmem:v3+s11+$0x0] =	vst.idx.add.f32.msk $0xffff, v2  }
0x27e: {  	v2 =	vld.idx.msk [tilespmem:v8+s17+$0x0], $0xffff  }
0x27f: {  	v3 =	vunpack.i.u.s16.s32 v6  }
0x280: {  	v4 =	vld.idx.msk [tilespmem:v8+s23+$0x0], $0xffff  }
0x281: {  	v6 =	vld [tilespmem:s18+$0x20]  }
0x282: {  	v5 =	vld.idx.msk [tilespmem:v8+s24+$0x0], $0xffff  }
0x283: {  	v7 =	vld.idx.msk [tilespmem:v8+s25+$0x0], $0xffff;
	v8 =	vunpack.i.l.bf16.f32 v2  }
0x284: {  	v2 =	vunpack.i.u.bf16.f32 v2;
	[tilespmem:v3+s29+$0x0] =	vst.idx.add.f32.msk $0xffff, v8  }
0x285: {  	v8 =	vunpack.i.l.bf16.f32 v4;
	[tilespmem:v3+s0+$0x0] =	vst.idx.add.f32.msk $0xffff, v2  }
0x286: {  	v2 =	vunpack.i.u.bf16.f32 v4;
	[tilespmem:v3+s4+$0x0] =	vst.idx.add.f32.msk $0xffff, v8  }
0x287: {  	v4 =	vunpack.i.l.bf16.f32 v5;
	v8 =	vunpack.i.l.s16.s32 v6;
	[tilespmem:v3+s5+$0x0] =	vst.idx.add.f32.msk $0xffff, v2  }
0x288: {  	v2 =	vunpack.i.u.bf16.f32 v5;
	[tilespmem:v3+s6+$0x0] =	vst.idx.add.f32.msk $0xffff, v4  }
0x289: {  	v4 =	vunpack.i.l.bf16.f32 v7;
	[tilespmem:v3+s7+$0x0] =	vst.idx.add.f32.msk $0xffff, v2  }
0x28a: {  	v2 =	vunpack.i.u.bf16.f32 v7;
	[tilespmem:v3+s9+$0x0] =	vst.idx.add.f32.msk $0xffff, v4  }
0x28b: {  	[tilespmem:v3+s11+$0x0] =	vst.idx.add.f32.msk $0xffff, v2  }
0x28c: {  	v2 =	vld.idx.msk [tilespmem:v8+s17+$0x0], $0xffff  }
0x28d: {  	v3 =	vunpack.i.u.s16.s32 v6  }
0x28e: {  	v4 =	vld.idx.msk [tilespmem:v8+s23+$0x0], $0xffff  }
0x28f: {  	v6 =	vld [tilespmem:s18+$0x30]  }
0x290: {  	v5 =	vld.idx.msk [tilespmem:v8+s24+$0x0], $0xffff  }
0x291: {  	v7 =	vld.idx.msk [tilespmem:v8+s25+$0x0], $0xffff;
	v8 =	vunpack.i.l.bf16.f32 v2  }
0x292: {  	v2 =	vunpack.i.u.bf16.f32 v2;
	[tilespmem:v3+s29+$0x0] =	vst.idx.add.f32.msk $0xffff, v8  }
0x293: {  	v8 =	vunpack.i.l.bf16.f32 v4;
	[tilespmem:v3+s0+$0x0] =	vst.idx.add.f32.msk $0xffff, v2  }
0x294: {  	v2 =	vunpack.i.u.bf16.f32 v4;
	[tilespmem:v3+s4+$0x0] =	vst.idx.add.f32.msk $0xffff, v8  }
0x295: {  	v4 =	vunpack.i.l.bf16.f32 v5;
	v8 =	vunpack.i.l.s16.s32 v6;
	[tilespmem:v3+s5+$0x0] =	vst.idx.add.f32.msk $0xffff, v2  }
0x296: {  	v2 =	vunpack.i.u.bf16.f32 v5;
	[tilespmem:v3+s6+$0x0] =	vst.idx.add.f32.msk $0xffff, v4  }
0x297: {  	v4 =	vunpack.i.l.bf16.f32 v7;
	[tilespmem:v3+s7+$0x0] =	vst.idx.add.f32.msk $0xffff, v2  }
0x298: {  	v2 =	vunpack.i.u.bf16.f32 v7;
	[tilespmem:v3+s9+$0x0] =	vst.idx.add.f32.msk $0xffff, v4  }
0x299: {  	[tilespmem:v3+s11+$0x0] =	vst.idx.add.f32.msk $0xffff, v2  }
0x29a: {  	v2 =	vld.idx.msk [tilespmem:v8+s17+$0x0], $0xffff  }
0x29b: {  	v3 =	vunpack.i.u.s16.s32 v6  }
0x29c: {  	v4 =	vld.idx.msk [tilespmem:v8+s23+$0x0], $0xffff  }
0x29d: {  	v7 =	vld [tilespmem:s18+$0x40]  }
0x29e: {  	v5 =	vld.idx.msk [tilespmem:v8+s24+$0x0], $0xffff  }
0x29f: {  	v6 =	vld.idx.msk [tilespmem:v8+s25+$0x0], $0xffff;
	v8 =	vunpack.i.l.bf16.f32 v2  }
0x2a0: {  	v2 =	vunpack.i.u.bf16.f32 v2;
	[tilespmem:v3+s29+$0x0] =	vst.idx.add.f32.msk $0xffff, v8  }
0x2a1: {  	v8 =	vunpack.i.l.bf16.f32 v4;
	[tilespmem:v3+s0+$0x0] =	vst.idx.add.f32.msk $0xffff, v2  }
0x2a2: {  	v2 =	vunpack.i.u.bf16.f32 v4;
	[tilespmem:v3+s4+$0x0] =	vst.idx.add.f32.msk $0xffff, v8  }
0x2a3: {  	v9 =	vunpack.i.l.s16.s32 v7;
	v4 =	vunpack.i.l.bf16.f32 v5;
	[tilespmem:v3+s5+$0x0] =	vst.idx.add.f32.msk $0xffff, v2  }
0x2a4: {  	v2 =	vunpack.i.u.bf16.f32 v5;
	[tilespmem:v3+s6+$0x0] =	vst.idx.add.f32.msk $0xffff, v4  }
0x2a5: {  	v4 =	vunpack.i.l.bf16.f32 v6;
	[tilespmem:v3+s7+$0x0] =	vst.idx.add.f32.msk $0xffff, v2  }
0x2a6: {  	v2 =	vunpack.i.u.bf16.f32 v6;
	[tilespmem:v3+s9+$0x0] =	vst.idx.add.f32.msk $0xffff, v4  }
0x2a7: {  	[tilespmem:v3+s11+$0x0] =	vst.idx.add.f32.msk $0xffff, v2  }
0x2a8: {  	v3 =	vld.idx.msk [tilespmem:v9+s25+$0x0], $0xffff  }
0x2a9: {  	v6 =	vld.idx.msk [tilespmem:v9+s24+$0x0], $0xffff  }
0x2aa: {  	v8 =	vld.idx.msk [tilespmem:v9+s17+$0x0], $0xffff  }
0x2ab: {  	s19 =	simm.s32 $0x1;
	v2 =	vunpack.i.u.s16.s32 v7;
	v5 =	vld.idx.msk [tilespmem:v9+s23+$0x0], $0xffff  }
.LBB2_29:
0x2ac: {  	_ = 	snop  }
0x2ad: {  	s19 =	sadd.s32 $0x8, s19;
	s18 =	sadd.s32 $0x80, s18  }
0x2ae: {  	v4 =	vld [tilespmem:s18+$0xFFFFFFD0];
	p1 =	slt.u32 s19, $0xB9;
	v9 =	vunpack.i.l.bf16.f32 v3;
	v7 =	vunpack.i.u.bf16.f32 v6;
	v6 =	vunpack.i.l.bf16.f32 v6  }
0x2af: {  	v3 =	vunpack.i.u.bf16.f32 v3;
	v10 =	vunpack.i.u.bf16.f32 v8;
	v8 =	vunpack.i.l.bf16.f32 v8  }
0x2b0: {  	[tilespmem:v2+s29+$0x0] =	vst.idx.add.f32.msk $0xffff, v8;
	v8 =	vunpack.i.u.bf16.f32 v5;
	v5 =	vunpack.i.l.bf16.f32 v5  }
0x2b1: {  	[tilespmem:v2+s0+$0x0] =	vst.idx.add.f32.msk $0xffff, v10  }
0x2b2: {  	[tilespmem:v2+s4+$0x0] =	vst.idx.add.f32.msk $0xffff, v5  }
0x2b3: {  	v5 =	vunpack.i.l.s16.s32 v4;
	[tilespmem:v2+s5+$0x0] =	vst.idx.add.f32.msk $0xffff, v8  }
0x2b4: {  	[tilespmem:v2+s6+$0x0] =	vst.idx.add.f32.msk $0xffff, v6  }
0x2b5: {  	[tilespmem:v2+s7+$0x0] =	vst.idx.add.f32.msk $0xffff, v7  }
0x2b6: {  	[tilespmem:v2+s9+$0x0] =	vst.idx.add.f32.msk $0xffff, v9  }
0x2b7: {  	[tilespmem:v2+s11+$0x0] =	vst.idx.add.f32.msk $0xffff, v3  }
0x2b8: {  	v2 =	vld.idx.msk [tilespmem:v5+s17+$0x0], $0xffff  }
0x2b9: {  	v3 =	vld.idx.msk [tilespmem:v5+s23+$0x0], $0xffff  }
0x2ba: {  	v4 =	vunpack.i.u.s16.s32 v4;
	v6 =	vld.idx.msk [tilespmem:v5+s24+$0x0], $0xffff  }
0x2bb: {  	v5 =	vld.idx.msk [tilespmem:v5+s25+$0x0], $0xffff;
	_ =	sdelay $0x1  }
0x2bc: {  	v7 =	vld [tilespmem:s18+$0xFFFFFFE0]  }
0x2bd: {  	v8 =	vunpack.i.l.bf16.f32 v2  }
0x2be: {  	v2 =	vunpack.i.u.bf16.f32 v2;
	[tilespmem:v4+s29+$0x0] =	vst.idx.add.f32.msk $0xffff, v8  }
0x2bf: {  	v8 =	vunpack.i.l.bf16.f32 v3;
	[tilespmem:v4+s0+$0x0] =	vst.idx.add.f32.msk $0xffff, v2  }
0x2c0: {  	v2 =	vunpack.i.u.bf16.f32 v3;
	[tilespmem:v4+s4+$0x0] =	vst.idx.add.f32.msk $0xffff, v8  }
0x2c1: {  	v3 =	vunpack.i.l.bf16.f32 v6;
	v8 =	vunpack.i.l.s16.s32 v7;
	[tilespmem:v4+s5+$0x0] =	vst.idx.add.f32.msk $0xffff, v2  }
0x2c2: {  	v2 =	vunpack.i.u.bf16.f32 v6;
	[tilespmem:v4+s6+$0x0] =	vst.idx.add.f32.msk $0xffff, v3  }
0x2c3: {  	v3 =	vunpack.i.l.bf16.f32 v5;
	[tilespmem:v4+s7+$0x0] =	vst.idx.add.f32.msk $0xffff, v2  }
0x2c4: {  	v2 =	vunpack.i.u.bf16.f32 v5;
	[tilespmem:v4+s9+$0x0] =	vst.idx.add.f32.msk $0xffff, v3  }
0x2c5: {  	[tilespmem:v4+s11+$0x0] =	vst.idx.add.f32.msk $0xffff, v2  }
0x2c6: {  	v2 =	vld.idx.msk [tilespmem:v8+s17+$0x0], $0xffff  }
0x2c7: {  	v3 =	vld.idx.msk [tilespmem:v8+s23+$0x0], $0xffff  }
0x2c8: {  	v4 =	vunpack.i.u.s16.s32 v7;
	v5 =	vld.idx.msk [tilespmem:v8+s24+$0x0], $0xffff  }
0x2c9: {  	v6 =	vld.idx.msk [tilespmem:v8+s25+$0x0], $0xffff;
	_ =	sdelay $0x1  }
0x2ca: {  	v7 =	vld [tilespmem:s18+$0xFFFFFFF0]  }
0x2cb: {  	v8 =	vunpack.i.l.bf16.f32 v2  }
0x2cc: {  	v2 =	vunpack.i.u.bf16.f32 v2;
	[tilespmem:v4+s29+$0x0] =	vst.idx.add.f32.msk $0xffff, v8  }
0x2cd: {  	v8 =	vunpack.i.l.bf16.f32 v3;
	[tilespmem:v4+s0+$0x0] =	vst.idx.add.f32.msk $0xffff, v2  }
0x2ce: {  	v2 =	vunpack.i.u.bf16.f32 v3;
	[tilespmem:v4+s4+$0x0] =	vst.idx.add.f32.msk $0xffff, v8  }
0x2cf: {  	v3 =	vunpack.i.l.bf16.f32 v5;
	v8 =	vunpack.i.l.s16.s32 v7;
	[tilespmem:v4+s5+$0x0] =	vst.idx.add.f32.msk $0xffff, v2  }
0x2d0: {  	v2 =	vunpack.i.u.bf16.f32 v5;
	[tilespmem:v4+s6+$0x0] =	vst.idx.add.f32.msk $0xffff, v3  }
0x2d1: {  	v3 =	vunpack.i.l.bf16.f32 v6;
	[tilespmem:v4+s7+$0x0] =	vst.idx.add.f32.msk $0xffff, v2  }
0x2d2: {  	v2 =	vunpack.i.u.bf16.f32 v6;
	[tilespmem:v4+s9+$0x0] =	vst.idx.add.f32.msk $0xffff, v3  }
0x2d3: {  	[tilespmem:v4+s11+$0x0] =	vst.idx.add.f32.msk $0xffff, v2  }
0x2d4: {  	v2 =	vld.idx.msk [tilespmem:v8+s17+$0x0], $0xffff  }
0x2d5: {  	v3 =	vld.idx.msk [tilespmem:v8+s23+$0x0], $0xffff  }
0x2d6: {  	v4 =	vunpack.i.u.s16.s32 v7;
	v5 =	vld.idx.msk [tilespmem:v8+s24+$0x0], $0xffff  }
0x2d7: {  	v6 =	vld.idx.msk [tilespmem:v8+s25+$0x0], $0xffff;
	_ =	sdelay $0x1  }
0x2d8: {  	v7 =	vld [tilespmem:s18+$0x0]  }
0x2d9: {  	v8 =	vunpack.i.l.bf16.f32 v2  }
0x2da: {  	v2 =	vunpack.i.u.bf16.f32 v2;
	[tilespmem:v4+s29+$0x0] =	vst.idx.add.f32.msk $0xffff, v8  }
0x2db: {  	v8 =	vunpack.i.l.bf16.f32 v3;
	[tilespmem:v4+s0+$0x0] =	vst.idx.add.f32.msk $0xffff, v2  }
0x2dc: {  	v2 =	vunpack.i.u.bf16.f32 v3;
	[tilespmem:v4+s4+$0x0] =	vst.idx.add.f32.msk $0xffff, v8  }
0x2dd: {  	v3 =	vunpack.i.l.bf16.f32 v5;
	v8 =	vunpack.i.l.s16.s32 v7;
	[tilespmem:v4+s5+$0x0] =	vst.idx.add.f32.msk $0xffff, v2  }
0x2de: {  	v2 =	vunpack.i.u.bf16.f32 v5;
	[tilespmem:v4+s6+$0x0] =	vst.idx.add.f32.msk $0xffff, v3  }
0x2df: {  	v3 =	vunpack.i.l.bf16.f32 v6;
	[tilespmem:v4+s7+$0x0] =	vst.idx.add.f32.msk $0xffff, v2  }
0x2e0: {  	v2 =	vunpack.i.u.bf16.f32 v6;
	[tilespmem:v4+s9+$0x0] =	vst.idx.add.f32.msk $0xffff, v3  }
0x2e1: {  	[tilespmem:v4+s11+$0x0] =	vst.idx.add.f32.msk $0xffff, v2  }
0x2e2: {  	v2 =	vld.idx.msk [tilespmem:v8+s17+$0x0], $0xffff  }
0x2e3: {  	v3 =	vld.idx.msk [tilespmem:v8+s23+$0x0], $0xffff  }
0x2e4: {  	v4 =	vunpack.i.u.s16.s32 v7;
	v5 =	vld.idx.msk [tilespmem:v8+s24+$0x0], $0xffff  }
0x2e5: {  	v6 =	vld.idx.msk [tilespmem:v8+s25+$0x0], $0xffff;
	_ =	sdelay $0x1  }
0x2e6: {  	v7 =	vld [tilespmem:s18+$0x10]  }
0x2e7: {  	v8 =	vunpack.i.l.bf16.f32 v2  }
0x2e8: {  	v2 =	vunpack.i.u.bf16.f32 v2;
	[tilespmem:v4+s29+$0x0] =	vst.idx.add.f32.msk $0xffff, v8  }
0x2e9: {  	v8 =	vunpack.i.l.bf16.f32 v3;
	[tilespmem:v4+s0+$0x0] =	vst.idx.add.f32.msk $0xffff, v2  }
0x2ea: {  	v2 =	vunpack.i.u.bf16.f32 v3;
	[tilespmem:v4+s4+$0x0] =	vst.idx.add.f32.msk $0xffff, v8  }
0x2eb: {  	v3 =	vunpack.i.l.bf16.f32 v5;
	v8 =	vunpack.i.l.s16.s32 v7;
	[tilespmem:v4+s5+$0x0] =	vst.idx.add.f32.msk $0xffff, v2  }
0x2ec: {  	v2 =	vunpack.i.u.bf16.f32 v5;
	[tilespmem:v4+s6+$0x0] =	vst.idx.add.f32.msk $0xffff, v3  }
0x2ed: {  	v3 =	vunpack.i.l.bf16.f32 v6;
	[tilespmem:v4+s7+$0x0] =	vst.idx.add.f32.msk $0xffff, v2  }
0x2ee: {  	v2 =	vunpack.i.u.bf16.f32 v6;
	[tilespmem:v4+s9+$0x0] =	vst.idx.add.f32.msk $0xffff, v3  }
0x2ef: {  	[tilespmem:v4+s11+$0x0] =	vst.idx.add.f32.msk $0xffff, v2  }
0x2f0: {  	v2 =	vld.idx.msk [tilespmem:v8+s17+$0x0], $0xffff  }
0x2f1: {  	v3 =	vld.idx.msk [tilespmem:v8+s23+$0x0], $0xffff  }
0x2f2: {  	v4 =	vunpack.i.u.s16.s32 v7;
	v5 =	vld.idx.msk [tilespmem:v8+s24+$0x0], $0xffff  }
0x2f3: {  	v6 =	vld.idx.msk [tilespmem:v8+s25+$0x0], $0xffff;
	_ =	sdelay $0x1  }
0x2f4: {  	v7 =	vld [tilespmem:s18+$0x20]  }
0x2f5: {  	v8 =	vunpack.i.l.bf16.f32 v2  }
0x2f6: {  	v2 =	vunpack.i.u.bf16.f32 v2;
	[tilespmem:v4+s29+$0x0] =	vst.idx.add.f32.msk $0xffff, v8  }
0x2f7: {  	v8 =	vunpack.i.l.bf16.f32 v3;
	[tilespmem:v4+s0+$0x0] =	vst.idx.add.f32.msk $0xffff, v2  }
0x2f8: {  	v2 =	vunpack.i.u.bf16.f32 v3;
	[tilespmem:v4+s4+$0x0] =	vst.idx.add.f32.msk $0xffff, v8  }
0x2f9: {  	v3 =	vunpack.i.l.bf16.f32 v5;
	v8 =	vunpack.i.l.s16.s32 v7;
	[tilespmem:v4+s5+$0x0] =	vst.idx.add.f32.msk $0xffff, v2  }
0x2fa: {  	v2 =	vunpack.i.u.bf16.f32 v5;
	[tilespmem:v4+s6+$0x0] =	vst.idx.add.f32.msk $0xffff, v3  }
0x2fb: {  	v3 =	vunpack.i.l.bf16.f32 v6;
	[tilespmem:v4+s7+$0x0] =	vst.idx.add.f32.msk $0xffff, v2  }
0x2fc: {  	v2 =	vunpack.i.u.bf16.f32 v6;
	[tilespmem:v4+s9+$0x0] =	vst.idx.add.f32.msk $0xffff, v3  }
0x2fd: {  	[tilespmem:v4+s11+$0x0] =	vst.idx.add.f32.msk $0xffff, v2  }
0x2fe: {  	v2 =	vld.idx.msk [tilespmem:v8+s17+$0x0], $0xffff  }
0x2ff: {  	v3 =	vld.idx.msk [tilespmem:v8+s23+$0x0], $0xffff  }
0x300: {  	v4 =	vunpack.i.u.s16.s32 v7;
	v5 =	vld.idx.msk [tilespmem:v8+s24+$0x0], $0xffff  }
0x301: {  	v6 =	vld.idx.msk [tilespmem:v8+s25+$0x0], $0xffff;
	_ =	sdelay $0x1  }
0x302: {  	v7 =	vld [tilespmem:s18+$0x30]  }
0x303: {  	v8 =	vunpack.i.l.bf16.f32 v2  }
0x304: {  	v2 =	vunpack.i.u.bf16.f32 v2;
	[tilespmem:v4+s29+$0x0] =	vst.idx.add.f32.msk $0xffff, v8  }
0x305: {  	v8 =	vunpack.i.l.bf16.f32 v3;
	[tilespmem:v4+s0+$0x0] =	vst.idx.add.f32.msk $0xffff, v2  }
0x306: {  	v2 =	vunpack.i.u.bf16.f32 v3;
	[tilespmem:v4+s4+$0x0] =	vst.idx.add.f32.msk $0xffff, v8  }
0x307: {  	v3 =	vunpack.i.l.bf16.f32 v5;
	v8 =	vunpack.i.l.s16.s32 v7;
	[tilespmem:v4+s5+$0x0] =	vst.idx.add.f32.msk $0xffff, v2  }
0x308: {  	v2 =	vunpack.i.u.bf16.f32 v5;
	[tilespmem:v4+s6+$0x0] =	vst.idx.add.f32.msk $0xffff, v3  }
0x309: {  	v3 =	vunpack.i.l.bf16.f32 v6;
	[tilespmem:v4+s7+$0x0] =	vst.idx.add.f32.msk $0xffff, v2  }
0x30a: {  	v2 =	vunpack.i.u.bf16.f32 v6;
	[tilespmem:v4+s9+$0x0] =	vst.idx.add.f32.msk $0xffff, v3  }
0x30b: {  	[tilespmem:v4+s11+$0x0] =	vst.idx.add.f32.msk $0xffff, v2  }
0x30c: {  	v2 =	vld.idx.msk [tilespmem:v8+s17+$0x0], $0xffff  }
0x30d: {  	v3 =	vld.idx.msk [tilespmem:v8+s23+$0x0], $0xffff  }
0x30e: {  	v4 =	vunpack.i.u.s16.s32 v7;
	v5 =	vld.idx.msk [tilespmem:v8+s24+$0x0], $0xffff  }
0x30f: {  	v6 =	vld.idx.msk [tilespmem:v8+s25+$0x0], $0xffff;
	_ =	sdelay $0x1  }
0x310: {  	v7 =	vld [tilespmem:s18+$0x40]  }
0x311: {  	v8 =	vunpack.i.l.bf16.f32 v2  }
0x312: {  	v2 =	vunpack.i.u.bf16.f32 v2;
	[tilespmem:v4+s29+$0x0] =	vst.idx.add.f32.msk $0xffff, v8  }
0x313: {  	v8 =	vunpack.i.l.bf16.f32 v3;
	[tilespmem:v4+s0+$0x0] =	vst.idx.add.f32.msk $0xffff, v2  }
0x314: {  	v3 =	vunpack.i.u.bf16.f32 v3;
	[tilespmem:v4+s4+$0x0] =	vst.idx.add.f32.msk $0xffff, v8  }
0x315: {  	v8 =	vunpack.i.l.bf16.f32 v5;
	v2 =	vunpack.i.u.s16.s32 v7;
	v7 =	vunpack.i.l.s16.s32 v7;
	[tilespmem:v4+s5+$0x0] =	vst.idx.add.f32.msk $0xffff, v3  }
0x316: {  	v3 =	vunpack.i.u.bf16.f32 v5;
	[tilespmem:v4+s6+$0x0] =	vst.idx.add.f32.msk $0xffff, v8  }
0x317: {  	v5 =	vunpack.i.l.bf16.f32 v6;
	[tilespmem:v4+s7+$0x0] =	vst.idx.add.f32.msk $0xffff, v3  }
0x318: {  	v3 =	vunpack.i.u.bf16.f32 v6;
	[tilespmem:v4+s9+$0x0] =	vst.idx.add.f32.msk $0xffff, v5  }
.Ltmp15:
0x319: {  	[tilespmem:v4+s11+$0x0] =	vst.idx.add.f32.msk $0xffff, v3;
	(pc) =	sbr.rel @p1 .LBB2_29-.Ltmp15, $4  }
0x31a: {  	v3 =	vld.idx.msk [tilespmem:v7+s25+$0x0], $0xffff  }
0x31b: {  	v6 =	vld.idx.msk [tilespmem:v7+s24+$0x0], $0xffff  }
0x31c: {  	v8 =	vld.idx.msk [tilespmem:v7+s17+$0x0], $0xffff  }
0x31d: {  	v5 =	vld.idx.msk [tilespmem:v7+s23+$0x0], $0xffff  }
0x31e: {  	_ =	sdelay $0x1  }
0x31f: {  	v4 =	vunpack.i.u.bf16.f32 v6;
	v7 =	vunpack.i.l.bf16.f32 v6  }
0x320: {  	v6 =	vunpack.i.l.bf16.f32 v3;
	v3 =	vunpack.i.u.bf16.f32 v3;
	v9 =	vunpack.i.u.bf16.f32 v8  }
0x321: {  	v10 =	vunpack.i.l.bf16.f32 v8;
	v8 =	vunpack.i.u.bf16.f32 v5;
	v5 =	vunpack.i.l.bf16.f32 v5  }
.LBB2_31:
0x322: {  	s18 =	sshra.s32 s17, $0x2  }
0x323: {  	v11 =	vld [tilespmem:s18+$0x1F290];
	_ =	sdelay $0x1  }
0x324: {  	[tilespmem:v2+s29+$0x0] =	vst.idx.add.f32.msk $0xffff, v10  }
0x325: {  	[tilespmem:v2+s0+$0x0] =	vst.idx.add.f32.msk $0xffff, v9  }
0x326: {  	[tilespmem:v2+s4+$0x0] =	vst.idx.add.f32.msk $0xffff, v5  }
0x327: {  	[tilespmem:v2+s5+$0x0] =	vst.idx.add.f32.msk $0xffff, v8;
	v5 =	vunpack.i.l.s16.s32 v11  }
0x328: {  	[tilespmem:v2+s6+$0x0] =	vst.idx.add.f32.msk $0xffff, v7  }
0x329: {  	[tilespmem:v2+s7+$0x0] =	vst.idx.add.f32.msk $0xffff, v4  }
0x32a: {  	[tilespmem:v2+s9+$0x0] =	vst.idx.add.f32.msk $0xffff, v6  }
0x32b: {  	[tilespmem:v2+s11+$0x0] =	vst.idx.add.f32.msk $0xffff, v3  }
0x32c: {  	v3 =	vld.idx.msk [tilespmem:v5+s2+$0x0], $0xffff  }
0x32d: {  	v4 =	vld.idx.msk [tilespmem:v5+s23+$0x0], $0xffff  }
0x32e: {  	v6 =	vld.idx.msk [tilespmem:v5+s24+$0x0], $0xffff  }
0x32f: {  	p1 =	sne.s32 s17, $0x180;
	v12 =	vld.idx.msk [tilespmem:v5+s25+$0x0], $0xffff  }
.Ltmp16:
0x330: {  	_ = 	snop;
	(pc) =	sbr.rel @p1 .LBB2_31-.Ltmp16, $4  }
0x331: {  	_ = 	snop  }
0x332: {  	v2 =	vunpack.i.u.s16.s32 v11;
	v9 =	vunpack.i.u.bf16.f32 v3;
	v10 =	vunpack.i.l.bf16.f32 v3  }
0x333: {  	v8 =	vunpack.i.u.bf16.f32 v4;
	v5 =	vunpack.i.l.bf16.f32 v4;
	v4 =	vunpack.i.u.bf16.f32 v6  }
0x334: {  	s17 =	sadd.s32 $0x40, s17;
	v7 =	vunpack.i.l.bf16.f32 v6;
	v3 =	vunpack.i.u.bf16.f32 v12;
	v6 =	vunpack.i.l.bf16.f32 v12  }
0x335: {  	_ =	sdelay $0x3  }
0x336: {  	[tilespmem:v2+s29+$0x0] =	vst.idx.add.f32.msk $0xffff, v10  }
0x337: {  	[tilespmem:v2+s0+$0x0] =	vst.idx.add.f32.msk $0xffff, v9  }
0x338: {  	[tilespmem:v2+s4+$0x0] =	vst.idx.add.f32.msk $0xffff, v5  }
.Ltmp17:
0x339: {  	[tilespmem:v2+s5+$0x0] =	vst.idx.add.f32.msk $0xffff, v8;
	(pc) =	sbr.rel @p0 .LBB2_34-.Ltmp17, $4  }
0x33a: {  	[tilespmem:v2+s6+$0x0] =	vst.idx.add.f32.msk $0xffff, v7  }
0x33b: {  	[tilespmem:v2+s7+$0x0] =	vst.idx.add.f32.msk $0xffff, v4  }
0x33c: {  	[tilespmem:v2+s9+$0x0] =	vst.idx.add.f32.msk $0xffff, v6  }
0x33d: {  	[tilespmem:v2+s11+$0x0] =	vst.idx.add.f32.msk $0xffff, v3  }
0x33e: {  	s17 =	smul.u32 $0x1900, s16  }
.Ltmp18:
0x33f: {  	_ = 	snop;
	(pc) =	sbr.rel .LBB2_24-.Ltmp18, $4  }
0x340: {  	s17 =	sadd.s32 s17, s13  }
0x341: {  	s17 =	sshrl.u32 s17, $0x3  }
0x342: {  	s16 =	sadd.s32 $0x1, s16;
	s17 =	sadd.s32 s3, s17  }
0x343: {  	[tilespmem:s30], [sflag:$0x2] =	stream.linear.gather [hbm4b:s17+s2], $0xC80, $0x38;
	[tilespmem:$0x1F300] =	vst v63  }
.LBB2_35:
0x344: {  	_ =	sfence.sel $0x180000  }
0x345: {  	[bflag:$0x0] =	sbarrier.arrive $0xFFFF  }
0x346: {  	_ =	strace $0x90000047  }
0x347: {  	s0 =	stileid.u32;
	[bflag:$0x2] =	sbarrier.arrive $0xFFFF  }
0x348: {  	p0 =	sne.s32 s0, $0x0;
	s0 =	rddreg [dreg:$0x1]  }
0x349: {  	s0 =	sadd.s32 @!p0 $0x100000, s0  }
0x34a: {  	[sflag:s0] =	ssyncadd.tile.s32 @!p0 $0x1;
	_ =	shalt  }
.Lfunc_end2:
_tile_overlayer_lowered:
.L_overlay_start_2:
0x34b: {  	(tag) =	ssettag $0x2  }
0x34c: {  	s0 =	rddreg [dreg:$0x0];
	s2 =	stileid.u32  }
0x34d: {  	s1 =	rddreg [dreg:$0x1];
	p0 =	sne.s32 s2, $0x0  }
0x34e: {  	s3 =	rddreg [dreg:$0x2];
	[bflag:$0x3] =	sbarrier.arrive $0xFFFF;
	s2 =	simm.s32 @!p0 $0x1C03  }
0x34f: {  	[timem:s3], [sflag:s2] =	dma.local @!p0 [hbm:s0], s1  }
0x350: {  	s0 =	simm.s32 @!p0 $0x3  }
0x351: {  	_ =	swait.ge @!p0 [sflag:s0], s1  }
0x352: {  	s1 =	ssub.s32 @!p0 $0x0, s1;
	[sflag:s0] =	ssyncset.done @!p0 $0x0  }
0x353: {  	[sflag:s0] =	ssyncadd.s32 @!p0 s1  }
0x354: {  	[bflag:$0x3] =	sbarrier.arrive $0xFFFF  }
0x355: {  	_ =	shalt  }

</sc_bundles>
